<compile_context>
chip_gen: v7x
topology: tpu7x:2x2x1
jax: 0.10.2.dev20260603
libtpu: 0.0.44.dev20260713+nightly
codegen_flags: <defaults>
</compile_context>

<pallas_src>
import functools

import jax
import jax.numpy as jnp
from jax import lax
from jax.experimental import pallas as pl
from jax.experimental.pallas import tpu as pltpu
from jax.experimental.pallas import tpu_sc as plsc

F = 128
LANES = 16
NC = 2
NS = 16
NW = NC * NS
CHUNK = 128
NB_DEG = 8
NB_SP = 3


@functools.lru_cache(maxsize=None)
def _make_deg(EP, N, NPAD):
    chunks = EP // NS // CHUNK
    groups = chunks // NB_DEG
    mesh = plsc.VectorSubcoreMesh(core_axis_name="c", subcore_axis_name="s")

    @functools.partial(
        pl.kernel,
        mesh=mesh,
        out_type=jax.ShapeDtypeStruct((2, NPAD), jnp.float32),
        scratch_types=[
            pltpu.VMEM((chunks, CHUNK), jnp.int32),
            pltpu.VMEM((CHUNK,), jnp.float32),
            pltpu.VMEM_SHARED((NPAD,), jnp.float32),
            pltpu.SemaphoreType.DMA((NB_DEG,)),
        ],
    )
    def deg(ei_hbm, zeros_hbm, out_hbm, idx_all, ones_v, acc, sems):
        c = lax.axis_index("c")
        s = lax.axis_index("s")
        for i in range(CHUNK // LANES):
            ones_v[pl.ds(i * LANES, LANES)] = jnp.full(
                (LANES,), 1.0, jnp.float32
            )

        @pl.when(s == 0)
        def _():
            pltpu.sync_copy(zeros_hbm, acc)

        pltpu.sync_copy(
            ei_hbm.at[c, pl.ds(pl.multiple_of(s * chunks, 8), chunks)],
            idx_all,
        )
        plsc.subcore_barrier()

        def body(j, carry):
            ds = []
            for b in range(NB_DEG):
                row = j * NB_DEG + b
                ds.append(pltpu.async_copy(
                    ones_v, acc.at[idx_all.at[row]], sems.at[b], add=True
                ))
            for d in ds:
                d.wait()
            return carry

        lax.fori_loop(0, groups, body, 0)
        plsc.subcore_barrier()

        @pl.when(s == 0)
        def _():
            pltpu.sync_copy(acc, out_hbm.at[c])

    return deg


@functools.lru_cache(maxsize=None)
def _make_spmm(ES, N, NPAD):
    total_pairs = ES // (2 * NB_SP * CHUNK)
    q_lo = total_pairs // NW
    q_hi = total_pairs - q_lo * NW
    zrows = NPAD // 4
    orows = 1000
    mesh = plsc.VectorSubcoreMesh(core_axis_name="c", subcore_axis_name="s")

    @functools.partial(
        pl.kernel,
        mesh=mesh,
        out_type=jax.ShapeDtypeStruct((2, N, F), jnp.float32),
        scratch_types=[
            pltpu.VMEM((2, NB_SP * CHUNK), jnp.int32),
            pltpu.VMEM((2 * NB_SP, CHUNK), jnp.int32),
            pltpu.VMEM((NB_SP, CHUNK, F), jnp.float32),
            pltpu.VMEM_SHARED((NPAD, F), jnp.float32),
            pltpu.SemaphoreType.DMA((2,)),
            pltpu.SemaphoreType.DMA((NB_SP,)),
            pltpu.SemaphoreType.DMA((NB_SP,)),
        ],
    )
    def spmm(h_hbm, src_hbm, dst_hbm, zeros_hbm, out_hbm,
             sidx, didx, rows_v, acc, isems, gsems, ssems):
        c = lax.axis_index("c")
        s = lax.axis_index("s")
        wid = c * NS + s
        npairs = q_lo + jnp.where(wid < q_hi, 1, 0)
        base = (q_lo * wid + jnp.minimum(wid, q_hi)) * (2 * NB_SP)
        groups = 2 * npairs

        def _idx_descs(par, g):
            off = (base + g * NB_SP) * CHUNK
            off = pl.multiple_of(off, 8)
            ds = [pltpu.make_async_copy(
                src_hbm.at[pl.ds(off, NB_SP * CHUNK)], sidx.at[par],
                isems.at[par],
            )]
            for b in range(NB_SP):
                offb = pl.multiple_of(off + b * CHUNK, 8)
                ds.append(pltpu.make_async_copy(
                    dst_hbm.at[pl.ds(offb, CHUNK)], didx.at[par * NB_SP + b],
                    isems.at[par],
                ))
            return ds

        def fire_idx(par, g):
            for d in _idx_descs(par, g):
                d.start()

        def drain_idx(par, g):
            for d in _idx_descs(par, g):
                d.wait()

        @pl.when(s < 4)
        def _():
            pltpu.sync_copy(
                zeros_hbm, acc.at[pl.ds(pl.multiple_of(s * zrows, 8), zrows)]
            )

        fire_idx(0, 0)
        fire_idx(1, 1)
        plsc.subcore_barrier()

        def phase(par, g):
            drain_idx(par, g)
            gs = []
            for b in range(NB_SP):
                gs.append(pltpu.async_copy(
                    h_hbm.at[sidx.at[par, pl.ds(b * CHUNK, CHUNK)]],
                    rows_v.at[b], gsems.at[b],
                ))
            ss = []
            for b in range(NB_SP):
                gs[b].wait()
                ss.append(pltpu.async_copy(
                    rows_v.at[b], acc.at[didx.at[par * NB_SP + b]],
                    ssems.at[b], add=True,
                ))
            for d in ss:
                d.wait()

            @pl.when(g + 2 < groups)
            def _():
                fire_idx(par, g + 2)

        def body(i, carry):
            phase(0, 2 * i)
            phase(1, 2 * i + 1)
            return carry

        lax.fori_loop(0, npairs, body, 0)
        plsc.subcore_barrier()

        @pl.when(s < N // orows)
        def _():
            obase = pl.multiple_of(s * orows, 8)
            pltpu.sync_copy(
                acc.at[pl.ds(obase, orows)],
                out_hbm.at[c, pl.ds(obase, orows)],
            )

    return spmm


def _tc1_body(x_ref, d_ref, w_ref, o_ref):
    s = lax.rsqrt(jnp.maximum(d_ref[...], 1.0))
    o_ref[...] = jnp.dot(
        x_ref[...] * s, w_ref[...], preferred_element_type=jnp.float32
    )


def _tc2_body(p0_ref, p1_ref, din_ref, dout_ref, b_ref, w_ref, o_ref):
    t = (p0_ref[...] + p1_ref[...]) * lax.rsqrt(
        jnp.maximum(din_ref[...], 1.0)
    ) + b_ref[...]
    t = jnp.maximum(t, 0.0)
    t = t * lax.rsqrt(jnp.maximum(dout_ref[...], 1.0))
    o_ref[...] = jnp.dot(t, w_ref[...], preferred_element_type=jnp.float32)


def _tc3_body(q0_ref, q1_ref, din_ref, b_ref, o_ref):
    o_ref[...] = (q0_ref[...] + q1_ref[...]) * lax.rsqrt(
        jnp.maximum(din_ref[...], 1.0)
    ) + b_ref[...]


def _row_spec(R):
    return pl.BlockSpec((R, F), lambda i: (i, 0))


def _deg_spec(R):
    return pl.BlockSpec((R, 1), lambda i: (i, 0))


def _full_spec(shape):
    return pl.BlockSpec(shape, lambda i: (0,) * len(shape))


def _tc1(x, dout, W, R):
    n = x.shape[0]
    return pl.pallas_call(
        _tc1_body,
        grid=(n // R,),
        in_specs=[_row_spec(R), _deg_spec(R), _full_spec((F, F))],
        out_specs=_row_spec(R),
        out_shape=jax.ShapeDtypeStruct((n, F), jnp.float32),
    )(x, dout, W)


def _tc2(p0, p1, din, dout, b, W, R):
    n = p0.shape[0]
    return pl.pallas_call(
        _tc2_body,
        grid=(n // R,),
        in_specs=[_row_spec(R), _row_spec(R), _deg_spec(R), _deg_spec(R),
                  _full_spec((1, F)), _full_spec((F, F))],
        out_specs=_row_spec(R),
        out_shape=jax.ShapeDtypeStruct((n, F), jnp.float32),
    )(p0, p1, din, dout, b, W)


def _tc3(q0, q1, din, b, R):
    n = q0.shape[0]
    return pl.pallas_call(
        _tc3_body,
        grid=(n // R,),
        in_specs=[_row_spec(R), _row_spec(R), _deg_spec(R),
                  _full_spec((1, F))],
        out_specs=_row_spec(R),
        out_shape=jax.ShapeDtypeStruct((n, F), jnp.float32),
    )(q0, q1, din, b)


def kernel(in_feat, edge_index, W1, b1, W2, b2):
    N = in_feat.shape[0]
    E = edge_index.shape[1]

    unit = NS * CHUNK * NB_DEG
    EP = -(-E // unit) * unit
    NPAD = 32 * (-(-(N + 1) // 32))
    pad = EP - E

    src = edge_index[0]
    dst = edge_index[1]
    if pad:
        dst_d = jnp.concatenate([dst, jnp.full((pad,), N, jnp.int32)])
        src_d = jnp.concatenate([src, jnp.full((pad,), N, jnp.int32)])
    else:
        dst_d, src_d = dst, src
    rows = EP // CHUNK
    ei_deg = jnp.stack(
        [src_d.reshape(rows, CHUNK), dst_d.reshape(rows, CHUNK)]
    )

    ES = -(-E // (2 * NB_SP * CHUNK)) * (2 * NB_SP * CHUNK)
    pad_s = ES - E
    if pad_s:
        src_g = jnp.concatenate([src, jnp.zeros((pad_s,), jnp.int32)])
        dst_p = jnp.concatenate([dst, jnp.full((pad_s,), N, jnp.int32)])
    else:
        src_g, dst_p = src, dst

    zeros_deg = jnp.zeros((NPAD,), jnp.float32)
    zeros_rows = jnp.zeros((NPAD // 4, F), jnp.float32)

    degs = _make_deg(EP, N, NPAD)(ei_deg, zeros_deg)
    dout = degs[0, :N, None]
    din = degs[1, :N, None]

    R = 1000 if N % 1000 == 0 else N
    b1r = b1[None, :]
    b2r = b2[None, :]

    spmm = _make_spmm(ES, N, NPAD)

    h1 = _tc1(in_feat, dout, W1, R)
    P = spmm(h1, src_g, dst_p, zeros_rows)
    h2 = _tc2(P[0], P[1], din, dout, b1r, W2, R)
    Q = spmm(h2, src_g, dst_p, zeros_rows)
    return _tc3(Q[0], Q[1], din, b2r, R)

# --- scband reference (transcript-rebuilt; emitter-appended) ---
"""Pipeline reference for scband-encoder-70557722739336 (READ-ONLY COPY).

The authoritative reference and input builder live on the scoring server;
editing this copy changes nothing except your own understanding.
"""

import jax, jax.numpy as jnp
import numpy as np

N = 10000
E = 320000
IN_FEATS = 128
H_FEATS = 128
OUT_FEATS = 128


def glorot(key, fan_in, fan_out):
    limit = (6.0 / (fan_in + fan_out)) ** 0.5
    return jax.random.uniform(key, (fan_in, fan_out), dtype=jnp.float32, minval=-limit, maxval=limit)


def setup_inputs(seed: int = 0) -> dict:
    key = jax.random.key(seed)
    k1, k2, k3, k4 = jax.random.split(key, 4)
    in_feat = jax.random.normal(k1, (N, IN_FEATS), dtype=jnp.float32)
    edge_index = jax.random.randint(k2, (2, E), 0, N, dtype=jnp.int32)
    W1 = glorot(k3, IN_FEATS, H_FEATS)
    b1 = jnp.zeros((H_FEATS,), dtype=jnp.float32)
    W2 = glorot(k4, H_FEATS, OUT_FEATS)
    b2 = jnp.zeros((OUT_FEATS,), dtype=jnp.float32)
    return {"in_feat": in_feat, "edge_index": edge_index, "W1": W1, "b1": b1, "W2": W2, "b2": b2}


def graph_conv(x, src, dst, W, b):
    # DGL GraphConv with norm='both': D_out^{-1/2} on source feats,
    # weight applied, sum-aggregate over edges, D_in^{-1/2} on dst, plus bias.
    deg_out = jnp.clip(jnp.bincount(src, length=N), 1).astype(x.dtype)
    deg_in = jnp.clip(jnp.bincount(dst, length=N), 1).astype(x.dtype)
    h = x * (deg_out ** -0.5)[:, None]
    h = h @ W
    msgs = jnp.take(h, src, axis=0)
    agg = jax.ops.segment_sum(msgs, dst, num_segments=N)
    return agg * (deg_in ** -0.5)[:, None] + b


def reference(in_feat, edge_index, W1, b1, W2, b2):
    src = edge_index[0]
    dst = edge_index[1]
    h = graph_conv(in_feat, src, dst, W1, b1)
    h = jax.nn.relu(h)
    h = graph_conv(h, src, dst, W2, b2)
    return h

if __name__ == "__main__":
    import jax
    _d = setup_inputs()
    print(jax.jit(kernel)(*tuple(_d.values())))

</pallas_src>

<mosaic_0001>
#map = affine_map<(d0, d1) -> (0, 0, 0)>
#map1 = affine_map<(d0, d1) -> (0)>
#map2 = affine_map<(d0, d1) -> (0, 0)>
module attributes {stable_mosaic.version = 14 : i64} {
  func.func @deg(%arg0: i32, %arg1: i32, %arg2: memref<2x2560x128xi32, #tpu.memory_space<hbm>>, %arg3: memref<10016xf32, #tpu.memory_space<hbm>>, %arg4: memref<2x10016xf32, #tpu.memory_space<hbm>>, %arg5: memref<160x128xi32, #tpu.memory_space<vmem>>, %arg6: memref<128xf32, #tpu.memory_space<vmem>>, %arg7: memref<10016xf32, #tpu.memory_space<vmem_shared>>, %arg8: memref<8x!tpu.dma_semaphore, #tpu.memory_space<semaphore_mem>>) attributes {dimension_semantics = [#tpu.dimension_semantics<core_parallel>, #tpu.dimension_semantics<subcore_parallel>], iteration_bounds = array<i64: 2, 16>, scalar_prefetch = 0 : i64, scratch_operands = 4 : i64, tpu.core_type = #tpu.core_type<sc_vector_subcore>, window_params = [{transform_indices = #map}, {transform_indices = #map1}, {transform_indices = #map2}]} {
    %broadcast_in_dim3A = arith.constant 1.000000e+00 : f32
    %broadcast_in_dim3A_0 = vector.broadcast %broadcast_in_dim3A : f32 to vector<16xf32>
    %swap3A = arith.constant 0 : index
    %swap3A_1 = tpu.vector_load %arg6[%swap3A] {strides = array<i32>} : memref<128xf32, #tpu.memory_space<vmem>>, vector<16xf32>,
    %swap3A_2 = vector.shape_cast %swap3A_1 : vector<16xf32> to vector<16xf32>
    %swap3A_3 = vector.shape_cast %broadcast_in_dim3A_0 : vector<16xf32> to vector<16xf32>
    tpu.vector_store %arg6[%swap3A], %swap3A_3 {strides = array<i32>} : memref<128xf32, #tpu.memory_space<vmem>>, vector<16xf32>,
    %broadcast_in_dim3A_4 = arith.constant 1.000000e+00 : f32
    %broadcast_in_dim3A_5 = vector.broadcast %broadcast_in_dim3A_4 : f32 to vector<16xf32>
    %swap3A_6 = arith.constant 16 : index
    %swap3A_7 = tpu.vector_load %arg6[%swap3A_6] {strides = array<i32>} : memref<128xf32, #tpu.memory_space<vmem>>, vector<16xf32>,
    %swap3A_8 = vector.shape_cast %swap3A_7 : vector<16xf32> to vector<16xf32>
    %swap3A_9 = vector.shape_cast %broadcast_in_dim3A_5 : vector<16xf32> to vector<16xf32>
    tpu.vector_store %arg6[%swap3A_6], %swap3A_9 {strides = array<i32>} : memref<128xf32, #tpu.memory_space<vmem>>, vector<16xf32>,
    %broadcast_in_dim3A_10 = arith.constant 1.000000e+00 : f32
    %broadcast_in_dim3A_11 = vector.broadcast %broadcast_in_dim3A_10 : f32 to vector<16xf32>
    %swap3A_12 = arith.constant 32 : index
    %swap3A_13 = tpu.vector_load %arg6[%swap3A_12] {strides = array<i32>} : memref<128xf32, #tpu.memory_space<vmem>>, vector<16xf32>,
    %swap3A_14 = vector.shape_cast %swap3A_13 : vector<16xf32> to vector<16xf32>
    %swap3A_15 = vector.shape_cast %broadcast_in_dim3A_11 : vector<16xf32> to vector<16xf32>
    tpu.vector_store %arg6[%swap3A_12], %swap3A_15 {strides = array<i32>} : memref<128xf32, #tpu.memory_space<vmem>>, vector<16xf32>,
    %broadcast_in_dim3A_16 = arith.constant 1.000000e+00 : f32
    %broadcast_in_dim3A_17 = vector.broadcast %broadcast_in_dim3A_16 : f32 to vector<16xf32>
    %swap3A_18 = arith.constant 48 : index
    %swap3A_19 = tpu.vector_load %arg6[%swap3A_18] {strides = array<i32>} : memref<128xf32, #tpu.memory_space<vmem>>, vector<16xf32>,
    %swap3A_20 = vector.shape_cast %swap3A_19 : vector<16xf32> to vector<16xf32>
    %swap3A_21 = vector.shape_cast %broadcast_in_dim3A_17 : vector<16xf32> to vector<16xf32>
    tpu.vector_store %arg6[%swap3A_18], %swap3A_21 {strides = array<i32>} : memref<128xf32, #tpu.memory_space<vmem>>, vector<16xf32>,
    %broadcast_in_dim3A_22 = arith.constant 1.000000e+00 : f32
    %broadcast_in_dim3A_23 = vector.broadcast %broadcast_in_dim3A_22 : f32 to vector<16xf32>
    %swap3A_24 = arith.constant 64 : index
    %swap3A_25 = tpu.vector_load %arg6[%swap3A_24] {strides = array<i32>} : memref<128xf32, #tpu.memory_space<vmem>>, vector<16xf32>,
    %swap3A_26 = vector.shape_cast %swap3A_25 : vector<16xf32> to vector<16xf32>
    %swap3A_27 = vector.shape_cast %broadcast_in_dim3A_23 : vector<16xf32> to vector<16xf32>
    tpu.vector_store %arg6[%swap3A_24], %swap3A_27 {strides = array<i32>} : memref<128xf32, #tpu.memory_space<vmem>>, vector<16xf32>,
    %broadcast_in_dim3A_28 = arith.constant 1.000000e+00 : f32
    %broadcast_in_dim3A_29 = vector.broadcast %broadcast_in_dim3A_28 : f32 to vector<16xf32>
    %swap3A_30 = arith.constant 80 : index
    %swap3A_31 = tpu.vector_load %arg6[%swap3A_30] {strides = array<i32>} : memref<128xf32, #tpu.memory_space<vmem>>, vector<16xf32>,
    %swap3A_32 = vector.shape_cast %swap3A_31 : vector<16xf32> to vector<16xf32>
    %swap3A_33 = vector.shape_cast %broadcast_in_dim3A_29 : vector<16xf32> to vector<16xf32>
    tpu.vector_store %arg6[%swap3A_30], %swap3A_33 {strides = array<i32>} : memref<128xf32, #tpu.memory_space<vmem>>, vector<16xf32>,
    %broadcast_in_dim3A_34 = arith.constant 1.000000e+00 : f32
    %broadcast_in_dim3A_35 = vector.broadcast %broadcast_in_dim3A_34 : f32 to vector<16xf32>
    %swap3A_36 = arith.constant 96 : index
    %swap3A_37 = tpu.vector_load %arg6[%swap3A_36] {strides = array<i32>} : memref<128xf32, #tpu.memory_space<vmem>>, vector<16xf32>,
    %swap3A_38 = vector.shape_cast %swap3A_37 : vector<16xf32> to vector<16xf32>
    %swap3A_39 = vector.shape_cast %broadcast_in_dim3A_35 : vector<16xf32> to vector<16xf32>
    tpu.vector_store %arg6[%swap3A_36], %swap3A_39 {strides = array<i32>} : memref<128xf32, #tpu.memory_space<vmem>>, vector<16xf32>,
    %broadcast_in_dim3A_40 = arith.constant 1.000000e+00 : f32
    %broadcast_in_dim3A_41 = vector.broadcast %broadcast_in_dim3A_40 : f32 to vector<16xf32>
    %swap3A_42 = arith.constant 112 : index
    %swap3A_43 = tpu.vector_load %arg6[%swap3A_42] {strides = array<i32>} : memref<128xf32, #tpu.memory_space<vmem>>, vector<16xf32>,
    %swap3A_44 = vector.shape_cast %swap3A_43 : vector<16xf32> to vector<16xf32>
    %swap3A_45 = vector.shape_cast %broadcast_in_dim3A_41 : vector<16xf32> to vector<16xf32>
    tpu.vector_store %arg6[%swap3A_42], %swap3A_45 {strides = array<i32>} : memref<128xf32, #tpu.memory_space<vmem>>, vector<16xf32>,
    %eq3A = arith.constant 0 : i32
    %eq3A_46 = arith.cmpi eq, %arg1, %eq3A : i32
    %convert_element_type3A = arith.extui %eq3A_46 : i1 to i32
    %cond3A = arith.constant 0 : i32
    %cond3A_47 = arith.cmpi ne, %convert_element_type3A, %cond3A : i32
    scf.if %cond3A_47 {
      "tpu.region"() ({
        %run_scoped3A = tpu.sem_alloc : memref<!tpu.dma_semaphore, #tpu.memory_space<semaphore_mem>>
        tpu.enqueue_dma source(%arg3 : memref<10016xf32, #tpu.memory_space<hbm>>) target(%arg7 : memref<10016xf32, #tpu.memory_space<vmem_shared>>) target_semaphore(%run_scoped3A : memref<!tpu.dma_semaphore, #tpu.memory_space<semaphore_mem>>)
        tpu.wait_dma2 semaphore(%run_scoped3A : memref<!tpu.dma_semaphore, #tpu.memory_space<semaphore_mem>>) src(%arg3 : memref<10016xf32, #tpu.memory_space<hbm>>) dst(%arg7 : memref<10016xf32, #tpu.memory_space<vmem_shared>>)
        tpu.yield
      }) : () -> ()
    } else {
    }
    %mul3A = arith.constant 160 : i32
    %mul3A_48 = arith.muli %arg1, %mul3A : i32
    %multiple_of3A = tpu.assume_multiple %mul3A_48, 8 : i32
    "tpu.region"() ({
      %run_scoped3A = tpu.sem_alloc : memref<!tpu.dma_semaphore, #tpu.memory_space<semaphore_mem>>
      %dma_start3A = arith.constant 0 : i32
      %dma_start3A_60 = tpu.memref_slice %arg2[%arg0, %multiple_of3A, %dma_start3A] : memref<2x2560x128xi32, #tpu.memory_space<hbm>> -> memref<1x160x128xi32, #tpu.memory_space<hbm>>
      %dma_start3A_61 = tpu.memref_squeeze %dma_start3A_60 : memref<1x160x128xi32, #tpu.memory_space<hbm>> -> memref<160x128xi32, #tpu.memory_space<hbm>>
      %dma_start3A_62 = arith.constant 0 : i32
      %dma_start3A_63 = tpu.memref_slice %arg2[%arg0, %multiple_of3A, %dma_start3A_62] : memref<2x2560x128xi32, #tpu.memory_space<hbm>> -> memref<1x160x128xi32, #tpu.memory_space<hbm>>
      %dma_start3A_64 = tpu.memref_squeeze %dma_start3A_63 : memref<1x160x128xi32, #tpu.memory_space<hbm>> -> memref<160x128xi32, #tpu.memory_space<hbm>>
      tpu.enqueue_dma source(%dma_start3A_64 : memref<160x128xi32, #tpu.memory_space<hbm>>) target(%arg5 : memref<160x128xi32, #tpu.memory_space<vmem>>) target_semaphore(%run_scoped3A : memref<!tpu.dma_semaphore, #tpu.memory_space<semaphore_mem>>)
      %dma_wait3A = arith.constant 0 : i32
      %dma_wait3A_65 = tpu.memref_slice %arg2[%arg0, %multiple_of3A, %dma_wait3A] : memref<2x2560x128xi32, #tpu.memory_space<hbm>> -> memref<1x160x128xi32, #tpu.memory_space<hbm>>
      %dma_wait3A_66 = tpu.memref_squeeze %dma_wait3A_65 : memref<1x160x128xi32, #tpu.memory_space<hbm>> -> memref<160x128xi32, #tpu.memory_space<hbm>>
      %dma_wait3A_67 = arith.constant 0 : i32
      %dma_wait3A_68 = tpu.memref_slice %arg2[%arg0, %multiple_of3A, %dma_wait3A_67] : memref<2x2560x128xi32, #tpu.memory_space<hbm>> -> memref<1x160x128xi32, #tpu.memory_space<hbm>>
      %dma_wait3A_69 = tpu.memref_squeeze %dma_wait3A_68 : memref<1x160x128xi32, #tpu.memory_space<hbm>> -> memref<160x128xi32, #tpu.memory_space<hbm>>
      tpu.wait_dma2 semaphore(%run_scoped3A : memref<!tpu.dma_semaphore, #tpu.memory_space<semaphore_mem>>) src(%dma_wait3A_69 : memref<160x128xi32, #tpu.memory_space<hbm>>) dst(%arg5 : memref<160x128xi32, #tpu.memory_space<vmem>>)
      tpu.yield
    }) : () -> ()
    %barrier3A = arith.constant 0 : index
    tpu.barrier barrier_id(%barrier3A)
    %scan3A = arith.constant 0 : i32
    %scan3A_49 = arith.constant 0 : i32
    %scan3A_50 = arith.constant 20 : i32
    %scan3A_51 = arith.addi %scan3A_49, %scan3A_50 : i32
    %scan3A_52 = arith.constant 1 : i32
    scf.for %scan3A_60 = %scan3A_49 to %scan3A_51 step %scan3A_52  : i32 {
      %mul3A_61 = arith.constant 8 : i32
      %mul3A_62 = arith.muli %scan3A_60, %mul3A_61 : i32
      %add3A = arith.constant 0 : i32
      %add3A_63 = arith.addi %mul3A_62, %add3A : i32
      %dma_start3A = arith.constant 0 : i32
      %dma_start3A_64 = arith.constant 0 : i32
      %dma_start3A_65 = tpu.memref_slice %arg5[%add3A_63, %dma_start3A_64] : memref<160x128xi32, #tpu.memory_space<vmem>> -> memref<1x128xi32, #tpu.memory_space<vmem>>
      %dma_start3A_66 = tpu.memref_squeeze %dma_start3A_65 : memref<1x128xi32, #tpu.memory_space<vmem>> -> memref<128xi32, #tpu.memory_space<vmem>>
      %dma_start3A_67 = arith.constant 0 : i32
      %dma_start3A_68 = tpu.memref_slice %arg7[%dma_start3A_67] : memref<10016xf32, #tpu.memory_space<vmem_shared>> -> memref<10016xf32, #tpu.memory_space<vmem_shared>>
      %dma_start3A_69 = tpu.memref_slice %arg8[%dma_start3A] : memref<8x!tpu.dma_semaphore, #tpu.memory_space<semaphore_mem>> -> memref<1x!tpu.dma_semaphore, #tpu.memory_space<semaphore_mem>>
      %dma_start3A_70 = tpu.memref_squeeze %dma_start3A_69 : memref<1x!tpu.dma_semaphore, #tpu.memory_space<semaphore_mem>> -> memref<!tpu.dma_semaphore, #tpu.memory_space<semaphore_mem>>
      tpu.enqueue_indirect_dma source(%arg6 : memref<128xf32, #tpu.memory_space<vmem>>) target(%dma_start3A_68 : memref<10016xf32, #tpu.memory_space<vmem_shared>>) offsets(%dma_start3A_66 : memref<128xi32, #tpu.memory_space<vmem>>) semaphore(%dma_start3A_70 : memref<!tpu.dma_semaphore, #tpu.memory_space<semaphore_mem>>) {add = true}
      %mul3A_71 = arith.constant 8 : i32
      %mul3A_72 = arith.muli %scan3A_60, %mul3A_71 : i32
      %add3A_73 = arith.constant 1 : i32
      %add3A_74 = arith.addi %mul3A_72, %add3A_73 : i32
      %dma_start3A_75 = arith.constant 1 : i32
      %dma_start3A_76 = arith.constant 0 : i32
      %dma_start3A_77 = tpu.memref_slice %arg5[%add3A_74, %dma_start3A_76] : memref<160x128xi32, #tpu.memory_space<vmem>> -> memref<1x128xi32, #tpu.memory_space<vmem>>
      %dma_start3A_78 = tpu.memref_squeeze %dma_start3A_77 : memref<1x128xi32, #tpu.memory_space<vmem>> -> memref<128xi32, #tpu.memory_space<vmem>>
      %dma_start3A_79 = arith.constant 0 : i32
      %dma_start3A_80 = tpu.memref_slice %arg7[%dma_start3A_79] : memref<10016xf32, #tpu.memory_space<vmem_shared>> -> memref<10016xf32, #tpu.memory_space<vmem_shared>>
      %dma_start3A_81 = tpu.memref_slice %arg8[%dma_start3A_75] : memref<8x!tpu.dma_semaphore, #tpu.memory_space<semaphore_mem>> -> memref<1x!tpu.dma_semaphore, #tpu.memory_space<semaphore_mem>>
      %dma_start3A_82 = tpu.memref_squeeze %dma_start3A_81 : memref<1x!tpu.dma_semaphore, #tpu.memory_space<semaphore_mem>> -> memref<!tpu.dma_semaphore, #tpu.memory_space<semaphore_mem>>
      tpu.enqueue_indirect_dma source(%arg6 : memref<128xf32, #tpu.memory_space<vmem>>) target(%dma_start3A_80 : memref<10016xf32, #tpu.memory_space<vmem_shared>>) offsets(%dma_start3A_78 : memref<128xi32, #tpu.memory_space<vmem>>) semaphore(%dma_start3A_82 : memref<!tpu.dma_semaphore, #tpu.memory_space<semaphore_mem>>) {add = true}
      %mul3A_83 = arith.constant 8 : i32
      %mul3A_84 = arith.muli %scan3A_60, %mul3A_83 : i32
      %add3A_85 = arith.constant 2 : i32
      %add3A_86 = arith.addi %mul3A_84, %add3A_85 : i32
      %dma_start3A_87 = arith.constant 2 : i32
      %dma_start3A_88 = arith.constant 0 : i32
      %dma_start3A_89 = tpu.memref_slice %arg5[%add3A_86, %dma_start3A_88] : memref<160x128xi32, #tpu.memory_space<vmem>> -> memref<1x128xi32, #tpu.memory_space<vmem>>
      %dma_start3A_90 = tpu.memref_squeeze %dma_start3A_89 : memref<1x128xi32, #tpu.memory_space<vmem>> -> memref<128xi32, #tpu.memory_space<vmem>>
      %dma_start3A_91 = arith.constant 0 : i32
      %dma_start3A_92 = tpu.memref_slice %arg7[%dma_start3A_91] : memref<10016xf32, #tpu.memory_space<vmem_shared>> -> memref<10016xf32, #tpu.memory_space<vmem_shared>>
      %dma_start3A_93 = tpu.memref_slice %arg8[%dma_start3A_87] : memref<8x!tpu.dma_semaphore, #tpu.memory_space<semaphore_mem>> -> memref<1x!tpu.dma_semaphore, #tpu.memory_space<semaphore_mem>>
      %dma_start3A_94 = tpu.memref_squeeze %dma_start3A_93 : memref<1x!tpu.dma_semaphore, #tpu.memory_space<semaphore_mem>> -> memref<!tpu.dma_semaphore, #tpu.memory_space<semaphore_mem>>
      tpu.enqueue_indirect_dma source(%arg6 : memref<128xf32, #tpu.memory_space<vmem>>) target(%dma_start3A_92 : memref<10016xf32, #tpu.memory_space<vmem_shared>>) offsets(%dma_start3A_90 : memref<128xi32, #tpu.memory_space<vmem>>) semaphore(%dma_start3A_94 : memref<!tpu.dma_semaphore, #tpu.memory_space<semaphore_mem>>) {add = true}
      %mul3A_95 = arith.constant 8 : i32
      %mul3A_96 = arith.muli %scan3A_60, %mul3A_95 : i32
      %add3A_97 = arith.constant 3 : i32
      %add3A_98 = arith.addi %mul3A_96, %add3A_97 : i32
      %dma_start3A_99 = arith.constant 3 : i32
      %dma_start3A_100 = arith.constant 0 : i32
      %dma_start3A_101 = tpu.memref_slice %arg5[%add3A_98, %dma_start3A_100] : memref<160x128xi32, #tpu.memory_space<vmem>> -> memref<1x128xi32, #tpu.memory_space<vmem>>
      %dma_start3A_102 = tpu.memref_squeeze %dma_start3A_101 : memref<1x128xi32, #tpu.memory_space<vmem>> -> memref<128xi32, #tpu.memory_space<vmem>>
      %dma_start3A_103 = arith.constant 0 : i32
      %dma_start3A_104 = tpu.memref_slice %arg7[%dma_start3A_103] : memref<10016xf32, #tpu.memory_space<vmem_shared>> -> memref<10016xf32, #tpu.memory_space<vmem_shared>>
      %dma_start3A_105 = tpu.memref_slice %arg8[%dma_start3A_99] : memref<8x!tpu.dma_semaphore, #tpu.memory_space<semaphore_mem>> -> memref<1x!tpu.dma_semaphore, #tpu.memory_space<semaphore_mem>>
      %dma_start3A_106 = tpu.memref_squeeze %dma_start3A_105 : memref<1x!tpu.dma_semaphore, #tpu.memory_space<semaphore_mem>> -> memref<!tpu.dma_semaphore, #tpu.memory_space<semaphore_mem>>
      tpu.enqueue_indirect_dma source(%arg6 : memref<128xf32, #tpu.memory_space<vmem>>) target(%dma_start3A_104 : memref<10016xf32, #tpu.memory_space<vmem_shared>>) offsets(%dma_start3A_102 : memref<128xi32, #tpu.memory_space<vmem>>) semaphore(%dma_start3A_106 : memref<!tpu.dma_semaphore, #tpu.memory_space<semaphore_mem>>) {add = true}
      %mul3A_107 = arith.constant 8 : i32
      %mul3A_108 = arith.muli %scan3A_60, %mul3A_107 : i32
      %add3A_109 = arith.constant 4 : i32
      %add3A_110 = arith.addi %mul3A_108, %add3A_109 : i32
      %dma_start3A_111 = arith.constant 4 : i32
      %dma_start3A_112 = arith.constant 0 : i32
      %dma_start3A_113 = tpu.memref_slice %arg5[%add3A_110, %dma_start3A_112] : memref<160x128xi32, #tpu.memory_space<vmem>> -> memref<1x128xi32, #tpu.memory_space<vmem>>
      %dma_start3A_114 = tpu.memref_squeeze %dma_start3A_113 : memref<1x128xi32, #tpu.memory_space<vmem>> -> memref<128xi32, #tpu.memory_space<vmem>>
      %dma_start3A_115 = arith.constant 0 : i32
      %dma_start3A_116 = tpu.memref_slice %arg7[%dma_start3A_115] : memref<10016xf32, #tpu.memory_space<vmem_shared>> -> memref<10016xf32, #tpu.memory_space<vmem_shared>>
      %dma_start3A_117 = tpu.memref_slice %arg8[%dma_start3A_111] : memref<8x!tpu.dma_semaphore, #tpu.memory_space<semaphore_mem>> -> memref<1x!tpu.dma_semaphore, #tpu.memory_space<semaphore_mem>>
      %dma_start3A_118 = tpu.memref_squeeze %dma_start3A_117 : memref<1x!tpu.dma_semaphore, #tpu.memory_space<semaphore_mem>> -> memref<!tpu.dma_semaphore, #tpu.memory_space<semaphore_mem>>
      tpu.enqueue_indirect_dma source(%arg6 : memref<128xf32, #tpu.memory_space<vmem>>) target(%dma_start3A_116 : memref<10016xf32, #tpu.memory_space<vmem_shared>>) offsets(%dma_start3A_114 : memref<128xi32, #tpu.memory_space<vmem>>) semaphore(%dma_start3A_118 : memref<!tpu.dma_semaphore, #tpu.memory_space<semaphore_mem>>) {add = true}
      %mul3A_119 = arith.constant 8 : i32
      %mul3A_120 = arith.muli %scan3A_60, %mul3A_119 : i32
      %add3A_121 = arith.constant 5 : i32
      %add3A_122 = arith.addi %mul3A_120, %add3A_121 : i32
      %dma_start3A_123 = arith.constant 5 : i32
      %dma_start3A_124 = arith.constant 0 : i32
      %dma_start3A_125 = tpu.memref_slice %arg5[%add3A_122, %dma_start3A_124] : memref<160x128xi32, #tpu.memory_space<vmem>> -> memref<1x128xi32, #tpu.memory_space<vmem>>
      %dma_start3A_126 = tpu.memref_squeeze %dma_start3A_125 : memref<1x128xi32, #tpu.memory_space<vmem>> -> memref<128xi32, #tpu.memory_space<vmem>>
      %dma_start3A_127 = arith.constant 0 : i32
      %dma_start3A_128 = tpu.memref_slice %arg7[%dma_start3A_127] : memref<10016xf32, #tpu.memory_space<vmem_shared>> -> memref<10016xf32, #tpu.memory_space<vmem_shared>>
      %dma_start3A_129 = tpu.memref_slice %arg8[%dma_start3A_123] : memref<8x!tpu.dma_semaphore, #tpu.memory_space<semaphore_mem>> -> memref<1x!tpu.dma_semaphore, #tpu.memory_space<semaphore_mem>>
      %dma_start3A_130 = tpu.memref_squeeze %dma_start3A_129 : memref<1x!tpu.dma_semaphore, #tpu.memory_space<semaphore_mem>> -> memref<!tpu.dma_semaphore, #tpu.memory_space<semaphore_mem>>
      tpu.enqueue_indirect_dma source(%arg6 : memref<128xf32, #tpu.memory_space<vmem>>) target(%dma_start3A_128 : memref<10016xf32, #tpu.memory_space<vmem_shared>>) offsets(%dma_start3A_126 : memref<128xi32, #tpu.memory_space<vmem>>) semaphore(%dma_start3A_130 : memref<!tpu.dma_semaphore, #tpu.memory_space<semaphore_mem>>) {add = true}
      %mul3A_131 = arith.constant 8 : i32
      %mul3A_132 = arith.muli %scan3A_60, %mul3A_131 : i32
      %add3A_133 = arith.constant 6 : i32
      %add3A_134 = arith.addi %mul3A_132, %add3A_133 : i32
      %dma_start3A_135 = arith.constant 6 : i32
      %dma_start3A_136 = arith.constant 0 : i32
      %dma_start3A_137 = tpu.memref_slice %arg5[%add3A_134, %dma_start3A_136] : memref<160x128xi32, #tpu.memory_space<vmem>> -> memref<1x128xi32, #tpu.memory_space<vmem>>
      %dma_start3A_138 = tpu.memref_squeeze %dma_start3A_137 : memref<1x128xi32, #tpu.memory_space<vmem>> -> memref<128xi32, #tpu.memory_space<vmem>>
      %dma_start3A_139 = arith.constant 0 : i32
      %dma_start3A_140 = tpu.memref_slice %arg7[%dma_start3A_139] : memref<10016xf32, #tpu.memory_space<vmem_shared>> -> memref<10016xf32, #tpu.memory_space<vmem_shared>>
      %dma_start3A_141 = tpu.memref_slice %arg8[%dma_start3A_135] : memref<8x!tpu.dma_semaphore, #tpu.memory_space<semaphore_mem>> -> memref<1x!tpu.dma_semaphore, #tpu.memory_space<semaphore_mem>>
      %dma_start3A_142 = tpu.memref_squeeze %dma_start3A_141 : memref<1x!tpu.dma_semaphore, #tpu.memory_space<semaphore_mem>> -> memref<!tpu.dma_semaphore, #tpu.memory_space<semaphore_mem>>
      tpu.enqueue_indirect_dma source(%arg6 : memref<128xf32, #tpu.memory_space<vmem>>) target(%dma_start3A_140 : memref<10016xf32, #tpu.memory_space<vmem_shared>>) offsets(%dma_start3A_138 : memref<128xi32, #tpu.memory_space<vmem>>) semaphore(%dma_start3A_142 : memref<!tpu.dma_semaphore, #tpu.memory_space<semaphore_mem>>) {add = true}
      %mul3A_143 = arith.constant 8 : i32
      %mul3A_144 = arith.muli %scan3A_60, %mul3A_143 : i32
      %add3A_145 = arith.constant 7 : i32
      %add3A_146 = arith.addi %mul3A_144, %add3A_145 : i32
      %dma_start3A_147 = arith.constant 7 : i32
      %dma_start3A_148 = arith.constant 0 : i32
      %dma_start3A_149 = tpu.memref_slice %arg5[%add3A_146, %dma_start3A_148] : memref<160x128xi32, #tpu.memory_space<vmem>> -> memref<1x128xi32, #tpu.memory_space<vmem>>
      %dma_start3A_150 = tpu.memref_squeeze %dma_start3A_149 : memref<1x128xi32, #tpu.memory_space<vmem>> -> memref<128xi32, #tpu.memory_space<vmem>>
      %dma_start3A_151 = arith.constant 0 : i32
      %dma_start3A_152 = tpu.memref_slice %arg7[%dma_start3A_151] : memref<10016xf32, #tpu.memory_space<vmem_shared>> -> memref<10016xf32, #tpu.memory_space<vmem_shared>>
      %dma_start3A_153 = tpu.memref_slice %arg8[%dma_start3A_147] : memref<8x!tpu.dma_semaphore, #tpu.memory_space<semaphore_mem>> -> memref<1x!tpu.dma_semaphore, #tpu.memory_space<semaphore_mem>>
      %dma_start3A_154 = tpu.memref_squeeze %dma_start3A_153 : memref<1x!tpu.dma_semaphore, #tpu.memory_space<semaphore_mem>> -> memref<!tpu.dma_semaphore, #tpu.memory_space<semaphore_mem>>
      tpu.enqueue_indirect_dma source(%arg6 : memref<128xf32, #tpu.memory_space<vmem>>) target(%dma_start3A_152 : memref<10016xf32, #tpu.memory_space<vmem_shared>>) offsets(%dma_start3A_150 : memref<128xi32, #tpu.memory_space<vmem>>) semaphore(%dma_start3A_154 : memref<!tpu.dma_semaphore, #tpu.memory_space<semaphore_mem>>) {add = true}
      %dma_wait3A = arith.constant 0 : i32
      %dma_wait3A_155 = arith.constant 0 : i32
      %dma_wait3A_156 = tpu.memref_slice %arg5[%add3A_63, %dma_wait3A_155] : memref<160x128xi32, #tpu.memory_space<vmem>> -> memref<1x128xi32, #tpu.memory_space<vmem>>
      %dma_wait3A_157 = tpu.memref_squeeze %dma_wait3A_156 : memref<1x128xi32, #tpu.memory_space<vmem>> -> memref<128xi32, #tpu.memory_space<vmem>>
      %dma_wait3A_158 = arith.constant 0 : i32
      %dma_wait3A_159 = tpu.memref_slice %arg7[%dma_wait3A_158] : memref<10016xf32, #tpu.memory_space<vmem_shared>> -> memref<10016xf32, #tpu.memory_space<vmem_shared>>
      %dma_wait3A_160 = tpu.memref_slice %arg8[%dma_wait3A] : memref<8x!tpu.dma_semaphore, #tpu.memory_space<semaphore_mem>> -> memref<1x!tpu.dma_semaphore, #tpu.memory_space<semaphore_mem>>
      %dma_wait3A_161 = tpu.memref_squeeze %dma_wait3A_160 : memref<1x!tpu.dma_semaphore, #tpu.memory_space<semaphore_mem>> -> memref<!tpu.dma_semaphore, #tpu.memory_space<semaphore_mem>>
      tpu.wait_indirect_dma semaphore(%dma_wait3A_161 : memref<!tpu.dma_semaphore, #tpu.memory_space<semaphore_mem>>) src(%arg6 : memref<128xf32, #tpu.memory_space<vmem>>) dst(%dma_wait3A_159 : memref<10016xf32, #tpu.memory_space<vmem_shared>>)
      %dma_wait3A_162 = arith.constant 1 : i32
      %dma_wait3A_163 = arith.constant 0 : i32
      %dma_wait3A_164 = tpu.memref_slice %arg5[%add3A_74, %dma_wait3A_163] : memref<160x128xi32, #tpu.memory_space<vmem>> -> memref<1x128xi32, #tpu.memory_space<vmem>>
      %dma_wait3A_165 = tpu.memref_squeeze %dma_wait3A_164 : memref<1x128xi32, #tpu.memory_space<vmem>> -> memref<128xi32, #tpu.memory_space<vmem>>
      %dma_wait3A_166 = arith.constant 0 : i32
      %dma_wait3A_167 = tpu.memref_slice %arg7[%dma_wait3A_166] : memref<10016xf32, #tpu.memory_space<vmem_shared>> -> memref<10016xf32, #tpu.memory_space<vmem_shared>>
      %dma_wait3A_168 = tpu.memref_slice %arg8[%dma_wait3A_162] : memref<8x!tpu.dma_semaphore, #tpu.memory_space<semaphore_mem>> -> memref<1x!tpu.dma_semaphore, #tpu.memory_space<semaphore_mem>>
      %dma_wait3A_169 = tpu.memref_squeeze %dma_wait3A_168 : memref<1x!tpu.dma_semaphore, #tpu.memory_space<semaphore_mem>> -> memref<!tpu.dma_semaphore, #tpu.memory_space<semaphore_mem>>
      tpu.wait_indirect_dma semaphore(%dma_wait3A_169 : memref<!tpu.dma_semaphore, #tpu.memory_space<semaphore_mem>>) src(%arg6 : memref<128xf32, #tpu.memory_space<vmem>>) dst(%dma_wait3A_167 : memref<10016xf32, #tpu.memory_space<vmem_shared>>)
      %dma_wait3A_170 = arith.constant 2 : i32
      %dma_wait3A_171 = arith.constant 0 : i32
      %dma_wait3A_172 = tpu.memref_slice %arg5[%add3A_86, %dma_wait3A_171] : memref<160x128xi32, #tpu.memory_space<vmem>> -> memref<1x128xi32, #tpu.memory_space<vmem>>
      %dma_wait3A_173 = tpu.memref_squeeze %dma_wait3A_172 : memref<1x128xi32, #tpu.memory_space<vmem>> -> memref<128xi32, #tpu.memory_space<vmem>>
      %dma_wait3A_174 = arith.constant 0 : i32
      %dma_wait3A_175 = tpu.memref_slice %arg7[%dma_wait3A_174] : memref<10016xf32, #tpu.memory_space<vmem_shared>> -> memref<10016xf32, #tpu.memory_space<vmem_shared>>
      %dma_wait3A_176 = tpu.memref_slice %arg8[%dma_wait3A_170] : memref<8x!tpu.dma_semaphore, #tpu.memory_space<semaphore_mem>> -> memref<1x!tpu.dma_semaphore, #tpu.memory_space<semaphore_mem>>
      %dma_wait3A_177 = tpu.memref_squeeze %dma_wait3A_176 : memref<1x!tpu.dma_semaphore, #tpu.memory_space<semaphore_mem>> -> memref<!tpu.dma_semaphore, #tpu.memory_space<semaphore_mem>>
      tpu.wait_indirect_dma semaphore(%dma_wait3A_177 : memref<!tpu.dma_semaphore, #tpu.memory_space<semaphore_mem>>) src(%arg6 : memref<128xf32, #tpu.memory_space<vmem>>) dst(%dma_wait3A_175 : memref<10016xf32, #tpu.memory_space<vmem_shared>>)
      %dma_wait3A_178 = arith.constant 3 : i32
      %dma_wait3A_179 = arith.constant 0 : i32
      %dma_wait3A_180 = tpu.memref_slice %arg5[%add3A_98, %dma_wait3A_179] : memref<160x128xi32, #tpu.memory_space<vmem>> -> memref<1x128xi32, #tpu.memory_space<vmem>>
      %dma_wait3A_181 = tpu.memref_squeeze %dma_wait3A_180 : memref<1x128xi32, #tpu.memory_space<vmem>> -> memref<128xi32, #tpu.memory_space<vmem>>
      %dma_wait3A_182 = arith.constant 0 : i32
      %dma_wait3A_183 = tpu.memref_slice %arg7[%dma_wait3A_182] : memref<10016xf32, #tpu.memory_space<vmem_shared>> -> memref<10016xf32, #tpu.memory_space<vmem_shared>>
      %dma_wait3A_184 = tpu.memref_slice %arg8[%dma_wait3A_178] : memref<8x!tpu.dma_semaphore, #tpu.memory_space<semaphore_mem>> -> memref<1x!tpu.dma_semaphore, #tpu.memory_space<semaphore_mem>>
      %dma_wait3A_185 = tpu.memref_squeeze %dma_wait3A_184 : memref<1x!tpu.dma_semaphore, #tpu.memory_space<semaphore_mem>> -> memref<!tpu.dma_semaphore, #tpu.memory_space<semaphore_mem>>
      tpu.wait_indirect_dma semaphore(%dma_wait3A_185 : memref<!tpu.dma_semaphore, #tpu.memory_space<semaphore_mem>>) src(%arg6 : memref<128xf32, #tpu.memory_space<vmem>>) dst(%dma_wait3A_183 : memref<10016xf32, #tpu.memory_space<vmem_shared>>)
      %dma_wait3A_186 = arith.constant 4 : i32
      %dma_wait3A_187 = arith.constant 0 : i32
      %dma_wait3A_188 = tpu.memref_slice %arg5[%add3A_110, %dma_wait3A_187] : memref<160x128xi32, #tpu.memory_space<vmem>> -> memref<1x128xi32, #tpu.memory_space<vmem>>
      %dma_wait3A_189 = tpu.memref_squeeze %dma_wait3A_188 : memref<1x128xi32, #tpu.memory_space<vmem>> -> memref<128xi32, #tpu.memory_space<vmem>>
      %dma_wait3A_190 = arith.constant 0 : i32
      %dma_wait3A_191 = tpu.memref_slice %arg7[%dma_wait3A_190] : memref<10016xf32, #tpu.memory_space<vmem_shared>> -> memref<10016xf32, #tpu.memory_space<vmem_shared>>
      %dma_wait3A_192 = tpu.memref_slice %arg8[%dma_wait3A_186] : memref<8x!tpu.dma_semaphore, #tpu.memory_space<semaphore_mem>> -> memref<1x!tpu.dma_semaphore, #tpu.memory_space<semaphore_mem>>
      %dma_wait3A_193 = tpu.memref_squeeze %dma_wait3A_192 : memref<1x!tpu.dma_semaphore, #tpu.memory_space<semaphore_mem>> -> memref<!tpu.dma_semaphore, #tpu.memory_space<semaphore_mem>>
      tpu.wait_indirect_dma semaphore(%dma_wait3A_193 : memref<!tpu.dma_semaphore, #tpu.memory_space<semaphore_mem>>) src(%arg6 : memref<128xf32, #tpu.memory_space<vmem>>) dst(%dma_wait3A_191 : memref<10016xf32, #tpu.memory_space<vmem_shared>>)
      %dma_wait3A_194 = arith.constant 5 : i32
      %dma_wait3A_195 = arith.constant 0 : i32
      %dma_wait3A_196 = tpu.memref_slice %arg5[%add3A_122, %dma_wait3A_195] : memref<160x128xi32, #tpu.memory_space<vmem>> -> memref<1x128xi32, #tpu.memory_space<vmem>>
      %dma_wait3A_197 = tpu.memref_squeeze %dma_wait3A_196 : memref<1x128xi32, #tpu.memory_space<vmem>> -> memref<128xi32, #tpu.memory_space<vmem>>
      %dma_wait3A_198 = arith.constant 0 : i32
      %dma_wait3A_199 = tpu.memref_slice %arg7[%dma_wait3A_198] : memref<10016xf32, #tpu.memory_space<vmem_shared>> -> memref<10016xf32, #tpu.memory_space<vmem_shared>>
      %dma_wait3A_200 = tpu.memref_slice %arg8[%dma_wait3A_194] : memref<8x!tpu.dma_semaphore, #tpu.memory_space<semaphore_mem>> -> memref<1x!tpu.dma_semaphore, #tpu.memory_space<semaphore_mem>>
      %dma_wait3A_201 = tpu.memref_squeeze %dma_wait3A_200 : memref<1x!tpu.dma_semaphore, #tpu.memory_space<semaphore_mem>> -> memref<!tpu.dma_semaphore, #tpu.memory_space<semaphore_mem>>
      tpu.wait_indirect_dma semaphore(%dma_wait3A_201 : memref<!tpu.dma_semaphore, #tpu.memory_space<semaphore_mem>>) src(%arg6 : memref<128xf32, #tpu.memory_space<vmem>>) dst(%dma_wait3A_199 : memref<10016xf32, #tpu.memory_space<vmem_shared>>)
      %dma_wait3A_202 = arith.constant 6 : i32
      %dma_wait3A_203 = arith.constant 0 : i32
      %dma_wait3A_204 = tpu.memref_slice %arg5[%add3A_134, %dma_wait3A_203] : memref<160x128xi32, #tpu.memory_space<vmem>> -> memref<1x128xi32, #tpu.memory_space<vmem>>
      %dma_wait3A_205 = tpu.memref_squeeze %dma_wait3A_204 : memref<1x128xi32, #tpu.memory_space<vmem>> -> memref<128xi32, #tpu.memory_space<vmem>>
      %dma_wait3A_206 = arith.constant 0 : i32
      %dma_wait3A_207 = tpu.memref_slice %arg7[%dma_wait3A_206] : memref<10016xf32, #tpu.memory_space<vmem_shared>> -> memref<10016xf32, #tpu.memory_space<vmem_shared>>
      %dma_wait3A_208 = tpu.memref_slice %arg8[%dma_wait3A_202] : memref<8x!tpu.dma_semaphore, #tpu.memory_space<semaphore_mem>> -> memref<1x!tpu.dma_semaphore, #tpu.memory_space<semaphore_mem>>
      %dma_wait3A_209 = tpu.memref_squeeze %dma_wait3A_208 : memref<1x!tpu.dma_semaphore, #tpu.memory_space<semaphore_mem>> -> memref<!tpu.dma_semaphore, #tpu.memory_space<semaphore_mem>>
      tpu.wait_indirect_dma semaphore(%dma_wait3A_209 : memref<!tpu.dma_semaphore, #tpu.memory_space<semaphore_mem>>) src(%arg6 : memref<128xf32, #tpu.memory_space<vmem>>) dst(%dma_wait3A_207 : memref<10016xf32, #tpu.memory_space<vmem_shared>>)
      %dma_wait3A_210 = arith.constant 7 : i32
      %dma_wait3A_211 = arith.constant 0 : i32
      %dma_wait3A_212 = tpu.memref_slice %arg5[%add3A_146, %dma_wait3A_211] : memref<160x128xi32, #tpu.memory_space<vmem>> -> memref<1x128xi32, #tpu.memory_space<vmem>>
      %dma_wait3A_213 = tpu.memref_squeeze %dma_wait3A_212 : memref<1x128xi32, #tpu.memory_space<vmem>> -> memref<128xi32, #tpu.memory_space<vmem>>
      %dma_wait3A_214 = arith.constant 0 : i32
      %dma_wait3A_215 = tpu.memref_slice %arg7[%dma_wait3A_214] : memref<10016xf32, #tpu.memory_space<vmem_shared>> -> memref<10016xf32, #tpu.memory_space<vmem_shared>>
      %dma_wait3A_216 = tpu.memref_slice %arg8[%dma_wait3A_210] : memref<8x!tpu.dma_semaphore, #tpu.memory_space<semaphore_mem>> -> memref<1x!tpu.dma_semaphore, #tpu.memory_space<semaphore_mem>>
      %dma_wait3A_217 = tpu.memref_squeeze %dma_wait3A_216 : memref<1x!tpu.dma_semaphore, #tpu.memory_space<semaphore_mem>> -> memref<!tpu.dma_semaphore, #tpu.memory_space<semaphore_mem>>
      tpu.wait_indirect_dma semaphore(%dma_wait3A_217 : memref<!tpu.dma_semaphore, #tpu.memory_space<semaphore_mem>>) src(%arg6 : memref<128xf32, #tpu.memory_space<vmem>>) dst(%dma_wait3A_215 : memref<10016xf32, #tpu.memory_space<vmem_shared>>)
    }
    %scan3A_53 = arith.constant 20 : i32
    %barrier3A_54 = arith.constant 0 : index
    tpu.barrier barrier_id(%barrier3A_54)
    %eq3A_55 = arith.constant 0 : i32
    %eq3A_56 = arith.cmpi eq, %arg1, %eq3A_55 : i32
    %convert_element_type3A_57 = arith.extui %eq3A_56 : i1 to i32
    %cond3A_58 = arith.constant 0 : i32
    %cond3A_59 = arith.cmpi ne, %convert_element_type3A_57, %cond3A_58 : i32
    scf.if %cond3A_59 {
      "tpu.region"() ({
        %run_scoped3A = tpu.sem_alloc : memref<!tpu.dma_semaphore, #tpu.memory_space<semaphore_mem>>
        %dma_start3A = arith.constant 0 : i32
        %dma_start3A_60 = tpu.memref_slice %arg4[%arg0, %dma_start3A] : memref<2x10016xf32, #tpu.memory_space<hbm>> -> memref<1x10016xf32, #tpu.memory_space<hbm>>
        %dma_start3A_61 = tpu.memref_squeeze %dma_start3A_60 : memref<1x10016xf32, #tpu.memory_space<hbm>> -> memref<10016xf32, #tpu.memory_space<hbm>>
        tpu.enqueue_dma source(%arg7 : memref<10016xf32, #tpu.memory_space<vmem_shared>>) target(%dma_start3A_61 : memref<10016xf32, #tpu.memory_space<hbm>>) target_semaphore(%run_scoped3A : memref<!tpu.dma_semaphore, #tpu.memory_space<semaphore_mem>>)
        %dma_wait3A = arith.constant 0 : i32
        %dma_wait3A_62 = tpu.memref_slice %arg4[%arg0, %dma_wait3A] : memref<2x10016xf32, #tpu.memory_space<hbm>> -> memref<1x10016xf32, #tpu.memory_space<hbm>>
        %dma_wait3A_63 = tpu.memref_squeeze %dma_wait3A_62 : memref<1x10016xf32, #tpu.memory_space<hbm>> -> memref<10016xf32, #tpu.memory_space<hbm>>
        tpu.wait_dma2 semaphore(%run_scoped3A : memref<!tpu.dma_semaphore, #tpu.memory_space<semaphore_mem>>) src(%arg7 : memref<10016xf32, #tpu.memory_space<vmem_shared>>) dst(%dma_wait3A_63 : memref<10016xf32, #tpu.memory_space<hbm>>)
        tpu.yield
      }) : () -> ()
    } else {
    }
    return
  }
}

#map = affine_map<(d0, d1) -> (0, 0)>
#map1 = affine_map<(d0, d1) -> (0)>
#map2 = affine_map<(d0, d1) -> (0, 0, 0)>
module attributes {stable_mosaic.version = 14 : i64} {
  func.func @spmm(%arg0: i32, %arg1: i32, %arg2: memref<10000x128xf32, #tpu.memory_space<hbm>>, %arg3: memref<320256xi32, #tpu.memory_space<hbm>>, %arg4: memref<320256xi32, #tpu.memory_space<hbm>>, %arg5: memref<2504x128xf32, #tpu.memory_space<hbm>>, %arg6: memref<2x10000x128xf32, #tpu.memory_space<hbm>>, %arg7: memref<2x384xi32, #tpu.memory_space<vmem>>, %arg8: memref<6x128xi32, #tpu.memory_space<vmem>>, %arg9: memref<3x128x128xf32, #tpu.memory_space<vmem>>, %arg10: memref<10016x128xf32, #tpu.memory_space<vmem_shared>>, %arg11: memref<2x!tpu.dma_semaphore, #tpu.memory_space<semaphore_mem>>, %arg12: memref<3x!tpu.dma_semaphore, #tpu.memory_space<semaphore_mem>>, %arg13: memref<3x!tpu.dma_semaphore, #tpu.memory_space<semaphore_mem>>) attributes {dimension_semantics = [#tpu.dimension_semantics<core_parallel>, #tpu.dimension_semantics<subcore_parallel>], iteration_bounds = array<i64: 2, 16>, scalar_prefetch = 0 : i64, scratch_operands = 7 : i64, tpu.core_type = #tpu.core_type<sc_vector_subcore>, window_params = [{transform_indices = #map}, {transform_indices = #map1}, {transform_indices = #map1}, {transform_indices = #map}, {transform_indices = #map2}]} {
    %mul3A = arith.constant 16 : i32
    %mul3A_0 = arith.muli %arg0, %mul3A : i32
    %add3A = arith.addi %mul3A_0, %arg1 : i32
    %lt3A = arith.constant 1 : i32
    %lt3A_1 = arith.cmpi slt, %add3A, %lt3A : i32
    %jit3A = arith.constant 1 : i32
    %jit3A_2 = arith.constant 0 : i32
    %select_n3A = arith.select %lt3A_1, %jit3A, %jit3A_2 : i32
    %add3A_3 = arith.constant 13 : i32
    %add3A_4 = arith.addi %add3A_3, %select_n3A : i32
    %mul3A_5 = arith.constant 13 : i32
    %mul3A_6 = arith.muli %mul3A_5, %add3A : i32
    %min3A = arith.constant 1 : i32
    %min3A_7 = arith.minsi %add3A, %min3A : i32
    %add3A_8 = arith.addi %mul3A_6, %min3A_7 : i32
    %mul3A_9 = arith.constant 6 : i32
    %mul3A_10 = arith.muli %add3A_8, %mul3A_9 : i32
    %mul3A_11 = arith.constant 2 : i32
    %mul3A_12 = arith.muli %mul3A_11, %add3A_4 : i32
    %lt3A_13 = arith.constant 4 : i32
    %lt3A_14 = arith.cmpi slt, %arg1, %lt3A_13 : i32
    %convert_element_type3A = arith.extui %lt3A_14 : i1 to i32
    %cond3A = arith.constant 0 : i32
    %cond3A_15 = arith.cmpi ne, %convert_element_type3A, %cond3A : i32
    scf.if %cond3A_15 {
      %mul3A_153 = arith.constant 2504 : i32
      %mul3A_154 = arith.muli %arg1, %mul3A_153 : i32
      %multiple_of3A_155 = tpu.assume_multiple %mul3A_154, 8 : i32
      "tpu.region"() ({
        %run_scoped3A = tpu.sem_alloc : memref<!tpu.dma_semaphore, #tpu.memory_space<semaphore_mem>>
        %dma_start3A_156 = arith.constant 0 : i32
        %dma_start3A_157 = tpu.memref_slice %arg10[%multiple_of3A_155, %dma_start3A_156] : memref<10016x128xf32, #tpu.memory_space<vmem_shared>> -> memref<2504x128xf32, #tpu.memory_space<vmem_shared>>
        tpu.enqueue_dma source(%arg5 : memref<2504x128xf32, #tpu.memory_space<hbm>>) target(%dma_start3A_157 : memref<2504x128xf32, #tpu.memory_space<vmem_shared>>) target_semaphore(%run_scoped3A : memref<!tpu.dma_semaphore, #tpu.memory_space<semaphore_mem>>)
        %dma_wait3A = arith.constant 0 : i32
        %dma_wait3A_158 = tpu.memref_slice %arg10[%multiple_of3A_155, %dma_wait3A] : memref<10016x128xf32, #tpu.memory_space<vmem_shared>> -> memref<2504x128xf32, #tpu.memory_space<vmem_shared>>
        tpu.wait_dma2 semaphore(%run_scoped3A : memref<!tpu.dma_semaphore, #tpu.memory_space<semaphore_mem>>) src(%arg5 : memref<2504x128xf32, #tpu.memory_space<hbm>>) dst(%dma_wait3A_158 : memref<2504x128xf32, #tpu.memory_space<vmem_shared>>)
        tpu.yield
      }) : () -> ()
    } else {
    }
    %add3A_16 = arith.constant 0 : i32
    %add3A_17 = arith.addi %mul3A_10, %add3A_16 : i32
    %mul3A_18 = arith.constant 128 : i32
    %mul3A_19 = arith.muli %add3A_17, %mul3A_18 : i32
    %multiple_of3A = tpu.assume_multiple %mul3A_19, 8 : i32
    %add3A_20 = arith.constant 0 : i32
    %add3A_21 = arith.addi %multiple_of3A, %add3A_20 : i32
    %multiple_of3A_22 = tpu.assume_multiple %add3A_21, 8 : i32
    %add3A_23 = arith.constant 128 : i32
    %add3A_24 = arith.addi %multiple_of3A, %add3A_23 : i32
    %multiple_of3A_25 = tpu.assume_multiple %add3A_24, 8 : i32
    %add3A_26 = arith.constant 256 : i32
    %add3A_27 = arith.addi %multiple_of3A, %add3A_26 : i32
    %multiple_of3A_28 = tpu.assume_multiple %add3A_27, 8 : i32
    %dma_start3A = arith.constant 0 : i32
    %dma_start3A_29 = arith.constant 0 : i32
    %dma_start3A_30 = arith.constant 0 : i32
    %dma_start3A_31 = tpu.memref_slice %arg7[%dma_start3A, %dma_start3A_30] : memref<2x384xi32, #tpu.memory_space<vmem>> -> memref<1x384xi32, #tpu.memory_space<vmem>>
    %dma_start3A_32 = tpu.memref_squeeze %dma_start3A_31 : memref<1x384xi32, #tpu.memory_space<vmem>> -> memref<384xi32, #tpu.memory_space<vmem>>
    %dma_start3A_33 = tpu.memref_slice %arg3[%multiple_of3A] : memref<320256xi32, #tpu.memory_space<hbm>> -> memref<384xi32, #tpu.memory_space<hbm>>
    %dma_start3A_34 = tpu.memref_slice %arg11[%dma_start3A_29] : memref<2x!tpu.dma_semaphore, #tpu.memory_space<semaphore_mem>> -> memref<1x!tpu.dma_semaphore, #tpu.memory_space<semaphore_mem>>
    %dma_start3A_35 = tpu.memref_squeeze %dma_start3A_34 : memref<1x!tpu.dma_semaphore, #tpu.memory_space<semaphore_mem>> -> memref<!tpu.dma_semaphore, #tpu.memory_space<semaphore_mem>>
    %dma_start3A_36 = arith.constant 0 : i32
    %dma_start3A_37 = tpu.memref_slice %arg7[%dma_start3A, %dma_start3A_36] : memref<2x384xi32, #tpu.memory_space<vmem>> -> memref<1x384xi32, #tpu.memory_space<vmem>>
    %dma_start3A_38 = tpu.memref_squeeze %dma_start3A_37 : memref<1x384xi32, #tpu.memory_space<vmem>> -> memref<384xi32, #tpu.memory_space<vmem>>
    %dma_start3A_39 = tpu.memref_slice %arg3[%multiple_of3A] : memref<320256xi32, #tpu.memory_space<hbm>> -> memref<384xi32, #tpu.memory_space<hbm>>
    tpu.enqueue_dma source(%dma_start3A_39 : memref<384xi32, #tpu.memory_space<hbm>>) target(%dma_start3A_38 : memref<384xi32, #tpu.memory_space<vmem>>) target_semaphore(%dma_start3A_35 : memref<!tpu.dma_semaphore, #tpu.memory_space<semaphore_mem>>)
    %dma_start3A_40 = arith.constant 0 : i32
    %dma_start3A_41 = arith.constant 0 : i32
    %dma_start3A_42 = arith.constant 0 : i32
    %dma_start3A_43 = tpu.memref_slice %arg8[%dma_start3A_40, %dma_start3A_42] : memref<6x128xi32, #tpu.memory_space<vmem>> -> memref<1x128xi32, #tpu.memory_space<vmem>>
    %dma_start3A_44 = tpu.memref_squeeze %dma_start3A_43 : memref<1x128xi32, #tpu.memory_space<vmem>> -> memref<128xi32, #tpu.memory_space<vmem>>
    %dma_start3A_45 = tpu.memref_slice %arg4[%multiple_of3A_22] : memref<320256xi32, #tpu.memory_space<hbm>> -> memref<128xi32, #tpu.memory_space<hbm>>
    %dma_start3A_46 = tpu.memref_slice %arg11[%dma_start3A_41] : memref<2x!tpu.dma_semaphore, #tpu.memory_space<semaphore_mem>> -> memref<1x!tpu.dma_semaphore, #tpu.memory_space<semaphore_mem>>
    %dma_start3A_47 = tpu.memref_squeeze %dma_start3A_46 : memref<1x!tpu.dma_semaphore, #tpu.memory_space<semaphore_mem>> -> memref<!tpu.dma_semaphore, #tpu.memory_space<semaphore_mem>>
    %dma_start3A_48 = arith.constant 0 : i32
    %dma_start3A_49 = tpu.memref_slice %arg8[%dma_start3A_40, %dma_start3A_48] : memref<6x128xi32, #tpu.memory_space<vmem>> -> memref<1x128xi32, #tpu.memory_space<vmem>>
    %dma_start3A_50 = tpu.memref_squeeze %dma_start3A_49 : memref<1x128xi32, #tpu.memory_space<vmem>> -> memref<128xi32, #tpu.memory_space<vmem>>
    %dma_start3A_51 = tpu.memref_slice %arg4[%multiple_of3A_22] : memref<320256xi32, #tpu.memory_space<hbm>> -> memref<128xi32, #tpu.memory_space<hbm>>
    tpu.enqueue_dma source(%dma_start3A_51 : memref<128xi32, #tpu.memory_space<hbm>>) target(%dma_start3A_50 : memref<128xi32, #tpu.memory_space<vmem>>) target_semaphore(%dma_start3A_47 : memref<!tpu.dma_semaphore, #tpu.memory_space<semaphore_mem>>)
    %dma_start3A_52 = arith.constant 1 : i32
    %dma_start3A_53 = arith.constant 0 : i32
    %dma_start3A_54 = arith.constant 0 : i32
    %dma_start3A_55 = tpu.memref_slice %arg8[%dma_start3A_52, %dma_start3A_54] : memref<6x128xi32, #tpu.memory_space<vmem>> -> memref<1x128xi32, #tpu.memory_space<vmem>>
    %dma_start3A_56 = tpu.memref_squeeze %dma_start3A_55 : memref<1x128xi32, #tpu.memory_space<vmem>> -> memref<128xi32, #tpu.memory_space<vmem>>
    %dma_start3A_57 = tpu.memref_slice %arg4[%multiple_of3A_25] : memref<320256xi32, #tpu.memory_space<hbm>> -> memref<128xi32, #tpu.memory_space<hbm>>
    %dma_start3A_58 = tpu.memref_slice %arg11[%dma_start3A_53] : memref<2x!tpu.dma_semaphore, #tpu.memory_space<semaphore_mem>> -> memref<1x!tpu.dma_semaphore, #tpu.memory_space<semaphore_mem>>
    %dma_start3A_59 = tpu.memref_squeeze %dma_start3A_58 : memref<1x!tpu.dma_semaphore, #tpu.memory_space<semaphore_mem>> -> memref<!tpu.dma_semaphore, #tpu.memory_space<semaphore_mem>>
    %dma_start3A_60 = arith.constant 0 : i32
    %dma_start3A_61 = tpu.memref_slice %arg8[%dma_start3A_52, %dma_start3A_60] : memref<6x128xi32, #tpu.memory_space<vmem>> -> memref<1x128xi32, #tpu.memory_space<vmem>>
    %dma_start3A_62 = tpu.memref_squeeze %dma_start3A_61 : memref<1x128xi32, #tpu.memory_space<vmem>> -> memref<128xi32, #tpu.memory_space<vmem>>
    %dma_start3A_63 = tpu.memref_slice %arg4[%multiple_of3A_25] : memref<320256xi32, #tpu.memory_space<hbm>> -> memref<128xi32, #tpu.memory_space<hbm>>
    tpu.enqueue_dma source(%dma_start3A_63 : memref<128xi32, #tpu.memory_space<hbm>>) target(%dma_start3A_62 : memref<128xi32, #tpu.memory_space<vmem>>) target_semaphore(%dma_start3A_59 : memref<!tpu.dma_semaphore, #tpu.memory_space<semaphore_mem>>)
    %dma_start3A_64 = arith.constant 2 : i32
    %dma_start3A_65 = arith.constant 0 : i32
    %dma_start3A_66 = arith.constant 0 : i32
    %dma_start3A_67 = tpu.memref_slice %arg8[%dma_start3A_64, %dma_start3A_66] : memref<6x128xi32, #tpu.memory_space<vmem>> -> memref<1x128xi32, #tpu.memory_space<vmem>>
    %dma_start3A_68 = tpu.memref_squeeze %dma_start3A_67 : memref<1x128xi32, #tpu.memory_space<vmem>> -> memref<128xi32, #tpu.memory_space<vmem>>
    %dma_start3A_69 = tpu.memref_slice %arg4[%multiple_of3A_28] : memref<320256xi32, #tpu.memory_space<hbm>> -> memref<128xi32, #tpu.memory_space<hbm>>
    %dma_start3A_70 = tpu.memref_slice %arg11[%dma_start3A_65] : memref<2x!tpu.dma_semaphore, #tpu.memory_space<semaphore_mem>> -> memref<1x!tpu.dma_semaphore, #tpu.memory_space<semaphore_mem>>
    %dma_start3A_71 = tpu.memref_squeeze %dma_start3A_70 : memref<1x!tpu.dma_semaphore, #tpu.memory_space<semaphore_mem>> -> memref<!tpu.dma_semaphore, #tpu.memory_space<semaphore_mem>>
    %dma_start3A_72 = arith.constant 0 : i32
    %dma_start3A_73 = tpu.memref_slice %arg8[%dma_start3A_64, %dma_start3A_72] : memref<6x128xi32, #tpu.memory_space<vmem>> -> memref<1x128xi32, #tpu.memory_space<vmem>>
    %dma_start3A_74 = tpu.memref_squeeze %dma_start3A_73 : memref<1x128xi32, #tpu.memory_space<vmem>> -> memref<128xi32, #tpu.memory_space<vmem>>
    %dma_start3A_75 = tpu.memref_slice %arg4[%multiple_of3A_28] : memref<320256xi32, #tpu.memory_space<hbm>> -> memref<128xi32, #tpu.memory_space<hbm>>
    tpu.enqueue_dma source(%dma_start3A_75 : memref<128xi32, #tpu.memory_space<hbm>>) target(%dma_start3A_74 : memref<128xi32, #tpu.memory_space<vmem>>) target_semaphore(%dma_start3A_71 : memref<!tpu.dma_semaphore, #tpu.memory_space<semaphore_mem>>)
    %add3A_76 = arith.constant 3 : i32
    %add3A_77 = arith.addi %mul3A_10, %add3A_76 : i32
    %mul3A_78 = arith.constant 128 : i32
    %mul3A_79 = arith.muli %add3A_77, %mul3A_78 : i32
    %multiple_of3A_80 = tpu.assume_multiple %mul3A_79, 8 : i32
    %add3A_81 = arith.constant 0 : i32
    %add3A_82 = arith.addi %multiple_of3A_80, %add3A_81 : i32
    %multiple_of3A_83 = tpu.assume_multiple %add3A_82, 8 : i32
    %add3A_84 = arith.constant 128 : i32
    %add3A_85 = arith.addi %multiple_of3A_80, %add3A_84 : i32
    %multiple_of3A_86 = tpu.assume_multiple %add3A_85, 8 : i32
    %add3A_87 = arith.constant 256 : i32
    %add3A_88 = arith.addi %multiple_of3A_80, %add3A_87 : i32
    %multiple_of3A_89 = tpu.assume_multiple %add3A_88, 8 : i32
    %dma_start3A_90 = arith.constant 1 : i32
    %dma_start3A_91 = arith.constant 1 : i32
    %dma_start3A_92 = arith.constant 0 : i32
    %dma_start3A_93 = tpu.memref_slice %arg7[%dma_start3A_90, %dma_start3A_92] : memref<2x384xi32, #tpu.memory_space<vmem>> -> memref<1x384xi32, #tpu.memory_space<vmem>>
    %dma_start3A_94 = tpu.memref_squeeze %dma_start3A_93 : memref<1x384xi32, #tpu.memory_space<vmem>> -> memref<384xi32, #tpu.memory_space<vmem>>
    %dma_start3A_95 = tpu.memref_slice %arg3[%multiple_of3A_80] : memref<320256xi32, #tpu.memory_space<hbm>> -> memref<384xi32, #tpu.memory_space<hbm>>
    %dma_start3A_96 = tpu.memref_slice %arg11[%dma_start3A_91] : memref<2x!tpu.dma_semaphore, #tpu.memory_space<semaphore_mem>> -> memref<1x!tpu.dma_semaphore, #tpu.memory_space<semaphore_mem>>
    %dma_start3A_97 = tpu.memref_squeeze %dma_start3A_96 : memref<1x!tpu.dma_semaphore, #tpu.memory_space<semaphore_mem>> -> memref<!tpu.dma_semaphore, #tpu.memory_space<semaphore_mem>>
    %dma_start3A_98 = arith.constant 0 : i32
    %dma_start3A_99 = tpu.memref_slice %arg7[%dma_start3A_90, %dma_start3A_98] : memref<2x384xi32, #tpu.memory_space<vmem>> -> memref<1x384xi32, #tpu.memory_space<vmem>>
    %dma_start3A_100 = tpu.memref_squeeze %dma_start3A_99 : memref<1x384xi32, #tpu.memory_space<vmem>> -> memref<384xi32, #tpu.memory_space<vmem>>
    %dma_start3A_101 = tpu.memref_slice %arg3[%multiple_of3A_80] : memref<320256xi32, #tpu.memory_space<hbm>> -> memref<384xi32, #tpu.memory_space<hbm>>
    tpu.enqueue_dma source(%dma_start3A_101 : memref<384xi32, #tpu.memory_space<hbm>>) target(%dma_start3A_100 : memref<384xi32, #tpu.memory_space<vmem>>) target_semaphore(%dma_start3A_97 : memref<!tpu.dma_semaphore, #tpu.memory_space<semaphore_mem>>)
    %dma_start3A_102 = arith.constant 3 : i32
    %dma_start3A_103 = arith.constant 1 : i32
    %dma_start3A_104 = arith.constant 0 : i32
    %dma_start3A_105 = tpu.memref_slice %arg8[%dma_start3A_102, %dma_start3A_104] : memref<6x128xi32, #tpu.memory_space<vmem>> -> memref<1x128xi32, #tpu.memory_space<vmem>>
    %dma_start3A_106 = tpu.memref_squeeze %dma_start3A_105 : memref<1x128xi32, #tpu.memory_space<vmem>> -> memref<128xi32, #tpu.memory_space<vmem>>
    %dma_start3A_107 = tpu.memref_slice %arg4[%multiple_of3A_83] : memref<320256xi32, #tpu.memory_space<hbm>> -> memref<128xi32, #tpu.memory_space<hbm>>
    %dma_start3A_108 = tpu.memref_slice %arg11[%dma_start3A_103] : memref<2x!tpu.dma_semaphore, #tpu.memory_space<semaphore_mem>> -> memref<1x!tpu.dma_semaphore, #tpu.memory_space<semaphore_mem>>
    %dma_start3A_109 = tpu.memref_squeeze %dma_start3A_108 : memref<1x!tpu.dma_semaphore, #tpu.memory_space<semaphore_mem>> -> memref<!tpu.dma_semaphore, #tpu.memory_space<semaphore_mem>>
    %dma_start3A_110 = arith.constant 0 : i32
    %dma_start3A_111 = tpu.memref_slice %arg8[%dma_start3A_102, %dma_start3A_110] : memref<6x128xi32, #tpu.memory_space<vmem>> -> memref<1x128xi32, #tpu.memory_space<vmem>>
    %dma_start3A_112 = tpu.memref_squeeze %dma_start3A_111 : memref<1x128xi32, #tpu.memory_space<vmem>> -> memref<128xi32, #tpu.memory_space<vmem>>
    %dma_start3A_113 = tpu.memref_slice %arg4[%multiple_of3A_83] : memref<320256xi32, #tpu.memory_space<hbm>> -> memref<128xi32, #tpu.memory_space<hbm>>
    tpu.enqueue_dma source(%dma_start3A_113 : memref<128xi32, #tpu.memory_space<hbm>>) target(%dma_start3A_112 : memref<128xi32, #tpu.memory_space<vmem>>) target_semaphore(%dma_start3A_109 : memref<!tpu.dma_semaphore, #tpu.memory_space<semaphore_mem>>)
    %dma_start3A_114 = arith.constant 4 : i32
    %dma_start3A_115 = arith.constant 1 : i32
    %dma_start3A_116 = arith.constant 0 : i32
    %dma_start3A_117 = tpu.memref_slice %arg8[%dma_start3A_114, %dma_start3A_116] : memref<6x128xi32, #tpu.memory_space<vmem>> -> memref<1x128xi32, #tpu.memory_space<vmem>>
    %dma_start3A_118 = tpu.memref_squeeze %dma_start3A_117 : memref<1x128xi32, #tpu.memory_space<vmem>> -> memref<128xi32, #tpu.memory_space<vmem>>
    %dma_start3A_119 = tpu.memref_slice %arg4[%multiple_of3A_86] : memref<320256xi32, #tpu.memory_space<hbm>> -> memref<128xi32, #tpu.memory_space<hbm>>
    %dma_start3A_120 = tpu.memref_slice %arg11[%dma_start3A_115] : memref<2x!tpu.dma_semaphore, #tpu.memory_space<semaphore_mem>> -> memref<1x!tpu.dma_semaphore, #tpu.memory_space<semaphore_mem>>
    %dma_start3A_121 = tpu.memref_squeeze %dma_start3A_120 : memref<1x!tpu.dma_semaphore, #tpu.memory_space<semaphore_mem>> -> memref<!tpu.dma_semaphore, #tpu.memory_space<semaphore_mem>>
    %dma_start3A_122 = arith.constant 0 : i32
    %dma_start3A_123 = tpu.memref_slice %arg8[%dma_start3A_114, %dma_start3A_122] : memref<6x128xi32, #tpu.memory_space<vmem>> -> memref<1x128xi32, #tpu.memory_space<vmem>>
    %dma_start3A_124 = tpu.memref_squeeze %dma_start3A_123 : memref<1x128xi32, #tpu.memory_space<vmem>> -> memref<128xi32, #tpu.memory_space<vmem>>
    %dma_start3A_125 = tpu.memref_slice %arg4[%multiple_of3A_86] : memref<320256xi32, #tpu.memory_space<hbm>> -> memref<128xi32, #tpu.memory_space<hbm>>
    tpu.enqueue_dma source(%dma_start3A_125 : memref<128xi32, #tpu.memory_space<hbm>>) target(%dma_start3A_124 : memref<128xi32, #tpu.memory_space<vmem>>) target_semaphore(%dma_start3A_121 : memref<!tpu.dma_semaphore, #tpu.memory_space<semaphore_mem>>)
    %dma_start3A_126 = arith.constant 5 : i32
    %dma_start3A_127 = arith.constant 1 : i32
    %dma_start3A_128 = arith.constant 0 : i32
    %dma_start3A_129 = tpu.memref_slice %arg8[%dma_start3A_126, %dma_start3A_128] : memref<6x128xi32, #tpu.memory_space<vmem>> -> memref<1x128xi32, #tpu.memory_space<vmem>>
    %dma_start3A_130 = tpu.memref_squeeze %dma_start3A_129 : memref<1x128xi32, #tpu.memory_space<vmem>> -> memref<128xi32, #tpu.memory_space<vmem>>
    %dma_start3A_131 = tpu.memref_slice %arg4[%multiple_of3A_89] : memref<320256xi32, #tpu.memory_space<hbm>> -> memref<128xi32, #tpu.memory_space<hbm>>
    %dma_start3A_132 = tpu.memref_slice %arg11[%dma_start3A_127] : memref<2x!tpu.dma_semaphore, #tpu.memory_space<semaphore_mem>> -> memref<1x!tpu.dma_semaphore, #tpu.memory_space<semaphore_mem>>
    %dma_start3A_133 = tpu.memref_squeeze %dma_start3A_132 : memref<1x!tpu.dma_semaphore, #tpu.memory_space<semaphore_mem>> -> memref<!tpu.dma_semaphore, #tpu.memory_space<semaphore_mem>>
    %dma_start3A_134 = arith.constant 0 : i32
    %dma_start3A_135 = tpu.memref_slice %arg8[%dma_start3A_126, %dma_start3A_134] : memref<6x128xi32, #tpu.memory_space<vmem>> -> memref<1x128xi32, #tpu.memory_space<vmem>>
    %dma_start3A_136 = tpu.memref_squeeze %dma_start3A_135 : memref<1x128xi32, #tpu.memory_space<vmem>> -> memref<128xi32, #tpu.memory_space<vmem>>
    %dma_start3A_137 = tpu.memref_slice %arg4[%multiple_of3A_89] : memref<320256xi32, #tpu.memory_space<hbm>> -> memref<128xi32, #tpu.memory_space<hbm>>
    tpu.enqueue_dma source(%dma_start3A_137 : memref<128xi32, #tpu.memory_space<hbm>>) target(%dma_start3A_136 : memref<128xi32, #tpu.memory_space<vmem>>) target_semaphore(%dma_start3A_133 : memref<!tpu.dma_semaphore, #tpu.memory_space<semaphore_mem>>)
    %barrier3A = arith.constant 0 : index
    tpu.barrier barrier_id(%barrier3A)
    %while3A = arith.constant 0 : i32
    %while3A_138 = arith.constant 0 : i32
    %while3A_139 = arith.subi %add3A_4, %while3A_138 : i32
    %while3A_140 = arith.addi %while3A_138, %while3A_139 : i32
    %while3A_141 = arith.constant 1 : i32
    %while3A_142 = arith.divsi %while3A_139, %while3A_141 : i32
    %while3A_143 = arith.muli %while3A_142, %while3A_141 : i32
    %while3A_144 = arith.addi %while3A_138, %while3A_143 : i32
    %while3A_145 = arith.constant 1 : i32
    scf.for %while3A_153 = %while3A_138 to %while3A_144 step %while3A_145  : i32 {
      %mul3A_154 = arith.constant 2 : i32
      %mul3A_155 = arith.muli %mul3A_154, %while3A_153 : i32
      %mul3A_156 = arith.constant 3 : i32
      %mul3A_157 = arith.muli %mul3A_155, %mul3A_156 : i32
      %add3A_158 = arith.addi %mul3A_10, %mul3A_157 : i32
      %mul3A_159 = arith.constant 128 : i32
      %mul3A_160 = arith.muli %add3A_158, %mul3A_159 : i32
      %multiple_of3A_161 = tpu.assume_multiple %mul3A_160, 8 : i32
      %add3A_162 = arith.constant 0 : i32
      %add3A_163 = arith.addi %multiple_of3A_161, %add3A_162 : i32
      %multiple_of3A_164 = tpu.assume_multiple %add3A_163, 8 : i32
      %add3A_165 = arith.constant 128 : i32
      %add3A_166 = arith.addi %multiple_of3A_161, %add3A_165 : i32
      %multiple_of3A_167 = tpu.assume_multiple %add3A_166, 8 : i32
      %add3A_168 = arith.constant 256 : i32
      %add3A_169 = arith.addi %multiple_of3A_161, %add3A_168 : i32
      %multiple_of3A_170 = tpu.assume_multiple %add3A_169, 8 : i32
      %dma_wait3A = arith.constant 0 : i32
      %dma_wait3A_171 = arith.constant 0 : i32
      %dma_wait3A_172 = arith.constant 0 : i32
      %dma_wait3A_173 = tpu.memref_slice %arg7[%dma_wait3A, %dma_wait3A_172] : memref<2x384xi32, #tpu.memory_space<vmem>> -> memref<1x384xi32, #tpu.memory_space<vmem>>
      %dma_wait3A_174 = tpu.memref_squeeze %dma_wait3A_173 : memref<1x384xi32, #tpu.memory_space<vmem>> -> memref<384xi32, #tpu.memory_space<vmem>>
      %dma_wait3A_175 = tpu.memref_slice %arg3[%multiple_of3A_161] : memref<320256xi32, #tpu.memory_space<hbm>> -> memref<384xi32, #tpu.memory_space<hbm>>
      %dma_wait3A_176 = tpu.memref_slice %arg11[%dma_wait3A_171] : memref<2x!tpu.dma_semaphore, #tpu.memory_space<semaphore_mem>> -> memref<1x!tpu.dma_semaphore, #tpu.memory_space<semaphore_mem>>
      %dma_wait3A_177 = tpu.memref_squeeze %dma_wait3A_176 : memref<1x!tpu.dma_semaphore, #tpu.memory_space<semaphore_mem>> -> memref<!tpu.dma_semaphore, #tpu.memory_space<semaphore_mem>>
      %dma_wait3A_178 = arith.constant 0 : i32
      %dma_wait3A_179 = tpu.memref_slice %arg7[%dma_wait3A, %dma_wait3A_178] : memref<2x384xi32, #tpu.memory_space<vmem>> -> memref<1x384xi32, #tpu.memory_space<vmem>>
      %dma_wait3A_180 = tpu.memref_squeeze %dma_wait3A_179 : memref<1x384xi32, #tpu.memory_space<vmem>> -> memref<384xi32, #tpu.memory_space<vmem>>
      %dma_wait3A_181 = tpu.memref_slice %arg3[%multiple_of3A_161] : memref<320256xi32, #tpu.memory_space<hbm>> -> memref<384xi32, #tpu.memory_space<hbm>>
      tpu.wait_dma2 semaphore(%dma_wait3A_177 : memref<!tpu.dma_semaphore, #tpu.memory_space<semaphore_mem>>) src(%dma_wait3A_181 : memref<384xi32, #tpu.memory_space<hbm>>) dst(%dma_wait3A_180 : memref<384xi32, #tpu.memory_space<vmem>>)
      %dma_wait3A_182 = arith.constant 0 : i32
      %dma_wait3A_183 = arith.constant 0 : i32
      %dma_wait3A_184 = arith.constant 0 : i32
      %dma_wait3A_185 = tpu.memref_slice %arg8[%dma_wait3A_182, %dma_wait3A_184] : memref<6x128xi32, #tpu.memory_space<vmem>> -> memref<1x128xi32, #tpu.memory_space<vmem>>
      %dma_wait3A_186 = tpu.memref_squeeze %dma_wait3A_185 : memref<1x128xi32, #tpu.memory_space<vmem>> -> memref<128xi32, #tpu.memory_space<vmem>>
      %dma_wait3A_187 = tpu.memref_slice %arg4[%multiple_of3A_164] : memref<320256xi32, #tpu.memory_space<hbm>> -> memref<128xi32, #tpu.memory_space<hbm>>
      %dma_wait3A_188 = tpu.memref_slice %arg11[%dma_wait3A_183] : memref<2x!tpu.dma_semaphore, #tpu.memory_space<semaphore_mem>> -> memref<1x!tpu.dma_semaphore, #tpu.memory_space<semaphore_mem>>
      %dma_wait3A_189 = tpu.memref_squeeze %dma_wait3A_188 : memref<1x!tpu.dma_semaphore, #tpu.memory_space<semaphore_mem>> -> memref<!tpu.dma_semaphore, #tpu.memory_space<semaphore_mem>>
      %dma_wait3A_190 = arith.constant 0 : i32
      %dma_wait3A_191 = tpu.memref_slice %arg8[%dma_wait3A_182, %dma_wait3A_190] : memref<6x128xi32, #tpu.memory_space<vmem>> -> memref<1x128xi32, #tpu.memory_space<vmem>>
      %dma_wait3A_192 = tpu.memref_squeeze %dma_wait3A_191 : memref<1x128xi32, #tpu.memory_space<vmem>> -> memref<128xi32, #tpu.memory_space<vmem>>
      %dma_wait3A_193 = tpu.memref_slice %arg4[%multiple_of3A_164] : memref<320256xi32, #tpu.memory_space<hbm>> -> memref<128xi32, #tpu.memory_space<hbm>>
      tpu.wait_dma2 semaphore(%dma_wait3A_189 : memref<!tpu.dma_semaphore, #tpu.memory_space<semaphore_mem>>) src(%dma_wait3A_193 : memref<128xi32, #tpu.memory_space<hbm>>) dst(%dma_wait3A_192 : memref<128xi32, #tpu.memory_space<vmem>>)
      %dma_wait3A_194 = arith.constant 1 : i32
      %dma_wait3A_195 = arith.constant 0 : i32
      %dma_wait3A_196 = arith.constant 0 : i32
      %dma_wait3A_197 = tpu.memref_slice %arg8[%dma_wait3A_194, %dma_wait3A_196] : memref<6x128xi32, #tpu.memory_space<vmem>> -> memref<1x128xi32, #tpu.memory_space<vmem>>
      %dma_wait3A_198 = tpu.memref_squeeze %dma_wait3A_197 : memref<1x128xi32, #tpu.memory_space<vmem>> -> memref<128xi32, #tpu.memory_space<vmem>>
      %dma_wait3A_199 = tpu.memref_slice %arg4[%multiple_of3A_167] : memref<320256xi32, #tpu.memory_space<hbm>> -> memref<128xi32, #tpu.memory_space<hbm>>
      %dma_wait3A_200 = tpu.memref_slice %arg11[%dma_wait3A_195] : memref<2x!tpu.dma_semaphore, #tpu.memory_space<semaphore_mem>> -> memref<1x!tpu.dma_semaphore, #tpu.memory_space<semaphore_mem>>
      %dma_wait3A_201 = tpu.memref_squeeze %dma_wait3A_200 : memref<1x!tpu.dma_semaphore, #tpu.memory_space<semaphore_mem>> -> memref<!tpu.dma_semaphore, #tpu.memory_space<semaphore_mem>>
      %dma_wait3A_202 = arith.constant 0 : i32
      %dma_wait3A_203 = tpu.memref_slice %arg8[%dma_wait3A_194, %dma_wait3A_202] : memref<6x128xi32, #tpu.memory_space<vmem>> -> memref<1x128xi32, #tpu.memory_space<vmem>>
      %dma_wait3A_204 = tpu.memref_squeeze %dma_wait3A_203 : memref<1x128xi32, #tpu.memory_space<vmem>> -> memref<128xi32, #tpu.memory_space<vmem>>
      %dma_wait3A_205 = tpu.memref_slice %arg4[%multiple_of3A_167] : memref<320256xi32, #tpu.memory_space<hbm>> -> memref<128xi32, #tpu.memory_space<hbm>>
      tpu.wait_dma2 semaphore(%dma_wait3A_201 : memref<!tpu.dma_semaphore, #tpu.memory_space<semaphore_mem>>) src(%dma_wait3A_205 : memref<128xi32, #tpu.memory_space<hbm>>) dst(%dma_wait3A_204 : memref<128xi32, #tpu.memory_space<vmem>>)
      %dma_wait3A_206 = arith.constant 2 : i32
      %dma_wait3A_207 = arith.constant 0 : i32
      %dma_wait3A_208 = arith.constant 0 : i32
      %dma_wait3A_209 = tpu.memref_slice %arg8[%dma_wait3A_206, %dma_wait3A_208] : memref<6x128xi32, #tpu.memory_space<vmem>> -> memref<1x128xi32, #tpu.memory_space<vmem>>
      %dma_wait3A_210 = tpu.memref_squeeze %dma_wait3A_209 : memref<1x128xi32, #tpu.memory_space<vmem>> -> memref<128xi32, #tpu.memory_space<vmem>>
      %dma_wait3A_211 = tpu.memref_slice %arg4[%multiple_of3A_170] : memref<320256xi32, #tpu.memory_space<hbm>> -> memref<128xi32, #tpu.memory_space<hbm>>
      %dma_wait3A_212 = tpu.memref_slice %arg11[%dma_wait3A_207] : memref<2x!tpu.dma_semaphore, #tpu.memory_space<semaphore_mem>> -> memref<1x!tpu.dma_semaphore, #tpu.memory_space<semaphore_mem>>
      %dma_wait3A_213 = tpu.memref_squeeze %dma_wait3A_212 : memref<1x!tpu.dma_semaphore, #tpu.memory_space<semaphore_mem>> -> memref<!tpu.dma_semaphore, #tpu.memory_space<semaphore_mem>>
      %dma_wait3A_214 = arith.constant 0 : i32
      %dma_wait3A_215 = tpu.memref_slice %arg8[%dma_wait3A_206, %dma_wait3A_214] : memref<6x128xi32, #tpu.memory_space<vmem>> -> memref<1x128xi32, #tpu.memory_space<vmem>>
      %dma_wait3A_216 = tpu.memref_squeeze %dma_wait3A_215 : memref<1x128xi32, #tpu.memory_space<vmem>> -> memref<128xi32, #tpu.memory_space<vmem>>
      %dma_wait3A_217 = tpu.memref_slice %arg4[%multiple_of3A_170] : memref<320256xi32, #tpu.memory_space<hbm>> -> memref<128xi32, #tpu.memory_space<hbm>>
      tpu.wait_dma2 semaphore(%dma_wait3A_213 : memref<!tpu.dma_semaphore, #tpu.memory_space<semaphore_mem>>) src(%dma_wait3A_217 : memref<128xi32, #tpu.memory_space<hbm>>) dst(%dma_wait3A_216 : memref<128xi32, #tpu.memory_space<vmem>>)
      %dma_start3A_218 = arith.constant 0 : i32
      %dma_start3A_219 = arith.constant 0 : i32
      %dma_start3A_220 = arith.constant 0 : i32
      %dma_start3A_221 = arith.constant 0 : i32
      %dma_start3A_222 = arith.constant 0 : i32
      %dma_start3A_223 = tpu.memref_slice %arg9[%dma_start3A_219, %dma_start3A_221, %dma_start3A_222] : memref<3x128x128xf32, #tpu.memory_space<vmem>> -> memref<1x128x128xf32, #tpu.memory_space<vmem>>
      %dma_start3A_224 = tpu.memref_squeeze %dma_start3A_223 : memref<1x128x128xf32, #tpu.memory_space<vmem>> -> memref<128x128xf32, #tpu.memory_space<vmem>>
      %dma_start3A_225 = arith.constant 0 : i32
      %dma_start3A_226 = tpu.memref_slice %arg7[%dma_start3A_218, %dma_start3A_225] : memref<2x384xi32, #tpu.memory_space<vmem>> -> memref<1x128xi32, #tpu.memory_space<vmem>>
      %dma_start3A_227 = tpu.memref_squeeze %dma_start3A_226 : memref<1x128xi32, #tpu.memory_space<vmem>> -> memref<128xi32, #tpu.memory_space<vmem>>
      %dma_start3A_228 = arith.constant 0 : i32
      %dma_start3A_229 = arith.constant 0 : i32
      %dma_start3A_230 = tpu.memref_slice %arg2[%dma_start3A_228, %dma_start3A_229] : memref<10000x128xf32, #tpu.memory_space<hbm>> -> memref<10000x128xf32, #tpu.memory_space<hbm>>
      %dma_start3A_231 = tpu.memref_slice %arg12[%dma_start3A_220] : memref<3x!tpu.dma_semaphore, #tpu.memory_space<semaphore_mem>> -> memref<1x!tpu.dma_semaphore, #tpu.memory_space<semaphore_mem>>
      %dma_start3A_232 = tpu.memref_squeeze %dma_start3A_231 : memref<1x!tpu.dma_semaphore, #tpu.memory_space<semaphore_mem>> -> memref<!tpu.dma_semaphore, #tpu.memory_space<semaphore_mem>>
      tpu.enqueue_indirect_dma source(%dma_start3A_230 : memref<10000x128xf32, #tpu.memory_space<hbm>>) target(%dma_start3A_224 : memref<128x128xf32, #tpu.memory_space<vmem>>) offsets(%dma_start3A_227 : memref<128xi32, #tpu.memory_space<vmem>>) semaphore(%dma_start3A_232 : memref<!tpu.dma_semaphore, #tpu.memory_space<semaphore_mem>>)
      %dma_start3A_233 = arith.constant 0 : i32
      %dma_start3A_234 = arith.constant 1 : i32
      %dma_start3A_235 = arith.constant 1 : i32
      %dma_start3A_236 = arith.constant 0 : i32
      %dma_start3A_237 = arith.constant 0 : i32
      %dma_start3A_238 = tpu.memref_slice %arg9[%dma_start3A_234, %dma_start3A_236, %dma_start3A_237] : memref<3x128x128xf32, #tpu.memory_space<vmem>> -> memref<1x128x128xf32, #tpu.memory_space<vmem>>
      %dma_start3A_239 = tpu.memref_squeeze %dma_start3A_238 : memref<1x128x128xf32, #tpu.memory_space<vmem>> -> memref<128x128xf32, #tpu.memory_space<vmem>>
      %dma_start3A_240 = arith.constant 128 : i32
      %dma_start3A_241 = tpu.memref_slice %arg7[%dma_start3A_233, %dma_start3A_240] : memref<2x384xi32, #tpu.memory_space<vmem>> -> memref<1x128xi32, #tpu.memory_space<vmem>>
      %dma_start3A_242 = tpu.memref_squeeze %dma_start3A_241 : memref<1x128xi32, #tpu.memory_space<vmem>> -> memref<128xi32, #tpu.memory_space<vmem>>
      %dma_start3A_243 = arith.constant 0 : i32
      %dma_start3A_244 = arith.constant 0 : i32
      %dma_start3A_245 = tpu.memref_slice %arg2[%dma_start3A_243, %dma_start3A_244] : memref<10000x128xf32, #tpu.memory_space<hbm>> -> memref<10000x128xf32, #tpu.memory_space<hbm>>
      %dma_start3A_246 = tpu.memref_slice %arg12[%dma_start3A_235] : memref<3x!tpu.dma_semaphore, #tpu.memory_space<semaphore_mem>> -> memref<1x!tpu.dma_semaphore, #tpu.memory_space<semaphore_mem>>
      %dma_start3A_247 = tpu.memref_squeeze %dma_start3A_246 : memref<1x!tpu.dma_semaphore, #tpu.memory_space<semaphore_mem>> -> memref<!tpu.dma_semaphore, #tpu.memory_space<semaphore_mem>>
      tpu.enqueue_indirect_dma source(%dma_start3A_245 : memref<10000x128xf32, #tpu.memory_space<hbm>>) target(%dma_start3A_239 : memref<128x128xf32, #tpu.memory_space<vmem>>) offsets(%dma_start3A_242 : memref<128xi32, #tpu.memory_space<vmem>>) semaphore(%dma_start3A_247 : memref<!tpu.dma_semaphore, #tpu.memory_space<semaphore_mem>>)
      %dma_start3A_248 = arith.constant 0 : i32
      %dma_start3A_249 = arith.constant 2 : i32
      %dma_start3A_250 = arith.constant 2 : i32
      %dma_start3A_251 = arith.constant 0 : i32
      %dma_start3A_252 = arith.constant 0 : i32
      %dma_start3A_253 = tpu.memref_slice %arg9[%dma_start3A_249, %dma_start3A_251, %dma_start3A_252] : memref<3x128x128xf32, #tpu.memory_space<vmem>> -> memref<1x128x128xf32, #tpu.memory_space<vmem>>
      %dma_start3A_254 = tpu.memref_squeeze %dma_start3A_253 : memref<1x128x128xf32, #tpu.memory_space<vmem>> -> memref<128x128xf32, #tpu.memory_space<vmem>>
      %dma_start3A_255 = arith.constant 256 : i32
      %dma_start3A_256 = tpu.memref_slice %arg7[%dma_start3A_248, %dma_start3A_255] : memref<2x384xi32, #tpu.memory_space<vmem>> -> memref<1x128xi32, #tpu.memory_space<vmem>>
      %dma_start3A_257 = tpu.memref_squeeze %dma_start3A_256 : memref<1x128xi32, #tpu.memory_space<vmem>> -> memref<128xi32, #tpu.memory_space<vmem>>
      %dma_start3A_258 = arith.constant 0 : i32
      %dma_start3A_259 = arith.constant 0 : i32
      %dma_start3A_260 = tpu.memref_slice %arg2[%dma_start3A_258, %dma_start3A_259] : memref<10000x128xf32, #tpu.memory_space<hbm>> -> memref<10000x128xf32, #tpu.memory_space<hbm>>
      %dma_start3A_261 = tpu.memref_slice %arg12[%dma_start3A_250] : memref<3x!tpu.dma_semaphore, #tpu.memory_space<semaphore_mem>> -> memref<1x!tpu.dma_semaphore, #tpu.memory_space<semaphore_mem>>
      %dma_start3A_262 = tpu.memref_squeeze %dma_start3A_261 : memref<1x!tpu.dma_semaphore, #tpu.memory_space<semaphore_mem>> -> memref<!tpu.dma_semaphore, #tpu.memory_space<semaphore_mem>>
      tpu.enqueue_indirect_dma source(%dma_start3A_260 : memref<10000x128xf32, #tpu.memory_space<hbm>>) target(%dma_start3A_254 : memref<128x128xf32, #tpu.memory_space<vmem>>) offsets(%dma_start3A_257 : memref<128xi32, #tpu.memory_space<vmem>>) semaphore(%dma_start3A_262 : memref<!tpu.dma_semaphore, #tpu.memory_space<semaphore_mem>>)
      %dma_wait3A_263 = arith.constant 0 : i32
      %dma_wait3A_264 = arith.constant 0 : i32
      %dma_wait3A_265 = arith.constant 0 : i32
      %dma_wait3A_266 = arith.constant 0 : i32
      %dma_wait3A_267 = arith.constant 0 : i32
      %dma_wait3A_268 = tpu.memref_slice %arg9[%dma_wait3A_264, %dma_wait3A_266, %dma_wait3A_267] : memref<3x128x128xf32, #tpu.memory_space<vmem>> -> memref<1x128x128xf32, #tpu.memory_space<vmem>>
      %dma_wait3A_269 = tpu.memref_squeeze %dma_wait3A_268 : memref<1x128x128xf32, #tpu.memory_space<vmem>> -> memref<128x128xf32, #tpu.memory_space<vmem>>
      %dma_wait3A_270 = arith.constant 0 : i32
      %dma_wait3A_271 = tpu.memref_slice %arg7[%dma_wait3A_263, %dma_wait3A_270] : memref<2x384xi32, #tpu.memory_space<vmem>> -> memref<1x128xi32, #tpu.memory_space<vmem>>
      %dma_wait3A_272 = tpu.memref_squeeze %dma_wait3A_271 : memref<1x128xi32, #tpu.memory_space<vmem>> -> memref<128xi32, #tpu.memory_space<vmem>>
      %dma_wait3A_273 = arith.constant 0 : i32
      %dma_wait3A_274 = arith.constant 0 : i32
      %dma_wait3A_275 = tpu.memref_slice %arg2[%dma_wait3A_273, %dma_wait3A_274] : memref<10000x128xf32, #tpu.memory_space<hbm>> -> memref<10000x128xf32, #tpu.memory_space<hbm>>
      %dma_wait3A_276 = tpu.memref_slice %arg12[%dma_wait3A_265] : memref<3x!tpu.dma_semaphore, #tpu.memory_space<semaphore_mem>> -> memref<1x!tpu.dma_semaphore, #tpu.memory_space<semaphore_mem>>
      %dma_wait3A_277 = tpu.memref_squeeze %dma_wait3A_276 : memref<1x!tpu.dma_semaphore, #tpu.memory_space<semaphore_mem>> -> memref<!tpu.dma_semaphore, #tpu.memory_space<semaphore_mem>>
      tpu.wait_indirect_dma semaphore(%dma_wait3A_277 : memref<!tpu.dma_semaphore, #tpu.memory_space<semaphore_mem>>) src(%dma_wait3A_275 : memref<10000x128xf32, #tpu.memory_space<hbm>>) dst(%dma_wait3A_269 : memref<128x128xf32, #tpu.memory_space<vmem>>)
      %dma_start3A_278 = arith.constant 0 : i32
      %dma_start3A_279 = arith.constant 0 : i32
      %dma_start3A_280 = arith.constant 0 : i32
      %dma_start3A_281 = arith.constant 0 : i32
      %dma_start3A_282 = arith.constant 0 : i32
      %dma_start3A_283 = tpu.memref_slice %arg9[%dma_start3A_278, %dma_start3A_281, %dma_start3A_282] : memref<3x128x128xf32, #tpu.memory_space<vmem>> -> memref<1x128x128xf32, #tpu.memory_space<vmem>>
      %dma_start3A_284 = tpu.memref_squeeze %dma_start3A_283 : memref<1x128x128xf32, #tpu.memory_space<vmem>> -> memref<128x128xf32, #tpu.memory_space<vmem>>
      %dma_start3A_285 = arith.constant 0 : i32
      %dma_start3A_286 = tpu.memref_slice %arg8[%dma_start3A_279, %dma_start3A_285] : memref<6x128xi32, #tpu.memory_space<vmem>> -> memref<1x128xi32, #tpu.memory_space<vmem>>
      %dma_start3A_287 = tpu.memref_squeeze %dma_start3A_286 : memref<1x128xi32, #tpu.memory_space<vmem>> -> memref<128xi32, #tpu.memory_space<vmem>>
      %dma_start3A_288 = arith.constant 0 : i32
      %dma_start3A_289 = arith.constant 0 : i32
      %dma_start3A_290 = tpu.memref_slice %arg10[%dma_start3A_288, %dma_start3A_289] : memref<10016x128xf32, #tpu.memory_space<vmem_shared>> -> memref<10016x128xf32, #tpu.memory_space<vmem_shared>>
      %dma_start3A_291 = tpu.memref_slice %arg13[%dma_start3A_280] : memref<3x!tpu.dma_semaphore, #tpu.memory_space<semaphore_mem>> -> memref<1x!tpu.dma_semaphore, #tpu.memory_space<semaphore_mem>>
      %dma_start3A_292 = tpu.memref_squeeze %dma_start3A_291 : memref<1x!tpu.dma_semaphore, #tpu.memory_space<semaphore_mem>> -> memref<!tpu.dma_semaphore, #tpu.memory_space<semaphore_mem>>
      tpu.enqueue_indirect_dma source(%dma_start3A_284 : memref<128x128xf32, #tpu.memory_space<vmem>>) target(%dma_start3A_290 : memref<10016x128xf32, #tpu.memory_space<vmem_shared>>) offsets(%dma_start3A_287 : memref<128xi32, #tpu.memory_space<vmem>>) semaphore(%dma_start3A_292 : memref<!tpu.dma_semaphore, #tpu.memory_space<semaphore_mem>>) {add = true}
      %dma_wait3A_293 = arith.constant 0 : i32
      %dma_wait3A_294 = arith.constant 1 : i32
      %dma_wait3A_295 = arith.constant 1 : i32
      %dma_wait3A_296 = arith.constant 0 : i32
      %dma_wait3A_297 = arith.constant 0 : i32
      %dma_wait3A_298 = tpu.memref_slice %arg9[%dma_wait3A_294, %dma_wait3A_296, %dma_wait3A_297] : memref<3x128x128xf32, #tpu.memory_space<vmem>> -> memref<1x128x128xf32, #tpu.memory_space<vmem>>
      %dma_wait3A_299 = tpu.memref_squeeze %dma_wait3A_298 : memref<1x128x128xf32, #tpu.memory_space<vmem>> -> memref<128x128xf32, #tpu.memory_space<vmem>>
      %dma_wait3A_300 = arith.constant 128 : i32
      %dma_wait3A_301 = tpu.memref_slice %arg7[%dma_wait3A_293, %dma_wait3A_300] : memref<2x384xi32, #tpu.memory_space<vmem>> -> memref<1x128xi32, #tpu.memory_space<vmem>>
      %dma_wait3A_302 = tpu.memref_squeeze %dma_wait3A_301 : memref<1x128xi32, #tpu.memory_space<vmem>> -> memref<128xi32, #tpu.memory_space<vmem>>
      %dma_wait3A_303 = arith.constant 0 : i32
      %dma_wait3A_304 = arith.constant 0 : i32
      %dma_wait3A_305 = tpu.memref_slice %arg2[%dma_wait3A_303, %dma_wait3A_304] : memref<10000x128xf32, #tpu.memory_space<hbm>> -> memref<10000x128xf32, #tpu.memory_space<hbm>>
      %dma_wait3A_306 = tpu.memref_slice %arg12[%dma_wait3A_295] : memref<3x!tpu.dma_semaphore, #tpu.memory_space<semaphore_mem>> -> memref<1x!tpu.dma_semaphore, #tpu.memory_space<semaphore_mem>>
      %dma_wait3A_307 = tpu.memref_squeeze %dma_wait3A_306 : memref<1x!tpu.dma_semaphore, #tpu.memory_space<semaphore_mem>> -> memref<!tpu.dma_semaphore, #tpu.memory_space<semaphore_mem>>
      tpu.wait_indirect_dma semaphore(%dma_wait3A_307 : memref<!tpu.dma_semaphore, #tpu.memory_space<semaphore_mem>>) src(%dma_wait3A_305 : memref<10000x128xf32, #tpu.memory_space<hbm>>) dst(%dma_wait3A_299 : memref<128x128xf32, #tpu.memory_space<vmem>>)
      %dma_start3A_308 = arith.constant 1 : i32
      %dma_start3A_309 = arith.constant 1 : i32
      %dma_start3A_310 = arith.constant 1 : i32
      %dma_start3A_311 = arith.constant 0 : i32
      %dma_start3A_312 = arith.constant 0 : i32
      %dma_start3A_313 = tpu.memref_slice %arg9[%dma_start3A_308, %dma_start3A_311, %dma_start3A_312] : memref<3x128x128xf32, #tpu.memory_space<vmem>> -> memref<1x128x128xf32, #tpu.memory_space<vmem>>
      %dma_start3A_314 = tpu.memref_squeeze %dma_start3A_313 : memref<1x128x128xf32, #tpu.memory_space<vmem>> -> memref<128x128xf32, #tpu.memory_space<vmem>>
      %dma_start3A_315 = arith.constant 0 : i32
      %dma_start3A_316 = tpu.memref_slice %arg8[%dma_start3A_309, %dma_start3A_315] : memref<6x128xi32, #tpu.memory_space<vmem>> -> memref<1x128xi32, #tpu.memory_space<vmem>>
      %dma_start3A_317 = tpu.memref_squeeze %dma_start3A_316 : memref<1x128xi32, #tpu.memory_space<vmem>> -> memref<128xi32, #tpu.memory_space<vmem>>
      %dma_start3A_318 = arith.constant 0 : i32
      %dma_start3A_319 = arith.constant 0 : i32
      %dma_start3A_320 = tpu.memref_slice %arg10[%dma_start3A_318, %dma_start3A_319] : memref<10016x128xf32, #tpu.memory_space<vmem_shared>> -> memref<10016x128xf32, #tpu.memory_space<vmem_shared>>
      %dma_start3A_321 = tpu.memref_slice %arg13[%dma_start3A_310] : memref<3x!tpu.dma_semaphore, #tpu.memory_space<semaphore_mem>> -> memref<1x!tpu.dma_semaphore, #tpu.memory_space<semaphore_mem>>
      %dma_start3A_322 = tpu.memref_squeeze %dma_start3A_321 : memref<1x!tpu.dma_semaphore, #tpu.memory_space<semaphore_mem>> -> memref<!tpu.dma_semaphore, #tpu.memory_space<semaphore_mem>>
      tpu.enqueue_indirect_dma source(%dma_start3A_314 : memref<128x128xf32, #tpu.memory_space<vmem>>) target(%dma_start3A_320 : memref<10016x128xf32, #tpu.memory_space<vmem_shared>>) offsets(%dma_start3A_317 : memref<128xi32, #tpu.memory_space<vmem>>) semaphore(%dma_start3A_322 : memref<!tpu.dma_semaphore, #tpu.memory_space<semaphore_mem>>) {add = true}
      %dma_wait3A_323 = arith.constant 0 : i32
      %dma_wait3A_324 = arith.constant 2 : i32
      %dma_wait3A_325 = arith.constant 2 : i32
      %dma_wait3A_326 = arith.constant 0 : i32
      %dma_wait3A_327 = arith.constant 0 : i32
      %dma_wait3A_328 = tpu.memref_slice %arg9[%dma_wait3A_324, %dma_wait3A_326, %dma_wait3A_327] : memref<3x128x128xf32, #tpu.memory_space<vmem>> -> memref<1x128x128xf32, #tpu.memory_space<vmem>>
      %dma_wait3A_329 = tpu.memref_squeeze %dma_wait3A_328 : memref<1x128x128xf32, #tpu.memory_space<vmem>> -> memref<128x128xf32, #tpu.memory_space<vmem>>
      %dma_wait3A_330 = arith.constant 256 : i32
      %dma_wait3A_331 = tpu.memref_slice %arg7[%dma_wait3A_323, %dma_wait3A_330] : memref<2x384xi32, #tpu.memory_space<vmem>> -> memref<1x128xi32, #tpu.memory_space<vmem>>
      %dma_wait3A_332 = tpu.memref_squeeze %dma_wait3A_331 : memref<1x128xi32, #tpu.memory_space<vmem>> -> memref<128xi32, #tpu.memory_space<vmem>>
      %dma_wait3A_333 = arith.constant 0 : i32
      %dma_wait3A_334 = arith.constant 0 : i32
      %dma_wait3A_335 = tpu.memref_slice %arg2[%dma_wait3A_333, %dma_wait3A_334] : memref<10000x128xf32, #tpu.memory_space<hbm>> -> memref<10000x128xf32, #tpu.memory_space<hbm>>
      %dma_wait3A_336 = tpu.memref_slice %arg12[%dma_wait3A_325] : memref<3x!tpu.dma_semaphore, #tpu.memory_space<semaphore_mem>> -> memref<1x!tpu.dma_semaphore, #tpu.memory_space<semaphore_mem>>
      %dma_wait3A_337 = tpu.memref_squeeze %dma_wait3A_336 : memref<1x!tpu.dma_semaphore, #tpu.memory_space<semaphore_mem>> -> memref<!tpu.dma_semaphore, #tpu.memory_space<semaphore_mem>>
      tpu.wait_indirect_dma semaphore(%dma_wait3A_337 : memref<!tpu.dma_semaphore, #tpu.memory_space<semaphore_mem>>) src(%dma_wait3A_335 : memref<10000x128xf32, #tpu.memory_space<hbm>>) dst(%dma_wait3A_329 : memref<128x128xf32, #tpu.memory_space<vmem>>)
      %dma_start3A_338 = arith.constant 2 : i32
      %dma_start3A_339 = arith.constant 2 : i32
      %dma_start3A_340 = arith.constant 2 : i32
      %dma_start3A_341 = arith.constant 0 : i32
      %dma_start3A_342 = arith.constant 0 : i32
      %dma_start3A_343 = tpu.memref_slice %arg9[%dma_start3A_338, %dma_start3A_341, %dma_start3A_342] : memref<3x128x128xf32, #tpu.memory_space<vmem>> -> memref<1x128x128xf32, #tpu.memory_space<vmem>>
      %dma_start3A_344 = tpu.memref_squeeze %dma_start3A_343 : memref<1x128x128xf32, #tpu.memory_space<vmem>> -> memref<128x128xf32, #tpu.memory_space<vmem>>
      %dma_start3A_345 = arith.constant 0 : i32
      %dma_start3A_346 = tpu.memref_slice %arg8[%dma_start3A_339, %dma_start3A_345] : memref<6x128xi32, #tpu.memory_space<vmem>> -> memref<1x128xi32, #tpu.memory_space<vmem>>
      %dma_start3A_347 = tpu.memref_squeeze %dma_start3A_346 : memref<1x128xi32, #tpu.memory_space<vmem>> -> memref<128xi32, #tpu.memory_space<vmem>>
      %dma_start3A_348 = arith.constant 0 : i32
      %dma_start3A_349 = arith.constant 0 : i32
      %dma_start3A_350 = tpu.memref_slice %arg10[%dma_start3A_348, %dma_start3A_349] : memref<10016x128xf32, #tpu.memory_space<vmem_shared>> -> memref<10016x128xf32, #tpu.memory_space<vmem_shared>>
      %dma_start3A_351 = tpu.memref_slice %arg13[%dma_start3A_340] : memref<3x!tpu.dma_semaphore, #tpu.memory_space<semaphore_mem>> -> memref<1x!tpu.dma_semaphore, #tpu.memory_space<semaphore_mem>>
      %dma_start3A_352 = tpu.memref_squeeze %dma_start3A_351 : memref<1x!tpu.dma_semaphore, #tpu.memory_space<semaphore_mem>> -> memref<!tpu.dma_semaphore, #tpu.memory_space<semaphore_mem>>
      tpu.enqueue_indirect_dma source(%dma_start3A_344 : memref<128x128xf32, #tpu.memory_space<vmem>>) target(%dma_start3A_350 : memref<10016x128xf32, #tpu.memory_space<vmem_shared>>) offsets(%dma_start3A_347 : memref<128xi32, #tpu.memory_space<vmem>>) semaphore(%dma_start3A_352 : memref<!tpu.dma_semaphore, #tpu.memory_space<semaphore_mem>>) {add = true}
      %dma_wait3A_353 = arith.constant 0 : i32
      %dma_wait3A_354 = arith.constant 0 : i32
      %dma_wait3A_355 = arith.constant 0 : i32
      %dma_wait3A_356 = arith.constant 0 : i32
      %dma_wait3A_357 = arith.constant 0 : i32
      %dma_wait3A_358 = tpu.memref_slice %arg9[%dma_wait3A_353, %dma_wait3A_356, %dma_wait3A_357] : memref<3x128x128xf32, #tpu.memory_space<vmem>> -> memref<1x128x128xf32, #tpu.memory_space<vmem>>
      %dma_wait3A_359 = tpu.memref_squeeze %dma_wait3A_358 : memref<1x128x128xf32, #tpu.memory_space<vmem>> -> memref<128x128xf32, #tpu.memory_space<vmem>>
      %dma_wait3A_360 = arith.constant 0 : i32
      %dma_wait3A_361 = tpu.memref_slice %arg8[%dma_wait3A_354, %dma_wait3A_360] : memref<6x128xi32, #tpu.memory_space<vmem>> -> memref<1x128xi32, #tpu.memory_space<vmem>>
      %dma_wait3A_362 = tpu.memref_squeeze %dma_wait3A_361 : memref<1x128xi32, #tpu.memory_space<vmem>> -> memref<128xi32, #tpu.memory_space<vmem>>
      %dma_wait3A_363 = arith.constant 0 : i32
      %dma_wait3A_364 = arith.constant 0 : i32
      %dma_wait3A_365 = tpu.memref_slice %arg10[%dma_wait3A_363, %dma_wait3A_364] : memref<10016x128xf32, #tpu.memory_space<vmem_shared>> -> memref<10016x128xf32, #tpu.memory_space<vmem_shared>>
      %dma_wait3A_366 = tpu.memref_slice %arg13[%dma_wait3A_355] : memref<3x!tpu.dma_semaphore, #tpu.memory_space<semaphore_mem>> -> memref<1x!tpu.dma_semaphore, #tpu.memory_space<semaphore_mem>>
      %dma_wait3A_367 = tpu.memref_squeeze %dma_wait3A_366 : memref<1x!tpu.dma_semaphore, #tpu.memory_space<semaphore_mem>> -> memref<!tpu.dma_semaphore, #tpu.memory_space<semaphore_mem>>
      tpu.wait_indirect_dma semaphore(%dma_wait3A_367 : memref<!tpu.dma_semaphore, #tpu.memory_space<semaphore_mem>>) src(%dma_wait3A_359 : memref<128x128xf32, #tpu.memory_space<vmem>>) dst(%dma_wait3A_365 : memref<10016x128xf32, #tpu.memory_space<vmem_shared>>)
      %dma_wait3A_368 = arith.constant 1 : i32
      %dma_wait3A_369 = arith.constant 1 : i32
      %dma_wait3A_370 = arith.constant 1 : i32
      %dma_wait3A_371 = arith.constant 0 : i32
      %dma_wait3A_372 = arith.constant 0 : i32
      %dma_wait3A_373 = tpu.memref_slice %arg9[%dma_wait3A_368, %dma_wait3A_371, %dma_wait3A_372] : memref<3x128x128xf32, #tpu.memory_space<vmem>> -> memref<1x128x128xf32, #tpu.memory_space<vmem>>
      %dma_wait3A_374 = tpu.memref_squeeze %dma_wait3A_373 : memref<1x128x128xf32, #tpu.memory_space<vmem>> -> memref<128x128xf32, #tpu.memory_space<vmem>>
      %dma_wait3A_375 = arith.constant 0 : i32
      %dma_wait3A_376 = tpu.memref_slice %arg8[%dma_wait3A_369, %dma_wait3A_375] : memref<6x128xi32, #tpu.memory_space<vmem>> -> memref<1x128xi32, #tpu.memory_space<vmem>>
      %dma_wait3A_377 = tpu.memref_squeeze %dma_wait3A_376 : memref<1x128xi32, #tpu.memory_space<vmem>> -> memref<128xi32, #tpu.memory_space<vmem>>
      %dma_wait3A_378 = arith.constant 0 : i32
      %dma_wait3A_379 = arith.constant 0 : i32
      %dma_wait3A_380 = tpu.memref_slice %arg10[%dma_wait3A_378, %dma_wait3A_379] : memref<10016x128xf32, #tpu.memory_space<vmem_shared>> -> memref<10016x128xf32, #tpu.memory_space<vmem_shared>>
      %dma_wait3A_381 = tpu.memref_slice %arg13[%dma_wait3A_370] : memref<3x!tpu.dma_semaphore, #tpu.memory_space<semaphore_mem>> -> memref<1x!tpu.dma_semaphore, #tpu.memory_space<semaphore_mem>>
      %dma_wait3A_382 = tpu.memref_squeeze %dma_wait3A_381 : memref<1x!tpu.dma_semaphore, #tpu.memory_space<semaphore_mem>> -> memref<!tpu.dma_semaphore, #tpu.memory_space<semaphore_mem>>
      tpu.wait_indirect_dma semaphore(%dma_wait3A_382 : memref<!tpu.dma_semaphore, #tpu.memory_space<semaphore_mem>>) src(%dma_wait3A_374 : memref<128x128xf32, #tpu.memory_space<vmem>>) dst(%dma_wait3A_380 : memref<10016x128xf32, #tpu.memory_space<vmem_shared>>)
      %dma_wait3A_383 = arith.constant 2 : i32
      %dma_wait3A_384 = arith.constant 2 : i32
      %dma_wait3A_385 = arith.constant 2 : i32
      %dma_wait3A_386 = arith.constant 0 : i32
      %dma_wait3A_387 = arith.constant 0 : i32
      %dma_wait3A_388 = tpu.memref_slice %arg9[%dma_wait3A_383, %dma_wait3A_386, %dma_wait3A_387] : memref<3x128x128xf32, #tpu.memory_space<vmem>> -> memref<1x128x128xf32, #tpu.memory_space<vmem>>
      %dma_wait3A_389 = tpu.memref_squeeze %dma_wait3A_388 : memref<1x128x128xf32, #tpu.memory_space<vmem>> -> memref<128x128xf32, #tpu.memory_space<vmem>>
      %dma_wait3A_390 = arith.constant 0 : i32
      %dma_wait3A_391 = tpu.memref_slice %arg8[%dma_wait3A_384, %dma_wait3A_390] : memref<6x128xi32, #tpu.memory_space<vmem>> -> memref<1x128xi32, #tpu.memory_space<vmem>>
      %dma_wait3A_392 = tpu.memref_squeeze %dma_wait3A_391 : memref<1x128xi32, #tpu.memory_space<vmem>> -> memref<128xi32, #tpu.memory_space<vmem>>
      %dma_wait3A_393 = arith.constant 0 : i32
      %dma_wait3A_394 = arith.constant 0 : i32
      %dma_wait3A_395 = tpu.memref_slice %arg10[%dma_wait3A_393, %dma_wait3A_394] : memref<10016x128xf32, #tpu.memory_space<vmem_shared>> -> memref<10016x128xf32, #tpu.memory_space<vmem_shared>>
      %dma_wait3A_396 = tpu.memref_slice %arg13[%dma_wait3A_385] : memref<3x!tpu.dma_semaphore, #tpu.memory_space<semaphore_mem>> -> memref<1x!tpu.dma_semaphore, #tpu.memory_space<semaphore_mem>>
      %dma_wait3A_397 = tpu.memref_squeeze %dma_wait3A_396 : memref<1x!tpu.dma_semaphore, #tpu.memory_space<semaphore_mem>> -> memref<!tpu.dma_semaphore, #tpu.memory_space<semaphore_mem>>
      tpu.wait_indirect_dma semaphore(%dma_wait3A_397 : memref<!tpu.dma_semaphore, #tpu.memory_space<semaphore_mem>>) src(%dma_wait3A_389 : memref<128x128xf32, #tpu.memory_space<vmem>>) dst(%dma_wait3A_395 : memref<10016x128xf32, #tpu.memory_space<vmem_shared>>)
      %add3A_398 = arith.constant 2 : i32
      %add3A_399 = arith.addi %mul3A_155, %add3A_398 : i32
      %lt3A_400 = arith.cmpi slt, %add3A_399, %mul3A_12 : i32
      %convert_element_type3A_401 = arith.extui %lt3A_400 : i1 to i32
      %cond3A_402 = arith.constant 0 : i32
      %cond3A_403 = arith.cmpi ne, %convert_element_type3A_401, %cond3A_402 : i32
      scf.if %cond3A_403 {
        %add3A_657 = arith.constant 2 : i32
        %add3A_658 = arith.addi %mul3A_155, %add3A_657 : i32
        %mul3A_659 = arith.constant 3 : i32
        %mul3A_660 = arith.muli %add3A_658, %mul3A_659 : i32
        %add3A_661 = arith.addi %mul3A_10, %mul3A_660 : i32
        %mul3A_662 = arith.constant 128 : i32
        %mul3A_663 = arith.muli %add3A_661, %mul3A_662 : i32
        %multiple_of3A_664 = tpu.assume_multiple %mul3A_663, 8 : i32
        %add3A_665 = arith.constant 0 : i32
        %add3A_666 = arith.addi %multiple_of3A_664, %add3A_665 : i32
        %multiple_of3A_667 = tpu.assume_multiple %add3A_666, 8 : i32
        %add3A_668 = arith.constant 128 : i32
        %add3A_669 = arith.addi %multiple_of3A_664, %add3A_668 : i32
        %multiple_of3A_670 = tpu.assume_multiple %add3A_669, 8 : i32
        %add3A_671 = arith.constant 256 : i32
        %add3A_672 = arith.addi %multiple_of3A_664, %add3A_671 : i32
        %multiple_of3A_673 = tpu.assume_multiple %add3A_672, 8 : i32
        %dma_start3A_674 = arith.constant 0 : i32
        %dma_start3A_675 = arith.constant 0 : i32
        %dma_start3A_676 = arith.constant 0 : i32
        %dma_start3A_677 = tpu.memref_slice %arg7[%dma_start3A_674, %dma_start3A_676] : memref<2x384xi32, #tpu.memory_space<vmem>> -> memref<1x384xi32, #tpu.memory_space<vmem>>
        %dma_start3A_678 = tpu.memref_squeeze %dma_start3A_677 : memref<1x384xi32, #tpu.memory_space<vmem>> -> memref<384xi32, #tpu.memory_space<vmem>>
        %dma_start3A_679 = tpu.memref_slice %arg3[%multiple_of3A_664] : memref<320256xi32, #tpu.memory_space<hbm>> -> memref<384xi32, #tpu.memory_space<hbm>>
        %dma_start3A_680 = tpu.memref_slice %arg11[%dma_start3A_675] : memref<2x!tpu.dma_semaphore, #tpu.memory_space<semaphore_mem>> -> memref<1x!tpu.dma_semaphore, #tpu.memory_space<semaphore_mem>>
        %dma_start3A_681 = tpu.memref_squeeze %dma_start3A_680 : memref<1x!tpu.dma_semaphore, #tpu.memory_space<semaphore_mem>> -> memref<!tpu.dma_semaphore, #tpu.memory_space<semaphore_mem>>
        %dma_start3A_682 = arith.constant 0 : i32
        %dma_start3A_683 = tpu.memref_slice %arg7[%dma_start3A_674, %dma_start3A_682] : memref<2x384xi32, #tpu.memory_space<vmem>> -> memref<1x384xi32, #tpu.memory_space<vmem>>
        %dma_start3A_684 = tpu.memref_squeeze %dma_start3A_683 : memref<1x384xi32, #tpu.memory_space<vmem>> -> memref<384xi32, #tpu.memory_space<vmem>>
        %dma_start3A_685 = tpu.memref_slice %arg3[%multiple_of3A_664] : memref<320256xi32, #tpu.memory_space<hbm>> -> memref<384xi32, #tpu.memory_space<hbm>>
        tpu.enqueue_dma source(%dma_start3A_685 : memref<384xi32, #tpu.memory_space<hbm>>) target(%dma_start3A_684 : memref<384xi32, #tpu.memory_space<vmem>>) target_semaphore(%dma_start3A_681 : memref<!tpu.dma_semaphore, #tpu.memory_space<semaphore_mem>>)
        %dma_start3A_686 = arith.constant 0 : i32
        %dma_start3A_687 = arith.constant 0 : i32
        %dma_start3A_688 = arith.constant 0 : i32
        %dma_start3A_689 = tpu.memref_slice %arg8[%dma_start3A_686, %dma_start3A_688] : memref<6x128xi32, #tpu.memory_space<vmem>> -> memref<1x128xi32, #tpu.memory_space<vmem>>
        %dma_start3A_690 = tpu.memref_squeeze %dma_start3A_689 : memref<1x128xi32, #tpu.memory_space<vmem>> -> memref<128xi32, #tpu.memory_space<vmem>>
        %dma_start3A_691 = tpu.memref_slice %arg4[%multiple_of3A_667] : memref<320256xi32, #tpu.memory_space<hbm>> -> memref<128xi32, #tpu.memory_space<hbm>>
        %dma_start3A_692 = tpu.memref_slice %arg11[%dma_start3A_687] : memref<2x!tpu.dma_semaphore, #tpu.memory_space<semaphore_mem>> -> memref<1x!tpu.dma_semaphore, #tpu.memory_space<semaphore_mem>>
        %dma_start3A_693 = tpu.memref_squeeze %dma_start3A_692 : memref<1x!tpu.dma_semaphore, #tpu.memory_space<semaphore_mem>> -> memref<!tpu.dma_semaphore, #tpu.memory_space<semaphore_mem>>
        %dma_start3A_694 = arith.constant 0 : i32
        %dma_start3A_695 = tpu.memref_slice %arg8[%dma_start3A_686, %dma_start3A_694] : memref<6x128xi32, #tpu.memory_space<vmem>> -> memref<1x128xi32, #tpu.memory_space<vmem>>
        %dma_start3A_696 = tpu.memref_squeeze %dma_start3A_695 : memref<1x128xi32, #tpu.memory_space<vmem>> -> memref<128xi32, #tpu.memory_space<vmem>>
        %dma_start3A_697 = tpu.memref_slice %arg4[%multiple_of3A_667] : memref<320256xi32, #tpu.memory_space<hbm>> -> memref<128xi32, #tpu.memory_space<hbm>>
        tpu.enqueue_dma source(%dma_start3A_697 : memref<128xi32, #tpu.memory_space<hbm>>) target(%dma_start3A_696 : memref<128xi32, #tpu.memory_space<vmem>>) target_semaphore(%dma_start3A_693 : memref<!tpu.dma_semaphore, #tpu.memory_space<semaphore_mem>>)
        %dma_start3A_698 = arith.constant 1 : i32
        %dma_start3A_699 = arith.constant 0 : i32
        %dma_start3A_700 = arith.constant 0 : i32
        %dma_start3A_701 = tpu.memref_slice %arg8[%dma_start3A_698, %dma_start3A_700] : memref<6x128xi32, #tpu.memory_space<vmem>> -> memref<1x128xi32, #tpu.memory_space<vmem>>
        %dma_start3A_702 = tpu.memref_squeeze %dma_start3A_701 : memref<1x128xi32, #tpu.memory_space<vmem>> -> memref<128xi32, #tpu.memory_space<vmem>>
        %dma_start3A_703 = tpu.memref_slice %arg4[%multiple_of3A_670] : memref<320256xi32, #tpu.memory_space<hbm>> -> memref<128xi32, #tpu.memory_space<hbm>>
        %dma_start3A_704 = tpu.memref_slice %arg11[%dma_start3A_699] : memref<2x!tpu.dma_semaphore, #tpu.memory_space<semaphore_mem>> -> memref<1x!tpu.dma_semaphore, #tpu.memory_space<semaphore_mem>>
        %dma_start3A_705 = tpu.memref_squeeze %dma_start3A_704 : memref<1x!tpu.dma_semaphore, #tpu.memory_space<semaphore_mem>> -> memref<!tpu.dma_semaphore, #tpu.memory_space<semaphore_mem>>
        %dma_start3A_706 = arith.constant 0 : i32
        %dma_start3A_707 = tpu.memref_slice %arg8[%dma_start3A_698, %dma_start3A_706] : memref<6x128xi32, #tpu.memory_space<vmem>> -> memref<1x128xi32, #tpu.memory_space<vmem>>
        %dma_start3A_708 = tpu.memref_squeeze %dma_start3A_707 : memref<1x128xi32, #tpu.memory_space<vmem>> -> memref<128xi32, #tpu.memory_space<vmem>>
        %dma_start3A_709 = tpu.memref_slice %arg4[%multiple_of3A_670] : memref<320256xi32, #tpu.memory_space<hbm>> -> memref<128xi32, #tpu.memory_space<hbm>>
        tpu.enqueue_dma source(%dma_start3A_709 : memref<128xi32, #tpu.memory_space<hbm>>) target(%dma_start3A_708 : memref<128xi32, #tpu.memory_space<vmem>>) target_semaphore(%dma_start3A_705 : memref<!tpu.dma_semaphore, #tpu.memory_space<semaphore_mem>>)
        %dma_start3A_710 = arith.constant 2 : i32
        %dma_start3A_711 = arith.constant 0 : i32
        %dma_start3A_712 = arith.constant 0 : i32
        %dma_start3A_713 = tpu.memref_slice %arg8[%dma_start3A_710, %dma_start3A_712] : memref<6x128xi32, #tpu.memory_space<vmem>> -> memref<1x128xi32, #tpu.memory_space<vmem>>
        %dma_start3A_714 = tpu.memref_squeeze %dma_start3A_713 : memref<1x128xi32, #tpu.memory_space<vmem>> -> memref<128xi32, #tpu.memory_space<vmem>>
        %dma_start3A_715 = tpu.memref_slice %arg4[%multiple_of3A_673] : memref<320256xi32, #tpu.memory_space<hbm>> -> memref<128xi32, #tpu.memory_space<hbm>>
        %dma_start3A_716 = tpu.memref_slice %arg11[%dma_start3A_711] : memref<2x!tpu.dma_semaphore, #tpu.memory_space<semaphore_mem>> -> memref<1x!tpu.dma_semaphore, #tpu.memory_space<semaphore_mem>>
        %dma_start3A_717 = tpu.memref_squeeze %dma_start3A_716 : memref<1x!tpu.dma_semaphore, #tpu.memory_space<semaphore_mem>> -> memref<!tpu.dma_semaphore, #tpu.memory_space<semaphore_mem>>
        %dma_start3A_718 = arith.constant 0 : i32
        %dma_start3A_719 = tpu.memref_slice %arg8[%dma_start3A_710, %dma_start3A_718] : memref<6x128xi32, #tpu.memory_space<vmem>> -> memref<1x128xi32, #tpu.memory_space<vmem>>
        %dma_start3A_720 = tpu.memref_squeeze %dma_start3A_719 : memref<1x128xi32, #tpu.memory_space<vmem>> -> memref<128xi32, #tpu.memory_space<vmem>>
        %dma_start3A_721 = tpu.memref_slice %arg4[%multiple_of3A_673] : memref<320256xi32, #tpu.memory_space<hbm>> -> memref<128xi32, #tpu.memory_space<hbm>>
        tpu.enqueue_dma source(%dma_start3A_721 : memref<128xi32, #tpu.memory_space<hbm>>) target(%dma_start3A_720 : memref<128xi32, #tpu.memory_space<vmem>>) target_semaphore(%dma_start3A_717 : memref<!tpu.dma_semaphore, #tpu.memory_space<semaphore_mem>>)
      } else {
      }
      %mul3A_404 = arith.constant 2 : i32
      %mul3A_405 = arith.muli %mul3A_404, %while3A_153 : i32
      %add3A_406 = arith.constant 1 : i32
      %add3A_407 = arith.addi %mul3A_405, %add3A_406 : i32
      %mul3A_408 = arith.constant 3 : i32
      %mul3A_409 = arith.muli %add3A_407, %mul3A_408 : i32
      %add3A_410 = arith.addi %mul3A_10, %mul3A_409 : i32
      %mul3A_411 = arith.constant 128 : i32
      %mul3A_412 = arith.muli %add3A_410, %mul3A_411 : i32
      %multiple_of3A_413 = tpu.assume_multiple %mul3A_412, 8 : i32
      %add3A_414 = arith.constant 0 : i32
      %add3A_415 = arith.addi %multiple_of3A_413, %add3A_414 : i32
      %multiple_of3A_416 = tpu.assume_multiple %add3A_415, 8 : i32
      %add3A_417 = arith.constant 128 : i32
      %add3A_418 = arith.addi %multiple_of3A_413, %add3A_417 : i32
      %multiple_of3A_419 = tpu.assume_multiple %add3A_418, 8 : i32
      %add3A_420 = arith.constant 256 : i32
      %add3A_421 = arith.addi %multiple_of3A_413, %add3A_420 : i32
      %multiple_of3A_422 = tpu.assume_multiple %add3A_421, 8 : i32
      %dma_wait3A_423 = arith.constant 1 : i32
      %dma_wait3A_424 = arith.constant 1 : i32
      %dma_wait3A_425 = arith.constant 0 : i32
      %dma_wait3A_426 = tpu.memref_slice %arg7[%dma_wait3A_423, %dma_wait3A_425] : memref<2x384xi32, #tpu.memory_space<vmem>> -> memref<1x384xi32, #tpu.memory_space<vmem>>
      %dma_wait3A_427 = tpu.memref_squeeze %dma_wait3A_426 : memref<1x384xi32, #tpu.memory_space<vmem>> -> memref<384xi32, #tpu.memory_space<vmem>>
      %dma_wait3A_428 = tpu.memref_slice %arg3[%multiple_of3A_413] : memref<320256xi32, #tpu.memory_space<hbm>> -> memref<384xi32, #tpu.memory_space<hbm>>
      %dma_wait3A_429 = tpu.memref_slice %arg11[%dma_wait3A_424] : memref<2x!tpu.dma_semaphore, #tpu.memory_space<semaphore_mem>> -> memref<1x!tpu.dma_semaphore, #tpu.memory_space<semaphore_mem>>
      %dma_wait3A_430 = tpu.memref_squeeze %dma_wait3A_429 : memref<1x!tpu.dma_semaphore, #tpu.memory_space<semaphore_mem>> -> memref<!tpu.dma_semaphore, #tpu.memory_space<semaphore_mem>>
      %dma_wait3A_431 = arith.constant 0 : i32
      %dma_wait3A_432 = tpu.memref_slice %arg7[%dma_wait3A_423, %dma_wait3A_431] : memref<2x384xi32, #tpu.memory_space<vmem>> -> memref<1x384xi32, #tpu.memory_space<vmem>>
      %dma_wait3A_433 = tpu.memref_squeeze %dma_wait3A_432 : memref<1x384xi32, #tpu.memory_space<vmem>> -> memref<384xi32, #tpu.memory_space<vmem>>
      %dma_wait3A_434 = tpu.memref_slice %arg3[%multiple_of3A_413] : memref<320256xi32, #tpu.memory_space<hbm>> -> memref<384xi32, #tpu.memory_space<hbm>>
      tpu.wait_dma2 semaphore(%dma_wait3A_430 : memref<!tpu.dma_semaphore, #tpu.memory_space<semaphore_mem>>) src(%dma_wait3A_434 : memref<384xi32, #tpu.memory_space<hbm>>) dst(%dma_wait3A_433 : memref<384xi32, #tpu.memory_space<vmem>>)
      %dma_wait3A_435 = arith.constant 3 : i32
      %dma_wait3A_436 = arith.constant 1 : i32
      %dma_wait3A_437 = arith.constant 0 : i32
      %dma_wait3A_438 = tpu.memref_slice %arg8[%dma_wait3A_435, %dma_wait3A_437] : memref<6x128xi32, #tpu.memory_space<vmem>> -> memref<1x128xi32, #tpu.memory_space<vmem>>
      %dma_wait3A_439 = tpu.memref_squeeze %dma_wait3A_438 : memref<1x128xi32, #tpu.memory_space<vmem>> -> memref<128xi32, #tpu.memory_space<vmem>>
      %dma_wait3A_440 = tpu.memref_slice %arg4[%multiple_of3A_416] : memref<320256xi32, #tpu.memory_space<hbm>> -> memref<128xi32, #tpu.memory_space<hbm>>
      %dma_wait3A_441 = tpu.memref_slice %arg11[%dma_wait3A_436] : memref<2x!tpu.dma_semaphore, #tpu.memory_space<semaphore_mem>> -> memref<1x!tpu.dma_semaphore, #tpu.memory_space<semaphore_mem>>
      %dma_wait3A_442 = tpu.memref_squeeze %dma_wait3A_441 : memref<1x!tpu.dma_semaphore, #tpu.memory_space<semaphore_mem>> -> memref<!tpu.dma_semaphore, #tpu.memory_space<semaphore_mem>>
      %dma_wait3A_443 = arith.constant 0 : i32
      %dma_wait3A_444 = tpu.memref_slice %arg8[%dma_wait3A_435, %dma_wait3A_443] : memref<6x128xi32, #tpu.memory_space<vmem>> -> memref<1x128xi32, #tpu.memory_space<vmem>>
      %dma_wait3A_445 = tpu.memref_squeeze %dma_wait3A_444 : memref<1x128xi32, #tpu.memory_space<vmem>> -> memref<128xi32, #tpu.memory_space<vmem>>
      %dma_wait3A_446 = tpu.memref_slice %arg4[%multiple_of3A_416] : memref<320256xi32, #tpu.memory_space<hbm>> -> memref<128xi32, #tpu.memory_space<hbm>>
      tpu.wait_dma2 semaphore(%dma_wait3A_442 : memref<!tpu.dma_semaphore, #tpu.memory_space<semaphore_mem>>) src(%dma_wait3A_446 : memref<128xi32, #tpu.memory_space<hbm>>) dst(%dma_wait3A_445 : memref<128xi32, #tpu.memory_space<vmem>>)
      %dma_wait3A_447 = arith.constant 4 : i32
      %dma_wait3A_448 = arith.constant 1 : i32
      %dma_wait3A_449 = arith.constant 0 : i32
      %dma_wait3A_450 = tpu.memref_slice %arg8[%dma_wait3A_447, %dma_wait3A_449] : memref<6x128xi32, #tpu.memory_space<vmem>> -> memref<1x128xi32, #tpu.memory_space<vmem>>
      %dma_wait3A_451 = tpu.memref_squeeze %dma_wait3A_450 : memref<1x128xi32, #tpu.memory_space<vmem>> -> memref<128xi32, #tpu.memory_space<vmem>>
      %dma_wait3A_452 = tpu.memref_slice %arg4[%multiple_of3A_419] : memref<320256xi32, #tpu.memory_space<hbm>> -> memref<128xi32, #tpu.memory_space<hbm>>
      %dma_wait3A_453 = tpu.memref_slice %arg11[%dma_wait3A_448] : memref<2x!tpu.dma_semaphore, #tpu.memory_space<semaphore_mem>> -> memref<1x!tpu.dma_semaphore, #tpu.memory_space<semaphore_mem>>
      %dma_wait3A_454 = tpu.memref_squeeze %dma_wait3A_453 : memref<1x!tpu.dma_semaphore, #tpu.memory_space<semaphore_mem>> -> memref<!tpu.dma_semaphore, #tpu.memory_space<semaphore_mem>>
      %dma_wait3A_455 = arith.constant 0 : i32
      %dma_wait3A_456 = tpu.memref_slice %arg8[%dma_wait3A_447, %dma_wait3A_455] : memref<6x128xi32, #tpu.memory_space<vmem>> -> memref<1x128xi32, #tpu.memory_space<vmem>>
      %dma_wait3A_457 = tpu.memref_squeeze %dma_wait3A_456 : memref<1x128xi32, #tpu.memory_space<vmem>> -> memref<128xi32, #tpu.memory_space<vmem>>
      %dma_wait3A_458 = tpu.memref_slice %arg4[%multiple_of3A_419] : memref<320256xi32, #tpu.memory_space<hbm>> -> memref<128xi32, #tpu.memory_space<hbm>>
      tpu.wait_dma2 semaphore(%dma_wait3A_454 : memref<!tpu.dma_semaphore, #tpu.memory_space<semaphore_mem>>) src(%dma_wait3A_458 : memref<128xi32, #tpu.memory_space<hbm>>) dst(%dma_wait3A_457 : memref<128xi32, #tpu.memory_space<vmem>>)
      %dma_wait3A_459 = arith.constant 5 : i32
      %dma_wait3A_460 = arith.constant 1 : i32
      %dma_wait3A_461 = arith.constant 0 : i32
      %dma_wait3A_462 = tpu.memref_slice %arg8[%dma_wait3A_459, %dma_wait3A_461] : memref<6x128xi32, #tpu.memory_space<vmem>> -> memref<1x128xi32, #tpu.memory_space<vmem>>
      %dma_wait3A_463 = tpu.memref_squeeze %dma_wait3A_462 : memref<1x128xi32, #tpu.memory_space<vmem>> -> memref<128xi32, #tpu.memory_space<vmem>>
      %dma_wait3A_464 = tpu.memref_slice %arg4[%multiple_of3A_422] : memref<320256xi32, #tpu.memory_space<hbm>> -> memref<128xi32, #tpu.memory_space<hbm>>
      %dma_wait3A_465 = tpu.memref_slice %arg11[%dma_wait3A_460] : memref<2x!tpu.dma_semaphore, #tpu.memory_space<semaphore_mem>> -> memref<1x!tpu.dma_semaphore, #tpu.memory_space<semaphore_mem>>
      %dma_wait3A_466 = tpu.memref_squeeze %dma_wait3A_465 : memref<1x!tpu.dma_semaphore, #tpu.memory_space<semaphore_mem>> -> memref<!tpu.dma_semaphore, #tpu.memory_space<semaphore_mem>>
      %dma_wait3A_467 = arith.constant 0 : i32
      %dma_wait3A_468 = tpu.memref_slice %arg8[%dma_wait3A_459, %dma_wait3A_467] : memref<6x128xi32, #tpu.memory_space<vmem>> -> memref<1x128xi32, #tpu.memory_space<vmem>>
      %dma_wait3A_469 = tpu.memref_squeeze %dma_wait3A_468 : memref<1x128xi32, #tpu.memory_space<vmem>> -> memref<128xi32, #tpu.memory_space<vmem>>
      %dma_wait3A_470 = tpu.memref_slice %arg4[%multiple_of3A_422] : memref<320256xi32, #tpu.memory_space<hbm>> -> memref<128xi32, #tpu.memory_space<hbm>>
      tpu.wait_dma2 semaphore(%dma_wait3A_466 : memref<!tpu.dma_semaphore, #tpu.memory_space<semaphore_mem>>) src(%dma_wait3A_470 : memref<128xi32, #tpu.memory_space<hbm>>) dst(%dma_wait3A_469 : memref<128xi32, #tpu.memory_space<vmem>>)
      %dma_start3A_471 = arith.constant 1 : i32
      %dma_start3A_472 = arith.constant 0 : i32
      %dma_start3A_473 = arith.constant 0 : i32
      %dma_start3A_474 = arith.constant 0 : i32
      %dma_start3A_475 = arith.constant 0 : i32
      %dma_start3A_476 = tpu.memref_slice %arg9[%dma_start3A_472, %dma_start3A_474, %dma_start3A_475] : memref<3x128x128xf32, #tpu.memory_space<vmem>> -> memref<1x128x128xf32, #tpu.memory_space<vmem>>
      %dma_start3A_477 = tpu.memref_squeeze %dma_start3A_476 : memref<1x128x128xf32, #tpu.memory_space<vmem>> -> memref<128x128xf32, #tpu.memory_space<vmem>>
      %dma_start3A_478 = arith.constant 0 : i32
      %dma_start3A_479 = tpu.memref_slice %arg7[%dma_start3A_471, %dma_start3A_478] : memref<2x384xi32, #tpu.memory_space<vmem>> -> memref<1x128xi32, #tpu.memory_space<vmem>>
      %dma_start3A_480 = tpu.memref_squeeze %dma_start3A_479 : memref<1x128xi32, #tpu.memory_space<vmem>> -> memref<128xi32, #tpu.memory_space<vmem>>
      %dma_start3A_481 = arith.constant 0 : i32
      %dma_start3A_482 = arith.constant 0 : i32
      %dma_start3A_483 = tpu.memref_slice %arg2[%dma_start3A_481, %dma_start3A_482] : memref<10000x128xf32, #tpu.memory_space<hbm>> -> memref<10000x128xf32, #tpu.memory_space<hbm>>
      %dma_start3A_484 = tpu.memref_slice %arg12[%dma_start3A_473] : memref<3x!tpu.dma_semaphore, #tpu.memory_space<semaphore_mem>> -> memref<1x!tpu.dma_semaphore, #tpu.memory_space<semaphore_mem>>
      %dma_start3A_485 = tpu.memref_squeeze %dma_start3A_484 : memref<1x!tpu.dma_semaphore, #tpu.memory_space<semaphore_mem>> -> memref<!tpu.dma_semaphore, #tpu.memory_space<semaphore_mem>>
      tpu.enqueue_indirect_dma source(%dma_start3A_483 : memref<10000x128xf32, #tpu.memory_space<hbm>>) target(%dma_start3A_477 : memref<128x128xf32, #tpu.memory_space<vmem>>) offsets(%dma_start3A_480 : memref<128xi32, #tpu.memory_space<vmem>>) semaphore(%dma_start3A_485 : memref<!tpu.dma_semaphore, #tpu.memory_space<semaphore_mem>>)
      %dma_start3A_486 = arith.constant 1 : i32
      %dma_start3A_487 = arith.constant 1 : i32
      %dma_start3A_488 = arith.constant 1 : i32
      %dma_start3A_489 = arith.constant 0 : i32
      %dma_start3A_490 = arith.constant 0 : i32
      %dma_start3A_491 = tpu.memref_slice %arg9[%dma_start3A_487, %dma_start3A_489, %dma_start3A_490] : memref<3x128x128xf32, #tpu.memory_space<vmem>> -> memref<1x128x128xf32, #tpu.memory_space<vmem>>
      %dma_start3A_492 = tpu.memref_squeeze %dma_start3A_491 : memref<1x128x128xf32, #tpu.memory_space<vmem>> -> memref<128x128xf32, #tpu.memory_space<vmem>>
      %dma_start3A_493 = arith.constant 128 : i32
      %dma_start3A_494 = tpu.memref_slice %arg7[%dma_start3A_486, %dma_start3A_493] : memref<2x384xi32, #tpu.memory_space<vmem>> -> memref<1x128xi32, #tpu.memory_space<vmem>>
      %dma_start3A_495 = tpu.memref_squeeze %dma_start3A_494 : memref<1x128xi32, #tpu.memory_space<vmem>> -> memref<128xi32, #tpu.memory_space<vmem>>
      %dma_start3A_496 = arith.constant 0 : i32
      %dma_start3A_497 = arith.constant 0 : i32
      %dma_start3A_498 = tpu.memref_slice %arg2[%dma_start3A_496, %dma_start3A_497] : memref<10000x128xf32, #tpu.memory_space<hbm>> -> memref<10000x128xf32, #tpu.memory_space<hbm>>
      %dma_start3A_499 = tpu.memref_slice %arg12[%dma_start3A_488] : memref<3x!tpu.dma_semaphore, #tpu.memory_space<semaphore_mem>> -> memref<1x!tpu.dma_semaphore, #tpu.memory_space<semaphore_mem>>
      %dma_start3A_500 = tpu.memref_squeeze %dma_start3A_499 : memref<1x!tpu.dma_semaphore, #tpu.memory_space<semaphore_mem>> -> memref<!tpu.dma_semaphore, #tpu.memory_space<semaphore_mem>>
      tpu.enqueue_indirect_dma source(%dma_start3A_498 : memref<10000x128xf32, #tpu.memory_space<hbm>>) target(%dma_start3A_492 : memref<128x128xf32, #tpu.memory_space<vmem>>) offsets(%dma_start3A_495 : memref<128xi32, #tpu.memory_space<vmem>>) semaphore(%dma_start3A_500 : memref<!tpu.dma_semaphore, #tpu.memory_space<semaphore_mem>>)
      %dma_start3A_501 = arith.constant 1 : i32
      %dma_start3A_502 = arith.constant 2 : i32
      %dma_start3A_503 = arith.constant 2 : i32
      %dma_start3A_504 = arith.constant 0 : i32
      %dma_start3A_505 = arith.constant 0 : i32
      %dma_start3A_506 = tpu.memref_slice %arg9[%dma_start3A_502, %dma_start3A_504, %dma_start3A_505] : memref<3x128x128xf32, #tpu.memory_space<vmem>> -> memref<1x128x128xf32, #tpu.memory_space<vmem>>
      %dma_start3A_507 = tpu.memref_squeeze %dma_start3A_506 : memref<1x128x128xf32, #tpu.memory_space<vmem>> -> memref<128x128xf32, #tpu.memory_space<vmem>>
      %dma_start3A_508 = arith.constant 256 : i32
      %dma_start3A_509 = tpu.memref_slice %arg7[%dma_start3A_501, %dma_start3A_508] : memref<2x384xi32, #tpu.memory_space<vmem>> -> memref<1x128xi32, #tpu.memory_space<vmem>>
      %dma_start3A_510 = tpu.memref_squeeze %dma_start3A_509 : memref<1x128xi32, #tpu.memory_space<vmem>> -> memref<128xi32, #tpu.memory_space<vmem>>
      %dma_start3A_511 = arith.constant 0 : i32
      %dma_start3A_512 = arith.constant 0 : i32
      %dma_start3A_513 = tpu.memref_slice %arg2[%dma_start3A_511, %dma_start3A_512] : memref<10000x128xf32, #tpu.memory_space<hbm>> -> memref<10000x128xf32, #tpu.memory_space<hbm>>
      %dma_start3A_514 = tpu.memref_slice %arg12[%dma_start3A_503] : memref<3x!tpu.dma_semaphore, #tpu.memory_space<semaphore_mem>> -> memref<1x!tpu.dma_semaphore, #tpu.memory_space<semaphore_mem>>
      %dma_start3A_515 = tpu.memref_squeeze %dma_start3A_514 : memref<1x!tpu.dma_semaphore, #tpu.memory_space<semaphore_mem>> -> memref<!tpu.dma_semaphore, #tpu.memory_space<semaphore_mem>>
      tpu.enqueue_indirect_dma source(%dma_start3A_513 : memref<10000x128xf32, #tpu.memory_space<hbm>>) target(%dma_start3A_507 : memref<128x128xf32, #tpu.memory_space<vmem>>) offsets(%dma_start3A_510 : memref<128xi32, #tpu.memory_space<vmem>>) semaphore(%dma_start3A_515 : memref<!tpu.dma_semaphore, #tpu.memory_space<semaphore_mem>>)
      %dma_wait3A_516 = arith.constant 1 : i32
      %dma_wait3A_517 = arith.constant 0 : i32
      %dma_wait3A_518 = arith.constant 0 : i32
      %dma_wait3A_519 = arith.constant 0 : i32
      %dma_wait3A_520 = arith.constant 0 : i32
      %dma_wait3A_521 = tpu.memref_slice %arg9[%dma_wait3A_517, %dma_wait3A_519, %dma_wait3A_520] : memref<3x128x128xf32, #tpu.memory_space<vmem>> -> memref<1x128x128xf32, #tpu.memory_space<vmem>>
      %dma_wait3A_522 = tpu.memref_squeeze %dma_wait3A_521 : memref<1x128x128xf32, #tpu.memory_space<vmem>> -> memref<128x128xf32, #tpu.memory_space<vmem>>
      %dma_wait3A_523 = arith.constant 0 : i32
      %dma_wait3A_524 = tpu.memref_slice %arg7[%dma_wait3A_516, %dma_wait3A_523] : memref<2x384xi32, #tpu.memory_space<vmem>> -> memref<1x128xi32, #tpu.memory_space<vmem>>
      %dma_wait3A_525 = tpu.memref_squeeze %dma_wait3A_524 : memref<1x128xi32, #tpu.memory_space<vmem>> -> memref<128xi32, #tpu.memory_space<vmem>>
      %dma_wait3A_526 = arith.constant 0 : i32
      %dma_wait3A_527 = arith.constant 0 : i32
      %dma_wait3A_528 = tpu.memref_slice %arg2[%dma_wait3A_526, %dma_wait3A_527] : memref<10000x128xf32, #tpu.memory_space<hbm>> -> memref<10000x128xf32, #tpu.memory_space<hbm>>
      %dma_wait3A_529 = tpu.memref_slice %arg12[%dma_wait3A_518] : memref<3x!tpu.dma_semaphore, #tpu.memory_space<semaphore_mem>> -> memref<1x!tpu.dma_semaphore, #tpu.memory_space<semaphore_mem>>
      %dma_wait3A_530 = tpu.memref_squeeze %dma_wait3A_529 : memref<1x!tpu.dma_semaphore, #tpu.memory_space<semaphore_mem>> -> memref<!tpu.dma_semaphore, #tpu.memory_space<semaphore_mem>>
      tpu.wait_indirect_dma semaphore(%dma_wait3A_530 : memref<!tpu.dma_semaphore, #tpu.memory_space<semaphore_mem>>) src(%dma_wait3A_528 : memref<10000x128xf32, #tpu.memory_space<hbm>>) dst(%dma_wait3A_522 : memref<128x128xf32, #tpu.memory_space<vmem>>)
      %dma_start3A_531 = arith.constant 0 : i32
      %dma_start3A_532 = arith.constant 3 : i32
      %dma_start3A_533 = arith.constant 0 : i32
      %dma_start3A_534 = arith.constant 0 : i32
      %dma_start3A_535 = arith.constant 0 : i32
      %dma_start3A_536 = tpu.memref_slice %arg9[%dma_start3A_531, %dma_start3A_534, %dma_start3A_535] : memref<3x128x128xf32, #tpu.memory_space<vmem>> -> memref<1x128x128xf32, #tpu.memory_space<vmem>>
      %dma_start3A_537 = tpu.memref_squeeze %dma_start3A_536 : memref<1x128x128xf32, #tpu.memory_space<vmem>> -> memref<128x128xf32, #tpu.memory_space<vmem>>
      %dma_start3A_538 = arith.constant 0 : i32
      %dma_start3A_539 = tpu.memref_slice %arg8[%dma_start3A_532, %dma_start3A_538] : memref<6x128xi32, #tpu.memory_space<vmem>> -> memref<1x128xi32, #tpu.memory_space<vmem>>
      %dma_start3A_540 = tpu.memref_squeeze %dma_start3A_539 : memref<1x128xi32, #tpu.memory_space<vmem>> -> memref<128xi32, #tpu.memory_space<vmem>>
      %dma_start3A_541 = arith.constant 0 : i32
      %dma_start3A_542 = arith.constant 0 : i32
      %dma_start3A_543 = tpu.memref_slice %arg10[%dma_start3A_541, %dma_start3A_542] : memref<10016x128xf32, #tpu.memory_space<vmem_shared>> -> memref<10016x128xf32, #tpu.memory_space<vmem_shared>>
      %dma_start3A_544 = tpu.memref_slice %arg13[%dma_start3A_533] : memref<3x!tpu.dma_semaphore, #tpu.memory_space<semaphore_mem>> -> memref<1x!tpu.dma_semaphore, #tpu.memory_space<semaphore_mem>>
      %dma_start3A_545 = tpu.memref_squeeze %dma_start3A_544 : memref<1x!tpu.dma_semaphore, #tpu.memory_space<semaphore_mem>> -> memref<!tpu.dma_semaphore, #tpu.memory_space<semaphore_mem>>
      tpu.enqueue_indirect_dma source(%dma_start3A_537 : memref<128x128xf32, #tpu.memory_space<vmem>>) target(%dma_start3A_543 : memref<10016x128xf32, #tpu.memory_space<vmem_shared>>) offsets(%dma_start3A_540 : memref<128xi32, #tpu.memory_space<vmem>>) semaphore(%dma_start3A_545 : memref<!tpu.dma_semaphore, #tpu.memory_space<semaphore_mem>>) {add = true}
      %dma_wait3A_546 = arith.constant 1 : i32
      %dma_wait3A_547 = arith.constant 1 : i32
      %dma_wait3A_548 = arith.constant 1 : i32
      %dma_wait3A_549 = arith.constant 0 : i32
      %dma_wait3A_550 = arith.constant 0 : i32
      %dma_wait3A_551 = tpu.memref_slice %arg9[%dma_wait3A_547, %dma_wait3A_549, %dma_wait3A_550] : memref<3x128x128xf32, #tpu.memory_space<vmem>> -> memref<1x128x128xf32, #tpu.memory_space<vmem>>
      %dma_wait3A_552 = tpu.memref_squeeze %dma_wait3A_551 : memref<1x128x128xf32, #tpu.memory_space<vmem>> -> memref<128x128xf32, #tpu.memory_space<vmem>>
      %dma_wait3A_553 = arith.constant 128 : i32
      %dma_wait3A_554 = tpu.memref_slice %arg7[%dma_wait3A_546, %dma_wait3A_553] : memref<2x384xi32, #tpu.memory_space<vmem>> -> memref<1x128xi32, #tpu.memory_space<vmem>>
      %dma_wait3A_555 = tpu.memref_squeeze %dma_wait3A_554 : memref<1x128xi32, #tpu.memory_space<vmem>> -> memref<128xi32, #tpu.memory_space<vmem>>
      %dma_wait3A_556 = arith.constant 0 : i32
      %dma_wait3A_557 = arith.constant 0 : i32
      %dma_wait3A_558 = tpu.memref_slice %arg2[%dma_wait3A_556, %dma_wait3A_557] : memref<10000x128xf32, #tpu.memory_space<hbm>> -> memref<10000x128xf32, #tpu.memory_space<hbm>>
      %dma_wait3A_559 = tpu.memref_slice %arg12[%dma_wait3A_548] : memref<3x!tpu.dma_semaphore, #tpu.memory_space<semaphore_mem>> -> memref<1x!tpu.dma_semaphore, #tpu.memory_space<semaphore_mem>>
      %dma_wait3A_560 = tpu.memref_squeeze %dma_wait3A_559 : memref<1x!tpu.dma_semaphore, #tpu.memory_space<semaphore_mem>> -> memref<!tpu.dma_semaphore, #tpu.memory_space<semaphore_mem>>
      tpu.wait_indirect_dma semaphore(%dma_wait3A_560 : memref<!tpu.dma_semaphore, #tpu.memory_space<semaphore_mem>>) src(%dma_wait3A_558 : memref<10000x128xf32, #tpu.memory_space<hbm>>) dst(%dma_wait3A_552 : memref<128x128xf32, #tpu.memory_space<vmem>>)
      %dma_start3A_561 = arith.constant 1 : i32
      %dma_start3A_562 = arith.constant 4 : i32
      %dma_start3A_563 = arith.constant 1 : i32
      %dma_start3A_564 = arith.constant 0 : i32
      %dma_start3A_565 = arith.constant 0 : i32
      %dma_start3A_566 = tpu.memref_slice %arg9[%dma_start3A_561, %dma_start3A_564, %dma_start3A_565] : memref<3x128x128xf32, #tpu.memory_space<vmem>> -> memref<1x128x128xf32, #tpu.memory_space<vmem>>
      %dma_start3A_567 = tpu.memref_squeeze %dma_start3A_566 : memref<1x128x128xf32, #tpu.memory_space<vmem>> -> memref<128x128xf32, #tpu.memory_space<vmem>>
      %dma_start3A_568 = arith.constant 0 : i32
      %dma_start3A_569 = tpu.memref_slice %arg8[%dma_start3A_562, %dma_start3A_568] : memref<6x128xi32, #tpu.memory_space<vmem>> -> memref<1x128xi32, #tpu.memory_space<vmem>>
      %dma_start3A_570 = tpu.memref_squeeze %dma_start3A_569 : memref<1x128xi32, #tpu.memory_space<vmem>> -> memref<128xi32, #tpu.memory_space<vmem>>
      %dma_start3A_571 = arith.constant 0 : i32
      %dma_start3A_572 = arith.constant 0 : i32
      %dma_start3A_573 = tpu.memref_slice %arg10[%dma_start3A_571, %dma_start3A_572] : memref<10016x128xf32, #tpu.memory_space<vmem_shared>> -> memref<10016x128xf32, #tpu.memory_space<vmem_shared>>
      %dma_start3A_574 = tpu.memref_slice %arg13[%dma_start3A_563] : memref<3x!tpu.dma_semaphore, #tpu.memory_space<semaphore_mem>> -> memref<1x!tpu.dma_semaphore, #tpu.memory_space<semaphore_mem>>
      %dma_start3A_575 = tpu.memref_squeeze %dma_start3A_574 : memref<1x!tpu.dma_semaphore, #tpu.memory_space<semaphore_mem>> -> memref<!tpu.dma_semaphore, #tpu.memory_space<semaphore_mem>>
      tpu.enqueue_indirect_dma source(%dma_start3A_567 : memref<128x128xf32, #tpu.memory_space<vmem>>) target(%dma_start3A_573 : memref<10016x128xf32, #tpu.memory_space<vmem_shared>>) offsets(%dma_start3A_570 : memref<128xi32, #tpu.memory_space<vmem>>) semaphore(%dma_start3A_575 : memref<!tpu.dma_semaphore, #tpu.memory_space<semaphore_mem>>) {add = true}
      %dma_wait3A_576 = arith.constant 1 : i32
      %dma_wait3A_577 = arith.constant 2 : i32
      %dma_wait3A_578 = arith.constant 2 : i32
      %dma_wait3A_579 = arith.constant 0 : i32
      %dma_wait3A_580 = arith.constant 0 : i32
      %dma_wait3A_581 = tpu.memref_slice %arg9[%dma_wait3A_577, %dma_wait3A_579, %dma_wait3A_580] : memref<3x128x128xf32, #tpu.memory_space<vmem>> -> memref<1x128x128xf32, #tpu.memory_space<vmem>>
      %dma_wait3A_582 = tpu.memref_squeeze %dma_wait3A_581 : memref<1x128x128xf32, #tpu.memory_space<vmem>> -> memref<128x128xf32, #tpu.memory_space<vmem>>
      %dma_wait3A_583 = arith.constant 256 : i32
      %dma_wait3A_584 = tpu.memref_slice %arg7[%dma_wait3A_576, %dma_wait3A_583] : memref<2x384xi32, #tpu.memory_space<vmem>> -> memref<1x128xi32, #tpu.memory_space<vmem>>
      %dma_wait3A_585 = tpu.memref_squeeze %dma_wait3A_584 : memref<1x128xi32, #tpu.memory_space<vmem>> -> memref<128xi32, #tpu.memory_space<vmem>>
      %dma_wait3A_586 = arith.constant 0 : i32
      %dma_wait3A_587 = arith.constant 0 : i32
      %dma_wait3A_588 = tpu.memref_slice %arg2[%dma_wait3A_586, %dma_wait3A_587] : memref<10000x128xf32, #tpu.memory_space<hbm>> -> memref<10000x128xf32, #tpu.memory_space<hbm>>
      %dma_wait3A_589 = tpu.memref_slice %arg12[%dma_wait3A_578] : memref<3x!tpu.dma_semaphore, #tpu.memory_space<semaphore_mem>> -> memref<1x!tpu.dma_semaphore, #tpu.memory_space<semaphore_mem>>
      %dma_wait3A_590 = tpu.memref_squeeze %dma_wait3A_589 : memref<1x!tpu.dma_semaphore, #tpu.memory_space<semaphore_mem>> -> memref<!tpu.dma_semaphore, #tpu.memory_space<semaphore_mem>>
      tpu.wait_indirect_dma semaphore(%dma_wait3A_590 : memref<!tpu.dma_semaphore, #tpu.memory_space<semaphore_mem>>) src(%dma_wait3A_588 : memref<10000x128xf32, #tpu.memory_space<hbm>>) dst(%dma_wait3A_582 : memref<128x128xf32, #tpu.memory_space<vmem>>)
      %dma_start3A_591 = arith.constant 2 : i32
      %dma_start3A_592 = arith.constant 5 : i32
      %dma_start3A_593 = arith.constant 2 : i32
      %dma_start3A_594 = arith.constant 0 : i32
      %dma_start3A_595 = arith.constant 0 : i32
      %dma_start3A_596 = tpu.memref_slice %arg9[%dma_start3A_591, %dma_start3A_594, %dma_start3A_595] : memref<3x128x128xf32, #tpu.memory_space<vmem>> -> memref<1x128x128xf32, #tpu.memory_space<vmem>>
      %dma_start3A_597 = tpu.memref_squeeze %dma_start3A_596 : memref<1x128x128xf32, #tpu.memory_space<vmem>> -> memref<128x128xf32, #tpu.memory_space<vmem>>
      %dma_start3A_598 = arith.constant 0 : i32
      %dma_start3A_599 = tpu.memref_slice %arg8[%dma_start3A_592, %dma_start3A_598] : memref<6x128xi32, #tpu.memory_space<vmem>> -> memref<1x128xi32, #tpu.memory_space<vmem>>
      %dma_start3A_600 = tpu.memref_squeeze %dma_start3A_599 : memref<1x128xi32, #tpu.memory_space<vmem>> -> memref<128xi32, #tpu.memory_space<vmem>>
      %dma_start3A_601 = arith.constant 0 : i32
      %dma_start3A_602 = arith.constant 0 : i32
      %dma_start3A_603 = tpu.memref_slice %arg10[%dma_start3A_601, %dma_start3A_602] : memref<10016x128xf32, #tpu.memory_space<vmem_shared>> -> memref<10016x128xf32, #tpu.memory_space<vmem_shared>>
      %dma_start3A_604 = tpu.memref_slice %arg13[%dma_start3A_593] : memref<3x!tpu.dma_semaphore, #tpu.memory_space<semaphore_mem>> -> memref<1x!tpu.dma_semaphore, #tpu.memory_space<semaphore_mem>>
      %dma_start3A_605 = tpu.memref_squeeze %dma_start3A_604 : memref<1x!tpu.dma_semaphore, #tpu.memory_space<semaphore_mem>> -> memref<!tpu.dma_semaphore, #tpu.memory_space<semaphore_mem>>
      tpu.enqueue_indirect_dma source(%dma_start3A_597 : memref<128x128xf32, #tpu.memory_space<vmem>>) target(%dma_start3A_603 : memref<10016x128xf32, #tpu.memory_space<vmem_shared>>) offsets(%dma_start3A_600 : memref<128xi32, #tpu.memory_space<vmem>>) semaphore(%dma_start3A_605 : memref<!tpu.dma_semaphore, #tpu.memory_space<semaphore_mem>>) {add = true}
      %dma_wait3A_606 = arith.constant 0 : i32
      %dma_wait3A_607 = arith.constant 3 : i32
      %dma_wait3A_608 = arith.constant 0 : i32
      %dma_wait3A_609 = arith.constant 0 : i32
      %dma_wait3A_610 = arith.constant 0 : i32
      %dma_wait3A_611 = tpu.memref_slice %arg9[%dma_wait3A_606, %dma_wait3A_609, %dma_wait3A_610] : memref<3x128x128xf32, #tpu.memory_space<vmem>> -> memref<1x128x128xf32, #tpu.memory_space<vmem>>
      %dma_wait3A_612 = tpu.memref_squeeze %dma_wait3A_611 : memref<1x128x128xf32, #tpu.memory_space<vmem>> -> memref<128x128xf32, #tpu.memory_space<vmem>>
      %dma_wait3A_613 = arith.constant 0 : i32
      %dma_wait3A_614 = tpu.memref_slice %arg8[%dma_wait3A_607, %dma_wait3A_613] : memref<6x128xi32, #tpu.memory_space<vmem>> -> memref<1x128xi32, #tpu.memory_space<vmem>>
      %dma_wait3A_615 = tpu.memref_squeeze %dma_wait3A_614 : memref<1x128xi32, #tpu.memory_space<vmem>> -> memref<128xi32, #tpu.memory_space<vmem>>
      %dma_wait3A_616 = arith.constant 0 : i32
      %dma_wait3A_617 = arith.constant 0 : i32
      %dma_wait3A_618 = tpu.memref_slice %arg10[%dma_wait3A_616, %dma_wait3A_617] : memref<10016x128xf32, #tpu.memory_space<vmem_shared>> -> memref<10016x128xf32, #tpu.memory_space<vmem_shared>>
      %dma_wait3A_619 = tpu.memref_slice %arg13[%dma_wait3A_608] : memref<3x!tpu.dma_semaphore, #tpu.memory_space<semaphore_mem>> -> memref<1x!tpu.dma_semaphore, #tpu.memory_space<semaphore_mem>>
      %dma_wait3A_620 = tpu.memref_squeeze %dma_wait3A_619 : memref<1x!tpu.dma_semaphore, #tpu.memory_space<semaphore_mem>> -> memref<!tpu.dma_semaphore, #tpu.memory_space<semaphore_mem>>
      tpu.wait_indirect_dma semaphore(%dma_wait3A_620 : memref<!tpu.dma_semaphore, #tpu.memory_space<semaphore_mem>>) src(%dma_wait3A_612 : memref<128x128xf32, #tpu.memory_space<vmem>>) dst(%dma_wait3A_618 : memref<10016x128xf32, #tpu.memory_space<vmem_shared>>)
      %dma_wait3A_621 = arith.constant 1 : i32
      %dma_wait3A_622 = arith.constant 4 : i32
      %dma_wait3A_623 = arith.constant 1 : i32
      %dma_wait3A_624 = arith.constant 0 : i32
      %dma_wait3A_625 = arith.constant 0 : i32
      %dma_wait3A_626 = tpu.memref_slice %arg9[%dma_wait3A_621, %dma_wait3A_624, %dma_wait3A_625] : memref<3x128x128xf32, #tpu.memory_space<vmem>> -> memref<1x128x128xf32, #tpu.memory_space<vmem>>
      %dma_wait3A_627 = tpu.memref_squeeze %dma_wait3A_626 : memref<1x128x128xf32, #tpu.memory_space<vmem>> -> memref<128x128xf32, #tpu.memory_space<vmem>>
      %dma_wait3A_628 = arith.constant 0 : i32
      %dma_wait3A_629 = tpu.memref_slice %arg8[%dma_wait3A_622, %dma_wait3A_628] : memref<6x128xi32, #tpu.memory_space<vmem>> -> memref<1x128xi32, #tpu.memory_space<vmem>>
      %dma_wait3A_630 = tpu.memref_squeeze %dma_wait3A_629 : memref<1x128xi32, #tpu.memory_space<vmem>> -> memref<128xi32, #tpu.memory_space<vmem>>
      %dma_wait3A_631 = arith.constant 0 : i32
      %dma_wait3A_632 = arith.constant 0 : i32
      %dma_wait3A_633 = tpu.memref_slice %arg10[%dma_wait3A_631, %dma_wait3A_632] : memref<10016x128xf32, #tpu.memory_space<vmem_shared>> -> memref<10016x128xf32, #tpu.memory_space<vmem_shared>>
      %dma_wait3A_634 = tpu.memref_slice %arg13[%dma_wait3A_623] : memref<3x!tpu.dma_semaphore, #tpu.memory_space<semaphore_mem>> -> memref<1x!tpu.dma_semaphore, #tpu.memory_space<semaphore_mem>>
      %dma_wait3A_635 = tpu.memref_squeeze %dma_wait3A_634 : memref<1x!tpu.dma_semaphore, #tpu.memory_space<semaphore_mem>> -> memref<!tpu.dma_semaphore, #tpu.memory_space<semaphore_mem>>
      tpu.wait_indirect_dma semaphore(%dma_wait3A_635 : memref<!tpu.dma_semaphore, #tpu.memory_space<semaphore_mem>>) src(%dma_wait3A_627 : memref<128x128xf32, #tpu.memory_space<vmem>>) dst(%dma_wait3A_633 : memref<10016x128xf32, #tpu.memory_space<vmem_shared>>)
      %dma_wait3A_636 = arith.constant 2 : i32
      %dma_wait3A_637 = arith.constant 5 : i32
      %dma_wait3A_638 = arith.constant 2 : i32
      %dma_wait3A_639 = arith.constant 0 : i32
      %dma_wait3A_640 = arith.constant 0 : i32
      %dma_wait3A_641 = tpu.memref_slice %arg9[%dma_wait3A_636, %dma_wait3A_639, %dma_wait3A_640] : memref<3x128x128xf32, #tpu.memory_space<vmem>> -> memref<1x128x128xf32, #tpu.memory_space<vmem>>
      %dma_wait3A_642 = tpu.memref_squeeze %dma_wait3A_641 : memref<1x128x128xf32, #tpu.memory_space<vmem>> -> memref<128x128xf32, #tpu.memory_space<vmem>>
      %dma_wait3A_643 = arith.constant 0 : i32
      %dma_wait3A_644 = tpu.memref_slice %arg8[%dma_wait3A_637, %dma_wait3A_643] : memref<6x128xi32, #tpu.memory_space<vmem>> -> memref<1x128xi32, #tpu.memory_space<vmem>>
      %dma_wait3A_645 = tpu.memref_squeeze %dma_wait3A_644 : memref<1x128xi32, #tpu.memory_space<vmem>> -> memref<128xi32, #tpu.memory_space<vmem>>
      %dma_wait3A_646 = arith.constant 0 : i32
      %dma_wait3A_647 = arith.constant 0 : i32
      %dma_wait3A_648 = tpu.memref_slice %arg10[%dma_wait3A_646, %dma_wait3A_647] : memref<10016x128xf32, #tpu.memory_space<vmem_shared>> -> memref<10016x128xf32, #tpu.memory_space<vmem_shared>>
      %dma_wait3A_649 = tpu.memref_slice %arg13[%dma_wait3A_638] : memref<3x!tpu.dma_semaphore, #tpu.memory_space<semaphore_mem>> -> memref<1x!tpu.dma_semaphore, #tpu.memory_space<semaphore_mem>>
      %dma_wait3A_650 = tpu.memref_squeeze %dma_wait3A_649 : memref<1x!tpu.dma_semaphore, #tpu.memory_space<semaphore_mem>> -> memref<!tpu.dma_semaphore, #tpu.memory_space<semaphore_mem>>
      tpu.wait_indirect_dma semaphore(%dma_wait3A_650 : memref<!tpu.dma_semaphore, #tpu.memory_space<semaphore_mem>>) src(%dma_wait3A_642 : memref<128x128xf32, #tpu.memory_space<vmem>>) dst(%dma_wait3A_648 : memref<10016x128xf32, #tpu.memory_space<vmem_shared>>)
      %add3A_651 = arith.constant 2 : i32
      %add3A_652 = arith.addi %add3A_407, %add3A_651 : i32
      %lt3A_653 = arith.cmpi slt, %add3A_652, %mul3A_12 : i32
      %convert_element_type3A_654 = arith.extui %lt3A_653 : i1 to i32
      %cond3A_655 = arith.constant 0 : i32
      %cond3A_656 = arith.cmpi ne, %convert_element_type3A_654, %cond3A_655 : i32
      scf.if %cond3A_656 {
        %add3A_657 = arith.constant 2 : i32
        %add3A_658 = arith.addi %add3A_407, %add3A_657 : i32
        %mul3A_659 = arith.constant 3 : i32
        %mul3A_660 = arith.muli %add3A_658, %mul3A_659 : i32
        %add3A_661 = arith.addi %mul3A_10, %mul3A_660 : i32
        %mul3A_662 = arith.constant 128 : i32
        %mul3A_663 = arith.muli %add3A_661, %mul3A_662 : i32
        %multiple_of3A_664 = tpu.assume_multiple %mul3A_663, 8 : i32
        %add3A_665 = arith.constant 0 : i32
        %add3A_666 = arith.addi %multiple_of3A_664, %add3A_665 : i32
        %multiple_of3A_667 = tpu.assume_multiple %add3A_666, 8 : i32
        %add3A_668 = arith.constant 128 : i32
        %add3A_669 = arith.addi %multiple_of3A_664, %add3A_668 : i32
        %multiple_of3A_670 = tpu.assume_multiple %add3A_669, 8 : i32
        %add3A_671 = arith.constant 256 : i32
        %add3A_672 = arith.addi %multiple_of3A_664, %add3A_671 : i32
        %multiple_of3A_673 = tpu.assume_multiple %add3A_672, 8 : i32
        %dma_start3A_674 = arith.constant 1 : i32
        %dma_start3A_675 = arith.constant 1 : i32
        %dma_start3A_676 = arith.constant 0 : i32
        %dma_start3A_677 = tpu.memref_slice %arg7[%dma_start3A_674, %dma_start3A_676] : memref<2x384xi32, #tpu.memory_space<vmem>> -> memref<1x384xi32, #tpu.memory_space<vmem>>
        %dma_start3A_678 = tpu.memref_squeeze %dma_start3A_677 : memref<1x384xi32, #tpu.memory_space<vmem>> -> memref<384xi32, #tpu.memory_space<vmem>>
        %dma_start3A_679 = tpu.memref_slice %arg3[%multiple_of3A_664] : memref<320256xi32, #tpu.memory_space<hbm>> -> memref<384xi32, #tpu.memory_space<hbm>>
        %dma_start3A_680 = tpu.memref_slice %arg11[%dma_start3A_675] : memref<2x!tpu.dma_semaphore, #tpu.memory_space<semaphore_mem>> -> memref<1x!tpu.dma_semaphore, #tpu.memory_space<semaphore_mem>>
        %dma_start3A_681 = tpu.memref_squeeze %dma_start3A_680 : memref<1x!tpu.dma_semaphore, #tpu.memory_space<semaphore_mem>> -> memref<!tpu.dma_semaphore, #tpu.memory_space<semaphore_mem>>
        %dma_start3A_682 = arith.constant 0 : i32
        %dma_start3A_683 = tpu.memref_slice %arg7[%dma_start3A_674, %dma_start3A_682] : memref<2x384xi32, #tpu.memory_space<vmem>> -> memref<1x384xi32, #tpu.memory_space<vmem>>
        %dma_start3A_684 = tpu.memref_squeeze %dma_start3A_683 : memref<1x384xi32, #tpu.memory_space<vmem>> -> memref<384xi32, #tpu.memory_space<vmem>>
        %dma_start3A_685 = tpu.memref_slice %arg3[%multiple_of3A_664] : memref<320256xi32, #tpu.memory_space<hbm>> -> memref<384xi32, #tpu.memory_space<hbm>>
        tpu.enqueue_dma source(%dma_start3A_685 : memref<384xi32, #tpu.memory_space<hbm>>) target(%dma_start3A_684 : memref<384xi32, #tpu.memory_space<vmem>>) target_semaphore(%dma_start3A_681 : memref<!tpu.dma_semaphore, #tpu.memory_space<semaphore_mem>>)
        %dma_start3A_686 = arith.constant 3 : i32
        %dma_start3A_687 = arith.constant 1 : i32
        %dma_start3A_688 = arith.constant 0 : i32
        %dma_start3A_689 = tpu.memref_slice %arg8[%dma_start3A_686, %dma_start3A_688] : memref<6x128xi32, #tpu.memory_space<vmem>> -> memref<1x128xi32, #tpu.memory_space<vmem>>
        %dma_start3A_690 = tpu.memref_squeeze %dma_start3A_689 : memref<1x128xi32, #tpu.memory_space<vmem>> -> memref<128xi32, #tpu.memory_space<vmem>>
        %dma_start3A_691 = tpu.memref_slice %arg4[%multiple_of3A_667] : memref<320256xi32, #tpu.memory_space<hbm>> -> memref<128xi32, #tpu.memory_space<hbm>>
        %dma_start3A_692 = tpu.memref_slice %arg11[%dma_start3A_687] : memref<2x!tpu.dma_semaphore, #tpu.memory_space<semaphore_mem>> -> memref<1x!tpu.dma_semaphore, #tpu.memory_space<semaphore_mem>>
        %dma_start3A_693 = tpu.memref_squeeze %dma_start3A_692 : memref<1x!tpu.dma_semaphore, #tpu.memory_space<semaphore_mem>> -> memref<!tpu.dma_semaphore, #tpu.memory_space<semaphore_mem>>
        %dma_start3A_694 = arith.constant 0 : i32
        %dma_start3A_695 = tpu.memref_slice %arg8[%dma_start3A_686, %dma_start3A_694] : memref<6x128xi32, #tpu.memory_space<vmem>> -> memref<1x128xi32, #tpu.memory_space<vmem>>
        %dma_start3A_696 = tpu.memref_squeeze %dma_start3A_695 : memref<1x128xi32, #tpu.memory_space<vmem>> -> memref<128xi32, #tpu.memory_space<vmem>>
        %dma_start3A_697 = tpu.memref_slice %arg4[%multiple_of3A_667] : memref<320256xi32, #tpu.memory_space<hbm>> -> memref<128xi32, #tpu.memory_space<hbm>>
        tpu.enqueue_dma source(%dma_start3A_697 : memref<128xi32, #tpu.memory_space<hbm>>) target(%dma_start3A_696 : memref<128xi32, #tpu.memory_space<vmem>>) target_semaphore(%dma_start3A_693 : memref<!tpu.dma_semaphore, #tpu.memory_space<semaphore_mem>>)
        %dma_start3A_698 = arith.constant 4 : i32
        %dma_start3A_699 = arith.constant 1 : i32
        %dma_start3A_700 = arith.constant 0 : i32
        %dma_start3A_701 = tpu.memref_slice %arg8[%dma_start3A_698, %dma_start3A_700] : memref<6x128xi32, #tpu.memory_space<vmem>> -> memref<1x128xi32, #tpu.memory_space<vmem>>
        %dma_start3A_702 = tpu.memref_squeeze %dma_start3A_701 : memref<1x128xi32, #tpu.memory_space<vmem>> -> memref<128xi32, #tpu.memory_space<vmem>>
        %dma_start3A_703 = tpu.memref_slice %arg4[%multiple_of3A_670] : memref<320256xi32, #tpu.memory_space<hbm>> -> memref<128xi32, #tpu.memory_space<hbm>>
        %dma_start3A_704 = tpu.memref_slice %arg11[%dma_start3A_699] : memref<2x!tpu.dma_semaphore, #tpu.memory_space<semaphore_mem>> -> memref<1x!tpu.dma_semaphore, #tpu.memory_space<semaphore_mem>>
        %dma_start3A_705 = tpu.memref_squeeze %dma_start3A_704 : memref<1x!tpu.dma_semaphore, #tpu.memory_space<semaphore_mem>> -> memref<!tpu.dma_semaphore, #tpu.memory_space<semaphore_mem>>
        %dma_start3A_706 = arith.constant 0 : i32
        %dma_start3A_707 = tpu.memref_slice %arg8[%dma_start3A_698, %dma_start3A_706] : memref<6x128xi32, #tpu.memory_space<vmem>> -> memref<1x128xi32, #tpu.memory_space<vmem>>
        %dma_start3A_708 = tpu.memref_squeeze %dma_start3A_707 : memref<1x128xi32, #tpu.memory_space<vmem>> -> memref<128xi32, #tpu.memory_space<vmem>>
        %dma_start3A_709 = tpu.memref_slice %arg4[%multiple_of3A_670] : memref<320256xi32, #tpu.memory_space<hbm>> -> memref<128xi32, #tpu.memory_space<hbm>>
        tpu.enqueue_dma source(%dma_start3A_709 : memref<128xi32, #tpu.memory_space<hbm>>) target(%dma_start3A_708 : memref<128xi32, #tpu.memory_space<vmem>>) target_semaphore(%dma_start3A_705 : memref<!tpu.dma_semaphore, #tpu.memory_space<semaphore_mem>>)
        %dma_start3A_710 = arith.constant 5 : i32
        %dma_start3A_711 = arith.constant 1 : i32
        %dma_start3A_712 = arith.constant 0 : i32
        %dma_start3A_713 = tpu.memref_slice %arg8[%dma_start3A_710, %dma_start3A_712] : memref<6x128xi32, #tpu.memory_space<vmem>> -> memref<1x128xi32, #tpu.memory_space<vmem>>
        %dma_start3A_714 = tpu.memref_squeeze %dma_start3A_713 : memref<1x128xi32, #tpu.memory_space<vmem>> -> memref<128xi32, #tpu.memory_space<vmem>>
        %dma_start3A_715 = tpu.memref_slice %arg4[%multiple_of3A_673] : memref<320256xi32, #tpu.memory_space<hbm>> -> memref<128xi32, #tpu.memory_space<hbm>>
        %dma_start3A_716 = tpu.memref_slice %arg11[%dma_start3A_711] : memref<2x!tpu.dma_semaphore, #tpu.memory_space<semaphore_mem>> -> memref<1x!tpu.dma_semaphore, #tpu.memory_space<semaphore_mem>>
        %dma_start3A_717 = tpu.memref_squeeze %dma_start3A_716 : memref<1x!tpu.dma_semaphore, #tpu.memory_space<semaphore_mem>> -> memref<!tpu.dma_semaphore, #tpu.memory_space<semaphore_mem>>
        %dma_start3A_718 = arith.constant 0 : i32
        %dma_start3A_719 = tpu.memref_slice %arg8[%dma_start3A_710, %dma_start3A_718] : memref<6x128xi32, #tpu.memory_space<vmem>> -> memref<1x128xi32, #tpu.memory_space<vmem>>
        %dma_start3A_720 = tpu.memref_squeeze %dma_start3A_719 : memref<1x128xi32, #tpu.memory_space<vmem>> -> memref<128xi32, #tpu.memory_space<vmem>>
        %dma_start3A_721 = tpu.memref_slice %arg4[%multiple_of3A_673] : memref<320256xi32, #tpu.memory_space<hbm>> -> memref<128xi32, #tpu.memory_space<hbm>>
        tpu.enqueue_dma source(%dma_start3A_721 : memref<128xi32, #tpu.memory_space<hbm>>) target(%dma_start3A_720 : memref<128xi32, #tpu.memory_space<vmem>>) target_semaphore(%dma_start3A_717 : memref<!tpu.dma_semaphore, #tpu.memory_space<semaphore_mem>>)
      } else {
      }
    }
    %while3A_146 = arith.constant 1 : i32
    scf.for %while3A_153 = %while3A_144 to %while3A_140 step %while3A_146  : i32 {
      %mul3A_154 = arith.constant 2 : i32
      %mul3A_155 = arith.muli %mul3A_154, %while3A_153 : i32
      %mul3A_156 = arith.constant 3 : i32
      %mul3A_157 = arith.muli %mul3A_155, %mul3A_156 : i32
      %add3A_158 = arith.addi %mul3A_10, %mul3A_157 : i32
      %mul3A_159 = arith.constant 128 : i32
      %mul3A_160 = arith.muli %add3A_158, %mul3A_159 : i32
      %multiple_of3A_161 = tpu.assume_multiple %mul3A_160, 8 : i32
      %add3A_162 = arith.constant 0 : i32
      %add3A_163 = arith.addi %multiple_of3A_161, %add3A_162 : i32
      %multiple_of3A_164 = tpu.assume_multiple %add3A_163, 8 : i32
      %add3A_165 = arith.constant 128 : i32
      %add3A_166 = arith.addi %multiple_of3A_161, %add3A_165 : i32
      %multiple_of3A_167 = tpu.assume_multiple %add3A_166, 8 : i32
      %add3A_168 = arith.constant 256 : i32
      %add3A_169 = arith.addi %multiple_of3A_161, %add3A_168 : i32
      %multiple_of3A_170 = tpu.assume_multiple %add3A_169, 8 : i32
      %dma_wait3A = arith.constant 0 : i32
      %dma_wait3A_171 = arith.constant 0 : i32
      %dma_wait3A_172 = arith.constant 0 : i32
      %dma_wait3A_173 = tpu.memref_slice %arg7[%dma_wait3A, %dma_wait3A_172] : memref<2x384xi32, #tpu.memory_space<vmem>> -> memref<1x384xi32, #tpu.memory_space<vmem>>
      %dma_wait3A_174 = tpu.memref_squeeze %dma_wait3A_173 : memref<1x384xi32, #tpu.memory_space<vmem>> -> memref<384xi32, #tpu.memory_space<vmem>>
      %dma_wait3A_175 = tpu.memref_slice %arg3[%multiple_of3A_161] : memref<320256xi32, #tpu.memory_space<hbm>> -> memref<384xi32, #tpu.memory_space<hbm>>
      %dma_wait3A_176 = tpu.memref_slice %arg11[%dma_wait3A_171] : memref<2x!tpu.dma_semaphore, #tpu.memory_space<semaphore_mem>> -> memref<1x!tpu.dma_semaphore, #tpu.memory_space<semaphore_mem>>
      %dma_wait3A_177 = tpu.memref_squeeze %dma_wait3A_176 : memref<1x!tpu.dma_semaphore, #tpu.memory_space<semaphore_mem>> -> memref<!tpu.dma_semaphore, #tpu.memory_space<semaphore_mem>>
      %dma_wait3A_178 = arith.constant 0 : i32
      %dma_wait3A_179 = tpu.memref_slice %arg7[%dma_wait3A, %dma_wait3A_178] : memref<2x384xi32, #tpu.memory_space<vmem>> -> memref<1x384xi32, #tpu.memory_space<vmem>>
      %dma_wait3A_180 = tpu.memref_squeeze %dma_wait3A_179 : memref<1x384xi32, #tpu.memory_space<vmem>> -> memref<384xi32, #tpu.memory_space<vmem>>
      %dma_wait3A_181 = tpu.memref_slice %arg3[%multiple_of3A_161] : memref<320256xi32, #tpu.memory_space<hbm>> -> memref<384xi32, #tpu.memory_space<hbm>>
      tpu.wait_dma2 semaphore(%dma_wait3A_177 : memref<!tpu.dma_semaphore, #tpu.memory_space<semaphore_mem>>) src(%dma_wait3A_181 : memref<384xi32, #tpu.memory_space<hbm>>) dst(%dma_wait3A_180 : memref<384xi32, #tpu.memory_space<vmem>>)
      %dma_wait3A_182 = arith.constant 0 : i32
      %dma_wait3A_183 = arith.constant 0 : i32
      %dma_wait3A_184 = arith.constant 0 : i32
      %dma_wait3A_185 = tpu.memref_slice %arg8[%dma_wait3A_182, %dma_wait3A_184] : memref<6x128xi32, #tpu.memory_space<vmem>> -> memref<1x128xi32, #tpu.memory_space<vmem>>
      %dma_wait3A_186 = tpu.memref_squeeze %dma_wait3A_185 : memref<1x128xi32, #tpu.memory_space<vmem>> -> memref<128xi32, #tpu.memory_space<vmem>>
      %dma_wait3A_187 = tpu.memref_slice %arg4[%multiple_of3A_164] : memref<320256xi32, #tpu.memory_space<hbm>> -> memref<128xi32, #tpu.memory_space<hbm>>
      %dma_wait3A_188 = tpu.memref_slice %arg11[%dma_wait3A_183] : memref<2x!tpu.dma_semaphore, #tpu.memory_space<semaphore_mem>> -> memref<1x!tpu.dma_semaphore, #tpu.memory_space<semaphore_mem>>
      %dma_wait3A_189 = tpu.memref_squeeze %dma_wait3A_188 : memref<1x!tpu.dma_semaphore, #tpu.memory_space<semaphore_mem>> -> memref<!tpu.dma_semaphore, #tpu.memory_space<semaphore_mem>>
      %dma_wait3A_190 = arith.constant 0 : i32
      %dma_wait3A_191 = tpu.memref_slice %arg8[%dma_wait3A_182, %dma_wait3A_190] : memref<6x128xi32, #tpu.memory_space<vmem>> -> memref<1x128xi32, #tpu.memory_space<vmem>>
      %dma_wait3A_192 = tpu.memref_squeeze %dma_wait3A_191 : memref<1x128xi32, #tpu.memory_space<vmem>> -> memref<128xi32, #tpu.memory_space<vmem>>
      %dma_wait3A_193 = tpu.memref_slice %arg4[%multiple_of3A_164] : memref<320256xi32, #tpu.memory_space<hbm>> -> memref<128xi32, #tpu.memory_space<hbm>>
      tpu.wait_dma2 semaphore(%dma_wait3A_189 : memref<!tpu.dma_semaphore, #tpu.memory_space<semaphore_mem>>) src(%dma_wait3A_193 : memref<128xi32, #tpu.memory_space<hbm>>) dst(%dma_wait3A_192 : memref<128xi32, #tpu.memory_space<vmem>>)
      %dma_wait3A_194 = arith.constant 1 : i32
      %dma_wait3A_195 = arith.constant 0 : i32
      %dma_wait3A_196 = arith.constant 0 : i32
      %dma_wait3A_197 = tpu.memref_slice %arg8[%dma_wait3A_194, %dma_wait3A_196] : memref<6x128xi32, #tpu.memory_space<vmem>> -> memref<1x128xi32, #tpu.memory_space<vmem>>
      %dma_wait3A_198 = tpu.memref_squeeze %dma_wait3A_197 : memref<1x128xi32, #tpu.memory_space<vmem>> -> memref<128xi32, #tpu.memory_space<vmem>>
      %dma_wait3A_199 = tpu.memref_slice %arg4[%multiple_of3A_167] : memref<320256xi32, #tpu.memory_space<hbm>> -> memref<128xi32, #tpu.memory_space<hbm>>
      %dma_wait3A_200 = tpu.memref_slice %arg11[%dma_wait3A_195] : memref<2x!tpu.dma_semaphore, #tpu.memory_space<semaphore_mem>> -> memref<1x!tpu.dma_semaphore, #tpu.memory_space<semaphore_mem>>
      %dma_wait3A_201 = tpu.memref_squeeze %dma_wait3A_200 : memref<1x!tpu.dma_semaphore, #tpu.memory_space<semaphore_mem>> -> memref<!tpu.dma_semaphore, #tpu.memory_space<semaphore_mem>>
      %dma_wait3A_202 = arith.constant 0 : i32
      %dma_wait3A_203 = tpu.memref_slice %arg8[%dma_wait3A_194, %dma_wait3A_202] : memref<6x128xi32, #tpu.memory_space<vmem>> -> memref<1x128xi32, #tpu.memory_space<vmem>>
      %dma_wait3A_204 = tpu.memref_squeeze %dma_wait3A_203 : memref<1x128xi32, #tpu.memory_space<vmem>> -> memref<128xi32, #tpu.memory_space<vmem>>
      %dma_wait3A_205 = tpu.memref_slice %arg4[%multiple_of3A_167] : memref<320256xi32, #tpu.memory_space<hbm>> -> memref<128xi32, #tpu.memory_space<hbm>>
      tpu.wait_dma2 semaphore(%dma_wait3A_201 : memref<!tpu.dma_semaphore, #tpu.memory_space<semaphore_mem>>) src(%dma_wait3A_205 : memref<128xi32, #tpu.memory_space<hbm>>) dst(%dma_wait3A_204 : memref<128xi32, #tpu.memory_space<vmem>>)
      %dma_wait3A_206 = arith.constant 2 : i32
      %dma_wait3A_207 = arith.constant 0 : i32
      %dma_wait3A_208 = arith.constant 0 : i32
      %dma_wait3A_209 = tpu.memref_slice %arg8[%dma_wait3A_206, %dma_wait3A_208] : memref<6x128xi32, #tpu.memory_space<vmem>> -> memref<1x128xi32, #tpu.memory_space<vmem>>
      %dma_wait3A_210 = tpu.memref_squeeze %dma_wait3A_209 : memref<1x128xi32, #tpu.memory_space<vmem>> -> memref<128xi32, #tpu.memory_space<vmem>>
      %dma_wait3A_211 = tpu.memref_slice %arg4[%multiple_of3A_170] : memref<320256xi32, #tpu.memory_space<hbm>> -> memref<128xi32, #tpu.memory_space<hbm>>
      %dma_wait3A_212 = tpu.memref_slice %arg11[%dma_wait3A_207] : memref<2x!tpu.dma_semaphore, #tpu.memory_space<semaphore_mem>> -> memref<1x!tpu.dma_semaphore, #tpu.memory_space<semaphore_mem>>
      %dma_wait3A_213 = tpu.memref_squeeze %dma_wait3A_212 : memref<1x!tpu.dma_semaphore, #tpu.memory_space<semaphore_mem>> -> memref<!tpu.dma_semaphore, #tpu.memory_space<semaphore_mem>>
      %dma_wait3A_214 = arith.constant 0 : i32
      %dma_wait3A_215 = tpu.memref_slice %arg8[%dma_wait3A_206, %dma_wait3A_214] : memref<6x128xi32, #tpu.memory_space<vmem>> -> memref<1x128xi32, #tpu.memory_space<vmem>>
      %dma_wait3A_216 = tpu.memref_squeeze %dma_wait3A_215 : memref<1x128xi32, #tpu.memory_space<vmem>> -> memref<128xi32, #tpu.memory_space<vmem>>
      %dma_wait3A_217 = tpu.memref_slice %arg4[%multiple_of3A_170] : memref<320256xi32, #tpu.memory_space<hbm>> -> memref<128xi32, #tpu.memory_space<hbm>>
      tpu.wait_dma2 semaphore(%dma_wait3A_213 : memref<!tpu.dma_semaphore, #tpu.memory_space<semaphore_mem>>) src(%dma_wait3A_217 : memref<128xi32, #tpu.memory_space<hbm>>) dst(%dma_wait3A_216 : memref<128xi32, #tpu.memory_space<vmem>>)
      %dma_start3A_218 = arith.constant 0 : i32
      %dma_start3A_219 = arith.constant 0 : i32
      %dma_start3A_220 = arith.constant 0 : i32
      %dma_start3A_221 = arith.constant 0 : i32
      %dma_start3A_222 = arith.constant 0 : i32
      %dma_start3A_223 = tpu.memref_slice %arg9[%dma_start3A_219, %dma_start3A_221, %dma_start3A_222] : memref<3x128x128xf32, #tpu.memory_space<vmem>> -> memref<1x128x128xf32, #tpu.memory_space<vmem>>
      %dma_start3A_224 = tpu.memref_squeeze %dma_start3A_223 : memref<1x128x128xf32, #tpu.memory_space<vmem>> -> memref<128x128xf32, #tpu.memory_space<vmem>>
      %dma_start3A_225 = arith.constant 0 : i32
      %dma_start3A_226 = tpu.memref_slice %arg7[%dma_start3A_218, %dma_start3A_225] : memref<2x384xi32, #tpu.memory_space<vmem>> -> memref<1x128xi32, #tpu.memory_space<vmem>>
      %dma_start3A_227 = tpu.memref_squeeze %dma_start3A_226 : memref<1x128xi32, #tpu.memory_space<vmem>> -> memref<128xi32, #tpu.memory_space<vmem>>
      %dma_start3A_228 = arith.constant 0 : i32
      %dma_start3A_229 = arith.constant 0 : i32
      %dma_start3A_230 = tpu.memref_slice %arg2[%dma_start3A_228, %dma_start3A_229] : memref<10000x128xf32, #tpu.memory_space<hbm>> -> memref<10000x128xf32, #tpu.memory_space<hbm>>
      %dma_start3A_231 = tpu.memref_slice %arg12[%dma_start3A_220] : memref<3x!tpu.dma_semaphore, #tpu.memory_space<semaphore_mem>> -> memref<1x!tpu.dma_semaphore, #tpu.memory_space<semaphore_mem>>
      %dma_start3A_232 = tpu.memref_squeeze %dma_start3A_231 : memref<1x!tpu.dma_semaphore, #tpu.memory_space<semaphore_mem>> -> memref<!tpu.dma_semaphore, #tpu.memory_space<semaphore_mem>>
      tpu.enqueue_indirect_dma source(%dma_start3A_230 : memref<10000x128xf32, #tpu.memory_space<hbm>>) target(%dma_start3A_224 : memref<128x128xf32, #tpu.memory_space<vmem>>) offsets(%dma_start3A_227 : memref<128xi32, #tpu.memory_space<vmem>>) semaphore(%dma_start3A_232 : memref<!tpu.dma_semaphore, #tpu.memory_space<semaphore_mem>>)
      %dma_start3A_233 = arith.constant 0 : i32
      %dma_start3A_234 = arith.constant 1 : i32
      %dma_start3A_235 = arith.constant 1 : i32
      %dma_start3A_236 = arith.constant 0 : i32
      %dma_start3A_237 = arith.constant 0 : i32
      %dma_start3A_238 = tpu.memref_slice %arg9[%dma_start3A_234, %dma_start3A_236, %dma_start3A_237] : memref<3x128x128xf32, #tpu.memory_space<vmem>> -> memref<1x128x128xf32, #tpu.memory_space<vmem>>
      %dma_start3A_239 = tpu.memref_squeeze %dma_start3A_238 : memref<1x128x128xf32, #tpu.memory_space<vmem>> -> memref<128x128xf32, #tpu.memory_space<vmem>>
      %dma_start3A_240 = arith.constant 128 : i32
      %dma_start3A_241 = tpu.memref_slice %arg7[%dma_start3A_233, %dma_start3A_240] : memref<2x384xi32, #tpu.memory_space<vmem>> -> memref<1x128xi32, #tpu.memory_space<vmem>>
      %dma_start3A_242 = tpu.memref_squeeze %dma_start3A_241 : memref<1x128xi32, #tpu.memory_space<vmem>> -> memref<128xi32, #tpu.memory_space<vmem>>
      %dma_start3A_243 = arith.constant 0 : i32
      %dma_start3A_244 = arith.constant 0 : i32
      %dma_start3A_245 = tpu.memref_slice %arg2[%dma_start3A_243, %dma_start3A_244] : memref<10000x128xf32, #tpu.memory_space<hbm>> -> memref<10000x128xf32, #tpu.memory_space<hbm>>
      %dma_start3A_246 = tpu.memref_slice %arg12[%dma_start3A_235] : memref<3x!tpu.dma_semaphore, #tpu.memory_space<semaphore_mem>> -> memref<1x!tpu.dma_semaphore, #tpu.memory_space<semaphore_mem>>
      %dma_start3A_247 = tpu.memref_squeeze %dma_start3A_246 : memref<1x!tpu.dma_semaphore, #tpu.memory_space<semaphore_mem>> -> memref<!tpu.dma_semaphore, #tpu.memory_space<semaphore_mem>>
      tpu.enqueue_indirect_dma source(%dma_start3A_245 : memref<10000x128xf32, #tpu.memory_space<hbm>>) target(%dma_start3A_239 : memref<128x128xf32, #tpu.memory_space<vmem>>) offsets(%dma_start3A_242 : memref<128xi32, #tpu.memory_space<vmem>>) semaphore(%dma_start3A_247 : memref<!tpu.dma_semaphore, #tpu.memory_space<semaphore_mem>>)
      %dma_start3A_248 = arith.constant 0 : i32
      %dma_start3A_249 = arith.constant 2 : i32
      %dma_start3A_250 = arith.constant 2 : i32
      %dma_start3A_251 = arith.constant 0 : i32
      %dma_start3A_252 = arith.constant 0 : i32
      %dma_start3A_253 = tpu.memref_slice %arg9[%dma_start3A_249, %dma_start3A_251, %dma_start3A_252] : memref<3x128x128xf32, #tpu.memory_space<vmem>> -> memref<1x128x128xf32, #tpu.memory_space<vmem>>
      %dma_start3A_254 = tpu.memref_squeeze %dma_start3A_253 : memref<1x128x128xf32, #tpu.memory_space<vmem>> -> memref<128x128xf32, #tpu.memory_space<vmem>>
      %dma_start3A_255 = arith.constant 256 : i32
      %dma_start3A_256 = tpu.memref_slice %arg7[%dma_start3A_248, %dma_start3A_255] : memref<2x384xi32, #tpu.memory_space<vmem>> -> memref<1x128xi32, #tpu.memory_space<vmem>>
      %dma_start3A_257 = tpu.memref_squeeze %dma_start3A_256 : memref<1x128xi32, #tpu.memory_space<vmem>> -> memref<128xi32, #tpu.memory_space<vmem>>
      %dma_start3A_258 = arith.constant 0 : i32
      %dma_start3A_259 = arith.constant 0 : i32
      %dma_start3A_260 = tpu.memref_slice %arg2[%dma_start3A_258, %dma_start3A_259] : memref<10000x128xf32, #tpu.memory_space<hbm>> -> memref<10000x128xf32, #tpu.memory_space<hbm>>
      %dma_start3A_261 = tpu.memref_slice %arg12[%dma_start3A_250] : memref<3x!tpu.dma_semaphore, #tpu.memory_space<semaphore_mem>> -> memref<1x!tpu.dma_semaphore, #tpu.memory_space<semaphore_mem>>
      %dma_start3A_262 = tpu.memref_squeeze %dma_start3A_261 : memref<1x!tpu.dma_semaphore, #tpu.memory_space<semaphore_mem>> -> memref<!tpu.dma_semaphore, #tpu.memory_space<semaphore_mem>>
      tpu.enqueue_indirect_dma source(%dma_start3A_260 : memref<10000x128xf32, #tpu.memory_space<hbm>>) target(%dma_start3A_254 : memref<128x128xf32, #tpu.memory_space<vmem>>) offsets(%dma_start3A_257 : memref<128xi32, #tpu.memory_space<vmem>>) semaphore(%dma_start3A_262 : memref<!tpu.dma_semaphore, #tpu.memory_space<semaphore_mem>>)
      %dma_wait3A_263 = arith.constant 0 : i32
      %dma_wait3A_264 = arith.constant 0 : i32
      %dma_wait3A_265 = arith.constant 0 : i32
      %dma_wait3A_266 = arith.constant 0 : i32
      %dma_wait3A_267 = arith.constant 0 : i32
      %dma_wait3A_268 = tpu.memref_slice %arg9[%dma_wait3A_264, %dma_wait3A_266, %dma_wait3A_267] : memref<3x128x128xf32, #tpu.memory_space<vmem>> -> memref<1x128x128xf32, #tpu.memory_space<vmem>>
      %dma_wait3A_269 = tpu.memref_squeeze %dma_wait3A_268 : memref<1x128x128xf32, #tpu.memory_space<vmem>> -> memref<128x128xf32, #tpu.memory_space<vmem>>
      %dma_wait3A_270 = arith.constant 0 : i32
      %dma_wait3A_271 = tpu.memref_slice %arg7[%dma_wait3A_263, %dma_wait3A_270] : memref<2x384xi32, #tpu.memory_space<vmem>> -> memref<1x128xi32, #tpu.memory_space<vmem>>
      %dma_wait3A_272 = tpu.memref_squeeze %dma_wait3A_271 : memref<1x128xi32, #tpu.memory_space<vmem>> -> memref<128xi32, #tpu.memory_space<vmem>>
      %dma_wait3A_273 = arith.constant 0 : i32
      %dma_wait3A_274 = arith.constant 0 : i32
      %dma_wait3A_275 = tpu.memref_slice %arg2[%dma_wait3A_273, %dma_wait3A_274] : memref<10000x128xf32, #tpu.memory_space<hbm>> -> memref<10000x128xf32, #tpu.memory_space<hbm>>
      %dma_wait3A_276 = tpu.memref_slice %arg12[%dma_wait3A_265] : memref<3x!tpu.dma_semaphore, #tpu.memory_space<semaphore_mem>> -> memref<1x!tpu.dma_semaphore, #tpu.memory_space<semaphore_mem>>
      %dma_wait3A_277 = tpu.memref_squeeze %dma_wait3A_276 : memref<1x!tpu.dma_semaphore, #tpu.memory_space<semaphore_mem>> -> memref<!tpu.dma_semaphore, #tpu.memory_space<semaphore_mem>>
      tpu.wait_indirect_dma semaphore(%dma_wait3A_277 : memref<!tpu.dma_semaphore, #tpu.memory_space<semaphore_mem>>) src(%dma_wait3A_275 : memref<10000x128xf32, #tpu.memory_space<hbm>>) dst(%dma_wait3A_269 : memref<128x128xf32, #tpu.memory_space<vmem>>)
      %dma_start3A_278 = arith.constant 0 : i32
      %dma_start3A_279 = arith.constant 0 : i32
      %dma_start3A_280 = arith.constant 0 : i32
      %dma_start3A_281 = arith.constant 0 : i32
      %dma_start3A_282 = arith.constant 0 : i32
      %dma_start3A_283 = tpu.memref_slice %arg9[%dma_start3A_278, %dma_start3A_281, %dma_start3A_282] : memref<3x128x128xf32, #tpu.memory_space<vmem>> -> memref<1x128x128xf32, #tpu.memory_space<vmem>>
      %dma_start3A_284 = tpu.memref_squeeze %dma_start3A_283 : memref<1x128x128xf32, #tpu.memory_space<vmem>> -> memref<128x128xf32, #tpu.memory_space<vmem>>
      %dma_start3A_285 = arith.constant 0 : i32
      %dma_start3A_286 = tpu.memref_slice %arg8[%dma_start3A_279, %dma_start3A_285] : memref<6x128xi32, #tpu.memory_space<vmem>> -> memref<1x128xi32, #tpu.memory_space<vmem>>
      %dma_start3A_287 = tpu.memref_squeeze %dma_start3A_286 : memref<1x128xi32, #tpu.memory_space<vmem>> -> memref<128xi32, #tpu.memory_space<vmem>>
      %dma_start3A_288 = arith.constant 0 : i32
      %dma_start3A_289 = arith.constant 0 : i32
      %dma_start3A_290 = tpu.memref_slice %arg10[%dma_start3A_288, %dma_start3A_289] : memref<10016x128xf32, #tpu.memory_space<vmem_shared>> -> memref<10016x128xf32, #tpu.memory_space<vmem_shared>>
      %dma_start3A_291 = tpu.memref_slice %arg13[%dma_start3A_280] : memref<3x!tpu.dma_semaphore, #tpu.memory_space<semaphore_mem>> -> memref<1x!tpu.dma_semaphore, #tpu.memory_space<semaphore_mem>>
      %dma_start3A_292 = tpu.memref_squeeze %dma_start3A_291 : memref<1x!tpu.dma_semaphore, #tpu.memory_space<semaphore_mem>> -> memref<!tpu.dma_semaphore, #tpu.memory_space<semaphore_mem>>
      tpu.enqueue_indirect_dma source(%dma_start3A_284 : memref<128x128xf32, #tpu.memory_space<vmem>>) target(%dma_start3A_290 : memref<10016x128xf32, #tpu.memory_space<vmem_shared>>) offsets(%dma_start3A_287 : memref<128xi32, #tpu.memory_space<vmem>>) semaphore(%dma_start3A_292 : memref<!tpu.dma_semaphore, #tpu.memory_space<semaphore_mem>>) {add = true}
      %dma_wait3A_293 = arith.constant 0 : i32
      %dma_wait3A_294 = arith.constant 1 : i32
      %dma_wait3A_295 = arith.constant 1 : i32
      %dma_wait3A_296 = arith.constant 0 : i32
      %dma_wait3A_297 = arith.constant 0 : i32
      %dma_wait3A_298 = tpu.memref_slice %arg9[%dma_wait3A_294, %dma_wait3A_296, %dma_wait3A_297] : memref<3x128x128xf32, #tpu.memory_space<vmem>> -> memref<1x128x128xf32, #tpu.memory_space<vmem>>
      %dma_wait3A_299 = tpu.memref_squeeze %dma_wait3A_298 : memref<1x128x128xf32, #tpu.memory_space<vmem>> -> memref<128x128xf32, #tpu.memory_space<vmem>>
      %dma_wait3A_300 = arith.constant 128 : i32
      %dma_wait3A_301 = tpu.memref_slice %arg7[%dma_wait3A_293, %dma_wait3A_300] : memref<2x384xi32, #tpu.memory_space<vmem>> -> memref<1x128xi32, #tpu.memory_space<vmem>>
      %dma_wait3A_302 = tpu.memref_squeeze %dma_wait3A_301 : memref<1x128xi32, #tpu.memory_space<vmem>> -> memref<128xi32, #tpu.memory_space<vmem>>
      %dma_wait3A_303 = arith.constant 0 : i32
      %dma_wait3A_304 = arith.constant 0 : i32
      %dma_wait3A_305 = tpu.memref_slice %arg2[%dma_wait3A_303, %dma_wait3A_304] : memref<10000x128xf32, #tpu.memory_space<hbm>> -> memref<10000x128xf32, #tpu.memory_space<hbm>>
      %dma_wait3A_306 = tpu.memref_slice %arg12[%dma_wait3A_295] : memref<3x!tpu.dma_semaphore, #tpu.memory_space<semaphore_mem>> -> memref<1x!tpu.dma_semaphore, #tpu.memory_space<semaphore_mem>>
      %dma_wait3A_307 = tpu.memref_squeeze %dma_wait3A_306 : memref<1x!tpu.dma_semaphore, #tpu.memory_space<semaphore_mem>> -> memref<!tpu.dma_semaphore, #tpu.memory_space<semaphore_mem>>
      tpu.wait_indirect_dma semaphore(%dma_wait3A_307 : memref<!tpu.dma_semaphore, #tpu.memory_space<semaphore_mem>>) src(%dma_wait3A_305 : memref<10000x128xf32, #tpu.memory_space<hbm>>) dst(%dma_wait3A_299 : memref<128x128xf32, #tpu.memory_space<vmem>>)
      %dma_start3A_308 = arith.constant 1 : i32
      %dma_start3A_309 = arith.constant 1 : i32
      %dma_start3A_310 = arith.constant 1 : i32
      %dma_start3A_311 = arith.constant 0 : i32
      %dma_start3A_312 = arith.constant 0 : i32
      %dma_start3A_313 = tpu.memref_slice %arg9[%dma_start3A_308, %dma_start3A_311, %dma_start3A_312] : memref<3x128x128xf32, #tpu.memory_space<vmem>> -> memref<1x128x128xf32, #tpu.memory_space<vmem>>
      %dma_start3A_314 = tpu.memref_squeeze %dma_start3A_313 : memref<1x128x128xf32, #tpu.memory_space<vmem>> -> memref<128x128xf32, #tpu.memory_space<vmem>>
      %dma_start3A_315 = arith.constant 0 : i32
      %dma_start3A_316 = tpu.memref_slice %arg8[%dma_start3A_309, %dma_start3A_315] : memref<6x128xi32, #tpu.memory_space<vmem>> -> memref<1x128xi32, #tpu.memory_space<vmem>>
      %dma_start3A_317 = tpu.memref_squeeze %dma_start3A_316 : memref<1x128xi32, #tpu.memory_space<vmem>> -> memref<128xi32, #tpu.memory_space<vmem>>
      %dma_start3A_318 = arith.constant 0 : i32
      %dma_start3A_319 = arith.constant 0 : i32
      %dma_start3A_320 = tpu.memref_slice %arg10[%dma_start3A_318, %dma_start3A_319] : memref<10016x128xf32, #tpu.memory_space<vmem_shared>> -> memref<10016x128xf32, #tpu.memory_space<vmem_shared>>
      %dma_start3A_321 = tpu.memref_slice %arg13[%dma_start3A_310] : memref<3x!tpu.dma_semaphore, #tpu.memory_space<semaphore_mem>> -> memref<1x!tpu.dma_semaphore, #tpu.memory_space<semaphore_mem>>
      %dma_start3A_322 = tpu.memref_squeeze %dma_start3A_321 : memref<1x!tpu.dma_semaphore, #tpu.memory_space<semaphore_mem>> -> memref<!tpu.dma_semaphore, #tpu.memory_space<semaphore_mem>>
      tpu.enqueue_indirect_dma source(%dma_start3A_314 : memref<128x128xf32, #tpu.memory_space<vmem>>) target(%dma_start3A_320 : memref<10016x128xf32, #tpu.memory_space<vmem_shared>>) offsets(%dma_start3A_317 : memref<128xi32, #tpu.memory_space<vmem>>) semaphore(%dma_start3A_322 : memref<!tpu.dma_semaphore, #tpu.memory_space<semaphore_mem>>) {add = true}
      %dma_wait3A_323 = arith.constant 0 : i32
      %dma_wait3A_324 = arith.constant 2 : i32
      %dma_wait3A_325 = arith.constant 2 : i32
      %dma_wait3A_326 = arith.constant 0 : i32
      %dma_wait3A_327 = arith.constant 0 : i32
      %dma_wait3A_328 = tpu.memref_slice %arg9[%dma_wait3A_324, %dma_wait3A_326, %dma_wait3A_327] : memref<3x128x128xf32, #tpu.memory_space<vmem>> -> memref<1x128x128xf32, #tpu.memory_space<vmem>>
      %dma_wait3A_329 = tpu.memref_squeeze %dma_wait3A_328 : memref<1x128x128xf32, #tpu.memory_space<vmem>> -> memref<128x128xf32, #tpu.memory_space<vmem>>
      %dma_wait3A_330 = arith.constant 256 : i32
      %dma_wait3A_331 = tpu.memref_slice %arg7[%dma_wait3A_323, %dma_wait3A_330] : memref<2x384xi32, #tpu.memory_space<vmem>> -> memref<1x128xi32, #tpu.memory_space<vmem>>
      %dma_wait3A_332 = tpu.memref_squeeze %dma_wait3A_331 : memref<1x128xi32, #tpu.memory_space<vmem>> -> memref<128xi32, #tpu.memory_space<vmem>>
      %dma_wait3A_333 = arith.constant 0 : i32
      %dma_wait3A_334 = arith.constant 0 : i32
      %dma_wait3A_335 = tpu.memref_slice %arg2[%dma_wait3A_333, %dma_wait3A_334] : memref<10000x128xf32, #tpu.memory_space<hbm>> -> memref<10000x128xf32, #tpu.memory_space<hbm>>
      %dma_wait3A_336 = tpu.memref_slice %arg12[%dma_wait3A_325] : memref<3x!tpu.dma_semaphore, #tpu.memory_space<semaphore_mem>> -> memref<1x!tpu.dma_semaphore, #tpu.memory_space<semaphore_mem>>
      %dma_wait3A_337 = tpu.memref_squeeze %dma_wait3A_336 : memref<1x!tpu.dma_semaphore, #tpu.memory_space<semaphore_mem>> -> memref<!tpu.dma_semaphore, #tpu.memory_space<semaphore_mem>>
      tpu.wait_indirect_dma semaphore(%dma_wait3A_337 : memref<!tpu.dma_semaphore, #tpu.memory_space<semaphore_mem>>) src(%dma_wait3A_335 : memref<10000x128xf32, #tpu.memory_space<hbm>>) dst(%dma_wait3A_329 : memref<128x128xf32, #tpu.memory_space<vmem>>)
      %dma_start3A_338 = arith.constant 2 : i32
      %dma_start3A_339 = arith.constant 2 : i32
      %dma_start3A_340 = arith.constant 2 : i32
      %dma_start3A_341 = arith.constant 0 : i32
      %dma_start3A_342 = arith.constant 0 : i32
      %dma_start3A_343 = tpu.memref_slice %arg9[%dma_start3A_338, %dma_start3A_341, %dma_start3A_342] : memref<3x128x128xf32, #tpu.memory_space<vmem>> -> memref<1x128x128xf32, #tpu.memory_space<vmem>>
      %dma_start3A_344 = tpu.memref_squeeze %dma_start3A_343 : memref<1x128x128xf32, #tpu.memory_space<vmem>> -> memref<128x128xf32, #tpu.memory_space<vmem>>
      %dma_start3A_345 = arith.constant 0 : i32
      %dma_start3A_346 = tpu.memref_slice %arg8[%dma_start3A_339, %dma_start3A_345] : memref<6x128xi32, #tpu.memory_space<vmem>> -> memref<1x128xi32, #tpu.memory_space<vmem>>
      %dma_start3A_347 = tpu.memref_squeeze %dma_start3A_346 : memref<1x128xi32, #tpu.memory_space<vmem>> -> memref<128xi32, #tpu.memory_space<vmem>>
      %dma_start3A_348 = arith.constant 0 : i32
      %dma_start3A_349 = arith.constant 0 : i32
      %dma_start3A_350 = tpu.memref_slice %arg10[%dma_start3A_348, %dma_start3A_349] : memref<10016x128xf32, #tpu.memory_space<vmem_shared>> -> memref<10016x128xf32, #tpu.memory_space<vmem_shared>>
      %dma_start3A_351 = tpu.memref_slice %arg13[%dma_start3A_340] : memref<3x!tpu.dma_semaphore, #tpu.memory_space<semaphore_mem>> -> memref<1x!tpu.dma_semaphore, #tpu.memory_space<semaphore_mem>>
      %dma_start3A_352 = tpu.memref_squeeze %dma_start3A_351 : memref<1x!tpu.dma_semaphore, #tpu.memory_space<semaphore_mem>> -> memref<!tpu.dma_semaphore, #tpu.memory_space<semaphore_mem>>
      tpu.enqueue_indirect_dma source(%dma_start3A_344 : memref<128x128xf32, #tpu.memory_space<vmem>>) target(%dma_start3A_350 : memref<10016x128xf32, #tpu.memory_space<vmem_shared>>) offsets(%dma_start3A_347 : memref<128xi32, #tpu.memory_space<vmem>>) semaphore(%dma_start3A_352 : memref<!tpu.dma_semaphore, #tpu.memory_space<semaphore_mem>>) {add = true}
      %dma_wait3A_353 = arith.constant 0 : i32
      %dma_wait3A_354 = arith.constant 0 : i32
      %dma_wait3A_355 = arith.constant 0 : i32
      %dma_wait3A_356 = arith.constant 0 : i32
      %dma_wait3A_357 = arith.constant 0 : i32
      %dma_wait3A_358 = tpu.memref_slice %arg9[%dma_wait3A_353, %dma_wait3A_356, %dma_wait3A_357] : memref<3x128x128xf32, #tpu.memory_space<vmem>> -> memref<1x128x128xf32, #tpu.memory_space<vmem>>
      %dma_wait3A_359 = tpu.memref_squeeze %dma_wait3A_358 : memref<1x128x128xf32, #tpu.memory_space<vmem>> -> memref<128x128xf32, #tpu.memory_space<vmem>>
      %dma_wait3A_360 = arith.constant 0 : i32
      %dma_wait3A_361 = tpu.memref_slice %arg8[%dma_wait3A_354, %dma_wait3A_360] : memref<6x128xi32, #tpu.memory_space<vmem>> -> memref<1x128xi32, #tpu.memory_space<vmem>>
      %dma_wait3A_362 = tpu.memref_squeeze %dma_wait3A_361 : memref<1x128xi32, #tpu.memory_space<vmem>> -> memref<128xi32, #tpu.memory_space<vmem>>
      %dma_wait3A_363 = arith.constant 0 : i32
      %dma_wait3A_364 = arith.constant 0 : i32
      %dma_wait3A_365 = tpu.memref_slice %arg10[%dma_wait3A_363, %dma_wait3A_364] : memref<10016x128xf32, #tpu.memory_space<vmem_shared>> -> memref<10016x128xf32, #tpu.memory_space<vmem_shared>>
      %dma_wait3A_366 = tpu.memref_slice %arg13[%dma_wait3A_355] : memref<3x!tpu.dma_semaphore, #tpu.memory_space<semaphore_mem>> -> memref<1x!tpu.dma_semaphore, #tpu.memory_space<semaphore_mem>>
      %dma_wait3A_367 = tpu.memref_squeeze %dma_wait3A_366 : memref<1x!tpu.dma_semaphore, #tpu.memory_space<semaphore_mem>> -> memref<!tpu.dma_semaphore, #tpu.memory_space<semaphore_mem>>
      tpu.wait_indirect_dma semaphore(%dma_wait3A_367 : memref<!tpu.dma_semaphore, #tpu.memory_space<semaphore_mem>>) src(%dma_wait3A_359 : memref<128x128xf32, #tpu.memory_space<vmem>>) dst(%dma_wait3A_365 : memref<10016x128xf32, #tpu.memory_space<vmem_shared>>)
      %dma_wait3A_368 = arith.constant 1 : i32
      %dma_wait3A_369 = arith.constant 1 : i32
      %dma_wait3A_370 = arith.constant 1 : i32
      %dma_wait3A_371 = arith.constant 0 : i32
      %dma_wait3A_372 = arith.constant 0 : i32
      %dma_wait3A_373 = tpu.memref_slice %arg9[%dma_wait3A_368, %dma_wait3A_371, %dma_wait3A_372] : memref<3x128x128xf32, #tpu.memory_space<vmem>> -> memref<1x128x128xf32, #tpu.memory_space<vmem>>
      %dma_wait3A_374 = tpu.memref_squeeze %dma_wait3A_373 : memref<1x128x128xf32, #tpu.memory_space<vmem>> -> memref<128x128xf32, #tpu.memory_space<vmem>>
      %dma_wait3A_375 = arith.constant 0 : i32
      %dma_wait3A_376 = tpu.memref_slice %arg8[%dma_wait3A_369, %dma_wait3A_375] : memref<6x128xi32, #tpu.memory_space<vmem>> -> memref<1x128xi32, #tpu.memory_space<vmem>>
      %dma_wait3A_377 = tpu.memref_squeeze %dma_wait3A_376 : memref<1x128xi32, #tpu.memory_space<vmem>> -> memref<128xi32, #tpu.memory_space<vmem>>
      %dma_wait3A_378 = arith.constant 0 : i32
      %dma_wait3A_379 = arith.constant 0 : i32
      %dma_wait3A_380 = tpu.memref_slice %arg10[%dma_wait3A_378, %dma_wait3A_379] : memref<10016x128xf32, #tpu.memory_space<vmem_shared>> -> memref<10016x128xf32, #tpu.memory_space<vmem_shared>>
      %dma_wait3A_381 = tpu.memref_slice %arg13[%dma_wait3A_370] : memref<3x!tpu.dma_semaphore, #tpu.memory_space<semaphore_mem>> -> memref<1x!tpu.dma_semaphore, #tpu.memory_space<semaphore_mem>>
      %dma_wait3A_382 = tpu.memref_squeeze %dma_wait3A_381 : memref<1x!tpu.dma_semaphore, #tpu.memory_space<semaphore_mem>> -> memref<!tpu.dma_semaphore, #tpu.memory_space<semaphore_mem>>
      tpu.wait_indirect_dma semaphore(%dma_wait3A_382 : memref<!tpu.dma_semaphore, #tpu.memory_space<semaphore_mem>>) src(%dma_wait3A_374 : memref<128x128xf32, #tpu.memory_space<vmem>>) dst(%dma_wait3A_380 : memref<10016x128xf32, #tpu.memory_space<vmem_shared>>)
      %dma_wait3A_383 = arith.constant 2 : i32
      %dma_wait3A_384 = arith.constant 2 : i32
      %dma_wait3A_385 = arith.constant 2 : i32
      %dma_wait3A_386 = arith.constant 0 : i32
      %dma_wait3A_387 = arith.constant 0 : i32
      %dma_wait3A_388 = tpu.memref_slice %arg9[%dma_wait3A_383, %dma_wait3A_386, %dma_wait3A_387] : memref<3x128x128xf32, #tpu.memory_space<vmem>> -> memref<1x128x128xf32, #tpu.memory_space<vmem>>
      %dma_wait3A_389 = tpu.memref_squeeze %dma_wait3A_388 : memref<1x128x128xf32, #tpu.memory_space<vmem>> -> memref<128x128xf32, #tpu.memory_space<vmem>>
      %dma_wait3A_390 = arith.constant 0 : i32
      %dma_wait3A_391 = tpu.memref_slice %arg8[%dma_wait3A_384, %dma_wait3A_390] : memref<6x128xi32, #tpu.memory_space<vmem>> -> memref<1x128xi32, #tpu.memory_space<vmem>>
      %dma_wait3A_392 = tpu.memref_squeeze %dma_wait3A_391 : memref<1x128xi32, #tpu.memory_space<vmem>> -> memref<128xi32, #tpu.memory_space<vmem>>
      %dma_wait3A_393 = arith.constant 0 : i32
      %dma_wait3A_394 = arith.constant 0 : i32
      %dma_wait3A_395 = tpu.memref_slice %arg10[%dma_wait3A_393, %dma_wait3A_394] : memref<10016x128xf32, #tpu.memory_space<vmem_shared>> -> memref<10016x128xf32, #tpu.memory_space<vmem_shared>>
      %dma_wait3A_396 = tpu.memref_slice %arg13[%dma_wait3A_385] : memref<3x!tpu.dma_semaphore, #tpu.memory_space<semaphore_mem>> -> memref<1x!tpu.dma_semaphore, #tpu.memory_space<semaphore_mem>>
      %dma_wait3A_397 = tpu.memref_squeeze %dma_wait3A_396 : memref<1x!tpu.dma_semaphore, #tpu.memory_space<semaphore_mem>> -> memref<!tpu.dma_semaphore, #tpu.memory_space<semaphore_mem>>
      tpu.wait_indirect_dma semaphore(%dma_wait3A_397 : memref<!tpu.dma_semaphore, #tpu.memory_space<semaphore_mem>>) src(%dma_wait3A_389 : memref<128x128xf32, #tpu.memory_space<vmem>>) dst(%dma_wait3A_395 : memref<10016x128xf32, #tpu.memory_space<vmem_shared>>)
      %add3A_398 = arith.constant 2 : i32
      %add3A_399 = arith.addi %mul3A_155, %add3A_398 : i32
      %lt3A_400 = arith.cmpi slt, %add3A_399, %mul3A_12 : i32
      %convert_element_type3A_401 = arith.extui %lt3A_400 : i1 to i32
      %cond3A_402 = arith.constant 0 : i32
      %cond3A_403 = arith.cmpi ne, %convert_element_type3A_401, %cond3A_402 : i32
      scf.if %cond3A_403 {
        %add3A_657 = arith.constant 2 : i32
        %add3A_658 = arith.addi %mul3A_155, %add3A_657 : i32
        %mul3A_659 = arith.constant 3 : i32
        %mul3A_660 = arith.muli %add3A_658, %mul3A_659 : i32
        %add3A_661 = arith.addi %mul3A_10, %mul3A_660 : i32
        %mul3A_662 = arith.constant 128 : i32
        %mul3A_663 = arith.muli %add3A_661, %mul3A_662 : i32
        %multiple_of3A_664 = tpu.assume_multiple %mul3A_663, 8 : i32
        %add3A_665 = arith.constant 0 : i32
        %add3A_666 = arith.addi %multiple_of3A_664, %add3A_665 : i32
        %multiple_of3A_667 = tpu.assume_multiple %add3A_666, 8 : i32
        %add3A_668 = arith.constant 128 : i32
        %add3A_669 = arith.addi %multiple_of3A_664, %add3A_668 : i32
        %multiple_of3A_670 = tpu.assume_multiple %add3A_669, 8 : i32
        %add3A_671 = arith.constant 256 : i32
        %add3A_672 = arith.addi %multiple_of3A_664, %add3A_671 : i32
        %multiple_of3A_673 = tpu.assume_multiple %add3A_672, 8 : i32
        %dma_start3A_674 = arith.constant 0 : i32
        %dma_start3A_675 = arith.constant 0 : i32
        %dma_start3A_676 = arith.constant 0 : i32
        %dma_start3A_677 = tpu.memref_slice %arg7[%dma_start3A_674, %dma_start3A_676] : memref<2x384xi32, #tpu.memory_space<vmem>> -> memref<1x384xi32, #tpu.memory_space<vmem>>
        %dma_start3A_678 = tpu.memref_squeeze %dma_start3A_677 : memref<1x384xi32, #tpu.memory_space<vmem>> -> memref<384xi32, #tpu.memory_space<vmem>>
        %dma_start3A_679 = tpu.memref_slice %arg3[%multiple_of3A_664] : memref<320256xi32, #tpu.memory_space<hbm>> -> memref<384xi32, #tpu.memory_space<hbm>>
        %dma_start3A_680 = tpu.memref_slice %arg11[%dma_start3A_675] : memref<2x!tpu.dma_semaphore, #tpu.memory_space<semaphore_mem>> -> memref<1x!tpu.dma_semaphore, #tpu.memory_space<semaphore_mem>>
        %dma_start3A_681 = tpu.memref_squeeze %dma_start3A_680 : memref<1x!tpu.dma_semaphore, #tpu.memory_space<semaphore_mem>> -> memref<!tpu.dma_semaphore, #tpu.memory_space<semaphore_mem>>
        %dma_start3A_682 = arith.constant 0 : i32
        %dma_start3A_683 = tpu.memref_slice %arg7[%dma_start3A_674, %dma_start3A_682] : memref<2x384xi32, #tpu.memory_space<vmem>> -> memref<1x384xi32, #tpu.memory_space<vmem>>
        %dma_start3A_684 = tpu.memref_squeeze %dma_start3A_683 : memref<1x384xi32, #tpu.memory_space<vmem>> -> memref<384xi32, #tpu.memory_space<vmem>>
        %dma_start3A_685 = tpu.memref_slice %arg3[%multiple_of3A_664] : memref<320256xi32, #tpu.memory_space<hbm>> -> memref<384xi32, #tpu.memory_space<hbm>>
        tpu.enqueue_dma source(%dma_start3A_685 : memref<384xi32, #tpu.memory_space<hbm>>) target(%dma_start3A_684 : memref<384xi32, #tpu.memory_space<vmem>>) target_semaphore(%dma_start3A_681 : memref<!tpu.dma_semaphore, #tpu.memory_space<semaphore_mem>>)
        %dma_start3A_686 = arith.constant 0 : i32
        %dma_start3A_687 = arith.constant 0 : i32
        %dma_start3A_688 = arith.constant 0 : i32
        %dma_start3A_689 = tpu.memref_slice %arg8[%dma_start3A_686, %dma_start3A_688] : memref<6x128xi32, #tpu.memory_space<vmem>> -> memref<1x128xi32, #tpu.memory_space<vmem>>
        %dma_start3A_690 = tpu.memref_squeeze %dma_start3A_689 : memref<1x128xi32, #tpu.memory_space<vmem>> -> memref<128xi32, #tpu.memory_space<vmem>>
        %dma_start3A_691 = tpu.memref_slice %arg4[%multiple_of3A_667] : memref<320256xi32, #tpu.memory_space<hbm>> -> memref<128xi32, #tpu.memory_space<hbm>>
        %dma_start3A_692 = tpu.memref_slice %arg11[%dma_start3A_687] : memref<2x!tpu.dma_semaphore, #tpu.memory_space<semaphore_mem>> -> memref<1x!tpu.dma_semaphore, #tpu.memory_space<semaphore_mem>>
        %dma_start3A_693 = tpu.memref_squeeze %dma_start3A_692 : memref<1x!tpu.dma_semaphore, #tpu.memory_space<semaphore_mem>> -> memref<!tpu.dma_semaphore, #tpu.memory_space<semaphore_mem>>
        %dma_start3A_694 = arith.constant 0 : i32
        %dma_start3A_695 = tpu.memref_slice %arg8[%dma_start3A_686, %dma_start3A_694] : memref<6x128xi32, #tpu.memory_space<vmem>> -> memref<1x128xi32, #tpu.memory_space<vmem>>
        %dma_start3A_696 = tpu.memref_squeeze %dma_start3A_695 : memref<1x128xi32, #tpu.memory_space<vmem>> -> memref<128xi32, #tpu.memory_space<vmem>>
        %dma_start3A_697 = tpu.memref_slice %arg4[%multiple_of3A_667] : memref<320256xi32, #tpu.memory_space<hbm>> -> memref<128xi32, #tpu.memory_space<hbm>>
        tpu.enqueue_dma source(%dma_start3A_697 : memref<128xi32, #tpu.memory_space<hbm>>) target(%dma_start3A_696 : memref<128xi32, #tpu.memory_space<vmem>>) target_semaphore(%dma_start3A_693 : memref<!tpu.dma_semaphore, #tpu.memory_space<semaphore_mem>>)
        %dma_start3A_698 = arith.constant 1 : i32
        %dma_start3A_699 = arith.constant 0 : i32
        %dma_start3A_700 = arith.constant 0 : i32
        %dma_start3A_701 = tpu.memref_slice %arg8[%dma_start3A_698, %dma_start3A_700] : memref<6x128xi32, #tpu.memory_space<vmem>> -> memref<1x128xi32, #tpu.memory_space<vmem>>
        %dma_start3A_702 = tpu.memref_squeeze %dma_start3A_701 : memref<1x128xi32, #tpu.memory_space<vmem>> -> memref<128xi32, #tpu.memory_space<vmem>>
        %dma_start3A_703 = tpu.memref_slice %arg4[%multiple_of3A_670] : memref<320256xi32, #tpu.memory_space<hbm>> -> memref<128xi32, #tpu.memory_space<hbm>>
        %dma_start3A_704 = tpu.memref_slice %arg11[%dma_start3A_699] : memref<2x!tpu.dma_semaphore, #tpu.memory_space<semaphore_mem>> -> memref<1x!tpu.dma_semaphore, #tpu.memory_space<semaphore_mem>>
        %dma_start3A_705 = tpu.memref_squeeze %dma_start3A_704 : memref<1x!tpu.dma_semaphore, #tpu.memory_space<semaphore_mem>> -> memref<!tpu.dma_semaphore, #tpu.memory_space<semaphore_mem>>
        %dma_start3A_706 = arith.constant 0 : i32
        %dma_start3A_707 = tpu.memref_slice %arg8[%dma_start3A_698, %dma_start3A_706] : memref<6x128xi32, #tpu.memory_space<vmem>> -> memref<1x128xi32, #tpu.memory_space<vmem>>
        %dma_start3A_708 = tpu.memref_squeeze %dma_start3A_707 : memref<1x128xi32, #tpu.memory_space<vmem>> -> memref<128xi32, #tpu.memory_space<vmem>>
        %dma_start3A_709 = tpu.memref_slice %arg4[%multiple_of3A_670] : memref<320256xi32, #tpu.memory_space<hbm>> -> memref<128xi32, #tpu.memory_space<hbm>>
        tpu.enqueue_dma source(%dma_start3A_709 : memref<128xi32, #tpu.memory_space<hbm>>) target(%dma_start3A_708 : memref<128xi32, #tpu.memory_space<vmem>>) target_semaphore(%dma_start3A_705 : memref<!tpu.dma_semaphore, #tpu.memory_space<semaphore_mem>>)
        %dma_start3A_710 = arith.constant 2 : i32
        %dma_start3A_711 = arith.constant 0 : i32
        %dma_start3A_712 = arith.constant 0 : i32
        %dma_start3A_713 = tpu.memref_slice %arg8[%dma_start3A_710, %dma_start3A_712] : memref<6x128xi32, #tpu.memory_space<vmem>> -> memref<1x128xi32, #tpu.memory_space<vmem>>
        %dma_start3A_714 = tpu.memref_squeeze %dma_start3A_713 : memref<1x128xi32, #tpu.memory_space<vmem>> -> memref<128xi32, #tpu.memory_space<vmem>>
        %dma_start3A_715 = tpu.memref_slice %arg4[%multiple_of3A_673] : memref<320256xi32, #tpu.memory_space<hbm>> -> memref<128xi32, #tpu.memory_space<hbm>>
        %dma_start3A_716 = tpu.memref_slice %arg11[%dma_start3A_711] : memref<2x!tpu.dma_semaphore, #tpu.memory_space<semaphore_mem>> -> memref<1x!tpu.dma_semaphore, #tpu.memory_space<semaphore_mem>>
        %dma_start3A_717 = tpu.memref_squeeze %dma_start3A_716 : memref<1x!tpu.dma_semaphore, #tpu.memory_space<semaphore_mem>> -> memref<!tpu.dma_semaphore, #tpu.memory_space<semaphore_mem>>
        %dma_start3A_718 = arith.constant 0 : i32
        %dma_start3A_719 = tpu.memref_slice %arg8[%dma_start3A_710, %dma_start3A_718] : memref<6x128xi32, #tpu.memory_space<vmem>> -> memref<1x128xi32, #tpu.memory_space<vmem>>
        %dma_start3A_720 = tpu.memref_squeeze %dma_start3A_719 : memref<1x128xi32, #tpu.memory_space<vmem>> -> memref<128xi32, #tpu.memory_space<vmem>>
        %dma_start3A_721 = tpu.memref_slice %arg4[%multiple_of3A_673] : memref<320256xi32, #tpu.memory_space<hbm>> -> memref<128xi32, #tpu.memory_space<hbm>>
        tpu.enqueue_dma source(%dma_start3A_721 : memref<128xi32, #tpu.memory_space<hbm>>) target(%dma_start3A_720 : memref<128xi32, #tpu.memory_space<vmem>>) target_semaphore(%dma_start3A_717 : memref<!tpu.dma_semaphore, #tpu.memory_space<semaphore_mem>>)
      } else {
      }
      %mul3A_404 = arith.constant 2 : i32
      %mul3A_405 = arith.muli %mul3A_404, %while3A_153 : i32
      %add3A_406 = arith.constant 1 : i32
      %add3A_407 = arith.addi %mul3A_405, %add3A_406 : i32
      %mul3A_408 = arith.constant 3 : i32
      %mul3A_409 = arith.muli %add3A_407, %mul3A_408 : i32
      %add3A_410 = arith.addi %mul3A_10, %mul3A_409 : i32
      %mul3A_411 = arith.constant 128 : i32
      %mul3A_412 = arith.muli %add3A_410, %mul3A_411 : i32
      %multiple_of3A_413 = tpu.assume_multiple %mul3A_412, 8 : i32
      %add3A_414 = arith.constant 0 : i32
      %add3A_415 = arith.addi %multiple_of3A_413, %add3A_414 : i32
      %multiple_of3A_416 = tpu.assume_multiple %add3A_415, 8 : i32
      %add3A_417 = arith.constant 128 : i32
      %add3A_418 = arith.addi %multiple_of3A_413, %add3A_417 : i32
      %multiple_of3A_419 = tpu.assume_multiple %add3A_418, 8 : i32
      %add3A_420 = arith.constant 256 : i32
      %add3A_421 = arith.addi %multiple_of3A_413, %add3A_420 : i32
      %multiple_of3A_422 = tpu.assume_multiple %add3A_421, 8 : i32
      %dma_wait3A_423 = arith.constant 1 : i32
      %dma_wait3A_424 = arith.constant 1 : i32
      %dma_wait3A_425 = arith.constant 0 : i32
      %dma_wait3A_426 = tpu.memref_slice %arg7[%dma_wait3A_423, %dma_wait3A_425] : memref<2x384xi32, #tpu.memory_space<vmem>> -> memref<1x384xi32, #tpu.memory_space<vmem>>
      %dma_wait3A_427 = tpu.memref_squeeze %dma_wait3A_426 : memref<1x384xi32, #tpu.memory_space<vmem>> -> memref<384xi32, #tpu.memory_space<vmem>>
      %dma_wait3A_428 = tpu.memref_slice %arg3[%multiple_of3A_413] : memref<320256xi32, #tpu.memory_space<hbm>> -> memref<384xi32, #tpu.memory_space<hbm>>
      %dma_wait3A_429 = tpu.memref_slice %arg11[%dma_wait3A_424] : memref<2x!tpu.dma_semaphore, #tpu.memory_space<semaphore_mem>> -> memref<1x!tpu.dma_semaphore, #tpu.memory_space<semaphore_mem>>
      %dma_wait3A_430 = tpu.memref_squeeze %dma_wait3A_429 : memref<1x!tpu.dma_semaphore, #tpu.memory_space<semaphore_mem>> -> memref<!tpu.dma_semaphore, #tpu.memory_space<semaphore_mem>>
      %dma_wait3A_431 = arith.constant 0 : i32
      %dma_wait3A_432 = tpu.memref_slice %arg7[%dma_wait3A_423, %dma_wait3A_431] : memref<2x384xi32, #tpu.memory_space<vmem>> -> memref<1x384xi32, #tpu.memory_space<vmem>>
      %dma_wait3A_433 = tpu.memref_squeeze %dma_wait3A_432 : memref<1x384xi32, #tpu.memory_space<vmem>> -> memref<384xi32, #tpu.memory_space<vmem>>
      %dma_wait3A_434 = tpu.memref_slice %arg3[%multiple_of3A_413] : memref<320256xi32, #tpu.memory_space<hbm>> -> memref<384xi32, #tpu.memory_space<hbm>>
      tpu.wait_dma2 semaphore(%dma_wait3A_430 : memref<!tpu.dma_semaphore, #tpu.memory_space<semaphore_mem>>) src(%dma_wait3A_434 : memref<384xi32, #tpu.memory_space<hbm>>) dst(%dma_wait3A_433 : memref<384xi32, #tpu.memory_space<vmem>>)
      %dma_wait3A_435 = arith.constant 3 : i32
      %dma_wait3A_436 = arith.constant 1 : i32
      %dma_wait3A_437 = arith.constant 0 : i32
      %dma_wait3A_438 = tpu.memref_slice %arg8[%dma_wait3A_435, %dma_wait3A_437] : memref<6x128xi32, #tpu.memory_space<vmem>> -> memref<1x128xi32, #tpu.memory_space<vmem>>
      %dma_wait3A_439 = tpu.memref_squeeze %dma_wait3A_438 : memref<1x128xi32, #tpu.memory_space<vmem>> -> memref<128xi32, #tpu.memory_space<vmem>>
      %dma_wait3A_440 = tpu.memref_slice %arg4[%multiple_of3A_416] : memref<320256xi32, #tpu.memory_space<hbm>> -> memref<128xi32, #tpu.memory_space<hbm>>
      %dma_wait3A_441 = tpu.memref_slice %arg11[%dma_wait3A_436] : memref<2x!tpu.dma_semaphore, #tpu.memory_space<semaphore_mem>> -> memref<1x!tpu.dma_semaphore, #tpu.memory_space<semaphore_mem>>
      %dma_wait3A_442 = tpu.memref_squeeze %dma_wait3A_441 : memref<1x!tpu.dma_semaphore, #tpu.memory_space<semaphore_mem>> -> memref<!tpu.dma_semaphore, #tpu.memory_space<semaphore_mem>>
      %dma_wait3A_443 = arith.constant 0 : i32
      %dma_wait3A_444 = tpu.memref_slice %arg8[%dma_wait3A_435, %dma_wait3A_443] : memref<6x128xi32, #tpu.memory_space<vmem>> -> memref<1x128xi32, #tpu.memory_space<vmem>>
      %dma_wait3A_445 = tpu.memref_squeeze %dma_wait3A_444 : memref<1x128xi32, #tpu.memory_space<vmem>> -> memref<128xi32, #tpu.memory_space<vmem>>
      %dma_wait3A_446 = tpu.memref_slice %arg4[%multiple_of3A_416] : memref<320256xi32, #tpu.memory_space<hbm>> -> memref<128xi32, #tpu.memory_space<hbm>>
      tpu.wait_dma2 semaphore(%dma_wait3A_442 : memref<!tpu.dma_semaphore, #tpu.memory_space<semaphore_mem>>) src(%dma_wait3A_446 : memref<128xi32, #tpu.memory_space<hbm>>) dst(%dma_wait3A_445 : memref<128xi32, #tpu.memory_space<vmem>>)
      %dma_wait3A_447 = arith.constant 4 : i32
      %dma_wait3A_448 = arith.constant 1 : i32
      %dma_wait3A_449 = arith.constant 0 : i32
      %dma_wait3A_450 = tpu.memref_slice %arg8[%dma_wait3A_447, %dma_wait3A_449] : memref<6x128xi32, #tpu.memory_space<vmem>> -> memref<1x128xi32, #tpu.memory_space<vmem>>
      %dma_wait3A_451 = tpu.memref_squeeze %dma_wait3A_450 : memref<1x128xi32, #tpu.memory_space<vmem>> -> memref<128xi32, #tpu.memory_space<vmem>>
      %dma_wait3A_452 = tpu.memref_slice %arg4[%multiple_of3A_419] : memref<320256xi32, #tpu.memory_space<hbm>> -> memref<128xi32, #tpu.memory_space<hbm>>
      %dma_wait3A_453 = tpu.memref_slice %arg11[%dma_wait3A_448] : memref<2x!tpu.dma_semaphore, #tpu.memory_space<semaphore_mem>> -> memref<1x!tpu.dma_semaphore, #tpu.memory_space<semaphore_mem>>
      %dma_wait3A_454 = tpu.memref_squeeze %dma_wait3A_453 : memref<1x!tpu.dma_semaphore, #tpu.memory_space<semaphore_mem>> -> memref<!tpu.dma_semaphore, #tpu.memory_space<semaphore_mem>>
      %dma_wait3A_455 = arith.constant 0 : i32
      %dma_wait3A_456 = tpu.memref_slice %arg8[%dma_wait3A_447, %dma_wait3A_455] : memref<6x128xi32, #tpu.memory_space<vmem>> -> memref<1x128xi32, #tpu.memory_space<vmem>>
      %dma_wait3A_457 = tpu.memref_squeeze %dma_wait3A_456 : memref<1x128xi32, #tpu.memory_space<vmem>> -> memref<128xi32, #tpu.memory_space<vmem>>
      %dma_wait3A_458 = tpu.memref_slice %arg4[%multiple_of3A_419] : memref<320256xi32, #tpu.memory_space<hbm>> -> memref<128xi32, #tpu.memory_space<hbm>>
      tpu.wait_dma2 semaphore(%dma_wait3A_454 : memref<!tpu.dma_semaphore, #tpu.memory_space<semaphore_mem>>) src(%dma_wait3A_458 : memref<128xi32, #tpu.memory_space<hbm>>) dst(%dma_wait3A_457 : memref<128xi32, #tpu.memory_space<vmem>>)
      %dma_wait3A_459 = arith.constant 5 : i32
      %dma_wait3A_460 = arith.constant 1 : i32
      %dma_wait3A_461 = arith.constant 0 : i32
      %dma_wait3A_462 = tpu.memref_slice %arg8[%dma_wait3A_459, %dma_wait3A_461] : memref<6x128xi32, #tpu.memory_space<vmem>> -> memref<1x128xi32, #tpu.memory_space<vmem>>
      %dma_wait3A_463 = tpu.memref_squeeze %dma_wait3A_462 : memref<1x128xi32, #tpu.memory_space<vmem>> -> memref<128xi32, #tpu.memory_space<vmem>>
      %dma_wait3A_464 = tpu.memref_slice %arg4[%multiple_of3A_422] : memref<320256xi32, #tpu.memory_space<hbm>> -> memref<128xi32, #tpu.memory_space<hbm>>
      %dma_wait3A_465 = tpu.memref_slice %arg11[%dma_wait3A_460] : memref<2x!tpu.dma_semaphore, #tpu.memory_space<semaphore_mem>> -> memref<1x!tpu.dma_semaphore, #tpu.memory_space<semaphore_mem>>
      %dma_wait3A_466 = tpu.memref_squeeze %dma_wait3A_465 : memref<1x!tpu.dma_semaphore, #tpu.memory_space<semaphore_mem>> -> memref<!tpu.dma_semaphore, #tpu.memory_space<semaphore_mem>>
      %dma_wait3A_467 = arith.constant 0 : i32
      %dma_wait3A_468 = tpu.memref_slice %arg8[%dma_wait3A_459, %dma_wait3A_467] : memref<6x128xi32, #tpu.memory_space<vmem>> -> memref<1x128xi32, #tpu.memory_space<vmem>>
      %dma_wait3A_469 = tpu.memref_squeeze %dma_wait3A_468 : memref<1x128xi32, #tpu.memory_space<vmem>> -> memref<128xi32, #tpu.memory_space<vmem>>
      %dma_wait3A_470 = tpu.memref_slice %arg4[%multiple_of3A_422] : memref<320256xi32, #tpu.memory_space<hbm>> -> memref<128xi32, #tpu.memory_space<hbm>>
      tpu.wait_dma2 semaphore(%dma_wait3A_466 : memref<!tpu.dma_semaphore, #tpu.memory_space<semaphore_mem>>) src(%dma_wait3A_470 : memref<128xi32, #tpu.memory_space<hbm>>) dst(%dma_wait3A_469 : memref<128xi32, #tpu.memory_space<vmem>>)
      %dma_start3A_471 = arith.constant 1 : i32
      %dma_start3A_472 = arith.constant 0 : i32
      %dma_start3A_473 = arith.constant 0 : i32
      %dma_start3A_474 = arith.constant 0 : i32
      %dma_start3A_475 = arith.constant 0 : i32
      %dma_start3A_476 = tpu.memref_slice %arg9[%dma_start3A_472, %dma_start3A_474, %dma_start3A_475] : memref<3x128x128xf32, #tpu.memory_space<vmem>> -> memref<1x128x128xf32, #tpu.memory_space<vmem>>
      %dma_start3A_477 = tpu.memref_squeeze %dma_start3A_476 : memref<1x128x128xf32, #tpu.memory_space<vmem>> -> memref<128x128xf32, #tpu.memory_space<vmem>>
      %dma_start3A_478 = arith.constant 0 : i32
      %dma_start3A_479 = tpu.memref_slice %arg7[%dma_start3A_471, %dma_start3A_478] : memref<2x384xi32, #tpu.memory_space<vmem>> -> memref<1x128xi32, #tpu.memory_space<vmem>>
      %dma_start3A_480 = tpu.memref_squeeze %dma_start3A_479 : memref<1x128xi32, #tpu.memory_space<vmem>> -> memref<128xi32, #tpu.memory_space<vmem>>
      %dma_start3A_481 = arith.constant 0 : i32
      %dma_start3A_482 = arith.constant 0 : i32
      %dma_start3A_483 = tpu.memref_slice %arg2[%dma_start3A_481, %dma_start3A_482] : memref<10000x128xf32, #tpu.memory_space<hbm>> -> memref<10000x128xf32, #tpu.memory_space<hbm>>
      %dma_start3A_484 = tpu.memref_slice %arg12[%dma_start3A_473] : memref<3x!tpu.dma_semaphore, #tpu.memory_space<semaphore_mem>> -> memref<1x!tpu.dma_semaphore, #tpu.memory_space<semaphore_mem>>
      %dma_start3A_485 = tpu.memref_squeeze %dma_start3A_484 : memref<1x!tpu.dma_semaphore, #tpu.memory_space<semaphore_mem>> -> memref<!tpu.dma_semaphore, #tpu.memory_space<semaphore_mem>>
      tpu.enqueue_indirect_dma source(%dma_start3A_483 : memref<10000x128xf32, #tpu.memory_space<hbm>>) target(%dma_start3A_477 : memref<128x128xf32, #tpu.memory_space<vmem>>) offsets(%dma_start3A_480 : memref<128xi32, #tpu.memory_space<vmem>>) semaphore(%dma_start3A_485 : memref<!tpu.dma_semaphore, #tpu.memory_space<semaphore_mem>>)
      %dma_start3A_486 = arith.constant 1 : i32
      %dma_start3A_487 = arith.constant 1 : i32
      %dma_start3A_488 = arith.constant 1 : i32
      %dma_start3A_489 = arith.constant 0 : i32
      %dma_start3A_490 = arith.constant 0 : i32
      %dma_start3A_491 = tpu.memref_slice %arg9[%dma_start3A_487, %dma_start3A_489, %dma_start3A_490] : memref<3x128x128xf32, #tpu.memory_space<vmem>> -> memref<1x128x128xf32, #tpu.memory_space<vmem>>
      %dma_start3A_492 = tpu.memref_squeeze %dma_start3A_491 : memref<1x128x128xf32, #tpu.memory_space<vmem>> -> memref<128x128xf32, #tpu.memory_space<vmem>>
      %dma_start3A_493 = arith.constant 128 : i32
      %dma_start3A_494 = tpu.memref_slice %arg7[%dma_start3A_486, %dma_start3A_493] : memref<2x384xi32, #tpu.memory_space<vmem>> -> memref<1x128xi32, #tpu.memory_space<vmem>>
      %dma_start3A_495 = tpu.memref_squeeze %dma_start3A_494 : memref<1x128xi32, #tpu.memory_space<vmem>> -> memref<128xi32, #tpu.memory_space<vmem>>
      %dma_start3A_496 = arith.constant 0 : i32
      %dma_start3A_497 = arith.constant 0 : i32
      %dma_start3A_498 = tpu.memref_slice %arg2[%dma_start3A_496, %dma_start3A_497] : memref<10000x128xf32, #tpu.memory_space<hbm>> -> memref<10000x128xf32, #tpu.memory_space<hbm>>
      %dma_start3A_499 = tpu.memref_slice %arg12[%dma_start3A_488] : memref<3x!tpu.dma_semaphore, #tpu.memory_space<semaphore_mem>> -> memref<1x!tpu.dma_semaphore, #tpu.memory_space<semaphore_mem>>
      %dma_start3A_500 = tpu.memref_squeeze %dma_start3A_499 : memref<1x!tpu.dma_semaphore, #tpu.memory_space<semaphore_mem>> -> memref<!tpu.dma_semaphore, #tpu.memory_space<semaphore_mem>>
      tpu.enqueue_indirect_dma source(%dma_start3A_498 : memref<10000x128xf32, #tpu.memory_space<hbm>>) target(%dma_start3A_492 : memref<128x128xf32, #tpu.memory_space<vmem>>) offsets(%dma_start3A_495 : memref<128xi32, #tpu.memory_space<vmem>>) semaphore(%dma_start3A_500 : memref<!tpu.dma_semaphore, #tpu.memory_space<semaphore_mem>>)
      %dma_start3A_501 = arith.constant 1 : i32
      %dma_start3A_502 = arith.constant 2 : i32
      %dma_start3A_503 = arith.constant 2 : i32
      %dma_start3A_504 = arith.constant 0 : i32
      %dma_start3A_505 = arith.constant 0 : i32
      %dma_start3A_506 = tpu.memref_slice %arg9[%dma_start3A_502, %dma_start3A_504, %dma_start3A_505] : memref<3x128x128xf32, #tpu.memory_space<vmem>> -> memref<1x128x128xf32, #tpu.memory_space<vmem>>
      %dma_start3A_507 = tpu.memref_squeeze %dma_start3A_506 : memref<1x128x128xf32, #tpu.memory_space<vmem>> -> memref<128x128xf32, #tpu.memory_space<vmem>>
      %dma_start3A_508 = arith.constant 256 : i32
      %dma_start3A_509 = tpu.memref_slice %arg7[%dma_start3A_501, %dma_start3A_508] : memref<2x384xi32, #tpu.memory_space<vmem>> -> memref<1x128xi32, #tpu.memory_space<vmem>>
      %dma_start3A_510 = tpu.memref_squeeze %dma_start3A_509 : memref<1x128xi32, #tpu.memory_space<vmem>> -> memref<128xi32, #tpu.memory_space<vmem>>
      %dma_start3A_511 = arith.constant 0 : i32
      %dma_start3A_512 = arith.constant 0 : i32
      %dma_start3A_513 = tpu.memref_slice %arg2[%dma_start3A_511, %dma_start3A_512] : memref<10000x128xf32, #tpu.memory_space<hbm>> -> memref<10000x128xf32, #tpu.memory_space<hbm>>
      %dma_start3A_514 = tpu.memref_slice %arg12[%dma_start3A_503] : memref<3x!tpu.dma_semaphore, #tpu.memory_space<semaphore_mem>> -> memref<1x!tpu.dma_semaphore, #tpu.memory_space<semaphore_mem>>
      %dma_start3A_515 = tpu.memref_squeeze %dma_start3A_514 : memref<1x!tpu.dma_semaphore, #tpu.memory_space<semaphore_mem>> -> memref<!tpu.dma_semaphore, #tpu.memory_space<semaphore_mem>>
      tpu.enqueue_indirect_dma source(%dma_start3A_513 : memref<10000x128xf32, #tpu.memory_space<hbm>>) target(%dma_start3A_507 : memref<128x128xf32, #tpu.memory_space<vmem>>) offsets(%dma_start3A_510 : memref<128xi32, #tpu.memory_space<vmem>>) semaphore(%dma_start3A_515 : memref<!tpu.dma_semaphore, #tpu.memory_space<semaphore_mem>>)
      %dma_wait3A_516 = arith.constant 1 : i32
      %dma_wait3A_517 = arith.constant 0 : i32
      %dma_wait3A_518 = arith.constant 0 : i32
      %dma_wait3A_519 = arith.constant 0 : i32
      %dma_wait3A_520 = arith.constant 0 : i32
      %dma_wait3A_521 = tpu.memref_slice %arg9[%dma_wait3A_517, %dma_wait3A_519, %dma_wait3A_520] : memref<3x128x128xf32, #tpu.memory_space<vmem>> -> memref<1x128x128xf32, #tpu.memory_space<vmem>>
      %dma_wait3A_522 = tpu.memref_squeeze %dma_wait3A_521 : memref<1x128x128xf32, #tpu.memory_space<vmem>> -> memref<128x128xf32, #tpu.memory_space<vmem>>
      %dma_wait3A_523 = arith.constant 0 : i32
      %dma_wait3A_524 = tpu.memref_slice %arg7[%dma_wait3A_516, %dma_wait3A_523] : memref<2x384xi32, #tpu.memory_space<vmem>> -> memref<1x128xi32, #tpu.memory_space<vmem>>
      %dma_wait3A_525 = tpu.memref_squeeze %dma_wait3A_524 : memref<1x128xi32, #tpu.memory_space<vmem>> -> memref<128xi32, #tpu.memory_space<vmem>>
      %dma_wait3A_526 = arith.constant 0 : i32
      %dma_wait3A_527 = arith.constant 0 : i32
      %dma_wait3A_528 = tpu.memref_slice %arg2[%dma_wait3A_526, %dma_wait3A_527] : memref<10000x128xf32, #tpu.memory_space<hbm>> -> memref<10000x128xf32, #tpu.memory_space<hbm>>
      %dma_wait3A_529 = tpu.memref_slice %arg12[%dma_wait3A_518] : memref<3x!tpu.dma_semaphore, #tpu.memory_space<semaphore_mem>> -> memref<1x!tpu.dma_semaphore, #tpu.memory_space<semaphore_mem>>
      %dma_wait3A_530 = tpu.memref_squeeze %dma_wait3A_529 : memref<1x!tpu.dma_semaphore, #tpu.memory_space<semaphore_mem>> -> memref<!tpu.dma_semaphore, #tpu.memory_space<semaphore_mem>>
      tpu.wait_indirect_dma semaphore(%dma_wait3A_530 : memref<!tpu.dma_semaphore, #tpu.memory_space<semaphore_mem>>) src(%dma_wait3A_528 : memref<10000x128xf32, #tpu.memory_space<hbm>>) dst(%dma_wait3A_522 : memref<128x128xf32, #tpu.memory_space<vmem>>)
      %dma_start3A_531 = arith.constant 0 : i32
      %dma_start3A_532 = arith.constant 3 : i32
      %dma_start3A_533 = arith.constant 0 : i32
      %dma_start3A_534 = arith.constant 0 : i32
      %dma_start3A_535 = arith.constant 0 : i32
      %dma_start3A_536 = tpu.memref_slice %arg9[%dma_start3A_531, %dma_start3A_534, %dma_start3A_535] : memref<3x128x128xf32, #tpu.memory_space<vmem>> -> memref<1x128x128xf32, #tpu.memory_space<vmem>>
      %dma_start3A_537 = tpu.memref_squeeze %dma_start3A_536 : memref<1x128x128xf32, #tpu.memory_space<vmem>> -> memref<128x128xf32, #tpu.memory_space<vmem>>
      %dma_start3A_538 = arith.constant 0 : i32
      %dma_start3A_539 = tpu.memref_slice %arg8[%dma_start3A_532, %dma_start3A_538] : memref<6x128xi32, #tpu.memory_space<vmem>> -> memref<1x128xi32, #tpu.memory_space<vmem>>
      %dma_start3A_540 = tpu.memref_squeeze %dma_start3A_539 : memref<1x128xi32, #tpu.memory_space<vmem>> -> memref<128xi32, #tpu.memory_space<vmem>>
      %dma_start3A_541 = arith.constant 0 : i32
      %dma_start3A_542 = arith.constant 0 : i32
      %dma_start3A_543 = tpu.memref_slice %arg10[%dma_start3A_541, %dma_start3A_542] : memref<10016x128xf32, #tpu.memory_space<vmem_shared>> -> memref<10016x128xf32, #tpu.memory_space<vmem_shared>>
      %dma_start3A_544 = tpu.memref_slice %arg13[%dma_start3A_533] : memref<3x!tpu.dma_semaphore, #tpu.memory_space<semaphore_mem>> -> memref<1x!tpu.dma_semaphore, #tpu.memory_space<semaphore_mem>>
      %dma_start3A_545 = tpu.memref_squeeze %dma_start3A_544 : memref<1x!tpu.dma_semaphore, #tpu.memory_space<semaphore_mem>> -> memref<!tpu.dma_semaphore, #tpu.memory_space<semaphore_mem>>
      tpu.enqueue_indirect_dma source(%dma_start3A_537 : memref<128x128xf32, #tpu.memory_space<vmem>>) target(%dma_start3A_543 : memref<10016x128xf32, #tpu.memory_space<vmem_shared>>) offsets(%dma_start3A_540 : memref<128xi32, #tpu.memory_space<vmem>>) semaphore(%dma_start3A_545 : memref<!tpu.dma_semaphore, #tpu.memory_space<semaphore_mem>>) {add = true}
      %dma_wait3A_546 = arith.constant 1 : i32
      %dma_wait3A_547 = arith.constant 1 : i32
      %dma_wait3A_548 = arith.constant 1 : i32
      %dma_wait3A_549 = arith.constant 0 : i32
      %dma_wait3A_550 = arith.constant 0 : i32
      %dma_wait3A_551 = tpu.memref_slice %arg9[%dma_wait3A_547, %dma_wait3A_549, %dma_wait3A_550] : memref<3x128x128xf32, #tpu.memory_space<vmem>> -> memref<1x128x128xf32, #tpu.memory_space<vmem>>
      %dma_wait3A_552 = tpu.memref_squeeze %dma_wait3A_551 : memref<1x128x128xf32, #tpu.memory_space<vmem>> -> memref<128x128xf32, #tpu.memory_space<vmem>>
      %dma_wait3A_553 = arith.constant 128 : i32
      %dma_wait3A_554 = tpu.memref_slice %arg7[%dma_wait3A_546, %dma_wait3A_553] : memref<2x384xi32, #tpu.memory_space<vmem>> -> memref<1x128xi32, #tpu.memory_space<vmem>>
      %dma_wait3A_555 = tpu.memref_squeeze %dma_wait3A_554 : memref<1x128xi32, #tpu.memory_space<vmem>> -> memref<128xi32, #tpu.memory_space<vmem>>
      %dma_wait3A_556 = arith.constant 0 : i32
      %dma_wait3A_557 = arith.constant 0 : i32
      %dma_wait3A_558 = tpu.memref_slice %arg2[%dma_wait3A_556, %dma_wait3A_557] : memref<10000x128xf32, #tpu.memory_space<hbm>> -> memref<10000x128xf32, #tpu.memory_space<hbm>>
      %dma_wait3A_559 = tpu.memref_slice %arg12[%dma_wait3A_548] : memref<3x!tpu.dma_semaphore, #tpu.memory_space<semaphore_mem>> -> memref<1x!tpu.dma_semaphore, #tpu.memory_space<semaphore_mem>>
      %dma_wait3A_560 = tpu.memref_squeeze %dma_wait3A_559 : memref<1x!tpu.dma_semaphore, #tpu.memory_space<semaphore_mem>> -> memref<!tpu.dma_semaphore, #tpu.memory_space<semaphore_mem>>
      tpu.wait_indirect_dma semaphore(%dma_wait3A_560 : memref<!tpu.dma_semaphore, #tpu.memory_space<semaphore_mem>>) src(%dma_wait3A_558 : memref<10000x128xf32, #tpu.memory_space<hbm>>) dst(%dma_wait3A_552 : memref<128x128xf32, #tpu.memory_space<vmem>>)
      %dma_start3A_561 = arith.constant 1 : i32
      %dma_start3A_562 = arith.constant 4 : i32
      %dma_start3A_563 = arith.constant 1 : i32
      %dma_start3A_564 = arith.constant 0 : i32
      %dma_start3A_565 = arith.constant 0 : i32
      %dma_start3A_566 = tpu.memref_slice %arg9[%dma_start3A_561, %dma_start3A_564, %dma_start3A_565] : memref<3x128x128xf32, #tpu.memory_space<vmem>> -> memref<1x128x128xf32, #tpu.memory_space<vmem>>
      %dma_start3A_567 = tpu.memref_squeeze %dma_start3A_566 : memref<1x128x128xf32, #tpu.memory_space<vmem>> -> memref<128x128xf32, #tpu.memory_space<vmem>>
      %dma_start3A_568 = arith.constant 0 : i32
      %dma_start3A_569 = tpu.memref_slice %arg8[%dma_start3A_562, %dma_start3A_568] : memref<6x128xi32, #tpu.memory_space<vmem>> -> memref<1x128xi32, #tpu.memory_space<vmem>>
      %dma_start3A_570 = tpu.memref_squeeze %dma_start3A_569 : memref<1x128xi32, #tpu.memory_space<vmem>> -> memref<128xi32, #tpu.memory_space<vmem>>
      %dma_start3A_571 = arith.constant 0 : i32
      %dma_start3A_572 = arith.constant 0 : i32
      %dma_start3A_573 = tpu.memref_slice %arg10[%dma_start3A_571, %dma_start3A_572] : memref<10016x128xf32, #tpu.memory_space<vmem_shared>> -> memref<10016x128xf32, #tpu.memory_space<vmem_shared>>
      %dma_start3A_574 = tpu.memref_slice %arg13[%dma_start3A_563] : memref<3x!tpu.dma_semaphore, #tpu.memory_space<semaphore_mem>> -> memref<1x!tpu.dma_semaphore, #tpu.memory_space<semaphore_mem>>
      %dma_start3A_575 = tpu.memref_squeeze %dma_start3A_574 : memref<1x!tpu.dma_semaphore, #tpu.memory_space<semaphore_mem>> -> memref<!tpu.dma_semaphore, #tpu.memory_space<semaphore_mem>>
      tpu.enqueue_indirect_dma source(%dma_start3A_567 : memref<128x128xf32, #tpu.memory_space<vmem>>) target(%dma_start3A_573 : memref<10016x128xf32, #tpu.memory_space<vmem_shared>>) offsets(%dma_start3A_570 : memref<128xi32, #tpu.memory_space<vmem>>) semaphore(%dma_start3A_575 : memref<!tpu.dma_semaphore, #tpu.memory_space<semaphore_mem>>) {add = true}
      %dma_wait3A_576 = arith.constant 1 : i32
      %dma_wait3A_577 = arith.constant 2 : i32
      %dma_wait3A_578 = arith.constant 2 : i32
      %dma_wait3A_579 = arith.constant 0 : i32
      %dma_wait3A_580 = arith.constant 0 : i32
      %dma_wait3A_581 = tpu.memref_slice %arg9[%dma_wait3A_577, %dma_wait3A_579, %dma_wait3A_580] : memref<3x128x128xf32, #tpu.memory_space<vmem>> -> memref<1x128x128xf32, #tpu.memory_space<vmem>>
      %dma_wait3A_582 = tpu.memref_squeeze %dma_wait3A_581 : memref<1x128x128xf32, #tpu.memory_space<vmem>> -> memref<128x128xf32, #tpu.memory_space<vmem>>
      %dma_wait3A_583 = arith.constant 256 : i32
      %dma_wait3A_584 = tpu.memref_slice %arg7[%dma_wait3A_576, %dma_wait3A_583] : memref<2x384xi32, #tpu.memory_space<vmem>> -> memref<1x128xi32, #tpu.memory_space<vmem>>
      %dma_wait3A_585 = tpu.memref_squeeze %dma_wait3A_584 : memref<1x128xi32, #tpu.memory_space<vmem>> -> memref<128xi32, #tpu.memory_space<vmem>>
      %dma_wait3A_586 = arith.constant 0 : i32
      %dma_wait3A_587 = arith.constant 0 : i32
      %dma_wait3A_588 = tpu.memref_slice %arg2[%dma_wait3A_586, %dma_wait3A_587] : memref<10000x128xf32, #tpu.memory_space<hbm>> -> memref<10000x128xf32, #tpu.memory_space<hbm>>
      %dma_wait3A_589 = tpu.memref_slice %arg12[%dma_wait3A_578] : memref<3x!tpu.dma_semaphore, #tpu.memory_space<semaphore_mem>> -> memref<1x!tpu.dma_semaphore, #tpu.memory_space<semaphore_mem>>
      %dma_wait3A_590 = tpu.memref_squeeze %dma_wait3A_589 : memref<1x!tpu.dma_semaphore, #tpu.memory_space<semaphore_mem>> -> memref<!tpu.dma_semaphore, #tpu.memory_space<semaphore_mem>>
      tpu.wait_indirect_dma semaphore(%dma_wait3A_590 : memref<!tpu.dma_semaphore, #tpu.memory_space<semaphore_mem>>) src(%dma_wait3A_588 : memref<10000x128xf32, #tpu.memory_space<hbm>>) dst(%dma_wait3A_582 : memref<128x128xf32, #tpu.memory_space<vmem>>)
      %dma_start3A_591 = arith.constant 2 : i32
      %dma_start3A_592 = arith.constant 5 : i32
      %dma_start3A_593 = arith.constant 2 : i32
      %dma_start3A_594 = arith.constant 0 : i32
      %dma_start3A_595 = arith.constant 0 : i32
      %dma_start3A_596 = tpu.memref_slice %arg9[%dma_start3A_591, %dma_start3A_594, %dma_start3A_595] : memref<3x128x128xf32, #tpu.memory_space<vmem>> -> memref<1x128x128xf32, #tpu.memory_space<vmem>>
      %dma_start3A_597 = tpu.memref_squeeze %dma_start3A_596 : memref<1x128x128xf32, #tpu.memory_space<vmem>> -> memref<128x128xf32, #tpu.memory_space<vmem>>
      %dma_start3A_598 = arith.constant 0 : i32
      %dma_start3A_599 = tpu.memref_slice %arg8[%dma_start3A_592, %dma_start3A_598] : memref<6x128xi32, #tpu.memory_space<vmem>> -> memref<1x128xi32, #tpu.memory_space<vmem>>
      %dma_start3A_600 = tpu.memref_squeeze %dma_start3A_599 : memref<1x128xi32, #tpu.memory_space<vmem>> -> memref<128xi32, #tpu.memory_space<vmem>>
      %dma_start3A_601 = arith.constant 0 : i32
      %dma_start3A_602 = arith.constant 0 : i32
      %dma_start3A_603 = tpu.memref_slice %arg10[%dma_start3A_601, %dma_start3A_602] : memref<10016x128xf32, #tpu.memory_space<vmem_shared>> -> memref<10016x128xf32, #tpu.memory_space<vmem_shared>>
      %dma_start3A_604 = tpu.memref_slice %arg13[%dma_start3A_593] : memref<3x!tpu.dma_semaphore, #tpu.memory_space<semaphore_mem>> -> memref<1x!tpu.dma_semaphore, #tpu.memory_space<semaphore_mem>>
      %dma_start3A_605 = tpu.memref_squeeze %dma_start3A_604 : memref<1x!tpu.dma_semaphore, #tpu.memory_space<semaphore_mem>> -> memref<!tpu.dma_semaphore, #tpu.memory_space<semaphore_mem>>
      tpu.enqueue_indirect_dma source(%dma_start3A_597 : memref<128x128xf32, #tpu.memory_space<vmem>>) target(%dma_start3A_603 : memref<10016x128xf32, #tpu.memory_space<vmem_shared>>) offsets(%dma_start3A_600 : memref<128xi32, #tpu.memory_space<vmem>>) semaphore(%dma_start3A_605 : memref<!tpu.dma_semaphore, #tpu.memory_space<semaphore_mem>>) {add = true}
      %dma_wait3A_606 = arith.constant 0 : i32
      %dma_wait3A_607 = arith.constant 3 : i32
      %dma_wait3A_608 = arith.constant 0 : i32
      %dma_wait3A_609 = arith.constant 0 : i32
      %dma_wait3A_610 = arith.constant 0 : i32
      %dma_wait3A_611 = tpu.memref_slice %arg9[%dma_wait3A_606, %dma_wait3A_609, %dma_wait3A_610] : memref<3x128x128xf32, #tpu.memory_space<vmem>> -> memref<1x128x128xf32, #tpu.memory_space<vmem>>
      %dma_wait3A_612 = tpu.memref_squeeze %dma_wait3A_611 : memref<1x128x128xf32, #tpu.memory_space<vmem>> -> memref<128x128xf32, #tpu.memory_space<vmem>>
      %dma_wait3A_613 = arith.constant 0 : i32
      %dma_wait3A_614 = tpu.memref_slice %arg8[%dma_wait3A_607, %dma_wait3A_613] : memref<6x128xi32, #tpu.memory_space<vmem>> -> memref<1x128xi32, #tpu.memory_space<vmem>>
      %dma_wait3A_615 = tpu.memref_squeeze %dma_wait3A_614 : memref<1x128xi32, #tpu.memory_space<vmem>> -> memref<128xi32, #tpu.memory_space<vmem>>
      %dma_wait3A_616 = arith.constant 0 : i32
      %dma_wait3A_617 = arith.constant 0 : i32
      %dma_wait3A_618 = tpu.memref_slice %arg10[%dma_wait3A_616, %dma_wait3A_617] : memref<10016x128xf32, #tpu.memory_space<vmem_shared>> -> memref<10016x128xf32, #tpu.memory_space<vmem_shared>>
      %dma_wait3A_619 = tpu.memref_slice %arg13[%dma_wait3A_608] : memref<3x!tpu.dma_semaphore, #tpu.memory_space<semaphore_mem>> -> memref<1x!tpu.dma_semaphore, #tpu.memory_space<semaphore_mem>>
      %dma_wait3A_620 = tpu.memref_squeeze %dma_wait3A_619 : memref<1x!tpu.dma_semaphore, #tpu.memory_space<semaphore_mem>> -> memref<!tpu.dma_semaphore, #tpu.memory_space<semaphore_mem>>
      tpu.wait_indirect_dma semaphore(%dma_wait3A_620 : memref<!tpu.dma_semaphore, #tpu.memory_space<semaphore_mem>>) src(%dma_wait3A_612 : memref<128x128xf32, #tpu.memory_space<vmem>>) dst(%dma_wait3A_618 : memref<10016x128xf32, #tpu.memory_space<vmem_shared>>)
      %dma_wait3A_621 = arith.constant 1 : i32
      %dma_wait3A_622 = arith.constant 4 : i32
      %dma_wait3A_623 = arith.constant 1 : i32
      %dma_wait3A_624 = arith.constant 0 : i32
      %dma_wait3A_625 = arith.constant 0 : i32
      %dma_wait3A_626 = tpu.memref_slice %arg9[%dma_wait3A_621, %dma_wait3A_624, %dma_wait3A_625] : memref<3x128x128xf32, #tpu.memory_space<vmem>> -> memref<1x128x128xf32, #tpu.memory_space<vmem>>
      %dma_wait3A_627 = tpu.memref_squeeze %dma_wait3A_626 : memref<1x128x128xf32, #tpu.memory_space<vmem>> -> memref<128x128xf32, #tpu.memory_space<vmem>>
      %dma_wait3A_628 = arith.constant 0 : i32
      %dma_wait3A_629 = tpu.memref_slice %arg8[%dma_wait3A_622, %dma_wait3A_628] : memref<6x128xi32, #tpu.memory_space<vmem>> -> memref<1x128xi32, #tpu.memory_space<vmem>>
      %dma_wait3A_630 = tpu.memref_squeeze %dma_wait3A_629 : memref<1x128xi32, #tpu.memory_space<vmem>> -> memref<128xi32, #tpu.memory_space<vmem>>
      %dma_wait3A_631 = arith.constant 0 : i32
      %dma_wait3A_632 = arith.constant 0 : i32
      %dma_wait3A_633 = tpu.memref_slice %arg10[%dma_wait3A_631, %dma_wait3A_632] : memref<10016x128xf32, #tpu.memory_space<vmem_shared>> -> memref<10016x128xf32, #tpu.memory_space<vmem_shared>>
      %dma_wait3A_634 = tpu.memref_slice %arg13[%dma_wait3A_623] : memref<3x!tpu.dma_semaphore, #tpu.memory_space<semaphore_mem>> -> memref<1x!tpu.dma_semaphore, #tpu.memory_space<semaphore_mem>>
      %dma_wait3A_635 = tpu.memref_squeeze %dma_wait3A_634 : memref<1x!tpu.dma_semaphore, #tpu.memory_space<semaphore_mem>> -> memref<!tpu.dma_semaphore, #tpu.memory_space<semaphore_mem>>
      tpu.wait_indirect_dma semaphore(%dma_wait3A_635 : memref<!tpu.dma_semaphore, #tpu.memory_space<semaphore_mem>>) src(%dma_wait3A_627 : memref<128x128xf32, #tpu.memory_space<vmem>>) dst(%dma_wait3A_633 : memref<10016x128xf32, #tpu.memory_space<vmem_shared>>)
      %dma_wait3A_636 = arith.constant 2 : i32
      %dma_wait3A_637 = arith.constant 5 : i32
      %dma_wait3A_638 = arith.constant 2 : i32
      %dma_wait3A_639 = arith.constant 0 : i32
      %dma_wait3A_640 = arith.constant 0 : i32
      %dma_wait3A_641 = tpu.memref_slice %arg9[%dma_wait3A_636, %dma_wait3A_639, %dma_wait3A_640] : memref<3x128x128xf32, #tpu.memory_space<vmem>> -> memref<1x128x128xf32, #tpu.memory_space<vmem>>
      %dma_wait3A_642 = tpu.memref_squeeze %dma_wait3A_641 : memref<1x128x128xf32, #tpu.memory_space<vmem>> -> memref<128x128xf32, #tpu.memory_space<vmem>>
      %dma_wait3A_643 = arith.constant 0 : i32
      %dma_wait3A_644 = tpu.memref_slice %arg8[%dma_wait3A_637, %dma_wait3A_643] : memref<6x128xi32, #tpu.memory_space<vmem>> -> memref<1x128xi32, #tpu.memory_space<vmem>>
      %dma_wait3A_645 = tpu.memref_squeeze %dma_wait3A_644 : memref<1x128xi32, #tpu.memory_space<vmem>> -> memref<128xi32, #tpu.memory_space<vmem>>
      %dma_wait3A_646 = arith.constant 0 : i32
      %dma_wait3A_647 = arith.constant 0 : i32
      %dma_wait3A_648 = tpu.memref_slice %arg10[%dma_wait3A_646, %dma_wait3A_647] : memref<10016x128xf32, #tpu.memory_space<vmem_shared>> -> memref<10016x128xf32, #tpu.memory_space<vmem_shared>>
      %dma_wait3A_649 = tpu.memref_slice %arg13[%dma_wait3A_638] : memref<3x!tpu.dma_semaphore, #tpu.memory_space<semaphore_mem>> -> memref<1x!tpu.dma_semaphore, #tpu.memory_space<semaphore_mem>>
      %dma_wait3A_650 = tpu.memref_squeeze %dma_wait3A_649 : memref<1x!tpu.dma_semaphore, #tpu.memory_space<semaphore_mem>> -> memref<!tpu.dma_semaphore, #tpu.memory_space<semaphore_mem>>
      tpu.wait_indirect_dma semaphore(%dma_wait3A_650 : memref<!tpu.dma_semaphore, #tpu.memory_space<semaphore_mem>>) src(%dma_wait3A_642 : memref<128x128xf32, #tpu.memory_space<vmem>>) dst(%dma_wait3A_648 : memref<10016x128xf32, #tpu.memory_space<vmem_shared>>)
      %add3A_651 = arith.constant 2 : i32
      %add3A_652 = arith.addi %add3A_407, %add3A_651 : i32
      %lt3A_653 = arith.cmpi slt, %add3A_652, %mul3A_12 : i32
      %convert_element_type3A_654 = arith.extui %lt3A_653 : i1 to i32
      %cond3A_655 = arith.constant 0 : i32
      %cond3A_656 = arith.cmpi ne, %convert_element_type3A_654, %cond3A_655 : i32
      scf.if %cond3A_656 {
        %add3A_657 = arith.constant 2 : i32
        %add3A_658 = arith.addi %add3A_407, %add3A_657 : i32
        %mul3A_659 = arith.constant 3 : i32
        %mul3A_660 = arith.muli %add3A_658, %mul3A_659 : i32
        %add3A_661 = arith.addi %mul3A_10, %mul3A_660 : i32
        %mul3A_662 = arith.constant 128 : i32
        %mul3A_663 = arith.muli %add3A_661, %mul3A_662 : i32
        %multiple_of3A_664 = tpu.assume_multiple %mul3A_663, 8 : i32
        %add3A_665 = arith.constant 0 : i32
        %add3A_666 = arith.addi %multiple_of3A_664, %add3A_665 : i32
        %multiple_of3A_667 = tpu.assume_multiple %add3A_666, 8 : i32
        %add3A_668 = arith.constant 128 : i32
        %add3A_669 = arith.addi %multiple_of3A_664, %add3A_668 : i32
        %multiple_of3A_670 = tpu.assume_multiple %add3A_669, 8 : i32
        %add3A_671 = arith.constant 256 : i32
        %add3A_672 = arith.addi %multiple_of3A_664, %add3A_671 : i32
        %multiple_of3A_673 = tpu.assume_multiple %add3A_672, 8 : i32
        %dma_start3A_674 = arith.constant 1 : i32
        %dma_start3A_675 = arith.constant 1 : i32
        %dma_start3A_676 = arith.constant 0 : i32
        %dma_start3A_677 = tpu.memref_slice %arg7[%dma_start3A_674, %dma_start3A_676] : memref<2x384xi32, #tpu.memory_space<vmem>> -> memref<1x384xi32, #tpu.memory_space<vmem>>
        %dma_start3A_678 = tpu.memref_squeeze %dma_start3A_677 : memref<1x384xi32, #tpu.memory_space<vmem>> -> memref<384xi32, #tpu.memory_space<vmem>>
        %dma_start3A_679 = tpu.memref_slice %arg3[%multiple_of3A_664] : memref<320256xi32, #tpu.memory_space<hbm>> -> memref<384xi32, #tpu.memory_space<hbm>>
        %dma_start3A_680 = tpu.memref_slice %arg11[%dma_start3A_675] : memref<2x!tpu.dma_semaphore, #tpu.memory_space<semaphore_mem>> -> memref<1x!tpu.dma_semaphore, #tpu.memory_space<semaphore_mem>>
        %dma_start3A_681 = tpu.memref_squeeze %dma_start3A_680 : memref<1x!tpu.dma_semaphore, #tpu.memory_space<semaphore_mem>> -> memref<!tpu.dma_semaphore, #tpu.memory_space<semaphore_mem>>
        %dma_start3A_682 = arith.constant 0 : i32
        %dma_start3A_683 = tpu.memref_slice %arg7[%dma_start3A_674, %dma_start3A_682] : memref<2x384xi32, #tpu.memory_space<vmem>> -> memref<1x384xi32, #tpu.memory_space<vmem>>
        %dma_start3A_684 = tpu.memref_squeeze %dma_start3A_683 : memref<1x384xi32, #tpu.memory_space<vmem>> -> memref<384xi32, #tpu.memory_space<vmem>>
        %dma_start3A_685 = tpu.memref_slice %arg3[%multiple_of3A_664] : memref<320256xi32, #tpu.memory_space<hbm>> -> memref<384xi32, #tpu.memory_space<hbm>>
        tpu.enqueue_dma source(%dma_start3A_685 : memref<384xi32, #tpu.memory_space<hbm>>) target(%dma_start3A_684 : memref<384xi32, #tpu.memory_space<vmem>>) target_semaphore(%dma_start3A_681 : memref<!tpu.dma_semaphore, #tpu.memory_space<semaphore_mem>>)
        %dma_start3A_686 = arith.constant 3 : i32
        %dma_start3A_687 = arith.constant 1 : i32
        %dma_start3A_688 = arith.constant 0 : i32
        %dma_start3A_689 = tpu.memref_slice %arg8[%dma_start3A_686, %dma_start3A_688] : memref<6x128xi32, #tpu.memory_space<vmem>> -> memref<1x128xi32, #tpu.memory_space<vmem>>
        %dma_start3A_690 = tpu.memref_squeeze %dma_start3A_689 : memref<1x128xi32, #tpu.memory_space<vmem>> -> memref<128xi32, #tpu.memory_space<vmem>>
        %dma_start3A_691 = tpu.memref_slice %arg4[%multiple_of3A_667] : memref<320256xi32, #tpu.memory_space<hbm>> -> memref<128xi32, #tpu.memory_space<hbm>>
        %dma_start3A_692 = tpu.memref_slice %arg11[%dma_start3A_687] : memref<2x!tpu.dma_semaphore, #tpu.memory_space<semaphore_mem>> -> memref<1x!tpu.dma_semaphore, #tpu.memory_space<semaphore_mem>>
        %dma_start3A_693 = tpu.memref_squeeze %dma_start3A_692 : memref<1x!tpu.dma_semaphore, #tpu.memory_space<semaphore_mem>> -> memref<!tpu.dma_semaphore, #tpu.memory_space<semaphore_mem>>
        %dma_start3A_694 = arith.constant 0 : i32
        %dma_start3A_695 = tpu.memref_slice %arg8[%dma_start3A_686, %dma_start3A_694] : memref<6x128xi32, #tpu.memory_space<vmem>> -> memref<1x128xi32, #tpu.memory_space<vmem>>
        %dma_start3A_696 = tpu.memref_squeeze %dma_start3A_695 : memref<1x128xi32, #tpu.memory_space<vmem>> -> memref<128xi32, #tpu.memory_space<vmem>>
        %dma_start3A_697 = tpu.memref_slice %arg4[%multiple_of3A_667] : memref<320256xi32, #tpu.memory_space<hbm>> -> memref<128xi32, #tpu.memory_space<hbm>>
        tpu.enqueue_dma source(%dma_start3A_697 : memref<128xi32, #tpu.memory_space<hbm>>) target(%dma_start3A_696 : memref<128xi32, #tpu.memory_space<vmem>>) target_semaphore(%dma_start3A_693 : memref<!tpu.dma_semaphore, #tpu.memory_space<semaphore_mem>>)
        %dma_start3A_698 = arith.constant 4 : i32
        %dma_start3A_699 = arith.constant 1 : i32
        %dma_start3A_700 = arith.constant 0 : i32
        %dma_start3A_701 = tpu.memref_slice %arg8[%dma_start3A_698, %dma_start3A_700] : memref<6x128xi32, #tpu.memory_space<vmem>> -> memref<1x128xi32, #tpu.memory_space<vmem>>
        %dma_start3A_702 = tpu.memref_squeeze %dma_start3A_701 : memref<1x128xi32, #tpu.memory_space<vmem>> -> memref<128xi32, #tpu.memory_space<vmem>>
        %dma_start3A_703 = tpu.memref_slice %arg4[%multiple_of3A_670] : memref<320256xi32, #tpu.memory_space<hbm>> -> memref<128xi32, #tpu.memory_space<hbm>>
        %dma_start3A_704 = tpu.memref_slice %arg11[%dma_start3A_699] : memref<2x!tpu.dma_semaphore, #tpu.memory_space<semaphore_mem>> -> memref<1x!tpu.dma_semaphore, #tpu.memory_space<semaphore_mem>>
        %dma_start3A_705 = tpu.memref_squeeze %dma_start3A_704 : memref<1x!tpu.dma_semaphore, #tpu.memory_space<semaphore_mem>> -> memref<!tpu.dma_semaphore, #tpu.memory_space<semaphore_mem>>
        %dma_start3A_706 = arith.constant 0 : i32
        %dma_start3A_707 = tpu.memref_slice %arg8[%dma_start3A_698, %dma_start3A_706] : memref<6x128xi32, #tpu.memory_space<vmem>> -> memref<1x128xi32, #tpu.memory_space<vmem>>
        %dma_start3A_708 = tpu.memref_squeeze %dma_start3A_707 : memref<1x128xi32, #tpu.memory_space<vmem>> -> memref<128xi32, #tpu.memory_space<vmem>>
        %dma_start3A_709 = tpu.memref_slice %arg4[%multiple_of3A_670] : memref<320256xi32, #tpu.memory_space<hbm>> -> memref<128xi32, #tpu.memory_space<hbm>>
        tpu.enqueue_dma source(%dma_start3A_709 : memref<128xi32, #tpu.memory_space<hbm>>) target(%dma_start3A_708 : memref<128xi32, #tpu.memory_space<vmem>>) target_semaphore(%dma_start3A_705 : memref<!tpu.dma_semaphore, #tpu.memory_space<semaphore_mem>>)
        %dma_start3A_710 = arith.constant 5 : i32
        %dma_start3A_711 = arith.constant 1 : i32
        %dma_start3A_712 = arith.constant 0 : i32
        %dma_start3A_713 = tpu.memref_slice %arg8[%dma_start3A_710, %dma_start3A_712] : memref<6x128xi32, #tpu.memory_space<vmem>> -> memref<1x128xi32, #tpu.memory_space<vmem>>
        %dma_start3A_714 = tpu.memref_squeeze %dma_start3A_713 : memref<1x128xi32, #tpu.memory_space<vmem>> -> memref<128xi32, #tpu.memory_space<vmem>>
        %dma_start3A_715 = tpu.memref_slice %arg4[%multiple_of3A_673] : memref<320256xi32, #tpu.memory_space<hbm>> -> memref<128xi32, #tpu.memory_space<hbm>>
        %dma_start3A_716 = tpu.memref_slice %arg11[%dma_start3A_711] : memref<2x!tpu.dma_semaphore, #tpu.memory_space<semaphore_mem>> -> memref<1x!tpu.dma_semaphore, #tpu.memory_space<semaphore_mem>>
        %dma_start3A_717 = tpu.memref_squeeze %dma_start3A_716 : memref<1x!tpu.dma_semaphore, #tpu.memory_space<semaphore_mem>> -> memref<!tpu.dma_semaphore, #tpu.memory_space<semaphore_mem>>
        %dma_start3A_718 = arith.constant 0 : i32
        %dma_start3A_719 = tpu.memref_slice %arg8[%dma_start3A_710, %dma_start3A_718] : memref<6x128xi32, #tpu.memory_space<vmem>> -> memref<1x128xi32, #tpu.memory_space<vmem>>
        %dma_start3A_720 = tpu.memref_squeeze %dma_start3A_719 : memref<1x128xi32, #tpu.memory_space<vmem>> -> memref<128xi32, #tpu.memory_space<vmem>>
        %dma_start3A_721 = tpu.memref_slice %arg4[%multiple_of3A_673] : memref<320256xi32, #tpu.memory_space<hbm>> -> memref<128xi32, #tpu.memory_space<hbm>>
        tpu.enqueue_dma source(%dma_start3A_721 : memref<128xi32, #tpu.memory_space<hbm>>) target(%dma_start3A_720 : memref<128xi32, #tpu.memory_space<vmem>>) target_semaphore(%dma_start3A_717 : memref<!tpu.dma_semaphore, #tpu.memory_space<semaphore_mem>>)
      } else {
      }
    }
    %barrier3A_147 = arith.constant 0 : index
    tpu.barrier barrier_id(%barrier3A_147)
    %lt3A_148 = arith.constant 10 : i32
    %lt3A_149 = arith.cmpi slt, %arg1, %lt3A_148 : i32
    %convert_element_type3A_150 = arith.extui %lt3A_149 : i1 to i32
    %cond3A_151 = arith.constant 0 : i32
    %cond3A_152 = arith.cmpi ne, %convert_element_type3A_150, %cond3A_151 : i32
    scf.if %cond3A_152 {
      %mul3A_153 = arith.constant 1000 : i32
      %mul3A_154 = arith.muli %arg1, %mul3A_153 : i32
      %multiple_of3A_155 = tpu.assume_multiple %mul3A_154, 8 : i32
      "tpu.region"() ({
        %run_scoped3A = tpu.sem_alloc : memref<!tpu.dma_semaphore, #tpu.memory_space<semaphore_mem>>
        %dma_start3A_156 = arith.constant 0 : i32
        %dma_start3A_157 = tpu.memref_slice %arg6[%arg0, %multiple_of3A_155, %dma_start3A_156] : memref<2x10000x128xf32, #tpu.memory_space<hbm>> -> memref<1x1000x128xf32, #tpu.memory_space<hbm>>
        %dma_start3A_158 = tpu.memref_squeeze %dma_start3A_157 : memref<1x1000x128xf32, #tpu.memory_space<hbm>> -> memref<1000x128xf32, #tpu.memory_space<hbm>>
        %dma_start3A_159 = arith.constant 0 : i32
        %dma_start3A_160 = tpu.memref_slice %arg10[%multiple_of3A_155, %dma_start3A_159] : memref<10016x128xf32, #tpu.memory_space<vmem_shared>> -> memref<1000x128xf32, #tpu.memory_space<vmem_shared>>
        tpu.enqueue_dma source(%dma_start3A_160 : memref<1000x128xf32, #tpu.memory_space<vmem_shared>>) target(%dma_start3A_158 : memref<1000x128xf32, #tpu.memory_space<hbm>>) target_semaphore(%run_scoped3A : memref<!tpu.dma_semaphore, #tpu.memory_space<semaphore_mem>>)
        %dma_wait3A = arith.constant 0 : i32
        %dma_wait3A_161 = tpu.memref_slice %arg6[%arg0, %multiple_of3A_155, %dma_wait3A] : memref<2x10000x128xf32, #tpu.memory_space<hbm>> -> memref<1x1000x128xf32, #tpu.memory_space<hbm>>
        %dma_wait3A_162 = tpu.memref_squeeze %dma_wait3A_161 : memref<1x1000x128xf32, #tpu.memory_space<hbm>> -> memref<1000x128xf32, #tpu.memory_space<hbm>>
        %dma_wait3A_163 = arith.constant 0 : i32
        %dma_wait3A_164 = tpu.memref_slice %arg10[%multiple_of3A_155, %dma_wait3A_163] : memref<10016x128xf32, #tpu.memory_space<vmem_shared>> -> memref<1000x128xf32, #tpu.memory_space<vmem_shared>>
        tpu.wait_dma2 semaphore(%run_scoped3A : memref<!tpu.dma_semaphore, #tpu.memory_space<semaphore_mem>>) src(%dma_wait3A_164 : memref<1000x128xf32, #tpu.memory_space<vmem_shared>>) dst(%dma_wait3A_162 : memref<1000x128xf32, #tpu.memory_space<hbm>>)
        tpu.yield
      }) : () -> ()
    } else {
    }
    return
  }
}

#map = affine_map<(d0, d1) -> (0, 0)>
#map1 = affine_map<(d0, d1) -> (0)>
#map2 = affine_map<(d0, d1) -> (0, 0, 0)>
module attributes {stable_mosaic.version = 14 : i64} {
  func.func @spmm(%arg0: i32, %arg1: i32, %arg2: memref<10000x128xf32, #tpu.memory_space<hbm>>, %arg3: memref<320256xi32, #tpu.memory_space<hbm>>, %arg4: memref<320256xi32, #tpu.memory_space<hbm>>, %arg5: memref<2504x128xf32, #tpu.memory_space<hbm>>, %arg6: memref<2x10000x128xf32, #tpu.memory_space<hbm>>, %arg7: memref<2x384xi32, #tpu.memory_space<vmem>>, %arg8: memref<6x128xi32, #tpu.memory_space<vmem>>, %arg9: memref<3x128x128xf32, #tpu.memory_space<vmem>>, %arg10: memref<10016x128xf32, #tpu.memory_space<vmem_shared>>, %arg11: memref<2x!tpu.dma_semaphore, #tpu.memory_space<semaphore_mem>>, %arg12: memref<3x!tpu.dma_semaphore, #tpu.memory_space<semaphore_mem>>, %arg13: memref<3x!tpu.dma_semaphore, #tpu.memory_space<semaphore_mem>>) attributes {dimension_semantics = [#tpu.dimension_semantics<core_parallel>, #tpu.dimension_semantics<subcore_parallel>], iteration_bounds = array<i64: 2, 16>, scalar_prefetch = 0 : i64, scratch_operands = 7 : i64, tpu.core_type = #tpu.core_type<sc_vector_subcore>, window_params = [{transform_indices = #map}, {transform_indices = #map1}, {transform_indices = #map1}, {transform_indices = #map}, {transform_indices = #map2}]} {
    %mul3A = arith.constant 16 : i32
    %mul3A_0 = arith.muli %arg0, %mul3A : i32
    %add3A = arith.addi %mul3A_0, %arg1 : i32
    %lt3A = arith.constant 1 : i32
    %lt3A_1 = arith.cmpi slt, %add3A, %lt3A : i32
    %jit3A = arith.constant 1 : i32
    %jit3A_2 = arith.constant 0 : i32
    %select_n3A = arith.select %lt3A_1, %jit3A, %jit3A_2 : i32
    %add3A_3 = arith.constant 13 : i32
    %add3A_4 = arith.addi %add3A_3, %select_n3A : i32
    %mul3A_5 = arith.constant 13 : i32
    %mul3A_6 = arith.muli %mul3A_5, %add3A : i32
    %min3A = arith.constant 1 : i32
    %min3A_7 = arith.minsi %add3A, %min3A : i32
    %add3A_8 = arith.addi %mul3A_6, %min3A_7 : i32
    %mul3A_9 = arith.constant 6 : i32
    %mul3A_10 = arith.muli %add3A_8, %mul3A_9 : i32
    %mul3A_11 = arith.constant 2 : i32
    %mul3A_12 = arith.muli %mul3A_11, %add3A_4 : i32
    %lt3A_13 = arith.constant 4 : i32
    %lt3A_14 = arith.cmpi slt, %arg1, %lt3A_13 : i32
    %convert_element_type3A = arith.extui %lt3A_14 : i1 to i32
    %cond3A = arith.constant 0 : i32
    %cond3A_15 = arith.cmpi ne, %convert_element_type3A, %cond3A : i32
    scf.if %cond3A_15 {
      %mul3A_153 = arith.constant 2504 : i32
      %mul3A_154 = arith.muli %arg1, %mul3A_153 : i32
      %multiple_of3A_155 = tpu.assume_multiple %mul3A_154, 8 : i32
      "tpu.region"() ({
        %run_scoped3A = tpu.sem_alloc : memref<!tpu.dma_semaphore, #tpu.memory_space<semaphore_mem>>
        %dma_start3A_156 = arith.constant 0 : i32
        %dma_start3A_157 = tpu.memref_slice %arg10[%multiple_of3A_155, %dma_start3A_156] : memref<10016x128xf32, #tpu.memory_space<vmem_shared>> -> memref<2504x128xf32, #tpu.memory_space<vmem_shared>>
        tpu.enqueue_dma source(%arg5 : memref<2504x128xf32, #tpu.memory_space<hbm>>) target(%dma_start3A_157 : memref<2504x128xf32, #tpu.memory_space<vmem_shared>>) target_semaphore(%run_scoped3A : memref<!tpu.dma_semaphore, #tpu.memory_space<semaphore_mem>>)
        %dma_wait3A = arith.constant 0 : i32
        %dma_wait3A_158 = tpu.memref_slice %arg10[%multiple_of3A_155, %dma_wait3A] : memref<10016x128xf32, #tpu.memory_space<vmem_shared>> -> memref<2504x128xf32, #tpu.memory_space<vmem_shared>>
        tpu.wait_dma2 semaphore(%run_scoped3A : memref<!tpu.dma_semaphore, #tpu.memory_space<semaphore_mem>>) src(%arg5 : memref<2504x128xf32, #tpu.memory_space<hbm>>) dst(%dma_wait3A_158 : memref<2504x128xf32, #tpu.memory_space<vmem_shared>>)
        tpu.yield
      }) : () -> ()
    } else {
    }
    %add3A_16 = arith.constant 0 : i32
    %add3A_17 = arith.addi %mul3A_10, %add3A_16 : i32
    %mul3A_18 = arith.constant 128 : i32
    %mul3A_19 = arith.muli %add3A_17, %mul3A_18 : i32
    %multiple_of3A = tpu.assume_multiple %mul3A_19, 8 : i32
    %add3A_20 = arith.constant 0 : i32
    %add3A_21 = arith.addi %multiple_of3A, %add3A_20 : i32
    %multiple_of3A_22 = tpu.assume_multiple %add3A_21, 8 : i32
    %add3A_23 = arith.constant 128 : i32
    %add3A_24 = arith.addi %multiple_of3A, %add3A_23 : i32
    %multiple_of3A_25 = tpu.assume_multiple %add3A_24, 8 : i32
    %add3A_26 = arith.constant 256 : i32
    %add3A_27 = arith.addi %multiple_of3A, %add3A_26 : i32
    %multiple_of3A_28 = tpu.assume_multiple %add3A_27, 8 : i32
    %dma_start3A = arith.constant 0 : i32
    %dma_start3A_29 = arith.constant 0 : i32
    %dma_start3A_30 = arith.constant 0 : i32
    %dma_start3A_31 = tpu.memref_slice %arg7[%dma_start3A, %dma_start3A_30] : memref<2x384xi32, #tpu.memory_space<vmem>> -> memref<1x384xi32, #tpu.memory_space<vmem>>
    %dma_start3A_32 = tpu.memref_squeeze %dma_start3A_31 : memref<1x384xi32, #tpu.memory_space<vmem>> -> memref<384xi32, #tpu.memory_space<vmem>>
    %dma_start3A_33 = tpu.memref_slice %arg3[%multiple_of3A] : memref<320256xi32, #tpu.memory_space<hbm>> -> memref<384xi32, #tpu.memory_space<hbm>>
    %dma_start3A_34 = tpu.memref_slice %arg11[%dma_start3A_29] : memref<2x!tpu.dma_semaphore, #tpu.memory_space<semaphore_mem>> -> memref<1x!tpu.dma_semaphore, #tpu.memory_space<semaphore_mem>>
    %dma_start3A_35 = tpu.memref_squeeze %dma_start3A_34 : memref<1x!tpu.dma_semaphore, #tpu.memory_space<semaphore_mem>> -> memref<!tpu.dma_semaphore, #tpu.memory_space<semaphore_mem>>
    %dma_start3A_36 = arith.constant 0 : i32
    %dma_start3A_37 = tpu.memref_slice %arg7[%dma_start3A, %dma_start3A_36] : memref<2x384xi32, #tpu.memory_space<vmem>> -> memref<1x384xi32, #tpu.memory_space<vmem>>
    %dma_start3A_38 = tpu.memref_squeeze %dma_start3A_37 : memref<1x384xi32, #tpu.memory_space<vmem>> -> memref<384xi32, #tpu.memory_space<vmem>>
    %dma_start3A_39 = tpu.memref_slice %arg3[%multiple_of3A] : memref<320256xi32, #tpu.memory_space<hbm>> -> memref<384xi32, #tpu.memory_space<hbm>>
    tpu.enqueue_dma source(%dma_start3A_39 : memref<384xi32, #tpu.memory_space<hbm>>) target(%dma_start3A_38 : memref<384xi32, #tpu.memory_space<vmem>>) target_semaphore(%dma_start3A_35 : memref<!tpu.dma_semaphore, #tpu.memory_space<semaphore_mem>>)
    %dma_start3A_40 = arith.constant 0 : i32
    %dma_start3A_41 = arith.constant 0 : i32
    %dma_start3A_42 = arith.constant 0 : i32
    %dma_start3A_43 = tpu.memref_slice %arg8[%dma_start3A_40, %dma_start3A_42] : memref<6x128xi32, #tpu.memory_space<vmem>> -> memref<1x128xi32, #tpu.memory_space<vmem>>
    %dma_start3A_44 = tpu.memref_squeeze %dma_start3A_43 : memref<1x128xi32, #tpu.memory_space<vmem>> -> memref<128xi32, #tpu.memory_space<vmem>>
    %dma_start3A_45 = tpu.memref_slice %arg4[%multiple_of3A_22] : memref<320256xi32, #tpu.memory_space<hbm>> -> memref<128xi32, #tpu.memory_space<hbm>>
    %dma_start3A_46 = tpu.memref_slice %arg11[%dma_start3A_41] : memref<2x!tpu.dma_semaphore, #tpu.memory_space<semaphore_mem>> -> memref<1x!tpu.dma_semaphore, #tpu.memory_space<semaphore_mem>>
    %dma_start3A_47 = tpu.memref_squeeze %dma_start3A_46 : memref<1x!tpu.dma_semaphore, #tpu.memory_space<semaphore_mem>> -> memref<!tpu.dma_semaphore, #tpu.memory_space<semaphore_mem>>
    %dma_start3A_48 = arith.constant 0 : i32
    %dma_start3A_49 = tpu.memref_slice %arg8[%dma_start3A_40, %dma_start3A_48] : memref<6x128xi32, #tpu.memory_space<vmem>> -> memref<1x128xi32, #tpu.memory_space<vmem>>
    %dma_start3A_50 = tpu.memref_squeeze %dma_start3A_49 : memref<1x128xi32, #tpu.memory_space<vmem>> -> memref<128xi32, #tpu.memory_space<vmem>>
    %dma_start3A_51 = tpu.memref_slice %arg4[%multiple_of3A_22] : memref<320256xi32, #tpu.memory_space<hbm>> -> memref<128xi32, #tpu.memory_space<hbm>>
    tpu.enqueue_dma source(%dma_start3A_51 : memref<128xi32, #tpu.memory_space<hbm>>) target(%dma_start3A_50 : memref<128xi32, #tpu.memory_space<vmem>>) target_semaphore(%dma_start3A_47 : memref<!tpu.dma_semaphore, #tpu.memory_space<semaphore_mem>>)
    %dma_start3A_52 = arith.constant 1 : i32
    %dma_start3A_53 = arith.constant 0 : i32
    %dma_start3A_54 = arith.constant 0 : i32
    %dma_start3A_55 = tpu.memref_slice %arg8[%dma_start3A_52, %dma_start3A_54] : memref<6x128xi32, #tpu.memory_space<vmem>> -> memref<1x128xi32, #tpu.memory_space<vmem>>
    %dma_start3A_56 = tpu.memref_squeeze %dma_start3A_55 : memref<1x128xi32, #tpu.memory_space<vmem>> -> memref<128xi32, #tpu.memory_space<vmem>>
    %dma_start3A_57 = tpu.memref_slice %arg4[%multiple_of3A_25] : memref<320256xi32, #tpu.memory_space<hbm>> -> memref<128xi32, #tpu.memory_space<hbm>>
    %dma_start3A_58 = tpu.memref_slice %arg11[%dma_start3A_53] : memref<2x!tpu.dma_semaphore, #tpu.memory_space<semaphore_mem>> -> memref<1x!tpu.dma_semaphore, #tpu.memory_space<semaphore_mem>>
    %dma_start3A_59 = tpu.memref_squeeze %dma_start3A_58 : memref<1x!tpu.dma_semaphore, #tpu.memory_space<semaphore_mem>> -> memref<!tpu.dma_semaphore, #tpu.memory_space<semaphore_mem>>
    %dma_start3A_60 = arith.constant 0 : i32
    %dma_start3A_61 = tpu.memref_slice %arg8[%dma_start3A_52, %dma_start3A_60] : memref<6x128xi32, #tpu.memory_space<vmem>> -> memref<1x128xi32, #tpu.memory_space<vmem>>
    %dma_start3A_62 = tpu.memref_squeeze %dma_start3A_61 : memref<1x128xi32, #tpu.memory_space<vmem>> -> memref<128xi32, #tpu.memory_space<vmem>>
    %dma_start3A_63 = tpu.memref_slice %arg4[%multiple_of3A_25] : memref<320256xi32, #tpu.memory_space<hbm>> -> memref<128xi32, #tpu.memory_space<hbm>>
    tpu.enqueue_dma source(%dma_start3A_63 : memref<128xi32, #tpu.memory_space<hbm>>) target(%dma_start3A_62 : memref<128xi32, #tpu.memory_space<vmem>>) target_semaphore(%dma_start3A_59 : memref<!tpu.dma_semaphore, #tpu.memory_space<semaphore_mem>>)
    %dma_start3A_64 = arith.constant 2 : i32
    %dma_start3A_65 = arith.constant 0 : i32
    %dma_start3A_66 = arith.constant 0 : i32
    %dma_start3A_67 = tpu.memref_slice %arg8[%dma_start3A_64, %dma_start3A_66] : memref<6x128xi32, #tpu.memory_space<vmem>> -> memref<1x128xi32, #tpu.memory_space<vmem>>
    %dma_start3A_68 = tpu.memref_squeeze %dma_start3A_67 : memref<1x128xi32, #tpu.memory_space<vmem>> -> memref<128xi32, #tpu.memory_space<vmem>>
    %dma_start3A_69 = tpu.memref_slice %arg4[%multiple_of3A_28] : memref<320256xi32, #tpu.memory_space<hbm>> -> memref<128xi32, #tpu.memory_space<hbm>>
    %dma_start3A_70 = tpu.memref_slice %arg11[%dma_start3A_65] : memref<2x!tpu.dma_semaphore, #tpu.memory_space<semaphore_mem>> -> memref<1x!tpu.dma_semaphore, #tpu.memory_space<semaphore_mem>>
    %dma_start3A_71 = tpu.memref_squeeze %dma_start3A_70 : memref<1x!tpu.dma_semaphore, #tpu.memory_space<semaphore_mem>> -> memref<!tpu.dma_semaphore, #tpu.memory_space<semaphore_mem>>
    %dma_start3A_72 = arith.constant 0 : i32
    %dma_start3A_73 = tpu.memref_slice %arg8[%dma_start3A_64, %dma_start3A_72] : memref<6x128xi32, #tpu.memory_space<vmem>> -> memref<1x128xi32, #tpu.memory_space<vmem>>
    %dma_start3A_74 = tpu.memref_squeeze %dma_start3A_73 : memref<1x128xi32, #tpu.memory_space<vmem>> -> memref<128xi32, #tpu.memory_space<vmem>>
    %dma_start3A_75 = tpu.memref_slice %arg4[%multiple_of3A_28] : memref<320256xi32, #tpu.memory_space<hbm>> -> memref<128xi32, #tpu.memory_space<hbm>>
    tpu.enqueue_dma source(%dma_start3A_75 : memref<128xi32, #tpu.memory_space<hbm>>) target(%dma_start3A_74 : memref<128xi32, #tpu.memory_space<vmem>>) target_semaphore(%dma_start3A_71 : memref<!tpu.dma_semaphore, #tpu.memory_space<semaphore_mem>>)
    %add3A_76 = arith.constant 3 : i32
    %add3A_77 = arith.addi %mul3A_10, %add3A_76 : i32
    %mul3A_78 = arith.constant 128 : i32
    %mul3A_79 = arith.muli %add3A_77, %mul3A_78 : i32
    %multiple_of3A_80 = tpu.assume_multiple %mul3A_79, 8 : i32
    %add3A_81 = arith.constant 0 : i32
    %add3A_82 = arith.addi %multiple_of3A_80, %add3A_81 : i32
    %multiple_of3A_83 = tpu.assume_multiple %add3A_82, 8 : i32
    %add3A_84 = arith.constant 128 : i32
    %add3A_85 = arith.addi %multiple_of3A_80, %add3A_84 : i32
    %multiple_of3A_86 = tpu.assume_multiple %add3A_85, 8 : i32
    %add3A_87 = arith.constant 256 : i32
    %add3A_88 = arith.addi %multiple_of3A_80, %add3A_87 : i32
    %multiple_of3A_89 = tpu.assume_multiple %add3A_88, 8 : i32
    %dma_start3A_90 = arith.constant 1 : i32
    %dma_start3A_91 = arith.constant 1 : i32
    %dma_start3A_92 = arith.constant 0 : i32
    %dma_start3A_93 = tpu.memref_slice %arg7[%dma_start3A_90, %dma_start3A_92] : memref<2x384xi32, #tpu.memory_space<vmem>> -> memref<1x384xi32, #tpu.memory_space<vmem>>
    %dma_start3A_94 = tpu.memref_squeeze %dma_start3A_93 : memref<1x384xi32, #tpu.memory_space<vmem>> -> memref<384xi32, #tpu.memory_space<vmem>>
    %dma_start3A_95 = tpu.memref_slice %arg3[%multiple_of3A_80] : memref<320256xi32, #tpu.memory_space<hbm>> -> memref<384xi32, #tpu.memory_space<hbm>>
    %dma_start3A_96 = tpu.memref_slice %arg11[%dma_start3A_91] : memref<2x!tpu.dma_semaphore, #tpu.memory_space<semaphore_mem>> -> memref<1x!tpu.dma_semaphore, #tpu.memory_space<semaphore_mem>>
    %dma_start3A_97 = tpu.memref_squeeze %dma_start3A_96 : memref<1x!tpu.dma_semaphore, #tpu.memory_space<semaphore_mem>> -> memref<!tpu.dma_semaphore, #tpu.memory_space<semaphore_mem>>
    %dma_start3A_98 = arith.constant 0 : i32
    %dma_start3A_99 = tpu.memref_slice %arg7[%dma_start3A_90, %dma_start3A_98] : memref<2x384xi32, #tpu.memory_space<vmem>> -> memref<1x384xi32, #tpu.memory_space<vmem>>
    %dma_start3A_100 = tpu.memref_squeeze %dma_start3A_99 : memref<1x384xi32, #tpu.memory_space<vmem>> -> memref<384xi32, #tpu.memory_space<vmem>>
    %dma_start3A_101 = tpu.memref_slice %arg3[%multiple_of3A_80] : memref<320256xi32, #tpu.memory_space<hbm>> -> memref<384xi32, #tpu.memory_space<hbm>>
    tpu.enqueue_dma source(%dma_start3A_101 : memref<384xi32, #tpu.memory_space<hbm>>) target(%dma_start3A_100 : memref<384xi32, #tpu.memory_space<vmem>>) target_semaphore(%dma_start3A_97 : memref<!tpu.dma_semaphore, #tpu.memory_space<semaphore_mem>>)
    %dma_start3A_102 = arith.constant 3 : i32
    %dma_start3A_103 = arith.constant 1 : i32
    %dma_start3A_104 = arith.constant 0 : i32
    %dma_start3A_105 = tpu.memref_slice %arg8[%dma_start3A_102, %dma_start3A_104] : memref<6x128xi32, #tpu.memory_space<vmem>> -> memref<1x128xi32, #tpu.memory_space<vmem>>
    %dma_start3A_106 = tpu.memref_squeeze %dma_start3A_105 : memref<1x128xi32, #tpu.memory_space<vmem>> -> memref<128xi32, #tpu.memory_space<vmem>>
    %dma_start3A_107 = tpu.memref_slice %arg4[%multiple_of3A_83] : memref<320256xi32, #tpu.memory_space<hbm>> -> memref<128xi32, #tpu.memory_space<hbm>>
    %dma_start3A_108 = tpu.memref_slice %arg11[%dma_start3A_103] : memref<2x!tpu.dma_semaphore, #tpu.memory_space<semaphore_mem>> -> memref<1x!tpu.dma_semaphore, #tpu.memory_space<semaphore_mem>>
    %dma_start3A_109 = tpu.memref_squeeze %dma_start3A_108 : memref<1x!tpu.dma_semaphore, #tpu.memory_space<semaphore_mem>> -> memref<!tpu.dma_semaphore, #tpu.memory_space<semaphore_mem>>
    %dma_start3A_110 = arith.constant 0 : i32
    %dma_start3A_111 = tpu.memref_slice %arg8[%dma_start3A_102, %dma_start3A_110] : memref<6x128xi32, #tpu.memory_space<vmem>> -> memref<1x128xi32, #tpu.memory_space<vmem>>
    %dma_start3A_112 = tpu.memref_squeeze %dma_start3A_111 : memref<1x128xi32, #tpu.memory_space<vmem>> -> memref<128xi32, #tpu.memory_space<vmem>>
    %dma_start3A_113 = tpu.memref_slice %arg4[%multiple_of3A_83] : memref<320256xi32, #tpu.memory_space<hbm>> -> memref<128xi32, #tpu.memory_space<hbm>>
    tpu.enqueue_dma source(%dma_start3A_113 : memref<128xi32, #tpu.memory_space<hbm>>) target(%dma_start3A_112 : memref<128xi32, #tpu.memory_space<vmem>>) target_semaphore(%dma_start3A_109 : memref<!tpu.dma_semaphore, #tpu.memory_space<semaphore_mem>>)
    %dma_start3A_114 = arith.constant 4 : i32
    %dma_start3A_115 = arith.constant 1 : i32
    %dma_start3A_116 = arith.constant 0 : i32
    %dma_start3A_117 = tpu.memref_slice %arg8[%dma_start3A_114, %dma_start3A_116] : memref<6x128xi32, #tpu.memory_space<vmem>> -> memref<1x128xi32, #tpu.memory_space<vmem>>
    %dma_start3A_118 = tpu.memref_squeeze %dma_start3A_117 : memref<1x128xi32, #tpu.memory_space<vmem>> -> memref<128xi32, #tpu.memory_space<vmem>>
    %dma_start3A_119 = tpu.memref_slice %arg4[%multiple_of3A_86] : memref<320256xi32, #tpu.memory_space<hbm>> -> memref<128xi32, #tpu.memory_space<hbm>>
    %dma_start3A_120 = tpu.memref_slice %arg11[%dma_start3A_115] : memref<2x!tpu.dma_semaphore, #tpu.memory_space<semaphore_mem>> -> memref<1x!tpu.dma_semaphore, #tpu.memory_space<semaphore_mem>>
    %dma_start3A_121 = tpu.memref_squeeze %dma_start3A_120 : memref<1x!tpu.dma_semaphore, #tpu.memory_space<semaphore_mem>> -> memref<!tpu.dma_semaphore, #tpu.memory_space<semaphore_mem>>
    %dma_start3A_122 = arith.constant 0 : i32
    %dma_start3A_123 = tpu.memref_slice %arg8[%dma_start3A_114, %dma_start3A_122] : memref<6x128xi32, #tpu.memory_space<vmem>> -> memref<1x128xi32, #tpu.memory_space<vmem>>
    %dma_start3A_124 = tpu.memref_squeeze %dma_start3A_123 : memref<1x128xi32, #tpu.memory_space<vmem>> -> memref<128xi32, #tpu.memory_space<vmem>>
    %dma_start3A_125 = tpu.memref_slice %arg4[%multiple_of3A_86] : memref<320256xi32, #tpu.memory_space<hbm>> -> memref<128xi32, #tpu.memory_space<hbm>>
    tpu.enqueue_dma source(%dma_start3A_125 : memref<128xi32, #tpu.memory_space<hbm>>) target(%dma_start3A_124 : memref<128xi32, #tpu.memory_space<vmem>>) target_semaphore(%dma_start3A_121 : memref<!tpu.dma_semaphore, #tpu.memory_space<semaphore_mem>>)
    %dma_start3A_126 = arith.constant 5 : i32
    %dma_start3A_127 = arith.constant 1 : i32
    %dma_start3A_128 = arith.constant 0 : i32
    %dma_start3A_129 = tpu.memref_slice %arg8[%dma_start3A_126, %dma_start3A_128] : memref<6x128xi32, #tpu.memory_space<vmem>> -> memref<1x128xi32, #tpu.memory_space<vmem>>
    %dma_start3A_130 = tpu.memref_squeeze %dma_start3A_129 : memref<1x128xi32, #tpu.memory_space<vmem>> -> memref<128xi32, #tpu.memory_space<vmem>>
    %dma_start3A_131 = tpu.memref_slice %arg4[%multiple_of3A_89] : memref<320256xi32, #tpu.memory_space<hbm>> -> memref<128xi32, #tpu.memory_space<hbm>>
    %dma_start3A_132 = tpu.memref_slice %arg11[%dma_start3A_127] : memref<2x!tpu.dma_semaphore, #tpu.memory_space<semaphore_mem>> -> memref<1x!tpu.dma_semaphore, #tpu.memory_space<semaphore_mem>>
    %dma_start3A_133 = tpu.memref_squeeze %dma_start3A_132 : memref<1x!tpu.dma_semaphore, #tpu.memory_space<semaphore_mem>> -> memref<!tpu.dma_semaphore, #tpu.memory_space<semaphore_mem>>
    %dma_start3A_134 = arith.constant 0 : i32
    %dma_start3A_135 = tpu.memref_slice %arg8[%dma_start3A_126, %dma_start3A_134] : memref<6x128xi32, #tpu.memory_space<vmem>> -> memref<1x128xi32, #tpu.memory_space<vmem>>
    %dma_start3A_136 = tpu.memref_squeeze %dma_start3A_135 : memref<1x128xi32, #tpu.memory_space<vmem>> -> memref<128xi32, #tpu.memory_space<vmem>>
    %dma_start3A_137 = tpu.memref_slice %arg4[%multiple_of3A_89] : memref<320256xi32, #tpu.memory_space<hbm>> -> memref<128xi32, #tpu.memory_space<hbm>>
    tpu.enqueue_dma source(%dma_start3A_137 : memref<128xi32, #tpu.memory_space<hbm>>) target(%dma_start3A_136 : memref<128xi32, #tpu.memory_space<vmem>>) target_semaphore(%dma_start3A_133 : memref<!tpu.dma_semaphore, #tpu.memory_space<semaphore_mem>>)
    %barrier3A = arith.constant 0 : index
    tpu.barrier barrier_id(%barrier3A)
    %while3A = arith.constant 0 : i32
    %while3A_138 = arith.constant 0 : i32
    %while3A_139 = arith.subi %add3A_4, %while3A_138 : i32
    %while3A_140 = arith.addi %while3A_138, %while3A_139 : i32
    %while3A_141 = arith.constant 1 : i32
    %while3A_142 = arith.divsi %while3A_139, %while3A_141 : i32
    %while3A_143 = arith.muli %while3A_142, %while3A_141 : i32
    %while3A_144 = arith.addi %while3A_138, %while3A_143 : i32
    %while3A_145 = arith.constant 1 : i32
    scf.for %while3A_153 = %while3A_138 to %while3A_144 step %while3A_145  : i32 {
      %mul3A_154 = arith.constant 2 : i32
      %mul3A_155 = arith.muli %mul3A_154, %while3A_153 : i32
      %mul3A_156 = arith.constant 3 : i32
      %mul3A_157 = arith.muli %mul3A_155, %mul3A_156 : i32
      %add3A_158 = arith.addi %mul3A_10, %mul3A_157 : i32
      %mul3A_159 = arith.constant 128 : i32
      %mul3A_160 = arith.muli %add3A_158, %mul3A_159 : i32
      %multiple_of3A_161 = tpu.assume_multiple %mul3A_160, 8 : i32
      %add3A_162 = arith.constant 0 : i32
      %add3A_163 = arith.addi %multiple_of3A_161, %add3A_162 : i32
      %multiple_of3A_164 = tpu.assume_multiple %add3A_163, 8 : i32
      %add3A_165 = arith.constant 128 : i32
      %add3A_166 = arith.addi %multiple_of3A_161, %add3A_165 : i32
      %multiple_of3A_167 = tpu.assume_multiple %add3A_166, 8 : i32
      %add3A_168 = arith.constant 256 : i32
      %add3A_169 = arith.addi %multiple_of3A_161, %add3A_168 : i32
      %multiple_of3A_170 = tpu.assume_multiple %add3A_169, 8 : i32
      %dma_wait3A = arith.constant 0 : i32
      %dma_wait3A_171 = arith.constant 0 : i32
      %dma_wait3A_172 = arith.constant 0 : i32
      %dma_wait3A_173 = tpu.memref_slice %arg7[%dma_wait3A, %dma_wait3A_172] : memref<2x384xi32, #tpu.memory_space<vmem>> -> memref<1x384xi32, #tpu.memory_space<vmem>>
      %dma_wait3A_174 = tpu.memref_squeeze %dma_wait3A_173 : memref<1x384xi32, #tpu.memory_space<vmem>> -> memref<384xi32, #tpu.memory_space<vmem>>
      %dma_wait3A_175 = tpu.memref_slice %arg3[%multiple_of3A_161] : memref<320256xi32, #tpu.memory_space<hbm>> -> memref<384xi32, #tpu.memory_space<hbm>>
      %dma_wait3A_176 = tpu.memref_slice %arg11[%dma_wait3A_171] : memref<2x!tpu.dma_semaphore, #tpu.memory_space<semaphore_mem>> -> memref<1x!tpu.dma_semaphore, #tpu.memory_space<semaphore_mem>>
      %dma_wait3A_177 = tpu.memref_squeeze %dma_wait3A_176 : memref<1x!tpu.dma_semaphore, #tpu.memory_space<semaphore_mem>> -> memref<!tpu.dma_semaphore, #tpu.memory_space<semaphore_mem>>
      %dma_wait3A_178 = arith.constant 0 : i32
      %dma_wait3A_179 = tpu.memref_slice %arg7[%dma_wait3A, %dma_wait3A_178] : memref<2x384xi32, #tpu.memory_space<vmem>> -> memref<1x384xi32, #tpu.memory_space<vmem>>
      %dma_wait3A_180 = tpu.memref_squeeze %dma_wait3A_179 : memref<1x384xi32, #tpu.memory_space<vmem>> -> memref<384xi32, #tpu.memory_space<vmem>>
      %dma_wait3A_181 = tpu.memref_slice %arg3[%multiple_of3A_161] : memref<320256xi32, #tpu.memory_space<hbm>> -> memref<384xi32, #tpu.memory_space<hbm>>
      tpu.wait_dma2 semaphore(%dma_wait3A_177 : memref<!tpu.dma_semaphore, #tpu.memory_space<semaphore_mem>>) src(%dma_wait3A_181 : memref<384xi32, #tpu.memory_space<hbm>>) dst(%dma_wait3A_180 : memref<384xi32, #tpu.memory_space<vmem>>)
      %dma_wait3A_182 = arith.constant 0 : i32
      %dma_wait3A_183 = arith.constant 0 : i32
      %dma_wait3A_184 = arith.constant 0 : i32
      %dma_wait3A_185 = tpu.memref_slice %arg8[%dma_wait3A_182, %dma_wait3A_184] : memref<6x128xi32, #tpu.memory_space<vmem>> -> memref<1x128xi32, #tpu.memory_space<vmem>>
      %dma_wait3A_186 = tpu.memref_squeeze %dma_wait3A_185 : memref<1x128xi32, #tpu.memory_space<vmem>> -> memref<128xi32, #tpu.memory_space<vmem>>
      %dma_wait3A_187 = tpu.memref_slice %arg4[%multiple_of3A_164] : memref<320256xi32, #tpu.memory_space<hbm>> -> memref<128xi32, #tpu.memory_space<hbm>>
      %dma_wait3A_188 = tpu.memref_slice %arg11[%dma_wait3A_183] : memref<2x!tpu.dma_semaphore, #tpu.memory_space<semaphore_mem>> -> memref<1x!tpu.dma_semaphore, #tpu.memory_space<semaphore_mem>>
      %dma_wait3A_189 = tpu.memref_squeeze %dma_wait3A_188 : memref<1x!tpu.dma_semaphore, #tpu.memory_space<semaphore_mem>> -> memref<!tpu.dma_semaphore, #tpu.memory_space<semaphore_mem>>
      %dma_wait3A_190 = arith.constant 0 : i32
      %dma_wait3A_191 = tpu.memref_slice %arg8[%dma_wait3A_182, %dma_wait3A_190] : memref<6x128xi32, #tpu.memory_space<vmem>> -> memref<1x128xi32, #tpu.memory_space<vmem>>
      %dma_wait3A_192 = tpu.memref_squeeze %dma_wait3A_191 : memref<1x128xi32, #tpu.memory_space<vmem>> -> memref<128xi32, #tpu.memory_space<vmem>>
      %dma_wait3A_193 = tpu.memref_slice %arg4[%multiple_of3A_164] : memref<320256xi32, #tpu.memory_space<hbm>> -> memref<128xi32, #tpu.memory_space<hbm>>
      tpu.wait_dma2 semaphore(%dma_wait3A_189 : memref<!tpu.dma_semaphore, #tpu.memory_space<semaphore_mem>>) src(%dma_wait3A_193 : memref<128xi32, #tpu.memory_space<hbm>>) dst(%dma_wait3A_192 : memref<128xi32, #tpu.memory_space<vmem>>)
      %dma_wait3A_194 = arith.constant 1 : i32
      %dma_wait3A_195 = arith.constant 0 : i32
      %dma_wait3A_196 = arith.constant 0 : i32
      %dma_wait3A_197 = tpu.memref_slice %arg8[%dma_wait3A_194, %dma_wait3A_196] : memref<6x128xi32, #tpu.memory_space<vmem>> -> memref<1x128xi32, #tpu.memory_space<vmem>>
      %dma_wait3A_198 = tpu.memref_squeeze %dma_wait3A_197 : memref<1x128xi32, #tpu.memory_space<vmem>> -> memref<128xi32, #tpu.memory_space<vmem>>
      %dma_wait3A_199 = tpu.memref_slice %arg4[%multiple_of3A_167] : memref<320256xi32, #tpu.memory_space<hbm>> -> memref<128xi32, #tpu.memory_space<hbm>>
      %dma_wait3A_200 = tpu.memref_slice %arg11[%dma_wait3A_195] : memref<2x!tpu.dma_semaphore, #tpu.memory_space<semaphore_mem>> -> memref<1x!tpu.dma_semaphore, #tpu.memory_space<semaphore_mem>>
      %dma_wait3A_201 = tpu.memref_squeeze %dma_wait3A_200 : memref<1x!tpu.dma_semaphore, #tpu.memory_space<semaphore_mem>> -> memref<!tpu.dma_semaphore, #tpu.memory_space<semaphore_mem>>
      %dma_wait3A_202 = arith.constant 0 : i32
      %dma_wait3A_203 = tpu.memref_slice %arg8[%dma_wait3A_194, %dma_wait3A_202] : memref<6x128xi32, #tpu.memory_space<vmem>> -> memref<1x128xi32, #tpu.memory_space<vmem>>
      %dma_wait3A_204 = tpu.memref_squeeze %dma_wait3A_203 : memref<1x128xi32, #tpu.memory_space<vmem>> -> memref<128xi32, #tpu.memory_space<vmem>>
      %dma_wait3A_205 = tpu.memref_slice %arg4[%multiple_of3A_167] : memref<320256xi32, #tpu.memory_space<hbm>> -> memref<128xi32, #tpu.memory_space<hbm>>
      tpu.wait_dma2 semaphore(%dma_wait3A_201 : memref<!tpu.dma_semaphore, #tpu.memory_space<semaphore_mem>>) src(%dma_wait3A_205 : memref<128xi32, #tpu.memory_space<hbm>>) dst(%dma_wait3A_204 : memref<128xi32, #tpu.memory_space<vmem>>)
      %dma_wait3A_206 = arith.constant 2 : i32
      %dma_wait3A_207 = arith.constant 0 : i32
      %dma_wait3A_208 = arith.constant 0 : i32
      %dma_wait3A_209 = tpu.memref_slice %arg8[%dma_wait3A_206, %dma_wait3A_208] : memref<6x128xi32, #tpu.memory_space<vmem>> -> memref<1x128xi32, #tpu.memory_space<vmem>>
      %dma_wait3A_210 = tpu.memref_squeeze %dma_wait3A_209 : memref<1x128xi32, #tpu.memory_space<vmem>> -> memref<128xi32, #tpu.memory_space<vmem>>
      %dma_wait3A_211 = tpu.memref_slice %arg4[%multiple_of3A_170] : memref<320256xi32, #tpu.memory_space<hbm>> -> memref<128xi32, #tpu.memory_space<hbm>>
      %dma_wait3A_212 = tpu.memref_slice %arg11[%dma_wait3A_207] : memref<2x!tpu.dma_semaphore, #tpu.memory_space<semaphore_mem>> -> memref<1x!tpu.dma_semaphore, #tpu.memory_space<semaphore_mem>>
      %dma_wait3A_213 = tpu.memref_squeeze %dma_wait3A_212 : memref<1x!tpu.dma_semaphore, #tpu.memory_space<semaphore_mem>> -> memref<!tpu.dma_semaphore, #tpu.memory_space<semaphore_mem>>
      %dma_wait3A_214 = arith.constant 0 : i32
      %dma_wait3A_215 = tpu.memref_slice %arg8[%dma_wait3A_206, %dma_wait3A_214] : memref<6x128xi32, #tpu.memory_space<vmem>> -> memref<1x128xi32, #tpu.memory_space<vmem>>
      %dma_wait3A_216 = tpu.memref_squeeze %dma_wait3A_215 : memref<1x128xi32, #tpu.memory_space<vmem>> -> memref<128xi32, #tpu.memory_space<vmem>>
      %dma_wait3A_217 = tpu.memref_slice %arg4[%multiple_of3A_170] : memref<320256xi32, #tpu.memory_space<hbm>> -> memref<128xi32, #tpu.memory_space<hbm>>
      tpu.wait_dma2 semaphore(%dma_wait3A_213 : memref<!tpu.dma_semaphore, #tpu.memory_space<semaphore_mem>>) src(%dma_wait3A_217 : memref<128xi32, #tpu.memory_space<hbm>>) dst(%dma_wait3A_216 : memref<128xi32, #tpu.memory_space<vmem>>)
      %dma_start3A_218 = arith.constant 0 : i32
      %dma_start3A_219 = arith.constant 0 : i32
      %dma_start3A_220 = arith.constant 0 : i32
      %dma_start3A_221 = arith.constant 0 : i32
      %dma_start3A_222 = arith.constant 0 : i32
      %dma_start3A_223 = tpu.memref_slice %arg9[%dma_start3A_219, %dma_start3A_221, %dma_start3A_222] : memref<3x128x128xf32, #tpu.memory_space<vmem>> -> memref<1x128x128xf32, #tpu.memory_space<vmem>>
      %dma_start3A_224 = tpu.memref_squeeze %dma_start3A_223 : memref<1x128x128xf32, #tpu.memory_space<vmem>> -> memref<128x128xf32, #tpu.memory_space<vmem>>
      %dma_start3A_225 = arith.constant 0 : i32
      %dma_start3A_226 = tpu.memref_slice %arg7[%dma_start3A_218, %dma_start3A_225] : memref<2x384xi32, #tpu.memory_space<vmem>> -> memref<1x128xi32, #tpu.memory_space<vmem>>
      %dma_start3A_227 = tpu.memref_squeeze %dma_start3A_226 : memref<1x128xi32, #tpu.memory_space<vmem>> -> memref<128xi32, #tpu.memory_space<vmem>>
      %dma_start3A_228 = arith.constant 0 : i32
      %dma_start3A_229 = arith.constant 0 : i32
      %dma_start3A_230 = tpu.memref_slice %arg2[%dma_start3A_228, %dma_start3A_229] : memref<10000x128xf32, #tpu.memory_space<hbm>> -> memref<10000x128xf32, #tpu.memory_space<hbm>>
      %dma_start3A_231 = tpu.memref_slice %arg12[%dma_start3A_220] : memref<3x!tpu.dma_semaphore, #tpu.memory_space<semaphore_mem>> -> memref<1x!tpu.dma_semaphore, #tpu.memory_space<semaphore_mem>>
      %dma_start3A_232 = tpu.memref_squeeze %dma_start3A_231 : memref<1x!tpu.dma_semaphore, #tpu.memory_space<semaphore_mem>> -> memref<!tpu.dma_semaphore, #tpu.memory_space<semaphore_mem>>
      tpu.enqueue_indirect_dma source(%dma_start3A_230 : memref<10000x128xf32, #tpu.memory_space<hbm>>) target(%dma_start3A_224 : memref<128x128xf32, #tpu.memory_space<vmem>>) offsets(%dma_start3A_227 : memref<128xi32, #tpu.memory_space<vmem>>) semaphore(%dma_start3A_232 : memref<!tpu.dma_semaphore, #tpu.memory_space<semaphore_mem>>)
      %dma_start3A_233 = arith.constant 0 : i32
      %dma_start3A_234 = arith.constant 1 : i32
      %dma_start3A_235 = arith.constant 1 : i32
      %dma_start3A_236 = arith.constant 0 : i32
      %dma_start3A_237 = arith.constant 0 : i32
      %dma_start3A_238 = tpu.memref_slice %arg9[%dma_start3A_234, %dma_start3A_236, %dma_start3A_237] : memref<3x128x128xf32, #tpu.memory_space<vmem>> -> memref<1x128x128xf32, #tpu.memory_space<vmem>>
      %dma_start3A_239 = tpu.memref_squeeze %dma_start3A_238 : memref<1x128x128xf32, #tpu.memory_space<vmem>> -> memref<128x128xf32, #tpu.memory_space<vmem>>
      %dma_start3A_240 = arith.constant 128 : i32
      %dma_start3A_241 = tpu.memref_slice %arg7[%dma_start3A_233, %dma_start3A_240] : memref<2x384xi32, #tpu.memory_space<vmem>> -> memref<1x128xi32, #tpu.memory_space<vmem>>
      %dma_start3A_242 = tpu.memref_squeeze %dma_start3A_241 : memref<1x128xi32, #tpu.memory_space<vmem>> -> memref<128xi32, #tpu.memory_space<vmem>>
      %dma_start3A_243 = arith.constant 0 : i32
      %dma_start3A_244 = arith.constant 0 : i32
      %dma_start3A_245 = tpu.memref_slice %arg2[%dma_start3A_243, %dma_start3A_244] : memref<10000x128xf32, #tpu.memory_space<hbm>> -> memref<10000x128xf32, #tpu.memory_space<hbm>>
      %dma_start3A_246 = tpu.memref_slice %arg12[%dma_start3A_235] : memref<3x!tpu.dma_semaphore, #tpu.memory_space<semaphore_mem>> -> memref<1x!tpu.dma_semaphore, #tpu.memory_space<semaphore_mem>>
      %dma_start3A_247 = tpu.memref_squeeze %dma_start3A_246 : memref<1x!tpu.dma_semaphore, #tpu.memory_space<semaphore_mem>> -> memref<!tpu.dma_semaphore, #tpu.memory_space<semaphore_mem>>
      tpu.enqueue_indirect_dma source(%dma_start3A_245 : memref<10000x128xf32, #tpu.memory_space<hbm>>) target(%dma_start3A_239 : memref<128x128xf32, #tpu.memory_space<vmem>>) offsets(%dma_start3A_242 : memref<128xi32, #tpu.memory_space<vmem>>) semaphore(%dma_start3A_247 : memref<!tpu.dma_semaphore, #tpu.memory_space<semaphore_mem>>)
      %dma_start3A_248 = arith.constant 0 : i32
      %dma_start3A_249 = arith.constant 2 : i32
      %dma_start3A_250 = arith.constant 2 : i32
      %dma_start3A_251 = arith.constant 0 : i32
      %dma_start3A_252 = arith.constant 0 : i32
      %dma_start3A_253 = tpu.memref_slice %arg9[%dma_start3A_249, %dma_start3A_251, %dma_start3A_252] : memref<3x128x128xf32, #tpu.memory_space<vmem>> -> memref<1x128x128xf32, #tpu.memory_space<vmem>>
      %dma_start3A_254 = tpu.memref_squeeze %dma_start3A_253 : memref<1x128x128xf32, #tpu.memory_space<vmem>> -> memref<128x128xf32, #tpu.memory_space<vmem>>
      %dma_start3A_255 = arith.constant 256 : i32
      %dma_start3A_256 = tpu.memref_slice %arg7[%dma_start3A_248, %dma_start3A_255] : memref<2x384xi32, #tpu.memory_space<vmem>> -> memref<1x128xi32, #tpu.memory_space<vmem>>
      %dma_start3A_257 = tpu.memref_squeeze %dma_start3A_256 : memref<1x128xi32, #tpu.memory_space<vmem>> -> memref<128xi32, #tpu.memory_space<vmem>>
      %dma_start3A_258 = arith.constant 0 : i32
      %dma_start3A_259 = arith.constant 0 : i32
      %dma_start3A_260 = tpu.memref_slice %arg2[%dma_start3A_258, %dma_start3A_259] : memref<10000x128xf32, #tpu.memory_space<hbm>> -> memref<10000x128xf32, #tpu.memory_space<hbm>>
      %dma_start3A_261 = tpu.memref_slice %arg12[%dma_start3A_250] : memref<3x!tpu.dma_semaphore, #tpu.memory_space<semaphore_mem>> -> memref<1x!tpu.dma_semaphore, #tpu.memory_space<semaphore_mem>>
      %dma_start3A_262 = tpu.memref_squeeze %dma_start3A_261 : memref<1x!tpu.dma_semaphore, #tpu.memory_space<semaphore_mem>> -> memref<!tpu.dma_semaphore, #tpu.memory_space<semaphore_mem>>
      tpu.enqueue_indirect_dma source(%dma_start3A_260 : memref<10000x128xf32, #tpu.memory_space<hbm>>) target(%dma_start3A_254 : memref<128x128xf32, #tpu.memory_space<vmem>>) offsets(%dma_start3A_257 : memref<128xi32, #tpu.memory_space<vmem>>) semaphore(%dma_start3A_262 : memref<!tpu.dma_semaphore, #tpu.memory_space<semaphore_mem>>)
      %dma_wait3A_263 = arith.constant 0 : i32
      %dma_wait3A_264 = arith.constant 0 : i32
      %dma_wait3A_265 = arith.constant 0 : i32
      %dma_wait3A_266 = arith.constant 0 : i32
      %dma_wait3A_267 = arith.constant 0 : i32
      %dma_wait3A_268 = tpu.memref_slice %arg9[%dma_wait3A_264, %dma_wait3A_266, %dma_wait3A_267] : memref<3x128x128xf32, #tpu.memory_space<vmem>> -> memref<1x128x128xf32, #tpu.memory_space<vmem>>
      %dma_wait3A_269 = tpu.memref_squeeze %dma_wait3A_268 : memref<1x128x128xf32, #tpu.memory_space<vmem>> -> memref<128x128xf32, #tpu.memory_space<vmem>>
      %dma_wait3A_270 = arith.constant 0 : i32
      %dma_wait3A_271 = tpu.memref_slice %arg7[%dma_wait3A_263, %dma_wait3A_270] : memref<2x384xi32, #tpu.memory_space<vmem>> -> memref<1x128xi32, #tpu.memory_space<vmem>>
      %dma_wait3A_272 = tpu.memref_squeeze %dma_wait3A_271 : memref<1x128xi32, #tpu.memory_space<vmem>> -> memref<128xi32, #tpu.memory_space<vmem>>
      %dma_wait3A_273 = arith.constant 0 : i32
      %dma_wait3A_274 = arith.constant 0 : i32
      %dma_wait3A_275 = tpu.memref_slice %arg2[%dma_wait3A_273, %dma_wait3A_274] : memref<10000x128xf32, #tpu.memory_space<hbm>> -> memref<10000x128xf32, #tpu.memory_space<hbm>>
      %dma_wait3A_276 = tpu.memref_slice %arg12[%dma_wait3A_265] : memref<3x!tpu.dma_semaphore, #tpu.memory_space<semaphore_mem>> -> memref<1x!tpu.dma_semaphore, #tpu.memory_space<semaphore_mem>>
      %dma_wait3A_277 = tpu.memref_squeeze %dma_wait3A_276 : memref<1x!tpu.dma_semaphore, #tpu.memory_space<semaphore_mem>> -> memref<!tpu.dma_semaphore, #tpu.memory_space<semaphore_mem>>
      tpu.wait_indirect_dma semaphore(%dma_wait3A_277 : memref<!tpu.dma_semaphore, #tpu.memory_space<semaphore_mem>>) src(%dma_wait3A_275 : memref<10000x128xf32, #tpu.memory_space<hbm>>) dst(%dma_wait3A_269 : memref<128x128xf32, #tpu.memory_space<vmem>>)
      %dma_start3A_278 = arith.constant 0 : i32
      %dma_start3A_279 = arith.constant 0 : i32
      %dma_start3A_280 = arith.constant 0 : i32
      %dma_start3A_281 = arith.constant 0 : i32
      %dma_start3A_282 = arith.constant 0 : i32
      %dma_start3A_283 = tpu.memref_slice %arg9[%dma_start3A_278, %dma_start3A_281, %dma_start3A_282] : memref<3x128x128xf32, #tpu.memory_space<vmem>> -> memref<1x128x128xf32, #tpu.memory_space<vmem>>
      %dma_start3A_284 = tpu.memref_squeeze %dma_start3A_283 : memref<1x128x128xf32, #tpu.memory_space<vmem>> -> memref<128x128xf32, #tpu.memory_space<vmem>>
      %dma_start3A_285 = arith.constant 0 : i32
      %dma_start3A_286 = tpu.memref_slice %arg8[%dma_start3A_279, %dma_start3A_285] : memref<6x128xi32, #tpu.memory_space<vmem>> -> memref<1x128xi32, #tpu.memory_space<vmem>>
      %dma_start3A_287 = tpu.memref_squeeze %dma_start3A_286 : memref<1x128xi32, #tpu.memory_space<vmem>> -> memref<128xi32, #tpu.memory_space<vmem>>
      %dma_start3A_288 = arith.constant 0 : i32
      %dma_start3A_289 = arith.constant 0 : i32
      %dma_start3A_290 = tpu.memref_slice %arg10[%dma_start3A_288, %dma_start3A_289] : memref<10016x128xf32, #tpu.memory_space<vmem_shared>> -> memref<10016x128xf32, #tpu.memory_space<vmem_shared>>
      %dma_start3A_291 = tpu.memref_slice %arg13[%dma_start3A_280] : memref<3x!tpu.dma_semaphore, #tpu.memory_space<semaphore_mem>> -> memref<1x!tpu.dma_semaphore, #tpu.memory_space<semaphore_mem>>
      %dma_start3A_292 = tpu.memref_squeeze %dma_start3A_291 : memref<1x!tpu.dma_semaphore, #tpu.memory_space<semaphore_mem>> -> memref<!tpu.dma_semaphore, #tpu.memory_space<semaphore_mem>>
      tpu.enqueue_indirect_dma source(%dma_start3A_284 : memref<128x128xf32, #tpu.memory_space<vmem>>) target(%dma_start3A_290 : memref<10016x128xf32, #tpu.memory_space<vmem_shared>>) offsets(%dma_start3A_287 : memref<128xi32, #tpu.memory_space<vmem>>) semaphore(%dma_start3A_292 : memref<!tpu.dma_semaphore, #tpu.memory_space<semaphore_mem>>) {add = true}
      %dma_wait3A_293 = arith.constant 0 : i32
      %dma_wait3A_294 = arith.constant 1 : i32
      %dma_wait3A_295 = arith.constant 1 : i32
      %dma_wait3A_296 = arith.constant 0 : i32
      %dma_wait3A_297 = arith.constant 0 : i32
      %dma_wait3A_298 = tpu.memref_slice %arg9[%dma_wait3A_294, %dma_wait3A_296, %dma_wait3A_297] : memref<3x128x128xf32, #tpu.memory_space<vmem>> -> memref<1x128x128xf32, #tpu.memory_space<vmem>>
      %dma_wait3A_299 = tpu.memref_squeeze %dma_wait3A_298 : memref<1x128x128xf32, #tpu.memory_space<vmem>> -> memref<128x128xf32, #tpu.memory_space<vmem>>
      %dma_wait3A_300 = arith.constant 128 : i32
      %dma_wait3A_301 = tpu.memref_slice %arg7[%dma_wait3A_293, %dma_wait3A_300] : memref<2x384xi32, #tpu.memory_space<vmem>> -> memref<1x128xi32, #tpu.memory_space<vmem>>
      %dma_wait3A_302 = tpu.memref_squeeze %dma_wait3A_301 : memref<1x128xi32, #tpu.memory_space<vmem>> -> memref<128xi32, #tpu.memory_space<vmem>>
      %dma_wait3A_303 = arith.constant 0 : i32
      %dma_wait3A_304 = arith.constant 0 : i32
      %dma_wait3A_305 = tpu.memref_slice %arg2[%dma_wait3A_303, %dma_wait3A_304] : memref<10000x128xf32, #tpu.memory_space<hbm>> -> memref<10000x128xf32, #tpu.memory_space<hbm>>
      %dma_wait3A_306 = tpu.memref_slice %arg12[%dma_wait3A_295] : memref<3x!tpu.dma_semaphore, #tpu.memory_space<semaphore_mem>> -> memref<1x!tpu.dma_semaphore, #tpu.memory_space<semaphore_mem>>
      %dma_wait3A_307 = tpu.memref_squeeze %dma_wait3A_306 : memref<1x!tpu.dma_semaphore, #tpu.memory_space<semaphore_mem>> -> memref<!tpu.dma_semaphore, #tpu.memory_space<semaphore_mem>>
      tpu.wait_indirect_dma semaphore(%dma_wait3A_307 : memref<!tpu.dma_semaphore, #tpu.memory_space<semaphore_mem>>) src(%dma_wait3A_305 : memref<10000x128xf32, #tpu.memory_space<hbm>>) dst(%dma_wait3A_299 : memref<128x128xf32, #tpu.memory_space<vmem>>)
      %dma_start3A_308 = arith.constant 1 : i32
      %dma_start3A_309 = arith.constant 1 : i32
      %dma_start3A_310 = arith.constant 1 : i32
      %dma_start3A_311 = arith.constant 0 : i32
      %dma_start3A_312 = arith.constant 0 : i32
      %dma_start3A_313 = tpu.memref_slice %arg9[%dma_start3A_308, %dma_start3A_311, %dma_start3A_312] : memref<3x128x128xf32, #tpu.memory_space<vmem>> -> memref<1x128x128xf32, #tpu.memory_space<vmem>>
      %dma_start3A_314 = tpu.memref_squeeze %dma_start3A_313 : memref<1x128x128xf32, #tpu.memory_space<vmem>> -> memref<128x128xf32, #tpu.memory_space<vmem>>
      %dma_start3A_315 = arith.constant 0 : i32
      %dma_start3A_316 = tpu.memref_slice %arg8[%dma_start3A_309, %dma_start3A_315] : memref<6x128xi32, #tpu.memory_space<vmem>> -> memref<1x128xi32, #tpu.memory_space<vmem>>
      %dma_start3A_317 = tpu.memref_squeeze %dma_start3A_316 : memref<1x128xi32, #tpu.memory_space<vmem>> -> memref<128xi32, #tpu.memory_space<vmem>>
      %dma_start3A_318 = arith.constant 0 : i32
      %dma_start3A_319 = arith.constant 0 : i32
      %dma_start3A_320 = tpu.memref_slice %arg10[%dma_start3A_318, %dma_start3A_319] : memref<10016x128xf32, #tpu.memory_space<vmem_shared>> -> memref<10016x128xf32, #tpu.memory_space<vmem_shared>>
      %dma_start3A_321 = tpu.memref_slice %arg13[%dma_start3A_310] : memref<3x!tpu.dma_semaphore, #tpu.memory_space<semaphore_mem>> -> memref<1x!tpu.dma_semaphore, #tpu.memory_space<semaphore_mem>>
      %dma_start3A_322 = tpu.memref_squeeze %dma_start3A_321 : memref<1x!tpu.dma_semaphore, #tpu.memory_space<semaphore_mem>> -> memref<!tpu.dma_semaphore, #tpu.memory_space<semaphore_mem>>
      tpu.enqueue_indirect_dma source(%dma_start3A_314 : memref<128x128xf32, #tpu.memory_space<vmem>>) target(%dma_start3A_320 : memref<10016x128xf32, #tpu.memory_space<vmem_shared>>) offsets(%dma_start3A_317 : memref<128xi32, #tpu.memory_space<vmem>>) semaphore(%dma_start3A_322 : memref<!tpu.dma_semaphore, #tpu.memory_space<semaphore_mem>>) {add = true}
      %dma_wait3A_323 = arith.constant 0 : i32
      %dma_wait3A_324 = arith.constant 2 : i32
      %dma_wait3A_325 = arith.constant 2 : i32
      %dma_wait3A_326 = arith.constant 0 : i32
      %dma_wait3A_327 = arith.constant 0 : i32
      %dma_wait3A_328 = tpu.memref_slice %arg9[%dma_wait3A_324, %dma_wait3A_326, %dma_wait3A_327] : memref<3x128x128xf32, #tpu.memory_space<vmem>> -> memref<1x128x128xf32, #tpu.memory_space<vmem>>
      %dma_wait3A_329 = tpu.memref_squeeze %dma_wait3A_328 : memref<1x128x128xf32, #tpu.memory_space<vmem>> -> memref<128x128xf32, #tpu.memory_space<vmem>>
      %dma_wait3A_330 = arith.constant 256 : i32
      %dma_wait3A_331 = tpu.memref_slice %arg7[%dma_wait3A_323, %dma_wait3A_330] : memref<2x384xi32, #tpu.memory_space<vmem>> -> memref<1x128xi32, #tpu.memory_space<vmem>>
      %dma_wait3A_332 = tpu.memref_squeeze %dma_wait3A_331 : memref<1x128xi32, #tpu.memory_space<vmem>> -> memref<128xi32, #tpu.memory_space<vmem>>
      %dma_wait3A_333 = arith.constant 0 : i32
      %dma_wait3A_334 = arith.constant 0 : i32
      %dma_wait3A_335 = tpu.memref_slice %arg2[%dma_wait3A_333, %dma_wait3A_334] : memref<10000x128xf32, #tpu.memory_space<hbm>> -> memref<10000x128xf32, #tpu.memory_space<hbm>>
      %dma_wait3A_336 = tpu.memref_slice %arg12[%dma_wait3A_325] : memref<3x!tpu.dma_semaphore, #tpu.memory_space<semaphore_mem>> -> memref<1x!tpu.dma_semaphore, #tpu.memory_space<semaphore_mem>>
      %dma_wait3A_337 = tpu.memref_squeeze %dma_wait3A_336 : memref<1x!tpu.dma_semaphore, #tpu.memory_space<semaphore_mem>> -> memref<!tpu.dma_semaphore, #tpu.memory_space<semaphore_mem>>
      tpu.wait_indirect_dma semaphore(%dma_wait3A_337 : memref<!tpu.dma_semaphore, #tpu.memory_space<semaphore_mem>>) src(%dma_wait3A_335 : memref<10000x128xf32, #tpu.memory_space<hbm>>) dst(%dma_wait3A_329 : memref<128x128xf32, #tpu.memory_space<vmem>>)
      %dma_start3A_338 = arith.constant 2 : i32
      %dma_start3A_339 = arith.constant 2 : i32
      %dma_start3A_340 = arith.constant 2 : i32
      %dma_start3A_341 = arith.constant 0 : i32
      %dma_start3A_342 = arith.constant 0 : i32
      %dma_start3A_343 = tpu.memref_slice %arg9[%dma_start3A_338, %dma_start3A_341, %dma_start3A_342] : memref<3x128x128xf32, #tpu.memory_space<vmem>> -> memref<1x128x128xf32, #tpu.memory_space<vmem>>
      %dma_start3A_344 = tpu.memref_squeeze %dma_start3A_343 : memref<1x128x128xf32, #tpu.memory_space<vmem>> -> memref<128x128xf32, #tpu.memory_space<vmem>>
      %dma_start3A_345 = arith.constant 0 : i32
      %dma_start3A_346 = tpu.memref_slice %arg8[%dma_start3A_339, %dma_start3A_345] : memref<6x128xi32, #tpu.memory_space<vmem>> -> memref<1x128xi32, #tpu.memory_space<vmem>>
      %dma_start3A_347 = tpu.memref_squeeze %dma_start3A_346 : memref<1x128xi32, #tpu.memory_space<vmem>> -> memref<128xi32, #tpu.memory_space<vmem>>
      %dma_start3A_348 = arith.constant 0 : i32
      %dma_start3A_349 = arith.constant 0 : i32
      %dma_start3A_350 = tpu.memref_slice %arg10[%dma_start3A_348, %dma_start3A_349] : memref<10016x128xf32, #tpu.memory_space<vmem_shared>> -> memref<10016x128xf32, #tpu.memory_space<vmem_shared>>
      %dma_start3A_351 = tpu.memref_slice %arg13[%dma_start3A_340] : memref<3x!tpu.dma_semaphore, #tpu.memory_space<semaphore_mem>> -> memref<1x!tpu.dma_semaphore, #tpu.memory_space<semaphore_mem>>
      %dma_start3A_352 = tpu.memref_squeeze %dma_start3A_351 : memref<1x!tpu.dma_semaphore, #tpu.memory_space<semaphore_mem>> -> memref<!tpu.dma_semaphore, #tpu.memory_space<semaphore_mem>>
      tpu.enqueue_indirect_dma source(%dma_start3A_344 : memref<128x128xf32, #tpu.memory_space<vmem>>) target(%dma_start3A_350 : memref<10016x128xf32, #tpu.memory_space<vmem_shared>>) offsets(%dma_start3A_347 : memref<128xi32, #tpu.memory_space<vmem>>) semaphore(%dma_start3A_352 : memref<!tpu.dma_semaphore, #tpu.memory_space<semaphore_mem>>) {add = true}
      %dma_wait3A_353 = arith.constant 0 : i32
      %dma_wait3A_354 = arith.constant 0 : i32
      %dma_wait3A_355 = arith.constant 0 : i32
      %dma_wait3A_356 = arith.constant 0 : i32
      %dma_wait3A_357 = arith.constant 0 : i32
      %dma_wait3A_358 = tpu.memref_slice %arg9[%dma_wait3A_353, %dma_wait3A_356, %dma_wait3A_357] : memref<3x128x128xf32, #tpu.memory_space<vmem>> -> memref<1x128x128xf32, #tpu.memory_space<vmem>>
      %dma_wait3A_359 = tpu.memref_squeeze %dma_wait3A_358 : memref<1x128x128xf32, #tpu.memory_space<vmem>> -> memref<128x128xf32, #tpu.memory_space<vmem>>
      %dma_wait3A_360 = arith.constant 0 : i32
      %dma_wait3A_361 = tpu.memref_slice %arg8[%dma_wait3A_354, %dma_wait3A_360] : memref<6x128xi32, #tpu.memory_space<vmem>> -> memref<1x128xi32, #tpu.memory_space<vmem>>
      %dma_wait3A_362 = tpu.memref_squeeze %dma_wait3A_361 : memref<1x128xi32, #tpu.memory_space<vmem>> -> memref<128xi32, #tpu.memory_space<vmem>>
      %dma_wait3A_363 = arith.constant 0 : i32
      %dma_wait3A_364 = arith.constant 0 : i32
      %dma_wait3A_365 = tpu.memref_slice %arg10[%dma_wait3A_363, %dma_wait3A_364] : memref<10016x128xf32, #tpu.memory_space<vmem_shared>> -> memref<10016x128xf32, #tpu.memory_space<vmem_shared>>
      %dma_wait3A_366 = tpu.memref_slice %arg13[%dma_wait3A_355] : memref<3x!tpu.dma_semaphore, #tpu.memory_space<semaphore_mem>> -> memref<1x!tpu.dma_semaphore, #tpu.memory_space<semaphore_mem>>
      %dma_wait3A_367 = tpu.memref_squeeze %dma_wait3A_366 : memref<1x!tpu.dma_semaphore, #tpu.memory_space<semaphore_mem>> -> memref<!tpu.dma_semaphore, #tpu.memory_space<semaphore_mem>>
      tpu.wait_indirect_dma semaphore(%dma_wait3A_367 : memref<!tpu.dma_semaphore, #tpu.memory_space<semaphore_mem>>) src(%dma_wait3A_359 : memref<128x128xf32, #tpu.memory_space<vmem>>) dst(%dma_wait3A_365 : memref<10016x128xf32, #tpu.memory_space<vmem_shared>>)
      %dma_wait3A_368 = arith.constant 1 : i32
      %dma_wait3A_369 = arith.constant 1 : i32
      %dma_wait3A_370 = arith.constant 1 : i32
      %dma_wait3A_371 = arith.constant 0 : i32
      %dma_wait3A_372 = arith.constant 0 : i32
      %dma_wait3A_373 = tpu.memref_slice %arg9[%dma_wait3A_368, %dma_wait3A_371, %dma_wait3A_372] : memref<3x128x128xf32, #tpu.memory_space<vmem>> -> memref<1x128x128xf32, #tpu.memory_space<vmem>>
      %dma_wait3A_374 = tpu.memref_squeeze %dma_wait3A_373 : memref<1x128x128xf32, #tpu.memory_space<vmem>> -> memref<128x128xf32, #tpu.memory_space<vmem>>
      %dma_wait3A_375 = arith.constant 0 : i32
      %dma_wait3A_376 = tpu.memref_slice %arg8[%dma_wait3A_369, %dma_wait3A_375] : memref<6x128xi32, #tpu.memory_space<vmem>> -> memref<1x128xi32, #tpu.memory_space<vmem>>
      %dma_wait3A_377 = tpu.memref_squeeze %dma_wait3A_376 : memref<1x128xi32, #tpu.memory_space<vmem>> -> memref<128xi32, #tpu.memory_space<vmem>>
      %dma_wait3A_378 = arith.constant 0 : i32
      %dma_wait3A_379 = arith.constant 0 : i32
      %dma_wait3A_380 = tpu.memref_slice %arg10[%dma_wait3A_378, %dma_wait3A_379] : memref<10016x128xf32, #tpu.memory_space<vmem_shared>> -> memref<10016x128xf32, #tpu.memory_space<vmem_shared>>
      %dma_wait3A_381 = tpu.memref_slice %arg13[%dma_wait3A_370] : memref<3x!tpu.dma_semaphore, #tpu.memory_space<semaphore_mem>> -> memref<1x!tpu.dma_semaphore, #tpu.memory_space<semaphore_mem>>
      %dma_wait3A_382 = tpu.memref_squeeze %dma_wait3A_381 : memref<1x!tpu.dma_semaphore, #tpu.memory_space<semaphore_mem>> -> memref<!tpu.dma_semaphore, #tpu.memory_space<semaphore_mem>>
      tpu.wait_indirect_dma semaphore(%dma_wait3A_382 : memref<!tpu.dma_semaphore, #tpu.memory_space<semaphore_mem>>) src(%dma_wait3A_374 : memref<128x128xf32, #tpu.memory_space<vmem>>) dst(%dma_wait3A_380 : memref<10016x128xf32, #tpu.memory_space<vmem_shared>>)
      %dma_wait3A_383 = arith.constant 2 : i32
      %dma_wait3A_384 = arith.constant 2 : i32
      %dma_wait3A_385 = arith.constant 2 : i32
      %dma_wait3A_386 = arith.constant 0 : i32
      %dma_wait3A_387 = arith.constant 0 : i32
      %dma_wait3A_388 = tpu.memref_slice %arg9[%dma_wait3A_383, %dma_wait3A_386, %dma_wait3A_387] : memref<3x128x128xf32, #tpu.memory_space<vmem>> -> memref<1x128x128xf32, #tpu.memory_space<vmem>>
      %dma_wait3A_389 = tpu.memref_squeeze %dma_wait3A_388 : memref<1x128x128xf32, #tpu.memory_space<vmem>> -> memref<128x128xf32, #tpu.memory_space<vmem>>
      %dma_wait3A_390 = arith.constant 0 : i32
      %dma_wait3A_391 = tpu.memref_slice %arg8[%dma_wait3A_384, %dma_wait3A_390] : memref<6x128xi32, #tpu.memory_space<vmem>> -> memref<1x128xi32, #tpu.memory_space<vmem>>
      %dma_wait3A_392 = tpu.memref_squeeze %dma_wait3A_391 : memref<1x128xi32, #tpu.memory_space<vmem>> -> memref<128xi32, #tpu.memory_space<vmem>>
      %dma_wait3A_393 = arith.constant 0 : i32
      %dma_wait3A_394 = arith.constant 0 : i32
      %dma_wait3A_395 = tpu.memref_slice %arg10[%dma_wait3A_393, %dma_wait3A_394] : memref<10016x128xf32, #tpu.memory_space<vmem_shared>> -> memref<10016x128xf32, #tpu.memory_space<vmem_shared>>
      %dma_wait3A_396 = tpu.memref_slice %arg13[%dma_wait3A_385] : memref<3x!tpu.dma_semaphore, #tpu.memory_space<semaphore_mem>> -> memref<1x!tpu.dma_semaphore, #tpu.memory_space<semaphore_mem>>
      %dma_wait3A_397 = tpu.memref_squeeze %dma_wait3A_396 : memref<1x!tpu.dma_semaphore, #tpu.memory_space<semaphore_mem>> -> memref<!tpu.dma_semaphore, #tpu.memory_space<semaphore_mem>>
      tpu.wait_indirect_dma semaphore(%dma_wait3A_397 : memref<!tpu.dma_semaphore, #tpu.memory_space<semaphore_mem>>) src(%dma_wait3A_389 : memref<128x128xf32, #tpu.memory_space<vmem>>) dst(%dma_wait3A_395 : memref<10016x128xf32, #tpu.memory_space<vmem_shared>>)
      %add3A_398 = arith.constant 2 : i32
      %add3A_399 = arith.addi %mul3A_155, %add3A_398 : i32
      %lt3A_400 = arith.cmpi slt, %add3A_399, %mul3A_12 : i32
      %convert_element_type3A_401 = arith.extui %lt3A_400 : i1 to i32
      %cond3A_402 = arith.constant 0 : i32
      %cond3A_403 = arith.cmpi ne, %convert_element_type3A_401, %cond3A_402 : i32
      scf.if %cond3A_403 {
        %add3A_657 = arith.constant 2 : i32
        %add3A_658 = arith.addi %mul3A_155, %add3A_657 : i32
        %mul3A_659 = arith.constant 3 : i32
        %mul3A_660 = arith.muli %add3A_658, %mul3A_659 : i32
        %add3A_661 = arith.addi %mul3A_10, %mul3A_660 : i32
        %mul3A_662 = arith.constant 128 : i32
        %mul3A_663 = arith.muli %add3A_661, %mul3A_662 : i32
        %multiple_of3A_664 = tpu.assume_multiple %mul3A_663, 8 : i32
        %add3A_665 = arith.constant 0 : i32
        %add3A_666 = arith.addi %multiple_of3A_664, %add3A_665 : i32
        %multiple_of3A_667 = tpu.assume_multiple %add3A_666, 8 : i32
        %add3A_668 = arith.constant 128 : i32
        %add3A_669 = arith.addi %multiple_of3A_664, %add3A_668 : i32
        %multiple_of3A_670 = tpu.assume_multiple %add3A_669, 8 : i32
        %add3A_671 = arith.constant 256 : i32
        %add3A_672 = arith.addi %multiple_of3A_664, %add3A_671 : i32
        %multiple_of3A_673 = tpu.assume_multiple %add3A_672, 8 : i32
        %dma_start3A_674 = arith.constant 0 : i32
        %dma_start3A_675 = arith.constant 0 : i32
        %dma_start3A_676 = arith.constant 0 : i32
        %dma_start3A_677 = tpu.memref_slice %arg7[%dma_start3A_674, %dma_start3A_676] : memref<2x384xi32, #tpu.memory_space<vmem>> -> memref<1x384xi32, #tpu.memory_space<vmem>>
        %dma_start3A_678 = tpu.memref_squeeze %dma_start3A_677 : memref<1x384xi32, #tpu.memory_space<vmem>> -> memref<384xi32, #tpu.memory_space<vmem>>
        %dma_start3A_679 = tpu.memref_slice %arg3[%multiple_of3A_664] : memref<320256xi32, #tpu.memory_space<hbm>> -> memref<384xi32, #tpu.memory_space<hbm>>
        %dma_start3A_680 = tpu.memref_slice %arg11[%dma_start3A_675] : memref<2x!tpu.dma_semaphore, #tpu.memory_space<semaphore_mem>> -> memref<1x!tpu.dma_semaphore, #tpu.memory_space<semaphore_mem>>
        %dma_start3A_681 = tpu.memref_squeeze %dma_start3A_680 : memref<1x!tpu.dma_semaphore, #tpu.memory_space<semaphore_mem>> -> memref<!tpu.dma_semaphore, #tpu.memory_space<semaphore_mem>>
        %dma_start3A_682 = arith.constant 0 : i32
        %dma_start3A_683 = tpu.memref_slice %arg7[%dma_start3A_674, %dma_start3A_682] : memref<2x384xi32, #tpu.memory_space<vmem>> -> memref<1x384xi32, #tpu.memory_space<vmem>>
        %dma_start3A_684 = tpu.memref_squeeze %dma_start3A_683 : memref<1x384xi32, #tpu.memory_space<vmem>> -> memref<384xi32, #tpu.memory_space<vmem>>
        %dma_start3A_685 = tpu.memref_slice %arg3[%multiple_of3A_664] : memref<320256xi32, #tpu.memory_space<hbm>> -> memref<384xi32, #tpu.memory_space<hbm>>
        tpu.enqueue_dma source(%dma_start3A_685 : memref<384xi32, #tpu.memory_space<hbm>>) target(%dma_start3A_684 : memref<384xi32, #tpu.memory_space<vmem>>) target_semaphore(%dma_start3A_681 : memref<!tpu.dma_semaphore, #tpu.memory_space<semaphore_mem>>)
        %dma_start3A_686 = arith.constant 0 : i32
        %dma_start3A_687 = arith.constant 0 : i32
        %dma_start3A_688 = arith.constant 0 : i32
        %dma_start3A_689 = tpu.memref_slice %arg8[%dma_start3A_686, %dma_start3A_688] : memref<6x128xi32, #tpu.memory_space<vmem>> -> memref<1x128xi32, #tpu.memory_space<vmem>>
        %dma_start3A_690 = tpu.memref_squeeze %dma_start3A_689 : memref<1x128xi32, #tpu.memory_space<vmem>> -> memref<128xi32, #tpu.memory_space<vmem>>
        %dma_start3A_691 = tpu.memref_slice %arg4[%multiple_of3A_667] : memref<320256xi32, #tpu.memory_space<hbm>> -> memref<128xi32, #tpu.memory_space<hbm>>
        %dma_start3A_692 = tpu.memref_slice %arg11[%dma_start3A_687] : memref<2x!tpu.dma_semaphore, #tpu.memory_space<semaphore_mem>> -> memref<1x!tpu.dma_semaphore, #tpu.memory_space<semaphore_mem>>
        %dma_start3A_693 = tpu.memref_squeeze %dma_start3A_692 : memref<1x!tpu.dma_semaphore, #tpu.memory_space<semaphore_mem>> -> memref<!tpu.dma_semaphore, #tpu.memory_space<semaphore_mem>>
        %dma_start3A_694 = arith.constant 0 : i32
        %dma_start3A_695 = tpu.memref_slice %arg8[%dma_start3A_686, %dma_start3A_694] : memref<6x128xi32, #tpu.memory_space<vmem>> -> memref<1x128xi32, #tpu.memory_space<vmem>>
        %dma_start3A_696 = tpu.memref_squeeze %dma_start3A_695 : memref<1x128xi32, #tpu.memory_space<vmem>> -> memref<128xi32, #tpu.memory_space<vmem>>
        %dma_start3A_697 = tpu.memref_slice %arg4[%multiple_of3A_667] : memref<320256xi32, #tpu.memory_space<hbm>> -> memref<128xi32, #tpu.memory_space<hbm>>
        tpu.enqueue_dma source(%dma_start3A_697 : memref<128xi32, #tpu.memory_space<hbm>>) target(%dma_start3A_696 : memref<128xi32, #tpu.memory_space<vmem>>) target_semaphore(%dma_start3A_693 : memref<!tpu.dma_semaphore, #tpu.memory_space<semaphore_mem>>)
        %dma_start3A_698 = arith.constant 1 : i32
        %dma_start3A_699 = arith.constant 0 : i32
        %dma_start3A_700 = arith.constant 0 : i32
        %dma_start3A_701 = tpu.memref_slice %arg8[%dma_start3A_698, %dma_start3A_700] : memref<6x128xi32, #tpu.memory_space<vmem>> -> memref<1x128xi32, #tpu.memory_space<vmem>>
        %dma_start3A_702 = tpu.memref_squeeze %dma_start3A_701 : memref<1x128xi32, #tpu.memory_space<vmem>> -> memref<128xi32, #tpu.memory_space<vmem>>
        %dma_start3A_703 = tpu.memref_slice %arg4[%multiple_of3A_670] : memref<320256xi32, #tpu.memory_space<hbm>> -> memref<128xi32, #tpu.memory_space<hbm>>
        %dma_start3A_704 = tpu.memref_slice %arg11[%dma_start3A_699] : memref<2x!tpu.dma_semaphore, #tpu.memory_space<semaphore_mem>> -> memref<1x!tpu.dma_semaphore, #tpu.memory_space<semaphore_mem>>
        %dma_start3A_705 = tpu.memref_squeeze %dma_start3A_704 : memref<1x!tpu.dma_semaphore, #tpu.memory_space<semaphore_mem>> -> memref<!tpu.dma_semaphore, #tpu.memory_space<semaphore_mem>>
        %dma_start3A_706 = arith.constant 0 : i32
        %dma_start3A_707 = tpu.memref_slice %arg8[%dma_start3A_698, %dma_start3A_706] : memref<6x128xi32, #tpu.memory_space<vmem>> -> memref<1x128xi32, #tpu.memory_space<vmem>>
        %dma_start3A_708 = tpu.memref_squeeze %dma_start3A_707 : memref<1x128xi32, #tpu.memory_space<vmem>> -> memref<128xi32, #tpu.memory_space<vmem>>
        %dma_start3A_709 = tpu.memref_slice %arg4[%multiple_of3A_670] : memref<320256xi32, #tpu.memory_space<hbm>> -> memref<128xi32, #tpu.memory_space<hbm>>
        tpu.enqueue_dma source(%dma_start3A_709 : memref<128xi32, #tpu.memory_space<hbm>>) target(%dma_start3A_708 : memref<128xi32, #tpu.memory_space<vmem>>) target_semaphore(%dma_start3A_705 : memref<!tpu.dma_semaphore, #tpu.memory_space<semaphore_mem>>)
        %dma_start3A_710 = arith.constant 2 : i32
        %dma_start3A_711 = arith.constant 0 : i32
        %dma_start3A_712 = arith.constant 0 : i32
        %dma_start3A_713 = tpu.memref_slice %arg8[%dma_start3A_710, %dma_start3A_712] : memref<6x128xi32, #tpu.memory_space<vmem>> -> memref<1x128xi32, #tpu.memory_space<vmem>>
        %dma_start3A_714 = tpu.memref_squeeze %dma_start3A_713 : memref<1x128xi32, #tpu.memory_space<vmem>> -> memref<128xi32, #tpu.memory_space<vmem>>
        %dma_start3A_715 = tpu.memref_slice %arg4[%multiple_of3A_673] : memref<320256xi32, #tpu.memory_space<hbm>> -> memref<128xi32, #tpu.memory_space<hbm>>
        %dma_start3A_716 = tpu.memref_slice %arg11[%dma_start3A_711] : memref<2x!tpu.dma_semaphore, #tpu.memory_space<semaphore_mem>> -> memref<1x!tpu.dma_semaphore, #tpu.memory_space<semaphore_mem>>
        %dma_start3A_717 = tpu.memref_squeeze %dma_start3A_716 : memref<1x!tpu.dma_semaphore, #tpu.memory_space<semaphore_mem>> -> memref<!tpu.dma_semaphore, #tpu.memory_space<semaphore_mem>>
        %dma_start3A_718 = arith.constant 0 : i32
        %dma_start3A_719 = tpu.memref_slice %arg8[%dma_start3A_710, %dma_start3A_718] : memref<6x128xi32, #tpu.memory_space<vmem>> -> memref<1x128xi32, #tpu.memory_space<vmem>>
        %dma_start3A_720 = tpu.memref_squeeze %dma_start3A_719 : memref<1x128xi32, #tpu.memory_space<vmem>> -> memref<128xi32, #tpu.memory_space<vmem>>
        %dma_start3A_721 = tpu.memref_slice %arg4[%multiple_of3A_673] : memref<320256xi32, #tpu.memory_space<hbm>> -> memref<128xi32, #tpu.memory_space<hbm>>
        tpu.enqueue_dma source(%dma_start3A_721 : memref<128xi32, #tpu.memory_space<hbm>>) target(%dma_start3A_720 : memref<128xi32, #tpu.memory_space<vmem>>) target_semaphore(%dma_start3A_717 : memref<!tpu.dma_semaphore, #tpu.memory_space<semaphore_mem>>)
      } else {
      }
      %mul3A_404 = arith.constant 2 : i32
      %mul3A_405 = arith.muli %mul3A_404, %while3A_153 : i32
      %add3A_406 = arith.constant 1 : i32
      %add3A_407 = arith.addi %mul3A_405, %add3A_406 : i32
      %mul3A_408 = arith.constant 3 : i32
      %mul3A_409 = arith.muli %add3A_407, %mul3A_408 : i32
      %add3A_410 = arith.addi %mul3A_10, %mul3A_409 : i32
      %mul3A_411 = arith.constant 128 : i32
      %mul3A_412 = arith.muli %add3A_410, %mul3A_411 : i32
      %multiple_of3A_413 = tpu.assume_multiple %mul3A_412, 8 : i32
      %add3A_414 = arith.constant 0 : i32
      %add3A_415 = arith.addi %multiple_of3A_413, %add3A_414 : i32
      %multiple_of3A_416 = tpu.assume_multiple %add3A_415, 8 : i32
      %add3A_417 = arith.constant 128 : i32
      %add3A_418 = arith.addi %multiple_of3A_413, %add3A_417 : i32
      %multiple_of3A_419 = tpu.assume_multiple %add3A_418, 8 : i32
      %add3A_420 = arith.constant 256 : i32
      %add3A_421 = arith.addi %multiple_of3A_413, %add3A_420 : i32
      %multiple_of3A_422 = tpu.assume_multiple %add3A_421, 8 : i32
      %dma_wait3A_423 = arith.constant 1 : i32
      %dma_wait3A_424 = arith.constant 1 : i32
      %dma_wait3A_425 = arith.constant 0 : i32
      %dma_wait3A_426 = tpu.memref_slice %arg7[%dma_wait3A_423, %dma_wait3A_425] : memref<2x384xi32, #tpu.memory_space<vmem>> -> memref<1x384xi32, #tpu.memory_space<vmem>>
      %dma_wait3A_427 = tpu.memref_squeeze %dma_wait3A_426 : memref<1x384xi32, #tpu.memory_space<vmem>> -> memref<384xi32, #tpu.memory_space<vmem>>
      %dma_wait3A_428 = tpu.memref_slice %arg3[%multiple_of3A_413] : memref<320256xi32, #tpu.memory_space<hbm>> -> memref<384xi32, #tpu.memory_space<hbm>>
      %dma_wait3A_429 = tpu.memref_slice %arg11[%dma_wait3A_424] : memref<2x!tpu.dma_semaphore, #tpu.memory_space<semaphore_mem>> -> memref<1x!tpu.dma_semaphore, #tpu.memory_space<semaphore_mem>>
      %dma_wait3A_430 = tpu.memref_squeeze %dma_wait3A_429 : memref<1x!tpu.dma_semaphore, #tpu.memory_space<semaphore_mem>> -> memref<!tpu.dma_semaphore, #tpu.memory_space<semaphore_mem>>
      %dma_wait3A_431 = arith.constant 0 : i32
      %dma_wait3A_432 = tpu.memref_slice %arg7[%dma_wait3A_423, %dma_wait3A_431] : memref<2x384xi32, #tpu.memory_space<vmem>> -> memref<1x384xi32, #tpu.memory_space<vmem>>
      %dma_wait3A_433 = tpu.memref_squeeze %dma_wait3A_432 : memref<1x384xi32, #tpu.memory_space<vmem>> -> memref<384xi32, #tpu.memory_space<vmem>>
      %dma_wait3A_434 = tpu.memref_slice %arg3[%multiple_of3A_413] : memref<320256xi32, #tpu.memory_space<hbm>> -> memref<384xi32, #tpu.memory_space<hbm>>
      tpu.wait_dma2 semaphore(%dma_wait3A_430 : memref<!tpu.dma_semaphore, #tpu.memory_space<semaphore_mem>>) src(%dma_wait3A_434 : memref<384xi32, #tpu.memory_space<hbm>>) dst(%dma_wait3A_433 : memref<384xi32, #tpu.memory_space<vmem>>)
      %dma_wait3A_435 = arith.constant 3 : i32
      %dma_wait3A_436 = arith.constant 1 : i32
      %dma_wait3A_437 = arith.constant 0 : i32
      %dma_wait3A_438 = tpu.memref_slice %arg8[%dma_wait3A_435, %dma_wait3A_437] : memref<6x128xi32, #tpu.memory_space<vmem>> -> memref<1x128xi32, #tpu.memory_space<vmem>>
      %dma_wait3A_439 = tpu.memref_squeeze %dma_wait3A_438 : memref<1x128xi32, #tpu.memory_space<vmem>> -> memref<128xi32, #tpu.memory_space<vmem>>
      %dma_wait3A_440 = tpu.memref_slice %arg4[%multiple_of3A_416] : memref<320256xi32, #tpu.memory_space<hbm>> -> memref<128xi32, #tpu.memory_space<hbm>>
      %dma_wait3A_441 = tpu.memref_slice %arg11[%dma_wait3A_436] : memref<2x!tpu.dma_semaphore, #tpu.memory_space<semaphore_mem>> -> memref<1x!tpu.dma_semaphore, #tpu.memory_space<semaphore_mem>>
      %dma_wait3A_442 = tpu.memref_squeeze %dma_wait3A_441 : memref<1x!tpu.dma_semaphore, #tpu.memory_space<semaphore_mem>> -> memref<!tpu.dma_semaphore, #tpu.memory_space<semaphore_mem>>
      %dma_wait3A_443 = arith.constant 0 : i32
      %dma_wait3A_444 = tpu.memref_slice %arg8[%dma_wait3A_435, %dma_wait3A_443] : memref<6x128xi32, #tpu.memory_space<vmem>> -> memref<1x128xi32, #tpu.memory_space<vmem>>
      %dma_wait3A_445 = tpu.memref_squeeze %dma_wait3A_444 : memref<1x128xi32, #tpu.memory_space<vmem>> -> memref<128xi32, #tpu.memory_space<vmem>>
      %dma_wait3A_446 = tpu.memref_slice %arg4[%multiple_of3A_416] : memref<320256xi32, #tpu.memory_space<hbm>> -> memref<128xi32, #tpu.memory_space<hbm>>
      tpu.wait_dma2 semaphore(%dma_wait3A_442 : memref<!tpu.dma_semaphore, #tpu.memory_space<semaphore_mem>>) src(%dma_wait3A_446 : memref<128xi32, #tpu.memory_space<hbm>>) dst(%dma_wait3A_445 : memref<128xi32, #tpu.memory_space<vmem>>)
      %dma_wait3A_447 = arith.constant 4 : i32
      %dma_wait3A_448 = arith.constant 1 : i32
      %dma_wait3A_449 = arith.constant 0 : i32
      %dma_wait3A_450 = tpu.memref_slice %arg8[%dma_wait3A_447, %dma_wait3A_449] : memref<6x128xi32, #tpu.memory_space<vmem>> -> memref<1x128xi32, #tpu.memory_space<vmem>>
      %dma_wait3A_451 = tpu.memref_squeeze %dma_wait3A_450 : memref<1x128xi32, #tpu.memory_space<vmem>> -> memref<128xi32, #tpu.memory_space<vmem>>
      %dma_wait3A_452 = tpu.memref_slice %arg4[%multiple_of3A_419] : memref<320256xi32, #tpu.memory_space<hbm>> -> memref<128xi32, #tpu.memory_space<hbm>>
      %dma_wait3A_453 = tpu.memref_slice %arg11[%dma_wait3A_448] : memref<2x!tpu.dma_semaphore, #tpu.memory_space<semaphore_mem>> -> memref<1x!tpu.dma_semaphore, #tpu.memory_space<semaphore_mem>>
      %dma_wait3A_454 = tpu.memref_squeeze %dma_wait3A_453 : memref<1x!tpu.dma_semaphore, #tpu.memory_space<semaphore_mem>> -> memref<!tpu.dma_semaphore, #tpu.memory_space<semaphore_mem>>
      %dma_wait3A_455 = arith.constant 0 : i32
      %dma_wait3A_456 = tpu.memref_slice %arg8[%dma_wait3A_447, %dma_wait3A_455] : memref<6x128xi32, #tpu.memory_space<vmem>> -> memref<1x128xi32, #tpu.memory_space<vmem>>
      %dma_wait3A_457 = tpu.memref_squeeze %dma_wait3A_456 : memref<1x128xi32, #tpu.memory_space<vmem>> -> memref<128xi32, #tpu.memory_space<vmem>>
      %dma_wait3A_458 = tpu.memref_slice %arg4[%multiple_of3A_419] : memref<320256xi32, #tpu.memory_space<hbm>> -> memref<128xi32, #tpu.memory_space<hbm>>
      tpu.wait_dma2 semaphore(%dma_wait3A_454 : memref<!tpu.dma_semaphore, #tpu.memory_space<semaphore_mem>>) src(%dma_wait3A_458 : memref<128xi32, #tpu.memory_space<hbm>>) dst(%dma_wait3A_457 : memref<128xi32, #tpu.memory_space<vmem>>)
      %dma_wait3A_459 = arith.constant 5 : i32
      %dma_wait3A_460 = arith.constant 1 : i32
      %dma_wait3A_461 = arith.constant 0 : i32
      %dma_wait3A_462 = tpu.memref_slice %arg8[%dma_wait3A_459, %dma_wait3A_461] : memref<6x128xi32, #tpu.memory_space<vmem>> -> memref<1x128xi32, #tpu.memory_space<vmem>>
      %dma_wait3A_463 = tpu.memref_squeeze %dma_wait3A_462 : memref<1x128xi32, #tpu.memory_space<vmem>> -> memref<128xi32, #tpu.memory_space<vmem>>
      %dma_wait3A_464 = tpu.memref_slice %arg4[%multiple_of3A_422] : memref<320256xi32, #tpu.memory_space<hbm>> -> memref<128xi32, #tpu.memory_space<hbm>>
      %dma_wait3A_465 = tpu.memref_slice %arg11[%dma_wait3A_460] : memref<2x!tpu.dma_semaphore, #tpu.memory_space<semaphore_mem>> -> memref<1x!tpu.dma_semaphore, #tpu.memory_space<semaphore_mem>>
      %dma_wait3A_466 = tpu.memref_squeeze %dma_wait3A_465 : memref<1x!tpu.dma_semaphore, #tpu.memory_space<semaphore_mem>> -> memref<!tpu.dma_semaphore, #tpu.memory_space<semaphore_mem>>
      %dma_wait3A_467 = arith.constant 0 : i32
      %dma_wait3A_468 = tpu.memref_slice %arg8[%dma_wait3A_459, %dma_wait3A_467] : memref<6x128xi32, #tpu.memory_space<vmem>> -> memref<1x128xi32, #tpu.memory_space<vmem>>
      %dma_wait3A_469 = tpu.memref_squeeze %dma_wait3A_468 : memref<1x128xi32, #tpu.memory_space<vmem>> -> memref<128xi32, #tpu.memory_space<vmem>>
      %dma_wait3A_470 = tpu.memref_slice %arg4[%multiple_of3A_422] : memref<320256xi32, #tpu.memory_space<hbm>> -> memref<128xi32, #tpu.memory_space<hbm>>
      tpu.wait_dma2 semaphore(%dma_wait3A_466 : memref<!tpu.dma_semaphore, #tpu.memory_space<semaphore_mem>>) src(%dma_wait3A_470 : memref<128xi32, #tpu.memory_space<hbm>>) dst(%dma_wait3A_469 : memref<128xi32, #tpu.memory_space<vmem>>)
      %dma_start3A_471 = arith.constant 1 : i32
      %dma_start3A_472 = arith.constant 0 : i32
      %dma_start3A_473 = arith.constant 0 : i32
      %dma_start3A_474 = arith.constant 0 : i32
      %dma_start3A_475 = arith.constant 0 : i32
      %dma_start3A_476 = tpu.memref_slice %arg9[%dma_start3A_472, %dma_start3A_474, %dma_start3A_475] : memref<3x128x128xf32, #tpu.memory_space<vmem>> -> memref<1x128x128xf32, #tpu.memory_space<vmem>>
      %dma_start3A_477 = tpu.memref_squeeze %dma_start3A_476 : memref<1x128x128xf32, #tpu.memory_space<vmem>> -> memref<128x128xf32, #tpu.memory_space<vmem>>
      %dma_start3A_478 = arith.constant 0 : i32
      %dma_start3A_479 = tpu.memref_slice %arg7[%dma_start3A_471, %dma_start3A_478] : memref<2x384xi32, #tpu.memory_space<vmem>> -> memref<1x128xi32, #tpu.memory_space<vmem>>
      %dma_start3A_480 = tpu.memref_squeeze %dma_start3A_479 : memref<1x128xi32, #tpu.memory_space<vmem>> -> memref<128xi32, #tpu.memory_space<vmem>>
      %dma_start3A_481 = arith.constant 0 : i32
      %dma_start3A_482 = arith.constant 0 : i32
      %dma_start3A_483 = tpu.memref_slice %arg2[%dma_start3A_481, %dma_start3A_482] : memref<10000x128xf32, #tpu.memory_space<hbm>> -> memref<10000x128xf32, #tpu.memory_space<hbm>>
      %dma_start3A_484 = tpu.memref_slice %arg12[%dma_start3A_473] : memref<3x!tpu.dma_semaphore, #tpu.memory_space<semaphore_mem>> -> memref<1x!tpu.dma_semaphore, #tpu.memory_space<semaphore_mem>>
      %dma_start3A_485 = tpu.memref_squeeze %dma_start3A_484 : memref<1x!tpu.dma_semaphore, #tpu.memory_space<semaphore_mem>> -> memref<!tpu.dma_semaphore, #tpu.memory_space<semaphore_mem>>
      tpu.enqueue_indirect_dma source(%dma_start3A_483 : memref<10000x128xf32, #tpu.memory_space<hbm>>) target(%dma_start3A_477 : memref<128x128xf32, #tpu.memory_space<vmem>>) offsets(%dma_start3A_480 : memref<128xi32, #tpu.memory_space<vmem>>) semaphore(%dma_start3A_485 : memref<!tpu.dma_semaphore, #tpu.memory_space<semaphore_mem>>)
      %dma_start3A_486 = arith.constant 1 : i32
      %dma_start3A_487 = arith.constant 1 : i32
      %dma_start3A_488 = arith.constant 1 : i32
      %dma_start3A_489 = arith.constant 0 : i32
      %dma_start3A_490 = arith.constant 0 : i32
      %dma_start3A_491 = tpu.memref_slice %arg9[%dma_start3A_487, %dma_start3A_489, %dma_start3A_490] : memref<3x128x128xf32, #tpu.memory_space<vmem>> -> memref<1x128x128xf32, #tpu.memory_space<vmem>>
      %dma_start3A_492 = tpu.memref_squeeze %dma_start3A_491 : memref<1x128x128xf32, #tpu.memory_space<vmem>> -> memref<128x128xf32, #tpu.memory_space<vmem>>
      %dma_start3A_493 = arith.constant 128 : i32
      %dma_start3A_494 = tpu.memref_slice %arg7[%dma_start3A_486, %dma_start3A_493] : memref<2x384xi32, #tpu.memory_space<vmem>> -> memref<1x128xi32, #tpu.memory_space<vmem>>
      %dma_start3A_495 = tpu.memref_squeeze %dma_start3A_494 : memref<1x128xi32, #tpu.memory_space<vmem>> -> memref<128xi32, #tpu.memory_space<vmem>>
      %dma_start3A_496 = arith.constant 0 : i32
      %dma_start3A_497 = arith.constant 0 : i32
      %dma_start3A_498 = tpu.memref_slice %arg2[%dma_start3A_496, %dma_start3A_497] : memref<10000x128xf32, #tpu.memory_space<hbm>> -> memref<10000x128xf32, #tpu.memory_space<hbm>>
      %dma_start3A_499 = tpu.memref_slice %arg12[%dma_start3A_488] : memref<3x!tpu.dma_semaphore, #tpu.memory_space<semaphore_mem>> -> memref<1x!tpu.dma_semaphore, #tpu.memory_space<semaphore_mem>>
      %dma_start3A_500 = tpu.memref_squeeze %dma_start3A_499 : memref<1x!tpu.dma_semaphore, #tpu.memory_space<semaphore_mem>> -> memref<!tpu.dma_semaphore, #tpu.memory_space<semaphore_mem>>
      tpu.enqueue_indirect_dma source(%dma_start3A_498 : memref<10000x128xf32, #tpu.memory_space<hbm>>) target(%dma_start3A_492 : memref<128x128xf32, #tpu.memory_space<vmem>>) offsets(%dma_start3A_495 : memref<128xi32, #tpu.memory_space<vmem>>) semaphore(%dma_start3A_500 : memref<!tpu.dma_semaphore, #tpu.memory_space<semaphore_mem>>)
      %dma_start3A_501 = arith.constant 1 : i32
      %dma_start3A_502 = arith.constant 2 : i32
      %dma_start3A_503 = arith.constant 2 : i32
      %dma_start3A_504 = arith.constant 0 : i32
      %dma_start3A_505 = arith.constant 0 : i32
      %dma_start3A_506 = tpu.memref_slice %arg9[%dma_start3A_502, %dma_start3A_504, %dma_start3A_505] : memref<3x128x128xf32, #tpu.memory_space<vmem>> -> memref<1x128x128xf32, #tpu.memory_space<vmem>>
      %dma_start3A_507 = tpu.memref_squeeze %dma_start3A_506 : memref<1x128x128xf32, #tpu.memory_space<vmem>> -> memref<128x128xf32, #tpu.memory_space<vmem>>
      %dma_start3A_508 = arith.constant 256 : i32
      %dma_start3A_509 = tpu.memref_slice %arg7[%dma_start3A_501, %dma_start3A_508] : memref<2x384xi32, #tpu.memory_space<vmem>> -> memref<1x128xi32, #tpu.memory_space<vmem>>
      %dma_start3A_510 = tpu.memref_squeeze %dma_start3A_509 : memref<1x128xi32, #tpu.memory_space<vmem>> -> memref<128xi32, #tpu.memory_space<vmem>>
      %dma_start3A_511 = arith.constant 0 : i32
      %dma_start3A_512 = arith.constant 0 : i32
      %dma_start3A_513 = tpu.memref_slice %arg2[%dma_start3A_511, %dma_start3A_512] : memref<10000x128xf32, #tpu.memory_space<hbm>> -> memref<10000x128xf32, #tpu.memory_space<hbm>>
      %dma_start3A_514 = tpu.memref_slice %arg12[%dma_start3A_503] : memref<3x!tpu.dma_semaphore, #tpu.memory_space<semaphore_mem>> -> memref<1x!tpu.dma_semaphore, #tpu.memory_space<semaphore_mem>>
      %dma_start3A_515 = tpu.memref_squeeze %dma_start3A_514 : memref<1x!tpu.dma_semaphore, #tpu.memory_space<semaphore_mem>> -> memref<!tpu.dma_semaphore, #tpu.memory_space<semaphore_mem>>
      tpu.enqueue_indirect_dma source(%dma_start3A_513 : memref<10000x128xf32, #tpu.memory_space<hbm>>) target(%dma_start3A_507 : memref<128x128xf32, #tpu.memory_space<vmem>>) offsets(%dma_start3A_510 : memref<128xi32, #tpu.memory_space<vmem>>) semaphore(%dma_start3A_515 : memref<!tpu.dma_semaphore, #tpu.memory_space<semaphore_mem>>)
      %dma_wait3A_516 = arith.constant 1 : i32
      %dma_wait3A_517 = arith.constant 0 : i32
      %dma_wait3A_518 = arith.constant 0 : i32
      %dma_wait3A_519 = arith.constant 0 : i32
      %dma_wait3A_520 = arith.constant 0 : i32
      %dma_wait3A_521 = tpu.memref_slice %arg9[%dma_wait3A_517, %dma_wait3A_519, %dma_wait3A_520] : memref<3x128x128xf32, #tpu.memory_space<vmem>> -> memref<1x128x128xf32, #tpu.memory_space<vmem>>
      %dma_wait3A_522 = tpu.memref_squeeze %dma_wait3A_521 : memref<1x128x128xf32, #tpu.memory_space<vmem>> -> memref<128x128xf32, #tpu.memory_space<vmem>>
      %dma_wait3A_523 = arith.constant 0 : i32
      %dma_wait3A_524 = tpu.memref_slice %arg7[%dma_wait3A_516, %dma_wait3A_523] : memref<2x384xi32, #tpu.memory_space<vmem>> -> memref<1x128xi32, #tpu.memory_space<vmem>>
      %dma_wait3A_525 = tpu.memref_squeeze %dma_wait3A_524 : memref<1x128xi32, #tpu.memory_space<vmem>> -> memref<128xi32, #tpu.memory_space<vmem>>
      %dma_wait3A_526 = arith.constant 0 : i32
      %dma_wait3A_527 = arith.constant 0 : i32
      %dma_wait3A_528 = tpu.memref_slice %arg2[%dma_wait3A_526, %dma_wait3A_527] : memref<10000x128xf32, #tpu.memory_space<hbm>> -> memref<10000x128xf32, #tpu.memory_space<hbm>>
      %dma_wait3A_529 = tpu.memref_slice %arg12[%dma_wait3A_518] : memref<3x!tpu.dma_semaphore, #tpu.memory_space<semaphore_mem>> -> memref<1x!tpu.dma_semaphore, #tpu.memory_space<semaphore_mem>>
      %dma_wait3A_530 = tpu.memref_squeeze %dma_wait3A_529 : memref<1x!tpu.dma_semaphore, #tpu.memory_space<semaphore_mem>> -> memref<!tpu.dma_semaphore, #tpu.memory_space<semaphore_mem>>
      tpu.wait_indirect_dma semaphore(%dma_wait3A_530 : memref<!tpu.dma_semaphore, #tpu.memory_space<semaphore_mem>>) src(%dma_wait3A_528 : memref<10000x128xf32, #tpu.memory_space<hbm>>) dst(%dma_wait3A_522 : memref<128x128xf32, #tpu.memory_space<vmem>>)
      %dma_start3A_531 = arith.constant 0 : i32
      %dma_start3A_532 = arith.constant 3 : i32
      %dma_start3A_533 = arith.constant 0 : i32
      %dma_start3A_534 = arith.constant 0 : i32
      %dma_start3A_535 = arith.constant 0 : i32
      %dma_start3A_536 = tpu.memref_slice %arg9[%dma_start3A_531, %dma_start3A_534, %dma_start3A_535] : memref<3x128x128xf32, #tpu.memory_space<vmem>> -> memref<1x128x128xf32, #tpu.memory_space<vmem>>
      %dma_start3A_537 = tpu.memref_squeeze %dma_start3A_536 : memref<1x128x128xf32, #tpu.memory_space<vmem>> -> memref<128x128xf32, #tpu.memory_space<vmem>>
      %dma_start3A_538 = arith.constant 0 : i32
      %dma_start3A_539 = tpu.memref_slice %arg8[%dma_start3A_532, %dma_start3A_538] : memref<6x128xi32, #tpu.memory_space<vmem>> -> memref<1x128xi32, #tpu.memory_space<vmem>>
      %dma_start3A_540 = tpu.memref_squeeze %dma_start3A_539 : memref<1x128xi32, #tpu.memory_space<vmem>> -> memref<128xi32, #tpu.memory_space<vmem>>
      %dma_start3A_541 = arith.constant 0 : i32
      %dma_start3A_542 = arith.constant 0 : i32
      %dma_start3A_543 = tpu.memref_slice %arg10[%dma_start3A_541, %dma_start3A_542] : memref<10016x128xf32, #tpu.memory_space<vmem_shared>> -> memref<10016x128xf32, #tpu.memory_space<vmem_shared>>
      %dma_start3A_544 = tpu.memref_slice %arg13[%dma_start3A_533] : memref<3x!tpu.dma_semaphore, #tpu.memory_space<semaphore_mem>> -> memref<1x!tpu.dma_semaphore, #tpu.memory_space<semaphore_mem>>
      %dma_start3A_545 = tpu.memref_squeeze %dma_start3A_544 : memref<1x!tpu.dma_semaphore, #tpu.memory_space<semaphore_mem>> -> memref<!tpu.dma_semaphore, #tpu.memory_space<semaphore_mem>>
      tpu.enqueue_indirect_dma source(%dma_start3A_537 : memref<128x128xf32, #tpu.memory_space<vmem>>) target(%dma_start3A_543 : memref<10016x128xf32, #tpu.memory_space<vmem_shared>>) offsets(%dma_start3A_540 : memref<128xi32, #tpu.memory_space<vmem>>) semaphore(%dma_start3A_545 : memref<!tpu.dma_semaphore, #tpu.memory_space<semaphore_mem>>) {add = true}
      %dma_wait3A_546 = arith.constant 1 : i32
      %dma_wait3A_547 = arith.constant 1 : i32
      %dma_wait3A_548 = arith.constant 1 : i32
      %dma_wait3A_549 = arith.constant 0 : i32
      %dma_wait3A_550 = arith.constant 0 : i32
      %dma_wait3A_551 = tpu.memref_slice %arg9[%dma_wait3A_547, %dma_wait3A_549, %dma_wait3A_550] : memref<3x128x128xf32, #tpu.memory_space<vmem>> -> memref<1x128x128xf32, #tpu.memory_space<vmem>>
      %dma_wait3A_552 = tpu.memref_squeeze %dma_wait3A_551 : memref<1x128x128xf32, #tpu.memory_space<vmem>> -> memref<128x128xf32, #tpu.memory_space<vmem>>
      %dma_wait3A_553 = arith.constant 128 : i32
      %dma_wait3A_554 = tpu.memref_slice %arg7[%dma_wait3A_546, %dma_wait3A_553] : memref<2x384xi32, #tpu.memory_space<vmem>> -> memref<1x128xi32, #tpu.memory_space<vmem>>
      %dma_wait3A_555 = tpu.memref_squeeze %dma_wait3A_554 : memref<1x128xi32, #tpu.memory_space<vmem>> -> memref<128xi32, #tpu.memory_space<vmem>>
      %dma_wait3A_556 = arith.constant 0 : i32
      %dma_wait3A_557 = arith.constant 0 : i32
      %dma_wait3A_558 = tpu.memref_slice %arg2[%dma_wait3A_556, %dma_wait3A_557] : memref<10000x128xf32, #tpu.memory_space<hbm>> -> memref<10000x128xf32, #tpu.memory_space<hbm>>
      %dma_wait3A_559 = tpu.memref_slice %arg12[%dma_wait3A_548] : memref<3x!tpu.dma_semaphore, #tpu.memory_space<semaphore_mem>> -> memref<1x!tpu.dma_semaphore, #tpu.memory_space<semaphore_mem>>
      %dma_wait3A_560 = tpu.memref_squeeze %dma_wait3A_559 : memref<1x!tpu.dma_semaphore, #tpu.memory_space<semaphore_mem>> -> memref<!tpu.dma_semaphore, #tpu.memory_space<semaphore_mem>>
      tpu.wait_indirect_dma semaphore(%dma_wait3A_560 : memref<!tpu.dma_semaphore, #tpu.memory_space<semaphore_mem>>) src(%dma_wait3A_558 : memref<10000x128xf32, #tpu.memory_space<hbm>>) dst(%dma_wait3A_552 : memref<128x128xf32, #tpu.memory_space<vmem>>)
      %dma_start3A_561 = arith.constant 1 : i32
      %dma_start3A_562 = arith.constant 4 : i32
      %dma_start3A_563 = arith.constant 1 : i32
      %dma_start3A_564 = arith.constant 0 : i32
      %dma_start3A_565 = arith.constant 0 : i32
      %dma_start3A_566 = tpu.memref_slice %arg9[%dma_start3A_561, %dma_start3A_564, %dma_start3A_565] : memref<3x128x128xf32, #tpu.memory_space<vmem>> -> memref<1x128x128xf32, #tpu.memory_space<vmem>>
      %dma_start3A_567 = tpu.memref_squeeze %dma_start3A_566 : memref<1x128x128xf32, #tpu.memory_space<vmem>> -> memref<128x128xf32, #tpu.memory_space<vmem>>
      %dma_start3A_568 = arith.constant 0 : i32
      %dma_start3A_569 = tpu.memref_slice %arg8[%dma_start3A_562, %dma_start3A_568] : memref<6x128xi32, #tpu.memory_space<vmem>> -> memref<1x128xi32, #tpu.memory_space<vmem>>
      %dma_start3A_570 = tpu.memref_squeeze %dma_start3A_569 : memref<1x128xi32, #tpu.memory_space<vmem>> -> memref<128xi32, #tpu.memory_space<vmem>>
      %dma_start3A_571 = arith.constant 0 : i32
      %dma_start3A_572 = arith.constant 0 : i32
      %dma_start3A_573 = tpu.memref_slice %arg10[%dma_start3A_571, %dma_start3A_572] : memref<10016x128xf32, #tpu.memory_space<vmem_shared>> -> memref<10016x128xf32, #tpu.memory_space<vmem_shared>>
      %dma_start3A_574 = tpu.memref_slice %arg13[%dma_start3A_563] : memref<3x!tpu.dma_semaphore, #tpu.memory_space<semaphore_mem>> -> memref<1x!tpu.dma_semaphore, #tpu.memory_space<semaphore_mem>>
      %dma_start3A_575 = tpu.memref_squeeze %dma_start3A_574 : memref<1x!tpu.dma_semaphore, #tpu.memory_space<semaphore_mem>> -> memref<!tpu.dma_semaphore, #tpu.memory_space<semaphore_mem>>
      tpu.enqueue_indirect_dma source(%dma_start3A_567 : memref<128x128xf32, #tpu.memory_space<vmem>>) target(%dma_start3A_573 : memref<10016x128xf32, #tpu.memory_space<vmem_shared>>) offsets(%dma_start3A_570 : memref<128xi32, #tpu.memory_space<vmem>>) semaphore(%dma_start3A_575 : memref<!tpu.dma_semaphore, #tpu.memory_space<semaphore_mem>>) {add = true}
      %dma_wait3A_576 = arith.constant 1 : i32
      %dma_wait3A_577 = arith.constant 2 : i32
      %dma_wait3A_578 = arith.constant 2 : i32
      %dma_wait3A_579 = arith.constant 0 : i32
      %dma_wait3A_580 = arith.constant 0 : i32
      %dma_wait3A_581 = tpu.memref_slice %arg9[%dma_wait3A_577, %dma_wait3A_579, %dma_wait3A_580] : memref<3x128x128xf32, #tpu.memory_space<vmem>> -> memref<1x128x128xf32, #tpu.memory_space<vmem>>
      %dma_wait3A_582 = tpu.memref_squeeze %dma_wait3A_581 : memref<1x128x128xf32, #tpu.memory_space<vmem>> -> memref<128x128xf32, #tpu.memory_space<vmem>>
      %dma_wait3A_583 = arith.constant 256 : i32
      %dma_wait3A_584 = tpu.memref_slice %arg7[%dma_wait3A_576, %dma_wait3A_583] : memref<2x384xi32, #tpu.memory_space<vmem>> -> memref<1x128xi32, #tpu.memory_space<vmem>>
      %dma_wait3A_585 = tpu.memref_squeeze %dma_wait3A_584 : memref<1x128xi32, #tpu.memory_space<vmem>> -> memref<128xi32, #tpu.memory_space<vmem>>
      %dma_wait3A_586 = arith.constant 0 : i32
      %dma_wait3A_587 = arith.constant 0 : i32
      %dma_wait3A_588 = tpu.memref_slice %arg2[%dma_wait3A_586, %dma_wait3A_587] : memref<10000x128xf32, #tpu.memory_space<hbm>> -> memref<10000x128xf32, #tpu.memory_space<hbm>>
      %dma_wait3A_589 = tpu.memref_slice %arg12[%dma_wait3A_578] : memref<3x!tpu.dma_semaphore, #tpu.memory_space<semaphore_mem>> -> memref<1x!tpu.dma_semaphore, #tpu.memory_space<semaphore_mem>>
      %dma_wait3A_590 = tpu.memref_squeeze %dma_wait3A_589 : memref<1x!tpu.dma_semaphore, #tpu.memory_space<semaphore_mem>> -> memref<!tpu.dma_semaphore, #tpu.memory_space<semaphore_mem>>
      tpu.wait_indirect_dma semaphore(%dma_wait3A_590 : memref<!tpu.dma_semaphore, #tpu.memory_space<semaphore_mem>>) src(%dma_wait3A_588 : memref<10000x128xf32, #tpu.memory_space<hbm>>) dst(%dma_wait3A_582 : memref<128x128xf32, #tpu.memory_space<vmem>>)
      %dma_start3A_591 = arith.constant 2 : i32
      %dma_start3A_592 = arith.constant 5 : i32
      %dma_start3A_593 = arith.constant 2 : i32
      %dma_start3A_594 = arith.constant 0 : i32
      %dma_start3A_595 = arith.constant 0 : i32
      %dma_start3A_596 = tpu.memref_slice %arg9[%dma_start3A_591, %dma_start3A_594, %dma_start3A_595] : memref<3x128x128xf32, #tpu.memory_space<vmem>> -> memref<1x128x128xf32, #tpu.memory_space<vmem>>
      %dma_start3A_597 = tpu.memref_squeeze %dma_start3A_596 : memref<1x128x128xf32, #tpu.memory_space<vmem>> -> memref<128x128xf32, #tpu.memory_space<vmem>>
      %dma_start3A_598 = arith.constant 0 : i32
      %dma_start3A_599 = tpu.memref_slice %arg8[%dma_start3A_592, %dma_start3A_598] : memref<6x128xi32, #tpu.memory_space<vmem>> -> memref<1x128xi32, #tpu.memory_space<vmem>>
      %dma_start3A_600 = tpu.memref_squeeze %dma_start3A_599 : memref<1x128xi32, #tpu.memory_space<vmem>> -> memref<128xi32, #tpu.memory_space<vmem>>
      %dma_start3A_601 = arith.constant 0 : i32
      %dma_start3A_602 = arith.constant 0 : i32
      %dma_start3A_603 = tpu.memref_slice %arg10[%dma_start3A_601, %dma_start3A_602] : memref<10016x128xf32, #tpu.memory_space<vmem_shared>> -> memref<10016x128xf32, #tpu.memory_space<vmem_shared>>
      %dma_start3A_604 = tpu.memref_slice %arg13[%dma_start3A_593] : memref<3x!tpu.dma_semaphore, #tpu.memory_space<semaphore_mem>> -> memref<1x!tpu.dma_semaphore, #tpu.memory_space<semaphore_mem>>
      %dma_start3A_605 = tpu.memref_squeeze %dma_start3A_604 : memref<1x!tpu.dma_semaphore, #tpu.memory_space<semaphore_mem>> -> memref<!tpu.dma_semaphore, #tpu.memory_space<semaphore_mem>>
      tpu.enqueue_indirect_dma source(%dma_start3A_597 : memref<128x128xf32, #tpu.memory_space<vmem>>) target(%dma_start3A_603 : memref<10016x128xf32, #tpu.memory_space<vmem_shared>>) offsets(%dma_start3A_600 : memref<128xi32, #tpu.memory_space<vmem>>) semaphore(%dma_start3A_605 : memref<!tpu.dma_semaphore, #tpu.memory_space<semaphore_mem>>) {add = true}
      %dma_wait3A_606 = arith.constant 0 : i32
      %dma_wait3A_607 = arith.constant 3 : i32
      %dma_wait3A_608 = arith.constant 0 : i32
      %dma_wait3A_609 = arith.constant 0 : i32
      %dma_wait3A_610 = arith.constant 0 : i32
      %dma_wait3A_611 = tpu.memref_slice %arg9[%dma_wait3A_606, %dma_wait3A_609, %dma_wait3A_610] : memref<3x128x128xf32, #tpu.memory_space<vmem>> -> memref<1x128x128xf32, #tpu.memory_space<vmem>>
      %dma_wait3A_612 = tpu.memref_squeeze %dma_wait3A_611 : memref<1x128x128xf32, #tpu.memory_space<vmem>> -> memref<128x128xf32, #tpu.memory_space<vmem>>
      %dma_wait3A_613 = arith.constant 0 : i32
      %dma_wait3A_614 = tpu.memref_slice %arg8[%dma_wait3A_607, %dma_wait3A_613] : memref<6x128xi32, #tpu.memory_space<vmem>> -> memref<1x128xi32, #tpu.memory_space<vmem>>
      %dma_wait3A_615 = tpu.memref_squeeze %dma_wait3A_614 : memref<1x128xi32, #tpu.memory_space<vmem>> -> memref<128xi32, #tpu.memory_space<vmem>>
      %dma_wait3A_616 = arith.constant 0 : i32
      %dma_wait3A_617 = arith.constant 0 : i32
      %dma_wait3A_618 = tpu.memref_slice %arg10[%dma_wait3A_616, %dma_wait3A_617] : memref<10016x128xf32, #tpu.memory_space<vmem_shared>> -> memref<10016x128xf32, #tpu.memory_space<vmem_shared>>
      %dma_wait3A_619 = tpu.memref_slice %arg13[%dma_wait3A_608] : memref<3x!tpu.dma_semaphore, #tpu.memory_space<semaphore_mem>> -> memref<1x!tpu.dma_semaphore, #tpu.memory_space<semaphore_mem>>
      %dma_wait3A_620 = tpu.memref_squeeze %dma_wait3A_619 : memref<1x!tpu.dma_semaphore, #tpu.memory_space<semaphore_mem>> -> memref<!tpu.dma_semaphore, #tpu.memory_space<semaphore_mem>>
      tpu.wait_indirect_dma semaphore(%dma_wait3A_620 : memref<!tpu.dma_semaphore, #tpu.memory_space<semaphore_mem>>) src(%dma_wait3A_612 : memref<128x128xf32, #tpu.memory_space<vmem>>) dst(%dma_wait3A_618 : memref<10016x128xf32, #tpu.memory_space<vmem_shared>>)
      %dma_wait3A_621 = arith.constant 1 : i32
      %dma_wait3A_622 = arith.constant 4 : i32
      %dma_wait3A_623 = arith.constant 1 : i32
      %dma_wait3A_624 = arith.constant 0 : i32
      %dma_wait3A_625 = arith.constant 0 : i32
      %dma_wait3A_626 = tpu.memref_slice %arg9[%dma_wait3A_621, %dma_wait3A_624, %dma_wait3A_625] : memref<3x128x128xf32, #tpu.memory_space<vmem>> -> memref<1x128x128xf32, #tpu.memory_space<vmem>>
      %dma_wait3A_627 = tpu.memref_squeeze %dma_wait3A_626 : memref<1x128x128xf32, #tpu.memory_space<vmem>> -> memref<128x128xf32, #tpu.memory_space<vmem>>
      %dma_wait3A_628 = arith.constant 0 : i32
      %dma_wait3A_629 = tpu.memref_slice %arg8[%dma_wait3A_622, %dma_wait3A_628] : memref<6x128xi32, #tpu.memory_space<vmem>> -> memref<1x128xi32, #tpu.memory_space<vmem>>
      %dma_wait3A_630 = tpu.memref_squeeze %dma_wait3A_629 : memref<1x128xi32, #tpu.memory_space<vmem>> -> memref<128xi32, #tpu.memory_space<vmem>>
      %dma_wait3A_631 = arith.constant 0 : i32
      %dma_wait3A_632 = arith.constant 0 : i32
      %dma_wait3A_633 = tpu.memref_slice %arg10[%dma_wait3A_631, %dma_wait3A_632] : memref<10016x128xf32, #tpu.memory_space<vmem_shared>> -> memref<10016x128xf32, #tpu.memory_space<vmem_shared>>
      %dma_wait3A_634 = tpu.memref_slice %arg13[%dma_wait3A_623] : memref<3x!tpu.dma_semaphore, #tpu.memory_space<semaphore_mem>> -> memref<1x!tpu.dma_semaphore, #tpu.memory_space<semaphore_mem>>
      %dma_wait3A_635 = tpu.memref_squeeze %dma_wait3A_634 : memref<1x!tpu.dma_semaphore, #tpu.memory_space<semaphore_mem>> -> memref<!tpu.dma_semaphore, #tpu.memory_space<semaphore_mem>>
      tpu.wait_indirect_dma semaphore(%dma_wait3A_635 : memref<!tpu.dma_semaphore, #tpu.memory_space<semaphore_mem>>) src(%dma_wait3A_627 : memref<128x128xf32, #tpu.memory_space<vmem>>) dst(%dma_wait3A_633 : memref<10016x128xf32, #tpu.memory_space<vmem_shared>>)
      %dma_wait3A_636 = arith.constant 2 : i32
      %dma_wait3A_637 = arith.constant 5 : i32
      %dma_wait3A_638 = arith.constant 2 : i32
      %dma_wait3A_639 = arith.constant 0 : i32
      %dma_wait3A_640 = arith.constant 0 : i32
      %dma_wait3A_641 = tpu.memref_slice %arg9[%dma_wait3A_636, %dma_wait3A_639, %dma_wait3A_640] : memref<3x128x128xf32, #tpu.memory_space<vmem>> -> memref<1x128x128xf32, #tpu.memory_space<vmem>>
      %dma_wait3A_642 = tpu.memref_squeeze %dma_wait3A_641 : memref<1x128x128xf32, #tpu.memory_space<vmem>> -> memref<128x128xf32, #tpu.memory_space<vmem>>
      %dma_wait3A_643 = arith.constant 0 : i32
      %dma_wait3A_644 = tpu.memref_slice %arg8[%dma_wait3A_637, %dma_wait3A_643] : memref<6x128xi32, #tpu.memory_space<vmem>> -> memref<1x128xi32, #tpu.memory_space<vmem>>
      %dma_wait3A_645 = tpu.memref_squeeze %dma_wait3A_644 : memref<1x128xi32, #tpu.memory_space<vmem>> -> memref<128xi32, #tpu.memory_space<vmem>>
      %dma_wait3A_646 = arith.constant 0 : i32
      %dma_wait3A_647 = arith.constant 0 : i32
      %dma_wait3A_648 = tpu.memref_slice %arg10[%dma_wait3A_646, %dma_wait3A_647] : memref<10016x128xf32, #tpu.memory_space<vmem_shared>> -> memref<10016x128xf32, #tpu.memory_space<vmem_shared>>
      %dma_wait3A_649 = tpu.memref_slice %arg13[%dma_wait3A_638] : memref<3x!tpu.dma_semaphore, #tpu.memory_space<semaphore_mem>> -> memref<1x!tpu.dma_semaphore, #tpu.memory_space<semaphore_mem>>
      %dma_wait3A_650 = tpu.memref_squeeze %dma_wait3A_649 : memref<1x!tpu.dma_semaphore, #tpu.memory_space<semaphore_mem>> -> memref<!tpu.dma_semaphore, #tpu.memory_space<semaphore_mem>>
      tpu.wait_indirect_dma semaphore(%dma_wait3A_650 : memref<!tpu.dma_semaphore, #tpu.memory_space<semaphore_mem>>) src(%dma_wait3A_642 : memref<128x128xf32, #tpu.memory_space<vmem>>) dst(%dma_wait3A_648 : memref<10016x128xf32, #tpu.memory_space<vmem_shared>>)
      %add3A_651 = arith.constant 2 : i32
      %add3A_652 = arith.addi %add3A_407, %add3A_651 : i32
      %lt3A_653 = arith.cmpi slt, %add3A_652, %mul3A_12 : i32
      %convert_element_type3A_654 = arith.extui %lt3A_653 : i1 to i32
      %cond3A_655 = arith.constant 0 : i32
      %cond3A_656 = arith.cmpi ne, %convert_element_type3A_654, %cond3A_655 : i32
      scf.if %cond3A_656 {
        %add3A_657 = arith.constant 2 : i32
        %add3A_658 = arith.addi %add3A_407, %add3A_657 : i32
        %mul3A_659 = arith.constant 3 : i32
        %mul3A_660 = arith.muli %add3A_658, %mul3A_659 : i32
        %add3A_661 = arith.addi %mul3A_10, %mul3A_660 : i32
        %mul3A_662 = arith.constant 128 : i32
        %mul3A_663 = arith.muli %add3A_661, %mul3A_662 : i32
        %multiple_of3A_664 = tpu.assume_multiple %mul3A_663, 8 : i32
        %add3A_665 = arith.constant 0 : i32
        %add3A_666 = arith.addi %multiple_of3A_664, %add3A_665 : i32
        %multiple_of3A_667 = tpu.assume_multiple %add3A_666, 8 : i32
        %add3A_668 = arith.constant 128 : i32
        %add3A_669 = arith.addi %multiple_of3A_664, %add3A_668 : i32
        %multiple_of3A_670 = tpu.assume_multiple %add3A_669, 8 : i32
        %add3A_671 = arith.constant 256 : i32
        %add3A_672 = arith.addi %multiple_of3A_664, %add3A_671 : i32
        %multiple_of3A_673 = tpu.assume_multiple %add3A_672, 8 : i32
        %dma_start3A_674 = arith.constant 1 : i32
        %dma_start3A_675 = arith.constant 1 : i32
        %dma_start3A_676 = arith.constant 0 : i32
        %dma_start3A_677 = tpu.memref_slice %arg7[%dma_start3A_674, %dma_start3A_676] : memref<2x384xi32, #tpu.memory_space<vmem>> -> memref<1x384xi32, #tpu.memory_space<vmem>>
        %dma_start3A_678 = tpu.memref_squeeze %dma_start3A_677 : memref<1x384xi32, #tpu.memory_space<vmem>> -> memref<384xi32, #tpu.memory_space<vmem>>
        %dma_start3A_679 = tpu.memref_slice %arg3[%multiple_of3A_664] : memref<320256xi32, #tpu.memory_space<hbm>> -> memref<384xi32, #tpu.memory_space<hbm>>
        %dma_start3A_680 = tpu.memref_slice %arg11[%dma_start3A_675] : memref<2x!tpu.dma_semaphore, #tpu.memory_space<semaphore_mem>> -> memref<1x!tpu.dma_semaphore, #tpu.memory_space<semaphore_mem>>
        %dma_start3A_681 = tpu.memref_squeeze %dma_start3A_680 : memref<1x!tpu.dma_semaphore, #tpu.memory_space<semaphore_mem>> -> memref<!tpu.dma_semaphore, #tpu.memory_space<semaphore_mem>>
        %dma_start3A_682 = arith.constant 0 : i32
        %dma_start3A_683 = tpu.memref_slice %arg7[%dma_start3A_674, %dma_start3A_682] : memref<2x384xi32, #tpu.memory_space<vmem>> -> memref<1x384xi32, #tpu.memory_space<vmem>>
        %dma_start3A_684 = tpu.memref_squeeze %dma_start3A_683 : memref<1x384xi32, #tpu.memory_space<vmem>> -> memref<384xi32, #tpu.memory_space<vmem>>
        %dma_start3A_685 = tpu.memref_slice %arg3[%multiple_of3A_664] : memref<320256xi32, #tpu.memory_space<hbm>> -> memref<384xi32, #tpu.memory_space<hbm>>
        tpu.enqueue_dma source(%dma_start3A_685 : memref<384xi32, #tpu.memory_space<hbm>>) target(%dma_start3A_684 : memref<384xi32, #tpu.memory_space<vmem>>) target_semaphore(%dma_start3A_681 : memref<!tpu.dma_semaphore, #tpu.memory_space<semaphore_mem>>)
        %dma_start3A_686 = arith.constant 3 : i32
        %dma_start3A_687 = arith.constant 1 : i32
        %dma_start3A_688 = arith.constant 0 : i32
        %dma_start3A_689 = tpu.memref_slice %arg8[%dma_start3A_686, %dma_start3A_688] : memref<6x128xi32, #tpu.memory_space<vmem>> -> memref<1x128xi32, #tpu.memory_space<vmem>>
        %dma_start3A_690 = tpu.memref_squeeze %dma_start3A_689 : memref<1x128xi32, #tpu.memory_space<vmem>> -> memref<128xi32, #tpu.memory_space<vmem>>
        %dma_start3A_691 = tpu.memref_slice %arg4[%multiple_of3A_667] : memref<320256xi32, #tpu.memory_space<hbm>> -> memref<128xi32, #tpu.memory_space<hbm>>
        %dma_start3A_692 = tpu.memref_slice %arg11[%dma_start3A_687] : memref<2x!tpu.dma_semaphore, #tpu.memory_space<semaphore_mem>> -> memref<1x!tpu.dma_semaphore, #tpu.memory_space<semaphore_mem>>
        %dma_start3A_693 = tpu.memref_squeeze %dma_start3A_692 : memref<1x!tpu.dma_semaphore, #tpu.memory_space<semaphore_mem>> -> memref<!tpu.dma_semaphore, #tpu.memory_space<semaphore_mem>>
        %dma_start3A_694 = arith.constant 0 : i32
        %dma_start3A_695 = tpu.memref_slice %arg8[%dma_start3A_686, %dma_start3A_694] : memref<6x128xi32, #tpu.memory_space<vmem>> -> memref<1x128xi32, #tpu.memory_space<vmem>>
        %dma_start3A_696 = tpu.memref_squeeze %dma_start3A_695 : memref<1x128xi32, #tpu.memory_space<vmem>> -> memref<128xi32, #tpu.memory_space<vmem>>
        %dma_start3A_697 = tpu.memref_slice %arg4[%multiple_of3A_667] : memref<320256xi32, #tpu.memory_space<hbm>> -> memref<128xi32, #tpu.memory_space<hbm>>
        tpu.enqueue_dma source(%dma_start3A_697 : memref<128xi32, #tpu.memory_space<hbm>>) target(%dma_start3A_696 : memref<128xi32, #tpu.memory_space<vmem>>) target_semaphore(%dma_start3A_693 : memref<!tpu.dma_semaphore, #tpu.memory_space<semaphore_mem>>)
        %dma_start3A_698 = arith.constant 4 : i32
        %dma_start3A_699 = arith.constant 1 : i32
        %dma_start3A_700 = arith.constant 0 : i32
        %dma_start3A_701 = tpu.memref_slice %arg8[%dma_start3A_698, %dma_start3A_700] : memref<6x128xi32, #tpu.memory_space<vmem>> -> memref<1x128xi32, #tpu.memory_space<vmem>>
        %dma_start3A_702 = tpu.memref_squeeze %dma_start3A_701 : memref<1x128xi32, #tpu.memory_space<vmem>> -> memref<128xi32, #tpu.memory_space<vmem>>
        %dma_start3A_703 = tpu.memref_slice %arg4[%multiple_of3A_670] : memref<320256xi32, #tpu.memory_space<hbm>> -> memref<128xi32, #tpu.memory_space<hbm>>
        %dma_start3A_704 = tpu.memref_slice %arg11[%dma_start3A_699] : memref<2x!tpu.dma_semaphore, #tpu.memory_space<semaphore_mem>> -> memref<1x!tpu.dma_semaphore, #tpu.memory_space<semaphore_mem>>
        %dma_start3A_705 = tpu.memref_squeeze %dma_start3A_704 : memref<1x!tpu.dma_semaphore, #tpu.memory_space<semaphore_mem>> -> memref<!tpu.dma_semaphore, #tpu.memory_space<semaphore_mem>>
        %dma_start3A_706 = arith.constant 0 : i32
        %dma_start3A_707 = tpu.memref_slice %arg8[%dma_start3A_698, %dma_start3A_706] : memref<6x128xi32, #tpu.memory_space<vmem>> -> memref<1x128xi32, #tpu.memory_space<vmem>>
        %dma_start3A_708 = tpu.memref_squeeze %dma_start3A_707 : memref<1x128xi32, #tpu.memory_space<vmem>> -> memref<128xi32, #tpu.memory_space<vmem>>
        %dma_start3A_709 = tpu.memref_slice %arg4[%multiple_of3A_670] : memref<320256xi32, #tpu.memory_space<hbm>> -> memref<128xi32, #tpu.memory_space<hbm>>
        tpu.enqueue_dma source(%dma_start3A_709 : memref<128xi32, #tpu.memory_space<hbm>>) target(%dma_start3A_708 : memref<128xi32, #tpu.memory_space<vmem>>) target_semaphore(%dma_start3A_705 : memref<!tpu.dma_semaphore, #tpu.memory_space<semaphore_mem>>)
        %dma_start3A_710 = arith.constant 5 : i32
        %dma_start3A_711 = arith.constant 1 : i32
        %dma_start3A_712 = arith.constant 0 : i32
        %dma_start3A_713 = tpu.memref_slice %arg8[%dma_start3A_710, %dma_start3A_712] : memref<6x128xi32, #tpu.memory_space<vmem>> -> memref<1x128xi32, #tpu.memory_space<vmem>>
        %dma_start3A_714 = tpu.memref_squeeze %dma_start3A_713 : memref<1x128xi32, #tpu.memory_space<vmem>> -> memref<128xi32, #tpu.memory_space<vmem>>
        %dma_start3A_715 = tpu.memref_slice %arg4[%multiple_of3A_673] : memref<320256xi32, #tpu.memory_space<hbm>> -> memref<128xi32, #tpu.memory_space<hbm>>
        %dma_start3A_716 = tpu.memref_slice %arg11[%dma_start3A_711] : memref<2x!tpu.dma_semaphore, #tpu.memory_space<semaphore_mem>> -> memref<1x!tpu.dma_semaphore, #tpu.memory_space<semaphore_mem>>
        %dma_start3A_717 = tpu.memref_squeeze %dma_start3A_716 : memref<1x!tpu.dma_semaphore, #tpu.memory_space<semaphore_mem>> -> memref<!tpu.dma_semaphore, #tpu.memory_space<semaphore_mem>>
        %dma_start3A_718 = arith.constant 0 : i32
        %dma_start3A_719 = tpu.memref_slice %arg8[%dma_start3A_710, %dma_start3A_718] : memref<6x128xi32, #tpu.memory_space<vmem>> -> memref<1x128xi32, #tpu.memory_space<vmem>>
        %dma_start3A_720 = tpu.memref_squeeze %dma_start3A_719 : memref<1x128xi32, #tpu.memory_space<vmem>> -> memref<128xi32, #tpu.memory_space<vmem>>
        %dma_start3A_721 = tpu.memref_slice %arg4[%multiple_of3A_673] : memref<320256xi32, #tpu.memory_space<hbm>> -> memref<128xi32, #tpu.memory_space<hbm>>
        tpu.enqueue_dma source(%dma_start3A_721 : memref<128xi32, #tpu.memory_space<hbm>>) target(%dma_start3A_720 : memref<128xi32, #tpu.memory_space<vmem>>) target_semaphore(%dma_start3A_717 : memref<!tpu.dma_semaphore, #tpu.memory_space<semaphore_mem>>)
      } else {
      }
    }
    %while3A_146 = arith.constant 1 : i32
    scf.for %while3A_153 = %while3A_144 to %while3A_140 step %while3A_146  : i32 {
      %mul3A_154 = arith.constant 2 : i32
      %mul3A_155 = arith.muli %mul3A_154, %while3A_153 : i32
      %mul3A_156 = arith.constant 3 : i32
      %mul3A_157 = arith.muli %mul3A_155, %mul3A_156 : i32
      %add3A_158 = arith.addi %mul3A_10, %mul3A_157 : i32
      %mul3A_159 = arith.constant 128 : i32
      %mul3A_160 = arith.muli %add3A_158, %mul3A_159 : i32
      %multiple_of3A_161 = tpu.assume_multiple %mul3A_160, 8 : i32
      %add3A_162 = arith.constant 0 : i32
      %add3A_163 = arith.addi %multiple_of3A_161, %add3A_162 : i32
      %multiple_of3A_164 = tpu.assume_multiple %add3A_163, 8 : i32
      %add3A_165 = arith.constant 128 : i32
      %add3A_166 = arith.addi %multiple_of3A_161, %add3A_165 : i32
      %multiple_of3A_167 = tpu.assume_multiple %add3A_166, 8 : i32
      %add3A_168 = arith.constant 256 : i32
      %add3A_169 = arith.addi %multiple_of3A_161, %add3A_168 : i32
      %multiple_of3A_170 = tpu.assume_multiple %add3A_169, 8 : i32
      %dma_wait3A = arith.constant 0 : i32
      %dma_wait3A_171 = arith.constant 0 : i32
      %dma_wait3A_172 = arith.constant 0 : i32
      %dma_wait3A_173 = tpu.memref_slice %arg7[%dma_wait3A, %dma_wait3A_172] : memref<2x384xi32, #tpu.memory_space<vmem>> -> memref<1x384xi32, #tpu.memory_space<vmem>>
      %dma_wait3A_174 = tpu.memref_squeeze %dma_wait3A_173 : memref<1x384xi32, #tpu.memory_space<vmem>> -> memref<384xi32, #tpu.memory_space<vmem>>
      %dma_wait3A_175 = tpu.memref_slice %arg3[%multiple_of3A_161] : memref<320256xi32, #tpu.memory_space<hbm>> -> memref<384xi32, #tpu.memory_space<hbm>>
      %dma_wait3A_176 = tpu.memref_slice %arg11[%dma_wait3A_171] : memref<2x!tpu.dma_semaphore, #tpu.memory_space<semaphore_mem>> -> memref<1x!tpu.dma_semaphore, #tpu.memory_space<semaphore_mem>>
      %dma_wait3A_177 = tpu.memref_squeeze %dma_wait3A_176 : memref<1x!tpu.dma_semaphore, #tpu.memory_space<semaphore_mem>> -> memref<!tpu.dma_semaphore, #tpu.memory_space<semaphore_mem>>
      %dma_wait3A_178 = arith.constant 0 : i32
      %dma_wait3A_179 = tpu.memref_slice %arg7[%dma_wait3A, %dma_wait3A_178] : memref<2x384xi32, #tpu.memory_space<vmem>> -> memref<1x384xi32, #tpu.memory_space<vmem>>
      %dma_wait3A_180 = tpu.memref_squeeze %dma_wait3A_179 : memref<1x384xi32, #tpu.memory_space<vmem>> -> memref<384xi32, #tpu.memory_space<vmem>>
      %dma_wait3A_181 = tpu.memref_slice %arg3[%multiple_of3A_161] : memref<320256xi32, #tpu.memory_space<hbm>> -> memref<384xi32, #tpu.memory_space<hbm>>
      tpu.wait_dma2 semaphore(%dma_wait3A_177 : memref<!tpu.dma_semaphore, #tpu.memory_space<semaphore_mem>>) src(%dma_wait3A_181 : memref<384xi32, #tpu.memory_space<hbm>>) dst(%dma_wait3A_180 : memref<384xi32, #tpu.memory_space<vmem>>)
      %dma_wait3A_182 = arith.constant 0 : i32
      %dma_wait3A_183 = arith.constant 0 : i32
      %dma_wait3A_184 = arith.constant 0 : i32
      %dma_wait3A_185 = tpu.memref_slice %arg8[%dma_wait3A_182, %dma_wait3A_184] : memref<6x128xi32, #tpu.memory_space<vmem>> -> memref<1x128xi32, #tpu.memory_space<vmem>>
      %dma_wait3A_186 = tpu.memref_squeeze %dma_wait3A_185 : memref<1x128xi32, #tpu.memory_space<vmem>> -> memref<128xi32, #tpu.memory_space<vmem>>
      %dma_wait3A_187 = tpu.memref_slice %arg4[%multiple_of3A_164] : memref<320256xi32, #tpu.memory_space<hbm>> -> memref<128xi32, #tpu.memory_space<hbm>>
      %dma_wait3A_188 = tpu.memref_slice %arg11[%dma_wait3A_183] : memref<2x!tpu.dma_semaphore, #tpu.memory_space<semaphore_mem>> -> memref<1x!tpu.dma_semaphore, #tpu.memory_space<semaphore_mem>>
      %dma_wait3A_189 = tpu.memref_squeeze %dma_wait3A_188 : memref<1x!tpu.dma_semaphore, #tpu.memory_space<semaphore_mem>> -> memref<!tpu.dma_semaphore, #tpu.memory_space<semaphore_mem>>
      %dma_wait3A_190 = arith.constant 0 : i32
      %dma_wait3A_191 = tpu.memref_slice %arg8[%dma_wait3A_182, %dma_wait3A_190] : memref<6x128xi32, #tpu.memory_space<vmem>> -> memref<1x128xi32, #tpu.memory_space<vmem>>
      %dma_wait3A_192 = tpu.memref_squeeze %dma_wait3A_191 : memref<1x128xi32, #tpu.memory_space<vmem>> -> memref<128xi32, #tpu.memory_space<vmem>>
      %dma_wait3A_193 = tpu.memref_slice %arg4[%multiple_of3A_164] : memref<320256xi32, #tpu.memory_space<hbm>> -> memref<128xi32, #tpu.memory_space<hbm>>
      tpu.wait_dma2 semaphore(%dma_wait3A_189 : memref<!tpu.dma_semaphore, #tpu.memory_space<semaphore_mem>>) src(%dma_wait3A_193 : memref<128xi32, #tpu.memory_space<hbm>>) dst(%dma_wait3A_192 : memref<128xi32, #tpu.memory_space<vmem>>)
      %dma_wait3A_194 = arith.constant 1 : i32
      %dma_wait3A_195 = arith.constant 0 : i32
      %dma_wait3A_196 = arith.constant 0 : i32
      %dma_wait3A_197 = tpu.memref_slice %arg8[%dma_wait3A_194, %dma_wait3A_196] : memref<6x128xi32, #tpu.memory_space<vmem>> -> memref<1x128xi32, #tpu.memory_space<vmem>>
      %dma_wait3A_198 = tpu.memref_squeeze %dma_wait3A_197 : memref<1x128xi32, #tpu.memory_space<vmem>> -> memref<128xi32, #tpu.memory_space<vmem>>
      %dma_wait3A_199 = tpu.memref_slice %arg4[%multiple_of3A_167] : memref<320256xi32, #tpu.memory_space<hbm>> -> memref<128xi32, #tpu.memory_space<hbm>>
      %dma_wait3A_200 = tpu.memref_slice %arg11[%dma_wait3A_195] : memref<2x!tpu.dma_semaphore, #tpu.memory_space<semaphore_mem>> -> memref<1x!tpu.dma_semaphore, #tpu.memory_space<semaphore_mem>>
      %dma_wait3A_201 = tpu.memref_squeeze %dma_wait3A_200 : memref<1x!tpu.dma_semaphore, #tpu.memory_space<semaphore_mem>> -> memref<!tpu.dma_semaphore, #tpu.memory_space<semaphore_mem>>
      %dma_wait3A_202 = arith.constant 0 : i32
      %dma_wait3A_203 = tpu.memref_slice %arg8[%dma_wait3A_194, %dma_wait3A_202] : memref<6x128xi32, #tpu.memory_space<vmem>> -> memref<1x128xi32, #tpu.memory_space<vmem>>
      %dma_wait3A_204 = tpu.memref_squeeze %dma_wait3A_203 : memref<1x128xi32, #tpu.memory_space<vmem>> -> memref<128xi32, #tpu.memory_space<vmem>>
      %dma_wait3A_205 = tpu.memref_slice %arg4[%multiple_of3A_167] : memref<320256xi32, #tpu.memory_space<hbm>> -> memref<128xi32, #tpu.memory_space<hbm>>
      tpu.wait_dma2 semaphore(%dma_wait3A_201 : memref<!tpu.dma_semaphore, #tpu.memory_space<semaphore_mem>>) src(%dma_wait3A_205 : memref<128xi32, #tpu.memory_space<hbm>>) dst(%dma_wait3A_204 : memref<128xi32, #tpu.memory_space<vmem>>)
      %dma_wait3A_206 = arith.constant 2 : i32
      %dma_wait3A_207 = arith.constant 0 : i32
      %dma_wait3A_208 = arith.constant 0 : i32
      %dma_wait3A_209 = tpu.memref_slice %arg8[%dma_wait3A_206, %dma_wait3A_208] : memref<6x128xi32, #tpu.memory_space<vmem>> -> memref<1x128xi32, #tpu.memory_space<vmem>>
      %dma_wait3A_210 = tpu.memref_squeeze %dma_wait3A_209 : memref<1x128xi32, #tpu.memory_space<vmem>> -> memref<128xi32, #tpu.memory_space<vmem>>
      %dma_wait3A_211 = tpu.memref_slice %arg4[%multiple_of3A_170] : memref<320256xi32, #tpu.memory_space<hbm>> -> memref<128xi32, #tpu.memory_space<hbm>>
      %dma_wait3A_212 = tpu.memref_slice %arg11[%dma_wait3A_207] : memref<2x!tpu.dma_semaphore, #tpu.memory_space<semaphore_mem>> -> memref<1x!tpu.dma_semaphore, #tpu.memory_space<semaphore_mem>>
      %dma_wait3A_213 = tpu.memref_squeeze %dma_wait3A_212 : memref<1x!tpu.dma_semaphore, #tpu.memory_space<semaphore_mem>> -> memref<!tpu.dma_semaphore, #tpu.memory_space<semaphore_mem>>
      %dma_wait3A_214 = arith.constant 0 : i32
      %dma_wait3A_215 = tpu.memref_slice %arg8[%dma_wait3A_206, %dma_wait3A_214] : memref<6x128xi32, #tpu.memory_space<vmem>> -> memref<1x128xi32, #tpu.memory_space<vmem>>
      %dma_wait3A_216 = tpu.memref_squeeze %dma_wait3A_215 : memref<1x128xi32, #tpu.memory_space<vmem>> -> memref<128xi32, #tpu.memory_space<vmem>>
      %dma_wait3A_217 = tpu.memref_slice %arg4[%multiple_of3A_170] : memref<320256xi32, #tpu.memory_space<hbm>> -> memref<128xi32, #tpu.memory_space<hbm>>
      tpu.wait_dma2 semaphore(%dma_wait3A_213 : memref<!tpu.dma_semaphore, #tpu.memory_space<semaphore_mem>>) src(%dma_wait3A_217 : memref<128xi32, #tpu.memory_space<hbm>>) dst(%dma_wait3A_216 : memref<128xi32, #tpu.memory_space<vmem>>)
      %dma_start3A_218 = arith.constant 0 : i32
      %dma_start3A_219 = arith.constant 0 : i32
      %dma_start3A_220 = arith.constant 0 : i32
      %dma_start3A_221 = arith.constant 0 : i32
      %dma_start3A_222 = arith.constant 0 : i32
      %dma_start3A_223 = tpu.memref_slice %arg9[%dma_start3A_219, %dma_start3A_221, %dma_start3A_222] : memref<3x128x128xf32, #tpu.memory_space<vmem>> -> memref<1x128x128xf32, #tpu.memory_space<vmem>>
      %dma_start3A_224 = tpu.memref_squeeze %dma_start3A_223 : memref<1x128x128xf32, #tpu.memory_space<vmem>> -> memref<128x128xf32, #tpu.memory_space<vmem>>
      %dma_start3A_225 = arith.constant 0 : i32
      %dma_start3A_226 = tpu.memref_slice %arg7[%dma_start3A_218, %dma_start3A_225] : memref<2x384xi32, #tpu.memory_space<vmem>> -> memref<1x128xi32, #tpu.memory_space<vmem>>
      %dma_start3A_227 = tpu.memref_squeeze %dma_start3A_226 : memref<1x128xi32, #tpu.memory_space<vmem>> -> memref<128xi32, #tpu.memory_space<vmem>>
      %dma_start3A_228 = arith.constant 0 : i32
      %dma_start3A_229 = arith.constant 0 : i32
      %dma_start3A_230 = tpu.memref_slice %arg2[%dma_start3A_228, %dma_start3A_229] : memref<10000x128xf32, #tpu.memory_space<hbm>> -> memref<10000x128xf32, #tpu.memory_space<hbm>>
      %dma_start3A_231 = tpu.memref_slice %arg12[%dma_start3A_220] : memref<3x!tpu.dma_semaphore, #tpu.memory_space<semaphore_mem>> -> memref<1x!tpu.dma_semaphore, #tpu.memory_space<semaphore_mem>>
      %dma_start3A_232 = tpu.memref_squeeze %dma_start3A_231 : memref<1x!tpu.dma_semaphore, #tpu.memory_space<semaphore_mem>> -> memref<!tpu.dma_semaphore, #tpu.memory_space<semaphore_mem>>
      tpu.enqueue_indirect_dma source(%dma_start3A_230 : memref<10000x128xf32, #tpu.memory_space<hbm>>) target(%dma_start3A_224 : memref<128x128xf32, #tpu.memory_space<vmem>>) offsets(%dma_start3A_227 : memref<128xi32, #tpu.memory_space<vmem>>) semaphore(%dma_start3A_232 : memref<!tpu.dma_semaphore, #tpu.memory_space<semaphore_mem>>)
      %dma_start3A_233 = arith.constant 0 : i32
      %dma_start3A_234 = arith.constant 1 : i32
      %dma_start3A_235 = arith.constant 1 : i32
      %dma_start3A_236 = arith.constant 0 : i32
      %dma_start3A_237 = arith.constant 0 : i32
      %dma_start3A_238 = tpu.memref_slice %arg9[%dma_start3A_234, %dma_start3A_236, %dma_start3A_237] : memref<3x128x128xf32, #tpu.memory_space<vmem>> -> memref<1x128x128xf32, #tpu.memory_space<vmem>>
      %dma_start3A_239 = tpu.memref_squeeze %dma_start3A_238 : memref<1x128x128xf32, #tpu.memory_space<vmem>> -> memref<128x128xf32, #tpu.memory_space<vmem>>
      %dma_start3A_240 = arith.constant 128 : i32
      %dma_start3A_241 = tpu.memref_slice %arg7[%dma_start3A_233, %dma_start3A_240] : memref<2x384xi32, #tpu.memory_space<vmem>> -> memref<1x128xi32, #tpu.memory_space<vmem>>
      %dma_start3A_242 = tpu.memref_squeeze %dma_start3A_241 : memref<1x128xi32, #tpu.memory_space<vmem>> -> memref<128xi32, #tpu.memory_space<vmem>>
      %dma_start3A_243 = arith.constant 0 : i32
      %dma_start3A_244 = arith.constant 0 : i32
      %dma_start3A_245 = tpu.memref_slice %arg2[%dma_start3A_243, %dma_start3A_244] : memref<10000x128xf32, #tpu.memory_space<hbm>> -> memref<10000x128xf32, #tpu.memory_space<hbm>>
      %dma_start3A_246 = tpu.memref_slice %arg12[%dma_start3A_235] : memref<3x!tpu.dma_semaphore, #tpu.memory_space<semaphore_mem>> -> memref<1x!tpu.dma_semaphore, #tpu.memory_space<semaphore_mem>>
      %dma_start3A_247 = tpu.memref_squeeze %dma_start3A_246 : memref<1x!tpu.dma_semaphore, #tpu.memory_space<semaphore_mem>> -> memref<!tpu.dma_semaphore, #tpu.memory_space<semaphore_mem>>
      tpu.enqueue_indirect_dma source(%dma_start3A_245 : memref<10000x128xf32, #tpu.memory_space<hbm>>) target(%dma_start3A_239 : memref<128x128xf32, #tpu.memory_space<vmem>>) offsets(%dma_start3A_242 : memref<128xi32, #tpu.memory_space<vmem>>) semaphore(%dma_start3A_247 : memref<!tpu.dma_semaphore, #tpu.memory_space<semaphore_mem>>)
      %dma_start3A_248 = arith.constant 0 : i32
      %dma_start3A_249 = arith.constant 2 : i32
      %dma_start3A_250 = arith.constant 2 : i32
      %dma_start3A_251 = arith.constant 0 : i32
      %dma_start3A_252 = arith.constant 0 : i32
      %dma_start3A_253 = tpu.memref_slice %arg9[%dma_start3A_249, %dma_start3A_251, %dma_start3A_252] : memref<3x128x128xf32, #tpu.memory_space<vmem>> -> memref<1x128x128xf32, #tpu.memory_space<vmem>>
      %dma_start3A_254 = tpu.memref_squeeze %dma_start3A_253 : memref<1x128x128xf32, #tpu.memory_space<vmem>> -> memref<128x128xf32, #tpu.memory_space<vmem>>
      %dma_start3A_255 = arith.constant 256 : i32
      %dma_start3A_256 = tpu.memref_slice %arg7[%dma_start3A_248, %dma_start3A_255] : memref<2x384xi32, #tpu.memory_space<vmem>> -> memref<1x128xi32, #tpu.memory_space<vmem>>
      %dma_start3A_257 = tpu.memref_squeeze %dma_start3A_256 : memref<1x128xi32, #tpu.memory_space<vmem>> -> memref<128xi32, #tpu.memory_space<vmem>>
      %dma_start3A_258 = arith.constant 0 : i32
      %dma_start3A_259 = arith.constant 0 : i32
      %dma_start3A_260 = tpu.memref_slice %arg2[%dma_start3A_258, %dma_start3A_259] : memref<10000x128xf32, #tpu.memory_space<hbm>> -> memref<10000x128xf32, #tpu.memory_space<hbm>>
      %dma_start3A_261 = tpu.memref_slice %arg12[%dma_start3A_250] : memref<3x!tpu.dma_semaphore, #tpu.memory_space<semaphore_mem>> -> memref<1x!tpu.dma_semaphore, #tpu.memory_space<semaphore_mem>>
      %dma_start3A_262 = tpu.memref_squeeze %dma_start3A_261 : memref<1x!tpu.dma_semaphore, #tpu.memory_space<semaphore_mem>> -> memref<!tpu.dma_semaphore, #tpu.memory_space<semaphore_mem>>
      tpu.enqueue_indirect_dma source(%dma_start3A_260 : memref<10000x128xf32, #tpu.memory_space<hbm>>) target(%dma_start3A_254 : memref<128x128xf32, #tpu.memory_space<vmem>>) offsets(%dma_start3A_257 : memref<128xi32, #tpu.memory_space<vmem>>) semaphore(%dma_start3A_262 : memref<!tpu.dma_semaphore, #tpu.memory_space<semaphore_mem>>)
      %dma_wait3A_263 = arith.constant 0 : i32
      %dma_wait3A_264 = arith.constant 0 : i32
      %dma_wait3A_265 = arith.constant 0 : i32
      %dma_wait3A_266 = arith.constant 0 : i32
      %dma_wait3A_267 = arith.constant 0 : i32
      %dma_wait3A_268 = tpu.memref_slice %arg9[%dma_wait3A_264, %dma_wait3A_266, %dma_wait3A_267] : memref<3x128x128xf32, #tpu.memory_space<vmem>> -> memref<1x128x128xf32, #tpu.memory_space<vmem>>
      %dma_wait3A_269 = tpu.memref_squeeze %dma_wait3A_268 : memref<1x128x128xf32, #tpu.memory_space<vmem>> -> memref<128x128xf32, #tpu.memory_space<vmem>>
      %dma_wait3A_270 = arith.constant 0 : i32
      %dma_wait3A_271 = tpu.memref_slice %arg7[%dma_wait3A_263, %dma_wait3A_270] : memref<2x384xi32, #tpu.memory_space<vmem>> -> memref<1x128xi32, #tpu.memory_space<vmem>>
      %dma_wait3A_272 = tpu.memref_squeeze %dma_wait3A_271 : memref<1x128xi32, #tpu.memory_space<vmem>> -> memref<128xi32, #tpu.memory_space<vmem>>
      %dma_wait3A_273 = arith.constant 0 : i32
      %dma_wait3A_274 = arith.constant 0 : i32
      %dma_wait3A_275 = tpu.memref_slice %arg2[%dma_wait3A_273, %dma_wait3A_274] : memref<10000x128xf32, #tpu.memory_space<hbm>> -> memref<10000x128xf32, #tpu.memory_space<hbm>>
      %dma_wait3A_276 = tpu.memref_slice %arg12[%dma_wait3A_265] : memref<3x!tpu.dma_semaphore, #tpu.memory_space<semaphore_mem>> -> memref<1x!tpu.dma_semaphore, #tpu.memory_space<semaphore_mem>>
      %dma_wait3A_277 = tpu.memref_squeeze %dma_wait3A_276 : memref<1x!tpu.dma_semaphore, #tpu.memory_space<semaphore_mem>> -> memref<!tpu.dma_semaphore, #tpu.memory_space<semaphore_mem>>
      tpu.wait_indirect_dma semaphore(%dma_wait3A_277 : memref<!tpu.dma_semaphore, #tpu.memory_space<semaphore_mem>>) src(%dma_wait3A_275 : memref<10000x128xf32, #tpu.memory_space<hbm>>) dst(%dma_wait3A_269 : memref<128x128xf32, #tpu.memory_space<vmem>>)
      %dma_start3A_278 = arith.constant 0 : i32
      %dma_start3A_279 = arith.constant 0 : i32
      %dma_start3A_280 = arith.constant 0 : i32
      %dma_start3A_281 = arith.constant 0 : i32
      %dma_start3A_282 = arith.constant 0 : i32
      %dma_start3A_283 = tpu.memref_slice %arg9[%dma_start3A_278, %dma_start3A_281, %dma_start3A_282] : memref<3x128x128xf32, #tpu.memory_space<vmem>> -> memref<1x128x128xf32, #tpu.memory_space<vmem>>
      %dma_start3A_284 = tpu.memref_squeeze %dma_start3A_283 : memref<1x128x128xf32, #tpu.memory_space<vmem>> -> memref<128x128xf32, #tpu.memory_space<vmem>>
      %dma_start3A_285 = arith.constant 0 : i32
      %dma_start3A_286 = tpu.memref_slice %arg8[%dma_start3A_279, %dma_start3A_285] : memref<6x128xi32, #tpu.memory_space<vmem>> -> memref<1x128xi32, #tpu.memory_space<vmem>>
      %dma_start3A_287 = tpu.memref_squeeze %dma_start3A_286 : memref<1x128xi32, #tpu.memory_space<vmem>> -> memref<128xi32, #tpu.memory_space<vmem>>
      %dma_start3A_288 = arith.constant 0 : i32
      %dma_start3A_289 = arith.constant 0 : i32
      %dma_start3A_290 = tpu.memref_slice %arg10[%dma_start3A_288, %dma_start3A_289] : memref<10016x128xf32, #tpu.memory_space<vmem_shared>> -> memref<10016x128xf32, #tpu.memory_space<vmem_shared>>
      %dma_start3A_291 = tpu.memref_slice %arg13[%dma_start3A_280] : memref<3x!tpu.dma_semaphore, #tpu.memory_space<semaphore_mem>> -> memref<1x!tpu.dma_semaphore, #tpu.memory_space<semaphore_mem>>
      %dma_start3A_292 = tpu.memref_squeeze %dma_start3A_291 : memref<1x!tpu.dma_semaphore, #tpu.memory_space<semaphore_mem>> -> memref<!tpu.dma_semaphore, #tpu.memory_space<semaphore_mem>>
      tpu.enqueue_indirect_dma source(%dma_start3A_284 : memref<128x128xf32, #tpu.memory_space<vmem>>) target(%dma_start3A_290 : memref<10016x128xf32, #tpu.memory_space<vmem_shared>>) offsets(%dma_start3A_287 : memref<128xi32, #tpu.memory_space<vmem>>) semaphore(%dma_start3A_292 : memref<!tpu.dma_semaphore, #tpu.memory_space<semaphore_mem>>) {add = true}
      %dma_wait3A_293 = arith.constant 0 : i32
      %dma_wait3A_294 = arith.constant 1 : i32
      %dma_wait3A_295 = arith.constant 1 : i32
      %dma_wait3A_296 = arith.constant 0 : i32
      %dma_wait3A_297 = arith.constant 0 : i32
      %dma_wait3A_298 = tpu.memref_slice %arg9[%dma_wait3A_294, %dma_wait3A_296, %dma_wait3A_297] : memref<3x128x128xf32, #tpu.memory_space<vmem>> -> memref<1x128x128xf32, #tpu.memory_space<vmem>>
      %dma_wait3A_299 = tpu.memref_squeeze %dma_wait3A_298 : memref<1x128x128xf32, #tpu.memory_space<vmem>> -> memref<128x128xf32, #tpu.memory_space<vmem>>
      %dma_wait3A_300 = arith.constant 128 : i32
      %dma_wait3A_301 = tpu.memref_slice %arg7[%dma_wait3A_293, %dma_wait3A_300] : memref<2x384xi32, #tpu.memory_space<vmem>> -> memref<1x128xi32, #tpu.memory_space<vmem>>
      %dma_wait3A_302 = tpu.memref_squeeze %dma_wait3A_301 : memref<1x128xi32, #tpu.memory_space<vmem>> -> memref<128xi32, #tpu.memory_space<vmem>>
      %dma_wait3A_303 = arith.constant 0 : i32
      %dma_wait3A_304 = arith.constant 0 : i32
      %dma_wait3A_305 = tpu.memref_slice %arg2[%dma_wait3A_303, %dma_wait3A_304] : memref<10000x128xf32, #tpu.memory_space<hbm>> -> memref<10000x128xf32, #tpu.memory_space<hbm>>
      %dma_wait3A_306 = tpu.memref_slice %arg12[%dma_wait3A_295] : memref<3x!tpu.dma_semaphore, #tpu.memory_space<semaphore_mem>> -> memref<1x!tpu.dma_semaphore, #tpu.memory_space<semaphore_mem>>
      %dma_wait3A_307 = tpu.memref_squeeze %dma_wait3A_306 : memref<1x!tpu.dma_semaphore, #tpu.memory_space<semaphore_mem>> -> memref<!tpu.dma_semaphore, #tpu.memory_space<semaphore_mem>>
      tpu.wait_indirect_dma semaphore(%dma_wait3A_307 : memref<!tpu.dma_semaphore, #tpu.memory_space<semaphore_mem>>) src(%dma_wait3A_305 : memref<10000x128xf32, #tpu.memory_space<hbm>>) dst(%dma_wait3A_299 : memref<128x128xf32, #tpu.memory_space<vmem>>)
      %dma_start3A_308 = arith.constant 1 : i32
      %dma_start3A_309 = arith.constant 1 : i32
      %dma_start3A_310 = arith.constant 1 : i32
      %dma_start3A_311 = arith.constant 0 : i32
      %dma_start3A_312 = arith.constant 0 : i32
      %dma_start3A_313 = tpu.memref_slice %arg9[%dma_start3A_308, %dma_start3A_311, %dma_start3A_312] : memref<3x128x128xf32, #tpu.memory_space<vmem>> -> memref<1x128x128xf32, #tpu.memory_space<vmem>>
      %dma_start3A_314 = tpu.memref_squeeze %dma_start3A_313 : memref<1x128x128xf32, #tpu.memory_space<vmem>> -> memref<128x128xf32, #tpu.memory_space<vmem>>
      %dma_start3A_315 = arith.constant 0 : i32
      %dma_start3A_316 = tpu.memref_slice %arg8[%dma_start3A_309, %dma_start3A_315] : memref<6x128xi32, #tpu.memory_space<vmem>> -> memref<1x128xi32, #tpu.memory_space<vmem>>
      %dma_start3A_317 = tpu.memref_squeeze %dma_start3A_316 : memref<1x128xi32, #tpu.memory_space<vmem>> -> memref<128xi32, #tpu.memory_space<vmem>>
      %dma_start3A_318 = arith.constant 0 : i32
      %dma_start3A_319 = arith.constant 0 : i32
      %dma_start3A_320 = tpu.memref_slice %arg10[%dma_start3A_318, %dma_start3A_319] : memref<10016x128xf32, #tpu.memory_space<vmem_shared>> -> memref<10016x128xf32, #tpu.memory_space<vmem_shared>>
      %dma_start3A_321 = tpu.memref_slice %arg13[%dma_start3A_310] : memref<3x!tpu.dma_semaphore, #tpu.memory_space<semaphore_mem>> -> memref<1x!tpu.dma_semaphore, #tpu.memory_space<semaphore_mem>>
      %dma_start3A_322 = tpu.memref_squeeze %dma_start3A_321 : memref<1x!tpu.dma_semaphore, #tpu.memory_space<semaphore_mem>> -> memref<!tpu.dma_semaphore, #tpu.memory_space<semaphore_mem>>
      tpu.enqueue_indirect_dma source(%dma_start3A_314 : memref<128x128xf32, #tpu.memory_space<vmem>>) target(%dma_start3A_320 : memref<10016x128xf32, #tpu.memory_space<vmem_shared>>) offsets(%dma_start3A_317 : memref<128xi32, #tpu.memory_space<vmem>>) semaphore(%dma_start3A_322 : memref<!tpu.dma_semaphore, #tpu.memory_space<semaphore_mem>>) {add = true}
      %dma_wait3A_323 = arith.constant 0 : i32
      %dma_wait3A_324 = arith.constant 2 : i32
      %dma_wait3A_325 = arith.constant 2 : i32
      %dma_wait3A_326 = arith.constant 0 : i32
      %dma_wait3A_327 = arith.constant 0 : i32
      %dma_wait3A_328 = tpu.memref_slice %arg9[%dma_wait3A_324, %dma_wait3A_326, %dma_wait3A_327] : memref<3x128x128xf32, #tpu.memory_space<vmem>> -> memref<1x128x128xf32, #tpu.memory_space<vmem>>
      %dma_wait3A_329 = tpu.memref_squeeze %dma_wait3A_328 : memref<1x128x128xf32, #tpu.memory_space<vmem>> -> memref<128x128xf32, #tpu.memory_space<vmem>>
      %dma_wait3A_330 = arith.constant 256 : i32
      %dma_wait3A_331 = tpu.memref_slice %arg7[%dma_wait3A_323, %dma_wait3A_330] : memref<2x384xi32, #tpu.memory_space<vmem>> -> memref<1x128xi32, #tpu.memory_space<vmem>>
      %dma_wait3A_332 = tpu.memref_squeeze %dma_wait3A_331 : memref<1x128xi32, #tpu.memory_space<vmem>> -> memref<128xi32, #tpu.memory_space<vmem>>
      %dma_wait3A_333 = arith.constant 0 : i32
      %dma_wait3A_334 = arith.constant 0 : i32
      %dma_wait3A_335 = tpu.memref_slice %arg2[%dma_wait3A_333, %dma_wait3A_334] : memref<10000x128xf32, #tpu.memory_space<hbm>> -> memref<10000x128xf32, #tpu.memory_space<hbm>>
      %dma_wait3A_336 = tpu.memref_slice %arg12[%dma_wait3A_325] : memref<3x!tpu.dma_semaphore, #tpu.memory_space<semaphore_mem>> -> memref<1x!tpu.dma_semaphore, #tpu.memory_space<semaphore_mem>>
      %dma_wait3A_337 = tpu.memref_squeeze %dma_wait3A_336 : memref<1x!tpu.dma_semaphore, #tpu.memory_space<semaphore_mem>> -> memref<!tpu.dma_semaphore, #tpu.memory_space<semaphore_mem>>
      tpu.wait_indirect_dma semaphore(%dma_wait3A_337 : memref<!tpu.dma_semaphore, #tpu.memory_space<semaphore_mem>>) src(%dma_wait3A_335 : memref<10000x128xf32, #tpu.memory_space<hbm>>) dst(%dma_wait3A_329 : memref<128x128xf32, #tpu.memory_space<vmem>>)
      %dma_start3A_338 = arith.constant 2 : i32
      %dma_start3A_339 = arith.constant 2 : i32
      %dma_start3A_340 = arith.constant 2 : i32
      %dma_start3A_341 = arith.constant 0 : i32
      %dma_start3A_342 = arith.constant 0 : i32
      %dma_start3A_343 = tpu.memref_slice %arg9[%dma_start3A_338, %dma_start3A_341, %dma_start3A_342] : memref<3x128x128xf32, #tpu.memory_space<vmem>> -> memref<1x128x128xf32, #tpu.memory_space<vmem>>
      %dma_start3A_344 = tpu.memref_squeeze %dma_start3A_343 : memref<1x128x128xf32, #tpu.memory_space<vmem>> -> memref<128x128xf32, #tpu.memory_space<vmem>>
      %dma_start3A_345 = arith.constant 0 : i32
      %dma_start3A_346 = tpu.memref_slice %arg8[%dma_start3A_339, %dma_start3A_345] : memref<6x128xi32, #tpu.memory_space<vmem>> -> memref<1x128xi32, #tpu.memory_space<vmem>>
      %dma_start3A_347 = tpu.memref_squeeze %dma_start3A_346 : memref<1x128xi32, #tpu.memory_space<vmem>> -> memref<128xi32, #tpu.memory_space<vmem>>
      %dma_start3A_348 = arith.constant 0 : i32
      %dma_start3A_349 = arith.constant 0 : i32
      %dma_start3A_350 = tpu.memref_slice %arg10[%dma_start3A_348, %dma_start3A_349] : memref<10016x128xf32, #tpu.memory_space<vmem_shared>> -> memref<10016x128xf32, #tpu.memory_space<vmem_shared>>
      %dma_start3A_351 = tpu.memref_slice %arg13[%dma_start3A_340] : memref<3x!tpu.dma_semaphore, #tpu.memory_space<semaphore_mem>> -> memref<1x!tpu.dma_semaphore, #tpu.memory_space<semaphore_mem>>
      %dma_start3A_352 = tpu.memref_squeeze %dma_start3A_351 : memref<1x!tpu.dma_semaphore, #tpu.memory_space<semaphore_mem>> -> memref<!tpu.dma_semaphore, #tpu.memory_space<semaphore_mem>>
      tpu.enqueue_indirect_dma source(%dma_start3A_344 : memref<128x128xf32, #tpu.memory_space<vmem>>) target(%dma_start3A_350 : memref<10016x128xf32, #tpu.memory_space<vmem_shared>>) offsets(%dma_start3A_347 : memref<128xi32, #tpu.memory_space<vmem>>) semaphore(%dma_start3A_352 : memref<!tpu.dma_semaphore, #tpu.memory_space<semaphore_mem>>) {add = true}
      %dma_wait3A_353 = arith.constant 0 : i32
      %dma_wait3A_354 = arith.constant 0 : i32
      %dma_wait3A_355 = arith.constant 0 : i32
      %dma_wait3A_356 = arith.constant 0 : i32
      %dma_wait3A_357 = arith.constant 0 : i32
      %dma_wait3A_358 = tpu.memref_slice %arg9[%dma_wait3A_353, %dma_wait3A_356, %dma_wait3A_357] : memref<3x128x128xf32, #tpu.memory_space<vmem>> -> memref<1x128x128xf32, #tpu.memory_space<vmem>>
      %dma_wait3A_359 = tpu.memref_squeeze %dma_wait3A_358 : memref<1x128x128xf32, #tpu.memory_space<vmem>> -> memref<128x128xf32, #tpu.memory_space<vmem>>
      %dma_wait3A_360 = arith.constant 0 : i32
      %dma_wait3A_361 = tpu.memref_slice %arg8[%dma_wait3A_354, %dma_wait3A_360] : memref<6x128xi32, #tpu.memory_space<vmem>> -> memref<1x128xi32, #tpu.memory_space<vmem>>
      %dma_wait3A_362 = tpu.memref_squeeze %dma_wait3A_361 : memref<1x128xi32, #tpu.memory_space<vmem>> -> memref<128xi32, #tpu.memory_space<vmem>>
      %dma_wait3A_363 = arith.constant 0 : i32
      %dma_wait3A_364 = arith.constant 0 : i32
      %dma_wait3A_365 = tpu.memref_slice %arg10[%dma_wait3A_363, %dma_wait3A_364] : memref<10016x128xf32, #tpu.memory_space<vmem_shared>> -> memref<10016x128xf32, #tpu.memory_space<vmem_shared>>
      %dma_wait3A_366 = tpu.memref_slice %arg13[%dma_wait3A_355] : memref<3x!tpu.dma_semaphore, #tpu.memory_space<semaphore_mem>> -> memref<1x!tpu.dma_semaphore, #tpu.memory_space<semaphore_mem>>
      %dma_wait3A_367 = tpu.memref_squeeze %dma_wait3A_366 : memref<1x!tpu.dma_semaphore, #tpu.memory_space<semaphore_mem>> -> memref<!tpu.dma_semaphore, #tpu.memory_space<semaphore_mem>>
      tpu.wait_indirect_dma semaphore(%dma_wait3A_367 : memref<!tpu.dma_semaphore, #tpu.memory_space<semaphore_mem>>) src(%dma_wait3A_359 : memref<128x128xf32, #tpu.memory_space<vmem>>) dst(%dma_wait3A_365 : memref<10016x128xf32, #tpu.memory_space<vmem_shared>>)
      %dma_wait3A_368 = arith.constant 1 : i32
      %dma_wait3A_369 = arith.constant 1 : i32
      %dma_wait3A_370 = arith.constant 1 : i32
      %dma_wait3A_371 = arith.constant 0 : i32
      %dma_wait3A_372 = arith.constant 0 : i32
      %dma_wait3A_373 = tpu.memref_slice %arg9[%dma_wait3A_368, %dma_wait3A_371, %dma_wait3A_372] : memref<3x128x128xf32, #tpu.memory_space<vmem>> -> memref<1x128x128xf32, #tpu.memory_space<vmem>>
      %dma_wait3A_374 = tpu.memref_squeeze %dma_wait3A_373 : memref<1x128x128xf32, #tpu.memory_space<vmem>> -> memref<128x128xf32, #tpu.memory_space<vmem>>
      %dma_wait3A_375 = arith.constant 0 : i32
      %dma_wait3A_376 = tpu.memref_slice %arg8[%dma_wait3A_369, %dma_wait3A_375] : memref<6x128xi32, #tpu.memory_space<vmem>> -> memref<1x128xi32, #tpu.memory_space<vmem>>
      %dma_wait3A_377 = tpu.memref_squeeze %dma_wait3A_376 : memref<1x128xi32, #tpu.memory_space<vmem>> -> memref<128xi32, #tpu.memory_space<vmem>>
      %dma_wait3A_378 = arith.constant 0 : i32
      %dma_wait3A_379 = arith.constant 0 : i32
      %dma_wait3A_380 = tpu.memref_slice %arg10[%dma_wait3A_378, %dma_wait3A_379] : memref<10016x128xf32, #tpu.memory_space<vmem_shared>> -> memref<10016x128xf32, #tpu.memory_space<vmem_shared>>
      %dma_wait3A_381 = tpu.memref_slice %arg13[%dma_wait3A_370] : memref<3x!tpu.dma_semaphore, #tpu.memory_space<semaphore_mem>> -> memref<1x!tpu.dma_semaphore, #tpu.memory_space<semaphore_mem>>
      %dma_wait3A_382 = tpu.memref_squeeze %dma_wait3A_381 : memref<1x!tpu.dma_semaphore, #tpu.memory_space<semaphore_mem>> -> memref<!tpu.dma_semaphore, #tpu.memory_space<semaphore_mem>>
      tpu.wait_indirect_dma semaphore(%dma_wait3A_382 : memref<!tpu.dma_semaphore, #tpu.memory_space<semaphore_mem>>) src(%dma_wait3A_374 : memref<128x128xf32, #tpu.memory_space<vmem>>) dst(%dma_wait3A_380 : memref<10016x128xf32, #tpu.memory_space<vmem_shared>>)
      %dma_wait3A_383 = arith.constant 2 : i32
      %dma_wait3A_384 = arith.constant 2 : i32
      %dma_wait3A_385 = arith.constant 2 : i32
      %dma_wait3A_386 = arith.constant 0 : i32
      %dma_wait3A_387 = arith.constant 0 : i32
      %dma_wait3A_388 = tpu.memref_slice %arg9[%dma_wait3A_383, %dma_wait3A_386, %dma_wait3A_387] : memref<3x128x128xf32, #tpu.memory_space<vmem>> -> memref<1x128x128xf32, #tpu.memory_space<vmem>>
      %dma_wait3A_389 = tpu.memref_squeeze %dma_wait3A_388 : memref<1x128x128xf32, #tpu.memory_space<vmem>> -> memref<128x128xf32, #tpu.memory_space<vmem>>
      %dma_wait3A_390 = arith.constant 0 : i32
      %dma_wait3A_391 = tpu.memref_slice %arg8[%dma_wait3A_384, %dma_wait3A_390] : memref<6x128xi32, #tpu.memory_space<vmem>> -> memref<1x128xi32, #tpu.memory_space<vmem>>
      %dma_wait3A_392 = tpu.memref_squeeze %dma_wait3A_391 : memref<1x128xi32, #tpu.memory_space<vmem>> -> memref<128xi32, #tpu.memory_space<vmem>>
      %dma_wait3A_393 = arith.constant 0 : i32
      %dma_wait3A_394 = arith.constant 0 : i32
      %dma_wait3A_395 = tpu.memref_slice %arg10[%dma_wait3A_393, %dma_wait3A_394] : memref<10016x128xf32, #tpu.memory_space<vmem_shared>> -> memref<10016x128xf32, #tpu.memory_space<vmem_shared>>
      %dma_wait3A_396 = tpu.memref_slice %arg13[%dma_wait3A_385] : memref<3x!tpu.dma_semaphore, #tpu.memory_space<semaphore_mem>> -> memref<1x!tpu.dma_semaphore, #tpu.memory_space<semaphore_mem>>
      %dma_wait3A_397 = tpu.memref_squeeze %dma_wait3A_396 : memref<1x!tpu.dma_semaphore, #tpu.memory_space<semaphore_mem>> -> memref<!tpu.dma_semaphore, #tpu.memory_space<semaphore_mem>>
      tpu.wait_indirect_dma semaphore(%dma_wait3A_397 : memref<!tpu.dma_semaphore, #tpu.memory_space<semaphore_mem>>) src(%dma_wait3A_389 : memref<128x128xf32, #tpu.memory_space<vmem>>) dst(%dma_wait3A_395 : memref<10016x128xf32, #tpu.memory_space<vmem_shared>>)
      %add3A_398 = arith.constant 2 : i32
      %add3A_399 = arith.addi %mul3A_155, %add3A_398 : i32
      %lt3A_400 = arith.cmpi slt, %add3A_399, %mul3A_12 : i32
      %convert_element_type3A_401 = arith.extui %lt3A_400 : i1 to i32
      %cond3A_402 = arith.constant 0 : i32
      %cond3A_403 = arith.cmpi ne, %convert_element_type3A_401, %cond3A_402 : i32
      scf.if %cond3A_403 {
        %add3A_657 = arith.constant 2 : i32
        %add3A_658 = arith.addi %mul3A_155, %add3A_657 : i32
        %mul3A_659 = arith.constant 3 : i32
        %mul3A_660 = arith.muli %add3A_658, %mul3A_659 : i32
        %add3A_661 = arith.addi %mul3A_10, %mul3A_660 : i32
        %mul3A_662 = arith.constant 128 : i32
        %mul3A_663 = arith.muli %add3A_661, %mul3A_662 : i32
        %multiple_of3A_664 = tpu.assume_multiple %mul3A_663, 8 : i32
        %add3A_665 = arith.constant 0 : i32
        %add3A_666 = arith.addi %multiple_of3A_664, %add3A_665 : i32
        %multiple_of3A_667 = tpu.assume_multiple %add3A_666, 8 : i32
        %add3A_668 = arith.constant 128 : i32
        %add3A_669 = arith.addi %multiple_of3A_664, %add3A_668 : i32
        %multiple_of3A_670 = tpu.assume_multiple %add3A_669, 8 : i32
        %add3A_671 = arith.constant 256 : i32
        %add3A_672 = arith.addi %multiple_of3A_664, %add3A_671 : i32
        %multiple_of3A_673 = tpu.assume_multiple %add3A_672, 8 : i32
        %dma_start3A_674 = arith.constant 0 : i32
        %dma_start3A_675 = arith.constant 0 : i32
        %dma_start3A_676 = arith.constant 0 : i32
        %dma_start3A_677 = tpu.memref_slice %arg7[%dma_start3A_674, %dma_start3A_676] : memref<2x384xi32, #tpu.memory_space<vmem>> -> memref<1x384xi32, #tpu.memory_space<vmem>>
        %dma_start3A_678 = tpu.memref_squeeze %dma_start3A_677 : memref<1x384xi32, #tpu.memory_space<vmem>> -> memref<384xi32, #tpu.memory_space<vmem>>
        %dma_start3A_679 = tpu.memref_slice %arg3[%multiple_of3A_664] : memref<320256xi32, #tpu.memory_space<hbm>> -> memref<384xi32, #tpu.memory_space<hbm>>
        %dma_start3A_680 = tpu.memref_slice %arg11[%dma_start3A_675] : memref<2x!tpu.dma_semaphore, #tpu.memory_space<semaphore_mem>> -> memref<1x!tpu.dma_semaphore, #tpu.memory_space<semaphore_mem>>
        %dma_start3A_681 = tpu.memref_squeeze %dma_start3A_680 : memref<1x!tpu.dma_semaphore, #tpu.memory_space<semaphore_mem>> -> memref<!tpu.dma_semaphore, #tpu.memory_space<semaphore_mem>>
        %dma_start3A_682 = arith.constant 0 : i32
        %dma_start3A_683 = tpu.memref_slice %arg7[%dma_start3A_674, %dma_start3A_682] : memref<2x384xi32, #tpu.memory_space<vmem>> -> memref<1x384xi32, #tpu.memory_space<vmem>>
        %dma_start3A_684 = tpu.memref_squeeze %dma_start3A_683 : memref<1x384xi32, #tpu.memory_space<vmem>> -> memref<384xi32, #tpu.memory_space<vmem>>
        %dma_start3A_685 = tpu.memref_slice %arg3[%multiple_of3A_664] : memref<320256xi32, #tpu.memory_space<hbm>> -> memref<384xi32, #tpu.memory_space<hbm>>
        tpu.enqueue_dma source(%dma_start3A_685 : memref<384xi32, #tpu.memory_space<hbm>>) target(%dma_start3A_684 : memref<384xi32, #tpu.memory_space<vmem>>) target_semaphore(%dma_start3A_681 : memref<!tpu.dma_semaphore, #tpu.memory_space<semaphore_mem>>)
        %dma_start3A_686 = arith.constant 0 : i32
        %dma_start3A_687 = arith.constant 0 : i32
        %dma_start3A_688 = arith.constant 0 : i32
        %dma_start3A_689 = tpu.memref_slice %arg8[%dma_start3A_686, %dma_start3A_688] : memref<6x128xi32, #tpu.memory_space<vmem>> -> memref<1x128xi32, #tpu.memory_space<vmem>>
        %dma_start3A_690 = tpu.memref_squeeze %dma_start3A_689 : memref<1x128xi32, #tpu.memory_space<vmem>> -> memref<128xi32, #tpu.memory_space<vmem>>
        %dma_start3A_691 = tpu.memref_slice %arg4[%multiple_of3A_667] : memref<320256xi32, #tpu.memory_space<hbm>> -> memref<128xi32, #tpu.memory_space<hbm>>
        %dma_start3A_692 = tpu.memref_slice %arg11[%dma_start3A_687] : memref<2x!tpu.dma_semaphore, #tpu.memory_space<semaphore_mem>> -> memref<1x!tpu.dma_semaphore, #tpu.memory_space<semaphore_mem>>
        %dma_start3A_693 = tpu.memref_squeeze %dma_start3A_692 : memref<1x!tpu.dma_semaphore, #tpu.memory_space<semaphore_mem>> -> memref<!tpu.dma_semaphore, #tpu.memory_space<semaphore_mem>>
        %dma_start3A_694 = arith.constant 0 : i32
        %dma_start3A_695 = tpu.memref_slice %arg8[%dma_start3A_686, %dma_start3A_694] : memref<6x128xi32, #tpu.memory_space<vmem>> -> memref<1x128xi32, #tpu.memory_space<vmem>>
        %dma_start3A_696 = tpu.memref_squeeze %dma_start3A_695 : memref<1x128xi32, #tpu.memory_space<vmem>> -> memref<128xi32, #tpu.memory_space<vmem>>
        %dma_start3A_697 = tpu.memref_slice %arg4[%multiple_of3A_667] : memref<320256xi32, #tpu.memory_space<hbm>> -> memref<128xi32, #tpu.memory_space<hbm>>
        tpu.enqueue_dma source(%dma_start3A_697 : memref<128xi32, #tpu.memory_space<hbm>>) target(%dma_start3A_696 : memref<128xi32, #tpu.memory_space<vmem>>) target_semaphore(%dma_start3A_693 : memref<!tpu.dma_semaphore, #tpu.memory_space<semaphore_mem>>)
        %dma_start3A_698 = arith.constant 1 : i32
        %dma_start3A_699 = arith.constant 0 : i32
        %dma_start3A_700 = arith.constant 0 : i32
        %dma_start3A_701 = tpu.memref_slice %arg8[%dma_start3A_698, %dma_start3A_700] : memref<6x128xi32, #tpu.memory_space<vmem>> -> memref<1x128xi32, #tpu.memory_space<vmem>>
        %dma_start3A_702 = tpu.memref_squeeze %dma_start3A_701 : memref<1x128xi32, #tpu.memory_space<vmem>> -> memref<128xi32, #tpu.memory_space<vmem>>
        %dma_start3A_703 = tpu.memref_slice %arg4[%multiple_of3A_670] : memref<320256xi32, #tpu.memory_space<hbm>> -> memref<128xi32, #tpu.memory_space<hbm>>
        %dma_start3A_704 = tpu.memref_slice %arg11[%dma_start3A_699] : memref<2x!tpu.dma_semaphore, #tpu.memory_space<semaphore_mem>> -> memref<1x!tpu.dma_semaphore, #tpu.memory_space<semaphore_mem>>
        %dma_start3A_705 = tpu.memref_squeeze %dma_start3A_704 : memref<1x!tpu.dma_semaphore, #tpu.memory_space<semaphore_mem>> -> memref<!tpu.dma_semaphore, #tpu.memory_space<semaphore_mem>>
        %dma_start3A_706 = arith.constant 0 : i32
        %dma_start3A_707 = tpu.memref_slice %arg8[%dma_start3A_698, %dma_start3A_706] : memref<6x128xi32, #tpu.memory_space<vmem>> -> memref<1x128xi32, #tpu.memory_space<vmem>>
        %dma_start3A_708 = tpu.memref_squeeze %dma_start3A_707 : memref<1x128xi32, #tpu.memory_space<vmem>> -> memref<128xi32, #tpu.memory_space<vmem>>
        %dma_start3A_709 = tpu.memref_slice %arg4[%multiple_of3A_670] : memref<320256xi32, #tpu.memory_space<hbm>> -> memref<128xi32, #tpu.memory_space<hbm>>
        tpu.enqueue_dma source(%dma_start3A_709 : memref<128xi32, #tpu.memory_space<hbm>>) target(%dma_start3A_708 : memref<128xi32, #tpu.memory_space<vmem>>) target_semaphore(%dma_start3A_705 : memref<!tpu.dma_semaphore, #tpu.memory_space<semaphore_mem>>)
        %dma_start3A_710 = arith.constant 2 : i32
        %dma_start3A_711 = arith.constant 0 : i32
        %dma_start3A_712 = arith.constant 0 : i32
        %dma_start3A_713 = tpu.memref_slice %arg8[%dma_start3A_710, %dma_start3A_712] : memref<6x128xi32, #tpu.memory_space<vmem>> -> memref<1x128xi32, #tpu.memory_space<vmem>>
        %dma_start3A_714 = tpu.memref_squeeze %dma_start3A_713 : memref<1x128xi32, #tpu.memory_space<vmem>> -> memref<128xi32, #tpu.memory_space<vmem>>
        %dma_start3A_715 = tpu.memref_slice %arg4[%multiple_of3A_673] : memref<320256xi32, #tpu.memory_space<hbm>> -> memref<128xi32, #tpu.memory_space<hbm>>
        %dma_start3A_716 = tpu.memref_slice %arg11[%dma_start3A_711] : memref<2x!tpu.dma_semaphore, #tpu.memory_space<semaphore_mem>> -> memref<1x!tpu.dma_semaphore, #tpu.memory_space<semaphore_mem>>
        %dma_start3A_717 = tpu.memref_squeeze %dma_start3A_716 : memref<1x!tpu.dma_semaphore, #tpu.memory_space<semaphore_mem>> -> memref<!tpu.dma_semaphore, #tpu.memory_space<semaphore_mem>>
        %dma_start3A_718 = arith.constant 0 : i32
        %dma_start3A_719 = tpu.memref_slice %arg8[%dma_start3A_710, %dma_start3A_718] : memref<6x128xi32, #tpu.memory_space<vmem>> -> memref<1x128xi32, #tpu.memory_space<vmem>>
        %dma_start3A_720 = tpu.memref_squeeze %dma_start3A_719 : memref<1x128xi32, #tpu.memory_space<vmem>> -> memref<128xi32, #tpu.memory_space<vmem>>
        %dma_start3A_721 = tpu.memref_slice %arg4[%multiple_of3A_673] : memref<320256xi32, #tpu.memory_space<hbm>> -> memref<128xi32, #tpu.memory_space<hbm>>
        tpu.enqueue_dma source(%dma_start3A_721 : memref<128xi32, #tpu.memory_space<hbm>>) target(%dma_start3A_720 : memref<128xi32, #tpu.memory_space<vmem>>) target_semaphore(%dma_start3A_717 : memref<!tpu.dma_semaphore, #tpu.memory_space<semaphore_mem>>)
      } else {
      }
      %mul3A_404 = arith.constant 2 : i32
      %mul3A_405 = arith.muli %mul3A_404, %while3A_153 : i32
      %add3A_406 = arith.constant 1 : i32
      %add3A_407 = arith.addi %mul3A_405, %add3A_406 : i32
      %mul3A_408 = arith.constant 3 : i32
      %mul3A_409 = arith.muli %add3A_407, %mul3A_408 : i32
      %add3A_410 = arith.addi %mul3A_10, %mul3A_409 : i32
      %mul3A_411 = arith.constant 128 : i32
      %mul3A_412 = arith.muli %add3A_410, %mul3A_411 : i32
      %multiple_of3A_413 = tpu.assume_multiple %mul3A_412, 8 : i32
      %add3A_414 = arith.constant 0 : i32
      %add3A_415 = arith.addi %multiple_of3A_413, %add3A_414 : i32
      %multiple_of3A_416 = tpu.assume_multiple %add3A_415, 8 : i32
      %add3A_417 = arith.constant 128 : i32
      %add3A_418 = arith.addi %multiple_of3A_413, %add3A_417 : i32
      %multiple_of3A_419 = tpu.assume_multiple %add3A_418, 8 : i32
      %add3A_420 = arith.constant 256 : i32
      %add3A_421 = arith.addi %multiple_of3A_413, %add3A_420 : i32
      %multiple_of3A_422 = tpu.assume_multiple %add3A_421, 8 : i32
      %dma_wait3A_423 = arith.constant 1 : i32
      %dma_wait3A_424 = arith.constant 1 : i32
      %dma_wait3A_425 = arith.constant 0 : i32
      %dma_wait3A_426 = tpu.memref_slice %arg7[%dma_wait3A_423, %dma_wait3A_425] : memref<2x384xi32, #tpu.memory_space<vmem>> -> memref<1x384xi32, #tpu.memory_space<vmem>>
      %dma_wait3A_427 = tpu.memref_squeeze %dma_wait3A_426 : memref<1x384xi32, #tpu.memory_space<vmem>> -> memref<384xi32, #tpu.memory_space<vmem>>
      %dma_wait3A_428 = tpu.memref_slice %arg3[%multiple_of3A_413] : memref<320256xi32, #tpu.memory_space<hbm>> -> memref<384xi32, #tpu.memory_space<hbm>>
      %dma_wait3A_429 = tpu.memref_slice %arg11[%dma_wait3A_424] : memref<2x!tpu.dma_semaphore, #tpu.memory_space<semaphore_mem>> -> memref<1x!tpu.dma_semaphore, #tpu.memory_space<semaphore_mem>>
      %dma_wait3A_430 = tpu.memref_squeeze %dma_wait3A_429 : memref<1x!tpu.dma_semaphore, #tpu.memory_space<semaphore_mem>> -> memref<!tpu.dma_semaphore, #tpu.memory_space<semaphore_mem>>
      %dma_wait3A_431 = arith.constant 0 : i32
      %dma_wait3A_432 = tpu.memref_slice %arg7[%dma_wait3A_423, %dma_wait3A_431] : memref<2x384xi32, #tpu.memory_space<vmem>> -> memref<1x384xi32, #tpu.memory_space<vmem>>
      %dma_wait3A_433 = tpu.memref_squeeze %dma_wait3A_432 : memref<1x384xi32, #tpu.memory_space<vmem>> -> memref<384xi32, #tpu.memory_space<vmem>>
      %dma_wait3A_434 = tpu.memref_slice %arg3[%multiple_of3A_413] : memref<320256xi32, #tpu.memory_space<hbm>> -> memref<384xi32, #tpu.memory_space<hbm>>
      tpu.wait_dma2 semaphore(%dma_wait3A_430 : memref<!tpu.dma_semaphore, #tpu.memory_space<semaphore_mem>>) src(%dma_wait3A_434 : memref<384xi32, #tpu.memory_space<hbm>>) dst(%dma_wait3A_433 : memref<384xi32, #tpu.memory_space<vmem>>)
      %dma_wait3A_435 = arith.constant 3 : i32
      %dma_wait3A_436 = arith.constant 1 : i32
      %dma_wait3A_437 = arith.constant 0 : i32
      %dma_wait3A_438 = tpu.memref_slice %arg8[%dma_wait3A_435, %dma_wait3A_437] : memref<6x128xi32, #tpu.memory_space<vmem>> -> memref<1x128xi32, #tpu.memory_space<vmem>>
      %dma_wait3A_439 = tpu.memref_squeeze %dma_wait3A_438 : memref<1x128xi32, #tpu.memory_space<vmem>> -> memref<128xi32, #tpu.memory_space<vmem>>
      %dma_wait3A_440 = tpu.memref_slice %arg4[%multiple_of3A_416] : memref<320256xi32, #tpu.memory_space<hbm>> -> memref<128xi32, #tpu.memory_space<hbm>>
      %dma_wait3A_441 = tpu.memref_slice %arg11[%dma_wait3A_436] : memref<2x!tpu.dma_semaphore, #tpu.memory_space<semaphore_mem>> -> memref<1x!tpu.dma_semaphore, #tpu.memory_space<semaphore_mem>>
      %dma_wait3A_442 = tpu.memref_squeeze %dma_wait3A_441 : memref<1x!tpu.dma_semaphore, #tpu.memory_space<semaphore_mem>> -> memref<!tpu.dma_semaphore, #tpu.memory_space<semaphore_mem>>
      %dma_wait3A_443 = arith.constant 0 : i32
      %dma_wait3A_444 = tpu.memref_slice %arg8[%dma_wait3A_435, %dma_wait3A_443] : memref<6x128xi32, #tpu.memory_space<vmem>> -> memref<1x128xi32, #tpu.memory_space<vmem>>
      %dma_wait3A_445 = tpu.memref_squeeze %dma_wait3A_444 : memref<1x128xi32, #tpu.memory_space<vmem>> -> memref<128xi32, #tpu.memory_space<vmem>>
      %dma_wait3A_446 = tpu.memref_slice %arg4[%multiple_of3A_416] : memref<320256xi32, #tpu.memory_space<hbm>> -> memref<128xi32, #tpu.memory_space<hbm>>
      tpu.wait_dma2 semaphore(%dma_wait3A_442 : memref<!tpu.dma_semaphore, #tpu.memory_space<semaphore_mem>>) src(%dma_wait3A_446 : memref<128xi32, #tpu.memory_space<hbm>>) dst(%dma_wait3A_445 : memref<128xi32, #tpu.memory_space<vmem>>)
      %dma_wait3A_447 = arith.constant 4 : i32
      %dma_wait3A_448 = arith.constant 1 : i32
      %dma_wait3A_449 = arith.constant 0 : i32
      %dma_wait3A_450 = tpu.memref_slice %arg8[%dma_wait3A_447, %dma_wait3A_449] : memref<6x128xi32, #tpu.memory_space<vmem>> -> memref<1x128xi32, #tpu.memory_space<vmem>>
      %dma_wait3A_451 = tpu.memref_squeeze %dma_wait3A_450 : memref<1x128xi32, #tpu.memory_space<vmem>> -> memref<128xi32, #tpu.memory_space<vmem>>
      %dma_wait3A_452 = tpu.memref_slice %arg4[%multiple_of3A_419] : memref<320256xi32, #tpu.memory_space<hbm>> -> memref<128xi32, #tpu.memory_space<hbm>>
      %dma_wait3A_453 = tpu.memref_slice %arg11[%dma_wait3A_448] : memref<2x!tpu.dma_semaphore, #tpu.memory_space<semaphore_mem>> -> memref<1x!tpu.dma_semaphore, #tpu.memory_space<semaphore_mem>>
      %dma_wait3A_454 = tpu.memref_squeeze %dma_wait3A_453 : memref<1x!tpu.dma_semaphore, #tpu.memory_space<semaphore_mem>> -> memref<!tpu.dma_semaphore, #tpu.memory_space<semaphore_mem>>
      %dma_wait3A_455 = arith.constant 0 : i32
      %dma_wait3A_456 = tpu.memref_slice %arg8[%dma_wait3A_447, %dma_wait3A_455] : memref<6x128xi32, #tpu.memory_space<vmem>> -> memref<1x128xi32, #tpu.memory_space<vmem>>
      %dma_wait3A_457 = tpu.memref_squeeze %dma_wait3A_456 : memref<1x128xi32, #tpu.memory_space<vmem>> -> memref<128xi32, #tpu.memory_space<vmem>>
      %dma_wait3A_458 = tpu.memref_slice %arg4[%multiple_of3A_419] : memref<320256xi32, #tpu.memory_space<hbm>> -> memref<128xi32, #tpu.memory_space<hbm>>
      tpu.wait_dma2 semaphore(%dma_wait3A_454 : memref<!tpu.dma_semaphore, #tpu.memory_space<semaphore_mem>>) src(%dma_wait3A_458 : memref<128xi32, #tpu.memory_space<hbm>>) dst(%dma_wait3A_457 : memref<128xi32, #tpu.memory_space<vmem>>)
      %dma_wait3A_459 = arith.constant 5 : i32
      %dma_wait3A_460 = arith.constant 1 : i32
      %dma_wait3A_461 = arith.constant 0 : i32
      %dma_wait3A_462 = tpu.memref_slice %arg8[%dma_wait3A_459, %dma_wait3A_461] : memref<6x128xi32, #tpu.memory_space<vmem>> -> memref<1x128xi32, #tpu.memory_space<vmem>>
      %dma_wait3A_463 = tpu.memref_squeeze %dma_wait3A_462 : memref<1x128xi32, #tpu.memory_space<vmem>> -> memref<128xi32, #tpu.memory_space<vmem>>
      %dma_wait3A_464 = tpu.memref_slice %arg4[%multiple_of3A_422] : memref<320256xi32, #tpu.memory_space<hbm>> -> memref<128xi32, #tpu.memory_space<hbm>>
      %dma_wait3A_465 = tpu.memref_slice %arg11[%dma_wait3A_460] : memref<2x!tpu.dma_semaphore, #tpu.memory_space<semaphore_mem>> -> memref<1x!tpu.dma_semaphore, #tpu.memory_space<semaphore_mem>>
      %dma_wait3A_466 = tpu.memref_squeeze %dma_wait3A_465 : memref<1x!tpu.dma_semaphore, #tpu.memory_space<semaphore_mem>> -> memref<!tpu.dma_semaphore, #tpu.memory_space<semaphore_mem>>
      %dma_wait3A_467 = arith.constant 0 : i32
      %dma_wait3A_468 = tpu.memref_slice %arg8[%dma_wait3A_459, %dma_wait3A_467] : memref<6x128xi32, #tpu.memory_space<vmem>> -> memref<1x128xi32, #tpu.memory_space<vmem>>
      %dma_wait3A_469 = tpu.memref_squeeze %dma_wait3A_468 : memref<1x128xi32, #tpu.memory_space<vmem>> -> memref<128xi32, #tpu.memory_space<vmem>>
      %dma_wait3A_470 = tpu.memref_slice %arg4[%multiple_of3A_422] : memref<320256xi32, #tpu.memory_space<hbm>> -> memref<128xi32, #tpu.memory_space<hbm>>
      tpu.wait_dma2 semaphore(%dma_wait3A_466 : memref<!tpu.dma_semaphore, #tpu.memory_space<semaphore_mem>>) src(%dma_wait3A_470 : memref<128xi32, #tpu.memory_space<hbm>>) dst(%dma_wait3A_469 : memref<128xi32, #tpu.memory_space<vmem>>)
      %dma_start3A_471 = arith.constant 1 : i32
      %dma_start3A_472 = arith.constant 0 : i32
      %dma_start3A_473 = arith.constant 0 : i32
      %dma_start3A_474 = arith.constant 0 : i32
      %dma_start3A_475 = arith.constant 0 : i32
      %dma_start3A_476 = tpu.memref_slice %arg9[%dma_start3A_472, %dma_start3A_474, %dma_start3A_475] : memref<3x128x128xf32, #tpu.memory_space<vmem>> -> memref<1x128x128xf32, #tpu.memory_space<vmem>>
      %dma_start3A_477 = tpu.memref_squeeze %dma_start3A_476 : memref<1x128x128xf32, #tpu.memory_space<vmem>> -> memref<128x128xf32, #tpu.memory_space<vmem>>
      %dma_start3A_478 = arith.constant 0 : i32
      %dma_start3A_479 = tpu.memref_slice %arg7[%dma_start3A_471, %dma_start3A_478] : memref<2x384xi32, #tpu.memory_space<vmem>> -> memref<1x128xi32, #tpu.memory_space<vmem>>
      %dma_start3A_480 = tpu.memref_squeeze %dma_start3A_479 : memref<1x128xi32, #tpu.memory_space<vmem>> -> memref<128xi32, #tpu.memory_space<vmem>>
      %dma_start3A_481 = arith.constant 0 : i32
      %dma_start3A_482 = arith.constant 0 : i32
      %dma_start3A_483 = tpu.memref_slice %arg2[%dma_start3A_481, %dma_start3A_482] : memref<10000x128xf32, #tpu.memory_space<hbm>> -> memref<10000x128xf32, #tpu.memory_space<hbm>>
      %dma_start3A_484 = tpu.memref_slice %arg12[%dma_start3A_473] : memref<3x!tpu.dma_semaphore, #tpu.memory_space<semaphore_mem>> -> memref<1x!tpu.dma_semaphore, #tpu.memory_space<semaphore_mem>>
      %dma_start3A_485 = tpu.memref_squeeze %dma_start3A_484 : memref<1x!tpu.dma_semaphore, #tpu.memory_space<semaphore_mem>> -> memref<!tpu.dma_semaphore, #tpu.memory_space<semaphore_mem>>
      tpu.enqueue_indirect_dma source(%dma_start3A_483 : memref<10000x128xf32, #tpu.memory_space<hbm>>) target(%dma_start3A_477 : memref<128x128xf32, #tpu.memory_space<vmem>>) offsets(%dma_start3A_480 : memref<128xi32, #tpu.memory_space<vmem>>) semaphore(%dma_start3A_485 : memref<!tpu.dma_semaphore, #tpu.memory_space<semaphore_mem>>)
      %dma_start3A_486 = arith.constant 1 : i32
      %dma_start3A_487 = arith.constant 1 : i32
      %dma_start3A_488 = arith.constant 1 : i32
      %dma_start3A_489 = arith.constant 0 : i32
      %dma_start3A_490 = arith.constant 0 : i32
      %dma_start3A_491 = tpu.memref_slice %arg9[%dma_start3A_487, %dma_start3A_489, %dma_start3A_490] : memref<3x128x128xf32, #tpu.memory_space<vmem>> -> memref<1x128x128xf32, #tpu.memory_space<vmem>>
      %dma_start3A_492 = tpu.memref_squeeze %dma_start3A_491 : memref<1x128x128xf32, #tpu.memory_space<vmem>> -> memref<128x128xf32, #tpu.memory_space<vmem>>
      %dma_start3A_493 = arith.constant 128 : i32
      %dma_start3A_494 = tpu.memref_slice %arg7[%dma_start3A_486, %dma_start3A_493] : memref<2x384xi32, #tpu.memory_space<vmem>> -> memref<1x128xi32, #tpu.memory_space<vmem>>
      %dma_start3A_495 = tpu.memref_squeeze %dma_start3A_494 : memref<1x128xi32, #tpu.memory_space<vmem>> -> memref<128xi32, #tpu.memory_space<vmem>>
      %dma_start3A_496 = arith.constant 0 : i32
      %dma_start3A_497 = arith.constant 0 : i32
      %dma_start3A_498 = tpu.memref_slice %arg2[%dma_start3A_496, %dma_start3A_497] : memref<10000x128xf32, #tpu.memory_space<hbm>> -> memref<10000x128xf32, #tpu.memory_space<hbm>>
      %dma_start3A_499 = tpu.memref_slice %arg12[%dma_start3A_488] : memref<3x!tpu.dma_semaphore, #tpu.memory_space<semaphore_mem>> -> memref<1x!tpu.dma_semaphore, #tpu.memory_space<semaphore_mem>>
      %dma_start3A_500 = tpu.memref_squeeze %dma_start3A_499 : memref<1x!tpu.dma_semaphore, #tpu.memory_space<semaphore_mem>> -> memref<!tpu.dma_semaphore, #tpu.memory_space<semaphore_mem>>
      tpu.enqueue_indirect_dma source(%dma_start3A_498 : memref<10000x128xf32, #tpu.memory_space<hbm>>) target(%dma_start3A_492 : memref<128x128xf32, #tpu.memory_space<vmem>>) offsets(%dma_start3A_495 : memref<128xi32, #tpu.memory_space<vmem>>) semaphore(%dma_start3A_500 : memref<!tpu.dma_semaphore, #tpu.memory_space<semaphore_mem>>)
      %dma_start3A_501 = arith.constant 1 : i32
      %dma_start3A_502 = arith.constant 2 : i32
      %dma_start3A_503 = arith.constant 2 : i32
      %dma_start3A_504 = arith.constant 0 : i32
      %dma_start3A_505 = arith.constant 0 : i32
      %dma_start3A_506 = tpu.memref_slice %arg9[%dma_start3A_502, %dma_start3A_504, %dma_start3A_505] : memref<3x128x128xf32, #tpu.memory_space<vmem>> -> memref<1x128x128xf32, #tpu.memory_space<vmem>>
      %dma_start3A_507 = tpu.memref_squeeze %dma_start3A_506 : memref<1x128x128xf32, #tpu.memory_space<vmem>> -> memref<128x128xf32, #tpu.memory_space<vmem>>
      %dma_start3A_508 = arith.constant 256 : i32
      %dma_start3A_509 = tpu.memref_slice %arg7[%dma_start3A_501, %dma_start3A_508] : memref<2x384xi32, #tpu.memory_space<vmem>> -> memref<1x128xi32, #tpu.memory_space<vmem>>
      %dma_start3A_510 = tpu.memref_squeeze %dma_start3A_509 : memref<1x128xi32, #tpu.memory_space<vmem>> -> memref<128xi32, #tpu.memory_space<vmem>>
      %dma_start3A_511 = arith.constant 0 : i32
      %dma_start3A_512 = arith.constant 0 : i32
      %dma_start3A_513 = tpu.memref_slice %arg2[%dma_start3A_511, %dma_start3A_512] : memref<10000x128xf32, #tpu.memory_space<hbm>> -> memref<10000x128xf32, #tpu.memory_space<hbm>>
      %dma_start3A_514 = tpu.memref_slice %arg12[%dma_start3A_503] : memref<3x!tpu.dma_semaphore, #tpu.memory_space<semaphore_mem>> -> memref<1x!tpu.dma_semaphore, #tpu.memory_space<semaphore_mem>>
      %dma_start3A_515 = tpu.memref_squeeze %dma_start3A_514 : memref<1x!tpu.dma_semaphore, #tpu.memory_space<semaphore_mem>> -> memref<!tpu.dma_semaphore, #tpu.memory_space<semaphore_mem>>
      tpu.enqueue_indirect_dma source(%dma_start3A_513 : memref<10000x128xf32, #tpu.memory_space<hbm>>) target(%dma_start3A_507 : memref<128x128xf32, #tpu.memory_space<vmem>>) offsets(%dma_start3A_510 : memref<128xi32, #tpu.memory_space<vmem>>) semaphore(%dma_start3A_515 : memref<!tpu.dma_semaphore, #tpu.memory_space<semaphore_mem>>)
      %dma_wait3A_516 = arith.constant 1 : i32
      %dma_wait3A_517 = arith.constant 0 : i32
      %dma_wait3A_518 = arith.constant 0 : i32
      %dma_wait3A_519 = arith.constant 0 : i32
      %dma_wait3A_520 = arith.constant 0 : i32
      %dma_wait3A_521 = tpu.memref_slice %arg9[%dma_wait3A_517, %dma_wait3A_519, %dma_wait3A_520] : memref<3x128x128xf32, #tpu.memory_space<vmem>> -> memref<1x128x128xf32, #tpu.memory_space<vmem>>
      %dma_wait3A_522 = tpu.memref_squeeze %dma_wait3A_521 : memref<1x128x128xf32, #tpu.memory_space<vmem>> -> memref<128x128xf32, #tpu.memory_space<vmem>>
      %dma_wait3A_523 = arith.constant 0 : i32
      %dma_wait3A_524 = tpu.memref_slice %arg7[%dma_wait3A_516, %dma_wait3A_523] : memref<2x384xi32, #tpu.memory_space<vmem>> -> memref<1x128xi32, #tpu.memory_space<vmem>>
      %dma_wait3A_525 = tpu.memref_squeeze %dma_wait3A_524 : memref<1x128xi32, #tpu.memory_space<vmem>> -> memref<128xi32, #tpu.memory_space<vmem>>
      %dma_wait3A_526 = arith.constant 0 : i32
      %dma_wait3A_527 = arith.constant 0 : i32
      %dma_wait3A_528 = tpu.memref_slice %arg2[%dma_wait3A_526, %dma_wait3A_527] : memref<10000x128xf32, #tpu.memory_space<hbm>> -> memref<10000x128xf32, #tpu.memory_space<hbm>>
      %dma_wait3A_529 = tpu.memref_slice %arg12[%dma_wait3A_518] : memref<3x!tpu.dma_semaphore, #tpu.memory_space<semaphore_mem>> -> memref<1x!tpu.dma_semaphore, #tpu.memory_space<semaphore_mem>>
      %dma_wait3A_530 = tpu.memref_squeeze %dma_wait3A_529 : memref<1x!tpu.dma_semaphore, #tpu.memory_space<semaphore_mem>> -> memref<!tpu.dma_semaphore, #tpu.memory_space<semaphore_mem>>
      tpu.wait_indirect_dma semaphore(%dma_wait3A_530 : memref<!tpu.dma_semaphore, #tpu.memory_space<semaphore_mem>>) src(%dma_wait3A_528 : memref<10000x128xf32, #tpu.memory_space<hbm>>) dst(%dma_wait3A_522 : memref<128x128xf32, #tpu.memory_space<vmem>>)
      %dma_start3A_531 = arith.constant 0 : i32
      %dma_start3A_532 = arith.constant 3 : i32
      %dma_start3A_533 = arith.constant 0 : i32
      %dma_start3A_534 = arith.constant 0 : i32
      %dma_start3A_535 = arith.constant 0 : i32
      %dma_start3A_536 = tpu.memref_slice %arg9[%dma_start3A_531, %dma_start3A_534, %dma_start3A_535] : memref<3x128x128xf32, #tpu.memory_space<vmem>> -> memref<1x128x128xf32, #tpu.memory_space<vmem>>
      %dma_start3A_537 = tpu.memref_squeeze %dma_start3A_536 : memref<1x128x128xf32, #tpu.memory_space<vmem>> -> memref<128x128xf32, #tpu.memory_space<vmem>>
      %dma_start3A_538 = arith.constant 0 : i32
      %dma_start3A_539 = tpu.memref_slice %arg8[%dma_start3A_532, %dma_start3A_538] : memref<6x128xi32, #tpu.memory_space<vmem>> -> memref<1x128xi32, #tpu.memory_space<vmem>>
      %dma_start3A_540 = tpu.memref_squeeze %dma_start3A_539 : memref<1x128xi32, #tpu.memory_space<vmem>> -> memref<128xi32, #tpu.memory_space<vmem>>
      %dma_start3A_541 = arith.constant 0 : i32
      %dma_start3A_542 = arith.constant 0 : i32
      %dma_start3A_543 = tpu.memref_slice %arg10[%dma_start3A_541, %dma_start3A_542] : memref<10016x128xf32, #tpu.memory_space<vmem_shared>> -> memref<10016x128xf32, #tpu.memory_space<vmem_shared>>
      %dma_start3A_544 = tpu.memref_slice %arg13[%dma_start3A_533] : memref<3x!tpu.dma_semaphore, #tpu.memory_space<semaphore_mem>> -> memref<1x!tpu.dma_semaphore, #tpu.memory_space<semaphore_mem>>
      %dma_start3A_545 = tpu.memref_squeeze %dma_start3A_544 : memref<1x!tpu.dma_semaphore, #tpu.memory_space<semaphore_mem>> -> memref<!tpu.dma_semaphore, #tpu.memory_space<semaphore_mem>>
      tpu.enqueue_indirect_dma source(%dma_start3A_537 : memref<128x128xf32, #tpu.memory_space<vmem>>) target(%dma_start3A_543 : memref<10016x128xf32, #tpu.memory_space<vmem_shared>>) offsets(%dma_start3A_540 : memref<128xi32, #tpu.memory_space<vmem>>) semaphore(%dma_start3A_545 : memref<!tpu.dma_semaphore, #tpu.memory_space<semaphore_mem>>) {add = true}
      %dma_wait3A_546 = arith.constant 1 : i32
      %dma_wait3A_547 = arith.constant 1 : i32
      %dma_wait3A_548 = arith.constant 1 : i32
      %dma_wait3A_549 = arith.constant 0 : i32
      %dma_wait3A_550 = arith.constant 0 : i32
      %dma_wait3A_551 = tpu.memref_slice %arg9[%dma_wait3A_547, %dma_wait3A_549, %dma_wait3A_550] : memref<3x128x128xf32, #tpu.memory_space<vmem>> -> memref<1x128x128xf32, #tpu.memory_space<vmem>>
      %dma_wait3A_552 = tpu.memref_squeeze %dma_wait3A_551 : memref<1x128x128xf32, #tpu.memory_space<vmem>> -> memref<128x128xf32, #tpu.memory_space<vmem>>
      %dma_wait3A_553 = arith.constant 128 : i32
      %dma_wait3A_554 = tpu.memref_slice %arg7[%dma_wait3A_546, %dma_wait3A_553] : memref<2x384xi32, #tpu.memory_space<vmem>> -> memref<1x128xi32, #tpu.memory_space<vmem>>
      %dma_wait3A_555 = tpu.memref_squeeze %dma_wait3A_554 : memref<1x128xi32, #tpu.memory_space<vmem>> -> memref<128xi32, #tpu.memory_space<vmem>>
      %dma_wait3A_556 = arith.constant 0 : i32
      %dma_wait3A_557 = arith.constant 0 : i32
      %dma_wait3A_558 = tpu.memref_slice %arg2[%dma_wait3A_556, %dma_wait3A_557] : memref<10000x128xf32, #tpu.memory_space<hbm>> -> memref<10000x128xf32, #tpu.memory_space<hbm>>
      %dma_wait3A_559 = tpu.memref_slice %arg12[%dma_wait3A_548] : memref<3x!tpu.dma_semaphore, #tpu.memory_space<semaphore_mem>> -> memref<1x!tpu.dma_semaphore, #tpu.memory_space<semaphore_mem>>
      %dma_wait3A_560 = tpu.memref_squeeze %dma_wait3A_559 : memref<1x!tpu.dma_semaphore, #tpu.memory_space<semaphore_mem>> -> memref<!tpu.dma_semaphore, #tpu.memory_space<semaphore_mem>>
      tpu.wait_indirect_dma semaphore(%dma_wait3A_560 : memref<!tpu.dma_semaphore, #tpu.memory_space<semaphore_mem>>) src(%dma_wait3A_558 : memref<10000x128xf32, #tpu.memory_space<hbm>>) dst(%dma_wait3A_552 : memref<128x128xf32, #tpu.memory_space<vmem>>)
      %dma_start3A_561 = arith.constant 1 : i32
      %dma_start3A_562 = arith.constant 4 : i32
      %dma_start3A_563 = arith.constant 1 : i32
      %dma_start3A_564 = arith.constant 0 : i32
      %dma_start3A_565 = arith.constant 0 : i32
      %dma_start3A_566 = tpu.memref_slice %arg9[%dma_start3A_561, %dma_start3A_564, %dma_start3A_565] : memref<3x128x128xf32, #tpu.memory_space<vmem>> -> memref<1x128x128xf32, #tpu.memory_space<vmem>>
      %dma_start3A_567 = tpu.memref_squeeze %dma_start3A_566 : memref<1x128x128xf32, #tpu.memory_space<vmem>> -> memref<128x128xf32, #tpu.memory_space<vmem>>
      %dma_start3A_568 = arith.constant 0 : i32
      %dma_start3A_569 = tpu.memref_slice %arg8[%dma_start3A_562, %dma_start3A_568] : memref<6x128xi32, #tpu.memory_space<vmem>> -> memref<1x128xi32, #tpu.memory_space<vmem>>
      %dma_start3A_570 = tpu.memref_squeeze %dma_start3A_569 : memref<1x128xi32, #tpu.memory_space<vmem>> -> memref<128xi32, #tpu.memory_space<vmem>>
      %dma_start3A_571 = arith.constant 0 : i32
      %dma_start3A_572 = arith.constant 0 : i32
      %dma_start3A_573 = tpu.memref_slice %arg10[%dma_start3A_571, %dma_start3A_572] : memref<10016x128xf32, #tpu.memory_space<vmem_shared>> -> memref<10016x128xf32, #tpu.memory_space<vmem_shared>>
      %dma_start3A_574 = tpu.memref_slice %arg13[%dma_start3A_563] : memref<3x!tpu.dma_semaphore, #tpu.memory_space<semaphore_mem>> -> memref<1x!tpu.dma_semaphore, #tpu.memory_space<semaphore_mem>>
      %dma_start3A_575 = tpu.memref_squeeze %dma_start3A_574 : memref<1x!tpu.dma_semaphore, #tpu.memory_space<semaphore_mem>> -> memref<!tpu.dma_semaphore, #tpu.memory_space<semaphore_mem>>
      tpu.enqueue_indirect_dma source(%dma_start3A_567 : memref<128x128xf32, #tpu.memory_space<vmem>>) target(%dma_start3A_573 : memref<10016x128xf32, #tpu.memory_space<vmem_shared>>) offsets(%dma_start3A_570 : memref<128xi32, #tpu.memory_space<vmem>>) semaphore(%dma_start3A_575 : memref<!tpu.dma_semaphore, #tpu.memory_space<semaphore_mem>>) {add = true}
      %dma_wait3A_576 = arith.constant 1 : i32
      %dma_wait3A_577 = arith.constant 2 : i32
      %dma_wait3A_578 = arith.constant 2 : i32
      %dma_wait3A_579 = arith.constant 0 : i32
      %dma_wait3A_580 = arith.constant 0 : i32
      %dma_wait3A_581 = tpu.memref_slice %arg9[%dma_wait3A_577, %dma_wait3A_579, %dma_wait3A_580] : memref<3x128x128xf32, #tpu.memory_space<vmem>> -> memref<1x128x128xf32, #tpu.memory_space<vmem>>
      %dma_wait3A_582 = tpu.memref_squeeze %dma_wait3A_581 : memref<1x128x128xf32, #tpu.memory_space<vmem>> -> memref<128x128xf32, #tpu.memory_space<vmem>>
      %dma_wait3A_583 = arith.constant 256 : i32
      %dma_wait3A_584 = tpu.memref_slice %arg7[%dma_wait3A_576, %dma_wait3A_583] : memref<2x384xi32, #tpu.memory_space<vmem>> -> memref<1x128xi32, #tpu.memory_space<vmem>>
      %dma_wait3A_585 = tpu.memref_squeeze %dma_wait3A_584 : memref<1x128xi32, #tpu.memory_space<vmem>> -> memref<128xi32, #tpu.memory_space<vmem>>
      %dma_wait3A_586 = arith.constant 0 : i32
      %dma_wait3A_587 = arith.constant 0 : i32
      %dma_wait3A_588 = tpu.memref_slice %arg2[%dma_wait3A_586, %dma_wait3A_587] : memref<10000x128xf32, #tpu.memory_space<hbm>> -> memref<10000x128xf32, #tpu.memory_space<hbm>>
      %dma_wait3A_589 = tpu.memref_slice %arg12[%dma_wait3A_578] : memref<3x!tpu.dma_semaphore, #tpu.memory_space<semaphore_mem>> -> memref<1x!tpu.dma_semaphore, #tpu.memory_space<semaphore_mem>>
      %dma_wait3A_590 = tpu.memref_squeeze %dma_wait3A_589 : memref<1x!tpu.dma_semaphore, #tpu.memory_space<semaphore_mem>> -> memref<!tpu.dma_semaphore, #tpu.memory_space<semaphore_mem>>
      tpu.wait_indirect_dma semaphore(%dma_wait3A_590 : memref<!tpu.dma_semaphore, #tpu.memory_space<semaphore_mem>>) src(%dma_wait3A_588 : memref<10000x128xf32, #tpu.memory_space<hbm>>) dst(%dma_wait3A_582 : memref<128x128xf32, #tpu.memory_space<vmem>>)
      %dma_start3A_591 = arith.constant 2 : i32
      %dma_start3A_592 = arith.constant 5 : i32
      %dma_start3A_593 = arith.constant 2 : i32
      %dma_start3A_594 = arith.constant 0 : i32
      %dma_start3A_595 = arith.constant 0 : i32
      %dma_start3A_596 = tpu.memref_slice %arg9[%dma_start3A_591, %dma_start3A_594, %dma_start3A_595] : memref<3x128x128xf32, #tpu.memory_space<vmem>> -> memref<1x128x128xf32, #tpu.memory_space<vmem>>
      %dma_start3A_597 = tpu.memref_squeeze %dma_start3A_596 : memref<1x128x128xf32, #tpu.memory_space<vmem>> -> memref<128x128xf32, #tpu.memory_space<vmem>>
      %dma_start3A_598 = arith.constant 0 : i32
      %dma_start3A_599 = tpu.memref_slice %arg8[%dma_start3A_592, %dma_start3A_598] : memref<6x128xi32, #tpu.memory_space<vmem>> -> memref<1x128xi32, #tpu.memory_space<vmem>>
      %dma_start3A_600 = tpu.memref_squeeze %dma_start3A_599 : memref<1x128xi32, #tpu.memory_space<vmem>> -> memref<128xi32, #tpu.memory_space<vmem>>
      %dma_start3A_601 = arith.constant 0 : i32
      %dma_start3A_602 = arith.constant 0 : i32
      %dma_start3A_603 = tpu.memref_slice %arg10[%dma_start3A_601, %dma_start3A_602] : memref<10016x128xf32, #tpu.memory_space<vmem_shared>> -> memref<10016x128xf32, #tpu.memory_space<vmem_shared>>
      %dma_start3A_604 = tpu.memref_slice %arg13[%dma_start3A_593] : memref<3x!tpu.dma_semaphore, #tpu.memory_space<semaphore_mem>> -> memref<1x!tpu.dma_semaphore, #tpu.memory_space<semaphore_mem>>
      %dma_start3A_605 = tpu.memref_squeeze %dma_start3A_604 : memref<1x!tpu.dma_semaphore, #tpu.memory_space<semaphore_mem>> -> memref<!tpu.dma_semaphore, #tpu.memory_space<semaphore_mem>>
      tpu.enqueue_indirect_dma source(%dma_start3A_597 : memref<128x128xf32, #tpu.memory_space<vmem>>) target(%dma_start3A_603 : memref<10016x128xf32, #tpu.memory_space<vmem_shared>>) offsets(%dma_start3A_600 : memref<128xi32, #tpu.memory_space<vmem>>) semaphore(%dma_start3A_605 : memref<!tpu.dma_semaphore, #tpu.memory_space<semaphore_mem>>) {add = true}
      %dma_wait3A_606 = arith.constant 0 : i32
      %dma_wait3A_607 = arith.constant 3 : i32
      %dma_wait3A_608 = arith.constant 0 : i32
      %dma_wait3A_609 = arith.constant 0 : i32
      %dma_wait3A_610 = arith.constant 0 : i32
      %dma_wait3A_611 = tpu.memref_slice %arg9[%dma_wait3A_606, %dma_wait3A_609, %dma_wait3A_610] : memref<3x128x128xf32, #tpu.memory_space<vmem>> -> memref<1x128x128xf32, #tpu.memory_space<vmem>>
      %dma_wait3A_612 = tpu.memref_squeeze %dma_wait3A_611 : memref<1x128x128xf32, #tpu.memory_space<vmem>> -> memref<128x128xf32, #tpu.memory_space<vmem>>
      %dma_wait3A_613 = arith.constant 0 : i32
      %dma_wait3A_614 = tpu.memref_slice %arg8[%dma_wait3A_607, %dma_wait3A_613] : memref<6x128xi32, #tpu.memory_space<vmem>> -> memref<1x128xi32, #tpu.memory_space<vmem>>
      %dma_wait3A_615 = tpu.memref_squeeze %dma_wait3A_614 : memref<1x128xi32, #tpu.memory_space<vmem>> -> memref<128xi32, #tpu.memory_space<vmem>>
      %dma_wait3A_616 = arith.constant 0 : i32
      %dma_wait3A_617 = arith.constant 0 : i32
      %dma_wait3A_618 = tpu.memref_slice %arg10[%dma_wait3A_616, %dma_wait3A_617] : memref<10016x128xf32, #tpu.memory_space<vmem_shared>> -> memref<10016x128xf32, #tpu.memory_space<vmem_shared>>
      %dma_wait3A_619 = tpu.memref_slice %arg13[%dma_wait3A_608] : memref<3x!tpu.dma_semaphore, #tpu.memory_space<semaphore_mem>> -> memref<1x!tpu.dma_semaphore, #tpu.memory_space<semaphore_mem>>
      %dma_wait3A_620 = tpu.memref_squeeze %dma_wait3A_619 : memref<1x!tpu.dma_semaphore, #tpu.memory_space<semaphore_mem>> -> memref<!tpu.dma_semaphore, #tpu.memory_space<semaphore_mem>>
      tpu.wait_indirect_dma semaphore(%dma_wait3A_620 : memref<!tpu.dma_semaphore, #tpu.memory_space<semaphore_mem>>) src(%dma_wait3A_612 : memref<128x128xf32, #tpu.memory_space<vmem>>) dst(%dma_wait3A_618 : memref<10016x128xf32, #tpu.memory_space<vmem_shared>>)
      %dma_wait3A_621 = arith.constant 1 : i32
      %dma_wait3A_622 = arith.constant 4 : i32
      %dma_wait3A_623 = arith.constant 1 : i32
      %dma_wait3A_624 = arith.constant 0 : i32
      %dma_wait3A_625 = arith.constant 0 : i32
      %dma_wait3A_626 = tpu.memref_slice %arg9[%dma_wait3A_621, %dma_wait3A_624, %dma_wait3A_625] : memref<3x128x128xf32, #tpu.memory_space<vmem>> -> memref<1x128x128xf32, #tpu.memory_space<vmem>>
      %dma_wait3A_627 = tpu.memref_squeeze %dma_wait3A_626 : memref<1x128x128xf32, #tpu.memory_space<vmem>> -> memref<128x128xf32, #tpu.memory_space<vmem>>
      %dma_wait3A_628 = arith.constant 0 : i32
      %dma_wait3A_629 = tpu.memref_slice %arg8[%dma_wait3A_622, %dma_wait3A_628] : memref<6x128xi32, #tpu.memory_space<vmem>> -> memref<1x128xi32, #tpu.memory_space<vmem>>
      %dma_wait3A_630 = tpu.memref_squeeze %dma_wait3A_629 : memref<1x128xi32, #tpu.memory_space<vmem>> -> memref<128xi32, #tpu.memory_space<vmem>>
      %dma_wait3A_631 = arith.constant 0 : i32
      %dma_wait3A_632 = arith.constant 0 : i32
      %dma_wait3A_633 = tpu.memref_slice %arg10[%dma_wait3A_631, %dma_wait3A_632] : memref<10016x128xf32, #tpu.memory_space<vmem_shared>> -> memref<10016x128xf32, #tpu.memory_space<vmem_shared>>
      %dma_wait3A_634 = tpu.memref_slice %arg13[%dma_wait3A_623] : memref<3x!tpu.dma_semaphore, #tpu.memory_space<semaphore_mem>> -> memref<1x!tpu.dma_semaphore, #tpu.memory_space<semaphore_mem>>
      %dma_wait3A_635 = tpu.memref_squeeze %dma_wait3A_634 : memref<1x!tpu.dma_semaphore, #tpu.memory_space<semaphore_mem>> -> memref<!tpu.dma_semaphore, #tpu.memory_space<semaphore_mem>>
      tpu.wait_indirect_dma semaphore(%dma_wait3A_635 : memref<!tpu.dma_semaphore, #tpu.memory_space<semaphore_mem>>) src(%dma_wait3A_627 : memref<128x128xf32, #tpu.memory_space<vmem>>) dst(%dma_wait3A_633 : memref<10016x128xf32, #tpu.memory_space<vmem_shared>>)
      %dma_wait3A_636 = arith.constant 2 : i32
      %dma_wait3A_637 = arith.constant 5 : i32
      %dma_wait3A_638 = arith.constant 2 : i32
      %dma_wait3A_639 = arith.constant 0 : i32
      %dma_wait3A_640 = arith.constant 0 : i32
      %dma_wait3A_641 = tpu.memref_slice %arg9[%dma_wait3A_636, %dma_wait3A_639, %dma_wait3A_640] : memref<3x128x128xf32, #tpu.memory_space<vmem>> -> memref<1x128x128xf32, #tpu.memory_space<vmem>>
      %dma_wait3A_642 = tpu.memref_squeeze %dma_wait3A_641 : memref<1x128x128xf32, #tpu.memory_space<vmem>> -> memref<128x128xf32, #tpu.memory_space<vmem>>
      %dma_wait3A_643 = arith.constant 0 : i32
      %dma_wait3A_644 = tpu.memref_slice %arg8[%dma_wait3A_637, %dma_wait3A_643] : memref<6x128xi32, #tpu.memory_space<vmem>> -> memref<1x128xi32, #tpu.memory_space<vmem>>
      %dma_wait3A_645 = tpu.memref_squeeze %dma_wait3A_644 : memref<1x128xi32, #tpu.memory_space<vmem>> -> memref<128xi32, #tpu.memory_space<vmem>>
      %dma_wait3A_646 = arith.constant 0 : i32
      %dma_wait3A_647 = arith.constant 0 : i32
      %dma_wait3A_648 = tpu.memref_slice %arg10[%dma_wait3A_646, %dma_wait3A_647] : memref<10016x128xf32, #tpu.memory_space<vmem_shared>> -> memref<10016x128xf32, #tpu.memory_space<vmem_shared>>
      %dma_wait3A_649 = tpu.memref_slice %arg13[%dma_wait3A_638] : memref<3x!tpu.dma_semaphore, #tpu.memory_space<semaphore_mem>> -> memref<1x!tpu.dma_semaphore, #tpu.memory_space<semaphore_mem>>
      %dma_wait3A_650 = tpu.memref_squeeze %dma_wait3A_649 : memref<1x!tpu.dma_semaphore, #tpu.memory_space<semaphore_mem>> -> memref<!tpu.dma_semaphore, #tpu.memory_space<semaphore_mem>>
      tpu.wait_indirect_dma semaphore(%dma_wait3A_650 : memref<!tpu.dma_semaphore, #tpu.memory_space<semaphore_mem>>) src(%dma_wait3A_642 : memref<128x128xf32, #tpu.memory_space<vmem>>) dst(%dma_wait3A_648 : memref<10016x128xf32, #tpu.memory_space<vmem_shared>>)
      %add3A_651 = arith.constant 2 : i32
      %add3A_652 = arith.addi %add3A_407, %add3A_651 : i32
      %lt3A_653 = arith.cmpi slt, %add3A_652, %mul3A_12 : i32
      %convert_element_type3A_654 = arith.extui %lt3A_653 : i1 to i32
      %cond3A_655 = arith.constant 0 : i32
      %cond3A_656 = arith.cmpi ne, %convert_element_type3A_654, %cond3A_655 : i32
      scf.if %cond3A_656 {
        %add3A_657 = arith.constant 2 : i32
        %add3A_658 = arith.addi %add3A_407, %add3A_657 : i32
        %mul3A_659 = arith.constant 3 : i32
        %mul3A_660 = arith.muli %add3A_658, %mul3A_659 : i32
        %add3A_661 = arith.addi %mul3A_10, %mul3A_660 : i32
        %mul3A_662 = arith.constant 128 : i32
        %mul3A_663 = arith.muli %add3A_661, %mul3A_662 : i32
        %multiple_of3A_664 = tpu.assume_multiple %mul3A_663, 8 : i32
        %add3A_665 = arith.constant 0 : i32
        %add3A_666 = arith.addi %multiple_of3A_664, %add3A_665 : i32
        %multiple_of3A_667 = tpu.assume_multiple %add3A_666, 8 : i32
        %add3A_668 = arith.constant 128 : i32
        %add3A_669 = arith.addi %multiple_of3A_664, %add3A_668 : i32
        %multiple_of3A_670 = tpu.assume_multiple %add3A_669, 8 : i32
        %add3A_671 = arith.constant 256 : i32
        %add3A_672 = arith.addi %multiple_of3A_664, %add3A_671 : i32
        %multiple_of3A_673 = tpu.assume_multiple %add3A_672, 8 : i32
        %dma_start3A_674 = arith.constant 1 : i32
        %dma_start3A_675 = arith.constant 1 : i32
        %dma_start3A_676 = arith.constant 0 : i32
        %dma_start3A_677 = tpu.memref_slice %arg7[%dma_start3A_674, %dma_start3A_676] : memref<2x384xi32, #tpu.memory_space<vmem>> -> memref<1x384xi32, #tpu.memory_space<vmem>>
        %dma_start3A_678 = tpu.memref_squeeze %dma_start3A_677 : memref<1x384xi32, #tpu.memory_space<vmem>> -> memref<384xi32, #tpu.memory_space<vmem>>
        %dma_start3A_679 = tpu.memref_slice %arg3[%multiple_of3A_664] : memref<320256xi32, #tpu.memory_space<hbm>> -> memref<384xi32, #tpu.memory_space<hbm>>
        %dma_start3A_680 = tpu.memref_slice %arg11[%dma_start3A_675] : memref<2x!tpu.dma_semaphore, #tpu.memory_space<semaphore_mem>> -> memref<1x!tpu.dma_semaphore, #tpu.memory_space<semaphore_mem>>
        %dma_start3A_681 = tpu.memref_squeeze %dma_start3A_680 : memref<1x!tpu.dma_semaphore, #tpu.memory_space<semaphore_mem>> -> memref<!tpu.dma_semaphore, #tpu.memory_space<semaphore_mem>>
        %dma_start3A_682 = arith.constant 0 : i32
        %dma_start3A_683 = tpu.memref_slice %arg7[%dma_start3A_674, %dma_start3A_682] : memref<2x384xi32, #tpu.memory_space<vmem>> -> memref<1x384xi32, #tpu.memory_space<vmem>>
        %dma_start3A_684 = tpu.memref_squeeze %dma_start3A_683 : memref<1x384xi32, #tpu.memory_space<vmem>> -> memref<384xi32, #tpu.memory_space<vmem>>
        %dma_start3A_685 = tpu.memref_slice %arg3[%multiple_of3A_664] : memref<320256xi32, #tpu.memory_space<hbm>> -> memref<384xi32, #tpu.memory_space<hbm>>
        tpu.enqueue_dma source(%dma_start3A_685 : memref<384xi32, #tpu.memory_space<hbm>>) target(%dma_start3A_684 : memref<384xi32, #tpu.memory_space<vmem>>) target_semaphore(%dma_start3A_681 : memref<!tpu.dma_semaphore, #tpu.memory_space<semaphore_mem>>)
        %dma_start3A_686 = arith.constant 3 : i32
        %dma_start3A_687 = arith.constant 1 : i32
        %dma_start3A_688 = arith.constant 0 : i32
        %dma_start3A_689 = tpu.memref_slice %arg8[%dma_start3A_686, %dma_start3A_688] : memref<6x128xi32, #tpu.memory_space<vmem>> -> memref<1x128xi32, #tpu.memory_space<vmem>>
        %dma_start3A_690 = tpu.memref_squeeze %dma_start3A_689 : memref<1x128xi32, #tpu.memory_space<vmem>> -> memref<128xi32, #tpu.memory_space<vmem>>
        %dma_start3A_691 = tpu.memref_slice %arg4[%multiple_of3A_667] : memref<320256xi32, #tpu.memory_space<hbm>> -> memref<128xi32, #tpu.memory_space<hbm>>
        %dma_start3A_692 = tpu.memref_slice %arg11[%dma_start3A_687] : memref<2x!tpu.dma_semaphore, #tpu.memory_space<semaphore_mem>> -> memref<1x!tpu.dma_semaphore, #tpu.memory_space<semaphore_mem>>
        %dma_start3A_693 = tpu.memref_squeeze %dma_start3A_692 : memref<1x!tpu.dma_semaphore, #tpu.memory_space<semaphore_mem>> -> memref<!tpu.dma_semaphore, #tpu.memory_space<semaphore_mem>>
        %dma_start3A_694 = arith.constant 0 : i32
        %dma_start3A_695 = tpu.memref_slice %arg8[%dma_start3A_686, %dma_start3A_694] : memref<6x128xi32, #tpu.memory_space<vmem>> -> memref<1x128xi32, #tpu.memory_space<vmem>>
        %dma_start3A_696 = tpu.memref_squeeze %dma_start3A_695 : memref<1x128xi32, #tpu.memory_space<vmem>> -> memref<128xi32, #tpu.memory_space<vmem>>
        %dma_start3A_697 = tpu.memref_slice %arg4[%multiple_of3A_667] : memref<320256xi32, #tpu.memory_space<hbm>> -> memref<128xi32, #tpu.memory_space<hbm>>
        tpu.enqueue_dma source(%dma_start3A_697 : memref<128xi32, #tpu.memory_space<hbm>>) target(%dma_start3A_696 : memref<128xi32, #tpu.memory_space<vmem>>) target_semaphore(%dma_start3A_693 : memref<!tpu.dma_semaphore, #tpu.memory_space<semaphore_mem>>)
        %dma_start3A_698 = arith.constant 4 : i32
        %dma_start3A_699 = arith.constant 1 : i32
        %dma_start3A_700 = arith.constant 0 : i32
        %dma_start3A_701 = tpu.memref_slice %arg8[%dma_start3A_698, %dma_start3A_700] : memref<6x128xi32, #tpu.memory_space<vmem>> -> memref<1x128xi32, #tpu.memory_space<vmem>>
        %dma_start3A_702 = tpu.memref_squeeze %dma_start3A_701 : memref<1x128xi32, #tpu.memory_space<vmem>> -> memref<128xi32, #tpu.memory_space<vmem>>
        %dma_start3A_703 = tpu.memref_slice %arg4[%multiple_of3A_670] : memref<320256xi32, #tpu.memory_space<hbm>> -> memref<128xi32, #tpu.memory_space<hbm>>
        %dma_start3A_704 = tpu.memref_slice %arg11[%dma_start3A_699] : memref<2x!tpu.dma_semaphore, #tpu.memory_space<semaphore_mem>> -> memref<1x!tpu.dma_semaphore, #tpu.memory_space<semaphore_mem>>
        %dma_start3A_705 = tpu.memref_squeeze %dma_start3A_704 : memref<1x!tpu.dma_semaphore, #tpu.memory_space<semaphore_mem>> -> memref<!tpu.dma_semaphore, #tpu.memory_space<semaphore_mem>>
        %dma_start3A_706 = arith.constant 0 : i32
        %dma_start3A_707 = tpu.memref_slice %arg8[%dma_start3A_698, %dma_start3A_706] : memref<6x128xi32, #tpu.memory_space<vmem>> -> memref<1x128xi32, #tpu.memory_space<vmem>>
        %dma_start3A_708 = tpu.memref_squeeze %dma_start3A_707 : memref<1x128xi32, #tpu.memory_space<vmem>> -> memref<128xi32, #tpu.memory_space<vmem>>
        %dma_start3A_709 = tpu.memref_slice %arg4[%multiple_of3A_670] : memref<320256xi32, #tpu.memory_space<hbm>> -> memref<128xi32, #tpu.memory_space<hbm>>
        tpu.enqueue_dma source(%dma_start3A_709 : memref<128xi32, #tpu.memory_space<hbm>>) target(%dma_start3A_708 : memref<128xi32, #tpu.memory_space<vmem>>) target_semaphore(%dma_start3A_705 : memref<!tpu.dma_semaphore, #tpu.memory_space<semaphore_mem>>)
        %dma_start3A_710 = arith.constant 5 : i32
        %dma_start3A_711 = arith.constant 1 : i32
        %dma_start3A_712 = arith.constant 0 : i32
        %dma_start3A_713 = tpu.memref_slice %arg8[%dma_start3A_710, %dma_start3A_712] : memref<6x128xi32, #tpu.memory_space<vmem>> -> memref<1x128xi32, #tpu.memory_space<vmem>>
        %dma_start3A_714 = tpu.memref_squeeze %dma_start3A_713 : memref<1x128xi32, #tpu.memory_space<vmem>> -> memref<128xi32, #tpu.memory_space<vmem>>
        %dma_start3A_715 = tpu.memref_slice %arg4[%multiple_of3A_673] : memref<320256xi32, #tpu.memory_space<hbm>> -> memref<128xi32, #tpu.memory_space<hbm>>
        %dma_start3A_716 = tpu.memref_slice %arg11[%dma_start3A_711] : memref<2x!tpu.dma_semaphore, #tpu.memory_space<semaphore_mem>> -> memref<1x!tpu.dma_semaphore, #tpu.memory_space<semaphore_mem>>
        %dma_start3A_717 = tpu.memref_squeeze %dma_start3A_716 : memref<1x!tpu.dma_semaphore, #tpu.memory_space<semaphore_mem>> -> memref<!tpu.dma_semaphore, #tpu.memory_space<semaphore_mem>>
        %dma_start3A_718 = arith.constant 0 : i32
        %dma_start3A_719 = tpu.memref_slice %arg8[%dma_start3A_710, %dma_start3A_718] : memref<6x128xi32, #tpu.memory_space<vmem>> -> memref<1x128xi32, #tpu.memory_space<vmem>>
        %dma_start3A_720 = tpu.memref_squeeze %dma_start3A_719 : memref<1x128xi32, #tpu.memory_space<vmem>> -> memref<128xi32, #tpu.memory_space<vmem>>
        %dma_start3A_721 = tpu.memref_slice %arg4[%multiple_of3A_673] : memref<320256xi32, #tpu.memory_space<hbm>> -> memref<128xi32, #tpu.memory_space<hbm>>
        tpu.enqueue_dma source(%dma_start3A_721 : memref<128xi32, #tpu.memory_space<hbm>>) target(%dma_start3A_720 : memref<128xi32, #tpu.memory_space<vmem>>) target_semaphore(%dma_start3A_717 : memref<!tpu.dma_semaphore, #tpu.memory_space<semaphore_mem>>)
      } else {
      }
    }
    %barrier3A_147 = arith.constant 0 : index
    tpu.barrier barrier_id(%barrier3A_147)
    %lt3A_148 = arith.constant 10 : i32
    %lt3A_149 = arith.cmpi slt, %arg1, %lt3A_148 : i32
    %convert_element_type3A_150 = arith.extui %lt3A_149 : i1 to i32
    %cond3A_151 = arith.constant 0 : i32
    %cond3A_152 = arith.cmpi ne, %convert_element_type3A_150, %cond3A_151 : i32
    scf.if %cond3A_152 {
      %mul3A_153 = arith.constant 1000 : i32
      %mul3A_154 = arith.muli %arg1, %mul3A_153 : i32
      %multiple_of3A_155 = tpu.assume_multiple %mul3A_154, 8 : i32
      "tpu.region"() ({
        %run_scoped3A = tpu.sem_alloc : memref<!tpu.dma_semaphore, #tpu.memory_space<semaphore_mem>>
        %dma_start3A_156 = arith.constant 0 : i32
        %dma_start3A_157 = tpu.memref_slice %arg6[%arg0, %multiple_of3A_155, %dma_start3A_156] : memref<2x10000x128xf32, #tpu.memory_space<hbm>> -> memref<1x1000x128xf32, #tpu.memory_space<hbm>>
        %dma_start3A_158 = tpu.memref_squeeze %dma_start3A_157 : memref<1x1000x128xf32, #tpu.memory_space<hbm>> -> memref<1000x128xf32, #tpu.memory_space<hbm>>
        %dma_start3A_159 = arith.constant 0 : i32
        %dma_start3A_160 = tpu.memref_slice %arg10[%multiple_of3A_155, %dma_start3A_159] : memref<10016x128xf32, #tpu.memory_space<vmem_shared>> -> memref<1000x128xf32, #tpu.memory_space<vmem_shared>>
        tpu.enqueue_dma source(%dma_start3A_160 : memref<1000x128xf32, #tpu.memory_space<vmem_shared>>) target(%dma_start3A_158 : memref<1000x128xf32, #tpu.memory_space<hbm>>) target_semaphore(%run_scoped3A : memref<!tpu.dma_semaphore, #tpu.memory_space<semaphore_mem>>)
        %dma_wait3A = arith.constant 0 : i32
        %dma_wait3A_161 = tpu.memref_slice %arg6[%arg0, %multiple_of3A_155, %dma_wait3A] : memref<2x10000x128xf32, #tpu.memory_space<hbm>> -> memref<1x1000x128xf32, #tpu.memory_space<hbm>>
        %dma_wait3A_162 = tpu.memref_squeeze %dma_wait3A_161 : memref<1x1000x128xf32, #tpu.memory_space<hbm>> -> memref<1000x128xf32, #tpu.memory_space<hbm>>
        %dma_wait3A_163 = arith.constant 0 : i32
        %dma_wait3A_164 = tpu.memref_slice %arg10[%multiple_of3A_155, %dma_wait3A_163] : memref<10016x128xf32, #tpu.memory_space<vmem_shared>> -> memref<1000x128xf32, #tpu.memory_space<vmem_shared>>
        tpu.wait_dma2 semaphore(%run_scoped3A : memref<!tpu.dma_semaphore, #tpu.memory_space<semaphore_mem>>) src(%dma_wait3A_164 : memref<1000x128xf32, #tpu.memory_space<vmem_shared>>) dst(%dma_wait3A_162 : memref<1000x128xf32, #tpu.memory_space<hbm>>)
        tpu.yield
      }) : () -> ()
    } else {
    }
    return
  }
}

module attributes {stable_mosaic.version = 14 : i64} {
  func.func @_tc1_body(%arg0: i32, %arg1: memref<1000x128xf32, #tpu.memory_space<vmem>>, %arg2: memref<1000x1xf32, #tpu.memory_space<vmem>>, %arg3: memref<128x128xf32, #tpu.memory_space<vmem>>, %arg4: memref<1000x128xf32, #tpu.memory_space<vmem>>) attributes {dimension_semantics = [#tpu.dimension_semantics<arbitrary>], iteration_bounds = array<i64: 10>, scalar_prefetch = 0 : i64, scratch_operands = 0 : i64, tpu.core_type = #tpu.core_type<tc>, window_params = [{transform_indices = @transform_0, window_bounds = array<i64: 1000, 128>}, {transform_indices = @transform_1, window_bounds = array<i64: 1000, 1>}, {pipeline_mode = #tpu.pipeline_mode<synchronous>, transform_indices = @transform_2, window_bounds = array<i64: 128, 128>}, {transform_indices = @transform_3, window_bounds = array<i64: 1000, 128>}]} {
    %get3A = arith.constant 0 : index
    %get3A_0 = arith.constant 0 : index
    %get3A_1 = vector.load %arg2[%get3A, %get3A_0] : memref<1000x1xf32, #tpu.memory_space<vmem>>, vector<1000x1xf32>
    %max3A = arith.constant 1.000000e+00 : f32
    %max3A_2 = vector.broadcast %max3A : f32 to vector<1000x1xf32>
    %max3A_3 = arith.maximumf %get3A_1, %max3A_2 : vector<1000x1xf32>
    %rsqrt3A = math.rsqrt %max3A_3 : vector<1000x1xf32>
    %get3A_4 = arith.constant 0 : index
    %get3A_5 = arith.constant 0 : index
    %get3A_6 = vector.load %arg1[%get3A_4, %get3A_5] : memref<1000x128xf32, #tpu.memory_space<vmem>>, vector<1000x128xf32>
    %mul3A = vector.broadcast %rsqrt3A : vector<1000x1xf32> to vector<1000x128xf32>
    %mul3A_7 = arith.mulf %get3A_6, %mul3A : vector<1000x128xf32>
    %get3A_8 = arith.constant 0 : index
    %get3A_9 = arith.constant 0 : index
    %get3A_10 = vector.load %arg3[%get3A_8, %get3A_9] : memref<128x128xf32, #tpu.memory_space<vmem>>, vector<128x128xf32>
    %dot_general3A = arith.constant dense<0.000000e+00> : vector<1000x128xf32>
    %dot_general3A_11 = tpu.matmul %mul3A_7, %get3A_10, %dot_general3A {dimension_numbers = #tpu.dot_dimension_numbers<[1], [0], [0], [1], [0, 0, 1, 1], [], []>, transpose_lhs_hint = false} : vector<1000x128xf32>, vector<128x128xf32>, vector<1000x128xf32> -> vector<1000x128xf32>
    %swap3A = arith.constant 0 : index
    %swap3A_12 = arith.constant 0 : index
    %swap3A_13 = vector.load %arg4[%swap3A, %swap3A_12] : memref<1000x128xf32, #tpu.memory_space<vmem>>, vector<1000x128xf32>
    tpu.vector_store %arg4[%swap3A, %swap3A_12], %dot_general3A_11 {strides = array<i32>} : memref<1000x128xf32, #tpu.memory_space<vmem>>, vector<1000x128xf32>,
    return
  }
  func.func @transform_0(%arg0: i32) -> (i32, i32) {
    %c0_i32 = arith.constant 0 : i32
    %c0_i32_0 = arith.constant 0 : i32
    return %arg0, %c0_i32 : i32, i32
  }
  func.func @transform_1(%arg0: i32) -> (i32, i32) {
    %c0_i32 = arith.constant 0 : i32
    %c0_i32_0 = arith.constant 0 : i32
    return %arg0, %c0_i32 : i32, i32
  }
  func.func @transform_2(%arg0: i32) -> (i32, i32) {
    %c0_i32 = arith.constant 0 : i32
    %c0_i32_0 = arith.constant 0 : i32
    %c0_i32_1 = arith.constant 0 : i32
    return %c0_i32, %c0_i32_0 : i32, i32
  }
  func.func @transform_3(%arg0: i32) -> (i32, i32) {
    %c0_i32 = arith.constant 0 : i32
    %c0_i32_0 = arith.constant 0 : i32
    return %arg0, %c0_i32 : i32, i32
  }
}

module attributes {stable_mosaic.version = 14 : i64} {
  func.func @_tc2_body(%arg0: i32, %arg1: memref<1000x128xf32, #tpu.memory_space<vmem>>, %arg2: memref<1000x128xf32, #tpu.memory_space<vmem>>, %arg3: memref<1000x1xf32, #tpu.memory_space<vmem>>, %arg4: memref<1000x1xf32, #tpu.memory_space<vmem>>, %arg5: memref<1x128xf32, #tpu.memory_space<vmem>>, %arg6: memref<128x128xf32, #tpu.memory_space<vmem>>, %arg7: memref<1000x128xf32, #tpu.memory_space<vmem>>) attributes {dimension_semantics = [#tpu.dimension_semantics<arbitrary>], iteration_bounds = array<i64: 10>, scalar_prefetch = 0 : i64, scratch_operands = 0 : i64, tpu.core_type = #tpu.core_type<tc>, window_params = [{transform_indices = @transform_0, window_bounds = array<i64: 1000, 128>}, {transform_indices = @transform_1, window_bounds = array<i64: 1000, 128>}, {transform_indices = @transform_2, window_bounds = array<i64: 1000, 1>}, {transform_indices = @transform_3, window_bounds = array<i64: 1000, 1>}, {pipeline_mode = #tpu.pipeline_mode<synchronous>, transform_indices = @transform_4, window_bounds = array<i64: 1, 128>}, {pipeline_mode = #tpu.pipeline_mode<synchronous>, transform_indices = @transform_5, window_bounds = array<i64: 128, 128>}, {transform_indices = @transform_6, window_bounds = array<i64: 1000, 128>}]} {
    %get3A = arith.constant 0 : index
    %get3A_0 = arith.constant 0 : index
    %get3A_1 = vector.load %arg1[%get3A, %get3A_0] : memref<1000x128xf32, #tpu.memory_space<vmem>>, vector<1000x128xf32>
    %get3A_2 = arith.constant 0 : index
    %get3A_3 = arith.constant 0 : index
    %get3A_4 = vector.load %arg2[%get3A_2, %get3A_3] : memref<1000x128xf32, #tpu.memory_space<vmem>>, vector<1000x128xf32>
    %add3A = arith.addf %get3A_1, %get3A_4 : vector<1000x128xf32>
    %get3A_5 = arith.constant 0 : index
    %get3A_6 = arith.constant 0 : index
    %get3A_7 = vector.load %arg3[%get3A_5, %get3A_6] : memref<1000x1xf32, #tpu.memory_space<vmem>>, vector<1000x1xf32>
    %max3A = arith.constant 1.000000e+00 : f32
    %max3A_8 = vector.broadcast %max3A : f32 to vector<1000x1xf32>
    %max3A_9 = arith.maximumf %get3A_7, %max3A_8 : vector<1000x1xf32>
    %rsqrt3A = math.rsqrt %max3A_9 : vector<1000x1xf32>
    %mul3A = vector.broadcast %rsqrt3A : vector<1000x1xf32> to vector<1000x128xf32>
    %mul3A_10 = arith.mulf %add3A, %mul3A : vector<1000x128xf32>
    %get3A_11 = arith.constant 0 : index
    %get3A_12 = arith.constant 0 : index
    %get3A_13 = vector.load %arg5[%get3A_11, %get3A_12] : memref<1x128xf32, #tpu.memory_space<vmem>>, vector<1x128xf32>
    %add3A_14 = vector.broadcast %get3A_13 : vector<1x128xf32> to vector<1000x128xf32>
    %add3A_15 = arith.addf %mul3A_10, %add3A_14 : vector<1000x128xf32>
    %max3A_16 = arith.constant 0.000000e+00 : f32
    %max3A_17 = vector.broadcast %max3A_16 : f32 to vector<1000x128xf32>
    %max3A_18 = arith.maximumf %add3A_15, %max3A_17 : vector<1000x128xf32>
    %get3A_19 = arith.constant 0 : index
    %get3A_20 = arith.constant 0 : index
    %get3A_21 = vector.load %arg4[%get3A_19, %get3A_20] : memref<1000x1xf32, #tpu.memory_space<vmem>>, vector<1000x1xf32>
    %max3A_22 = arith.constant 1.000000e+00 : f32
    %max3A_23 = vector.broadcast %max3A_22 : f32 to vector<1000x1xf32>
    %max3A_24 = arith.maximumf %get3A_21, %max3A_23 : vector<1000x1xf32>
    %rsqrt3A_25 = math.rsqrt %max3A_24 : vector<1000x1xf32>
    %mul3A_26 = vector.broadcast %rsqrt3A_25 : vector<1000x1xf32> to vector<1000x128xf32>
    %mul3A_27 = arith.mulf %max3A_18, %mul3A_26 : vector<1000x128xf32>
    %get3A_28 = arith.constant 0 : index
    %get3A_29 = arith.constant 0 : index
    %get3A_30 = vector.load %arg6[%get3A_28, %get3A_29] : memref<128x128xf32, #tpu.memory_space<vmem>>, vector<128x128xf32>
    %dot_general3A = arith.constant dense<0.000000e+00> : vector<1000x128xf32>
    %dot_general3A_31 = tpu.matmul %mul3A_27, %get3A_30, %dot_general3A {dimension_numbers = #tpu.dot_dimension_numbers<[1], [0], [0], [1], [0, 0, 1, 1], [], []>, transpose_lhs_hint = false} : vector<1000x128xf32>, vector<128x128xf32>, vector<1000x128xf32> -> vector<1000x128xf32>
    %swap3A = arith.constant 0 : index
    %swap3A_32 = arith.constant 0 : index
    %swap3A_33 = vector.load %arg7[%swap3A, %swap3A_32] : memref<1000x128xf32, #tpu.memory_space<vmem>>, vector<1000x128xf32>
    tpu.vector_store %arg7[%swap3A, %swap3A_32], %dot_general3A_31 {strides = array<i32>} : memref<1000x128xf32, #tpu.memory_space<vmem>>, vector<1000x128xf32>,
    return
  }
  func.func @transform_0(%arg0: i32) -> (i32, i32) {
    %c0_i32 = arith.constant 0 : i32
    %c0_i32_0 = arith.constant 0 : i32
    return %arg0, %c0_i32 : i32, i32
  }
  func.func @transform_1(%arg0: i32) -> (i32, i32) {
    %c0_i32 = arith.constant 0 : i32
    %c0_i32_0 = arith.constant 0 : i32
    return %arg0, %c0_i32 : i32, i32
  }
  func.func @transform_2(%arg0: i32) -> (i32, i32) {
    %c0_i32 = arith.constant 0 : i32
    %c0_i32_0 = arith.constant 0 : i32
    return %arg0, %c0_i32 : i32, i32
  }
  func.func @transform_3(%arg0: i32) -> (i32, i32) {
    %c0_i32 = arith.constant 0 : i32
    %c0_i32_0 = arith.constant 0 : i32
    return %arg0, %c0_i32 : i32, i32
  }
  func.func @transform_4(%arg0: i32) -> (i32, i32) {
    %c0_i32 = arith.constant 0 : i32
    %c0_i32_0 = arith.constant 0 : i32
    %c0_i32_1 = arith.constant 0 : i32
    return %c0_i32, %c0_i32_0 : i32, i32
  }
  func.func @transform_5(%arg0: i32) -> (i32, i32) {
    %c0_i32 = arith.constant 0 : i32
    %c0_i32_0 = arith.constant 0 : i32
    %c0_i32_1 = arith.constant 0 : i32
    return %c0_i32, %c0_i32_0 : i32, i32
  }
  func.func @transform_6(%arg0: i32) -> (i32, i32) {
    %c0_i32 = arith.constant 0 : i32
    %c0_i32_0 = arith.constant 0 : i32
    return %arg0, %c0_i32 : i32, i32
  }
}

module attributes {stable_mosaic.version = 14 : i64} {
  func.func @_tc3_body(%arg0: i32, %arg1: memref<1000x128xf32, #tpu.memory_space<vmem>>, %arg2: memref<1000x128xf32, #tpu.memory_space<vmem>>, %arg3: memref<1000x1xf32, #tpu.memory_space<vmem>>, %arg4: memref<1x128xf32, #tpu.memory_space<vmem>>, %arg5: memref<1000x128xf32, #tpu.memory_space<vmem>>) attributes {dimension_semantics = [#tpu.dimension_semantics<arbitrary>], iteration_bounds = array<i64: 10>, scalar_prefetch = 0 : i64, scratch_operands = 0 : i64, tpu.core_type = #tpu.core_type<tc>, window_params = [{transform_indices = @transform_0, window_bounds = array<i64: 1000, 128>}, {transform_indices = @transform_1, window_bounds = array<i64: 1000, 128>}, {transform_indices = @transform_2, window_bounds = array<i64: 1000, 1>}, {pipeline_mode = #tpu.pipeline_mode<synchronous>, transform_indices = @transform_3, window_bounds = array<i64: 1, 128>}, {transform_indices = @transform_4, window_bounds = array<i64: 1000, 128>}]} {
    %get3A = arith.constant 0 : index
    %get3A_0 = arith.constant 0 : index
    %get3A_1 = vector.load %arg1[%get3A, %get3A_0] : memref<1000x128xf32, #tpu.memory_space<vmem>>, vector<1000x128xf32>
    %get3A_2 = arith.constant 0 : index
    %get3A_3 = arith.constant 0 : index
    %get3A_4 = vector.load %arg2[%get3A_2, %get3A_3] : memref<1000x128xf32, #tpu.memory_space<vmem>>, vector<1000x128xf32>
    %add3A = arith.addf %get3A_1, %get3A_4 : vector<1000x128xf32>
    %get3A_5 = arith.constant 0 : index
    %get3A_6 = arith.constant 0 : index
    %get3A_7 = vector.load %arg3[%get3A_5, %get3A_6] : memref<1000x1xf32, #tpu.memory_space<vmem>>, vector<1000x1xf32>
    %max3A = arith.constant 1.000000e+00 : f32
    %max3A_8 = vector.broadcast %max3A : f32 to vector<1000x1xf32>
    %max3A_9 = arith.maximumf %get3A_7, %max3A_8 : vector<1000x1xf32>
    %rsqrt3A = math.rsqrt %max3A_9 : vector<1000x1xf32>
    %mul3A = vector.broadcast %rsqrt3A : vector<1000x1xf32> to vector<1000x128xf32>
    %mul3A_10 = arith.mulf %add3A, %mul3A : vector<1000x128xf32>
    %get3A_11 = arith.constant 0 : index
    %get3A_12 = arith.constant 0 : index
    %get3A_13 = vector.load %arg4[%get3A_11, %get3A_12] : memref<1x128xf32, #tpu.memory_space<vmem>>, vector<1x128xf32>
    %add3A_14 = vector.broadcast %get3A_13 : vector<1x128xf32> to vector<1000x128xf32>
    %add3A_15 = arith.addf %mul3A_10, %add3A_14 : vector<1000x128xf32>
    %swap3A = arith.constant 0 : index
    %swap3A_16 = arith.constant 0 : index
    %swap3A_17 = vector.load %arg5[%swap3A, %swap3A_16] : memref<1000x128xf32, #tpu.memory_space<vmem>>, vector<1000x128xf32>
    tpu.vector_store %arg5[%swap3A, %swap3A_16], %add3A_15 {strides = array<i32>} : memref<1000x128xf32, #tpu.memory_space<vmem>>, vector<1000x128xf32>,
    return
  }
  func.func @transform_0(%arg0: i32) -> (i32, i32) {
    %c0_i32 = arith.constant 0 : i32
    %c0_i32_0 = arith.constant 0 : i32
    return %arg0, %c0_i32 : i32, i32
  }
  func.func @transform_1(%arg0: i32) -> (i32, i32) {
    %c0_i32 = arith.constant 0 : i32
    %c0_i32_0 = arith.constant 0 : i32
    return %arg0, %c0_i32 : i32, i32
  }
  func.func @transform_2(%arg0: i32) -> (i32, i32) {
    %c0_i32 = arith.constant 0 : i32
    %c0_i32_0 = arith.constant 0 : i32
    return %arg0, %c0_i32 : i32, i32
  }
  func.func @transform_3(%arg0: i32) -> (i32, i32) {
    %c0_i32 = arith.constant 0 : i32
    %c0_i32_0 = arith.constant 0 : i32
    %c0_i32_1 = arith.constant 0 : i32
    return %c0_i32, %c0_i32_0 : i32, i32
  }
  func.func @transform_4(%arg0: i32) -> (i32, i32) {
    %c0_i32 = arith.constant 0 : i32
    %c0_i32_0 = arith.constant 0 : i32
    return %arg0, %c0_i32 : i32, i32
  }
}

</mosaic_0001>

<sc_bundles>
// kernel: kernel.11.cloned.1.call-start
scs
__scs_entry_jumppad:
0x0: {  	(pc) =	sbr.rel $0x88, $3  }
0x1: {  	(tag) =	ssettag $0x0;
	lr =	simm.s32 $0x1  }
0x2: {  	[smem:$0x3F9B] =	sst lr;
	_ =	strace $0xD0000000  }
0x3: {  	_ = 	snop  }
0x4: {  	_ = 	snop  }
0x5: {  	_ = 	snop  }
0x6: {  	_ = 	snop  }
0x7: {  	_ = 	snop  }
__scs_overlays_trampoline_lowered:
0x8: {  	[smem:$0x3FAA] =	sst s0  }
0x9: {  	[smem:$0x3FAB] =	sst s1  }
0xa: {  	[smem:$0x3FAC] =	sst s2  }
0xb: {  	[smem:$0x3FAD] =	sst s3  }
0xc: {  	[smem:$0x3FAE] =	sst s4  }
0xd: {  	[smem:$0x3FAF] =	sst s5  }
0xe: {  	[smem:$0x3FB0] =	sst s6  }
0xf: {  	[smem:$0x3FB1] =	sst s7  }
0x10: {  	[smem:$0x3FB2] =	sst s8  }
0x11: {  	[smem:$0x3FB3] =	sst s9;
	s0 =	simm.s32 @!p0 $0x0  }
0x12: {  	s1 =	sld [smem:$0x3F99];
	s0 =	simm.s32 @p0 $0x1  }
0x13: {  	[smem:$0x3FB4] =	sst s0;
	s0 =	simm.s32 @!p1 $0x0  }
0x14: {  	s2 =	sld [smem:$0x3F98];
	s0 =	simm.s32 @p1 $0x1  }
0x15: {  	[smem:$0x3FB5] =	sst s0;
	s0 =	simm.s32 @!p2 $0x0  }
0x16: {  	s3 =	sld [smem:$0x3FDB];
	s0 =	simm.s32 @p2 $0x1  }
0x17: {  	s4 =	simm.s32 $0x1BF5;
	[smem:$0x3FB7] =	sst s0  }
0x18: {  	s0 =	sld [smem:$0x3F9A];
	_ =	swait.ge [sflag:s4], $0x0  }
0x19: {  	s7 =	sld [smem:$0x3F9B]  }
0x1a: {  	s8 =	sadd.s32 $0xFFFFE003, lr  }
0x1b: {  	s9 =	sadd.s32 $0xFFFFFEF7, lr;
	s5 =	simm.s32 $0xFFFFFFFF;
	p2 =	slt.u32 s8, $0xFFFFF086  }
0x1c: {  	p1 =	slt.u32 s9, $0xF7A;
	s5 =	simm.s32 @!p2 $0x0  }
0x1d: {  	s5 =	simm.s32 @p1 $0x1;
	p0 =	seq.s32 s7, s2  }
0x1e: {  	s7 =	smul.u32 @!p0 $0xF7A, s2;
	p2 =	seq.s32 @!p0 s5, $0x0  }
0x1f: {  	s9 =	smul.u32 $0xF7A, s1;
	s8 =	simm.s32 @!p0 $0x1BF5;
	p2 =	por !p2, p0  }
0x20: {  	[sflag:s8] =	ssyncset.s32 @!p0 $0xFFFFF086;
	s6 =	sadd.s32 @!p0 s3, s7;
	s7 =	simm.s32 @!p0 $0x108  }
0x21: {  	s3 =	sadd.s32 s3, s9;
	s6 =	sadd.s32 @!p0 $0x88, s6;
	s7 =	simm.s32 @p2 $0x1082  }
0x22: {  	[simem:s7], [sflag:s8] =	dma.local @!p0 [hbm:s6], $0xF7A  }
0x23: {  	s9 =	sor.u32 $0xD0000000, s2;
	s6 =	simm.s32 $0x108;
	_ =	swait.ge @!p0 [sflag:s8], $0x0  }
0x24: {  	s3 =	sadd.s32 $0x88, s3;
	s6 =	simm.s32 @!p1 $0x1082;
	[sflag:s4] =	ssyncset.s32 $0xFFFFF086  }
0x25: {  	[simem:s6], [sflag:s4] =	dma.local [hbm:s3], $0xF7A  }
0x26: {  	[smem:$0x3F9B] =	sst s1;
	(tag) =	ssettag s2;
	_ =	strace s9  }
0x27: {  	s1 =	sld [smem:$0x3FAB]  }
0x28: {  	s2 =	sld [smem:$0x3FAC]  }
0x29: {  	s4 =	sld [smem:$0x3FAE]  }
0x2a: {  	p0 =	seq.s32 s5, $0x0;
	s5 =	sld [smem:$0x3FAF]  }
0x2b: {  	s6 =	sld [smem:$0x3FB0]  }
0x2c: {  	s7 =	sld [smem:$0x3FB1]  }
0x2d: {  	s3 =	simm.s32 $0x108;
	s8 =	sld [smem:$0x3FB2]  }
0x2e: {  	s3 =	simm.s32 @!p0 $0x1082;
	s9 =	sld [smem:$0x3FB3]  }
0x2f: {  	lr =	sadd.s32 s0, s3;
	s0 =	sld [smem:$0x3FAA]  }
0x30: {  	s3 =	sld [smem:$0x3FAD]  }
0x31: {  	[smem:$0x3FB6] =	sst s10  }
0x32: {  	s10 =	sld [smem:$0x3FB4];
	_ =	sdelay $0x3  }
0x33: {  	p0 =	seq.s32 s10, $0x1;
	s10 =	sld [smem:$0x3FB6];
	_ =	sdelay $0x3  }
0x34: {  	[smem:$0x3FB6] =	sst s10  }
0x35: {  	s10 =	sld [smem:$0x3FB5];
	_ =	sdelay $0x3  }
0x36: {  	p1 =	seq.s32 s10, $0x1;
	s10 =	sld [smem:$0x3FB6];
	_ =	sdelay $0x3  }
0x37: {  	[smem:$0x3FB6] =	sst s10  }
0x38: {  	s10 =	sld [smem:$0x3FB7]  }
0x39: {  	_ = 	snop;
	(pc) =	sbr.ind lr, $3  }
0x3a: {  	_ = 	snop  }
0x3b: {  	_ = 	snop  }
0x3c: {  	p2 =	seq.s32 s10, $0x1;
	s10 =	sld [smem:$0x3FB6]  }
0x3d: {  	_ =	shalt  }
0x3e: {  	_ =	shalt  }
0x3f: {  	_ =	shalt  }
0x40: {  	_ =	shalt  }
0x41: {  	_ =	shalt  }
0x42: {  	_ =	shalt  }
0x43: {  	_ =	shalt  }
0x44: {  	_ =	shalt  }
0x45: {  	_ =	shalt  }
0x46: {  	_ =	shalt  }
0x47: {  	_ =	shalt  }
0x48: {  	_ =	shalt  }
0x49: {  	_ =	shalt  }
0x4a: {  	_ =	shalt  }
0x4b: {  	_ =	shalt  }
0x4c: {  	_ =	shalt  }
0x4d: {  	_ =	shalt  }
0x4e: {  	_ =	shalt  }
0x4f: {  	_ =	shalt  }
0x50: {  	_ =	shalt  }
0x51: {  	_ =	shalt  }
0x52: {  	_ =	shalt  }
0x53: {  	_ =	shalt  }
0x54: {  	_ =	shalt  }
0x55: {  	_ =	shalt  }
0x56: {  	_ =	shalt  }
0x57: {  	_ =	shalt  }
0x58: {  	_ =	shalt  }
0x59: {  	_ =	shalt  }
0x5a: {  	_ =	shalt  }
0x5b: {  	_ =	shalt  }
0x5c: {  	_ =	shalt  }
0x5d: {  	_ =	shalt  }
0x5e: {  	_ =	shalt  }
0x5f: {  	_ =	shalt  }
0x60: {  	_ =	shalt  }
0x61: {  	_ =	shalt  }
0x62: {  	_ =	shalt  }
0x63: {  	_ =	shalt  }
0x64: {  	_ =	shalt  }
0x65: {  	_ =	shalt  }
0x66: {  	_ =	shalt  }
0x67: {  	_ =	shalt  }
0x68: {  	_ =	shalt  }
0x69: {  	_ =	shalt  }
0x6a: {  	_ =	shalt  }
0x6b: {  	_ =	shalt  }
0x6c: {  	_ =	shalt  }
0x6d: {  	_ =	shalt  }
0x6e: {  	_ =	shalt  }
0x6f: {  	_ =	shalt  }
0x70: {  	_ =	shalt  }
0x71: {  	_ =	shalt  }
0x72: {  	_ =	shalt  }
0x73: {  	_ =	shalt  }
0x74: {  	_ =	shalt  }
0x75: {  	_ =	shalt  }
0x76: {  	_ =	shalt  }
0x77: {  	_ =	shalt  }
0x78: {  	_ =	shalt  }
0x79: {  	_ =	shalt  }
0x7a: {  	_ =	shalt  }
0x7b: {  	_ =	shalt  }
0x7c: {  	_ =	shalt  }
0x7d: {  	_ =	shalt  }
0x7e: {  	_ =	shalt  }
0x7f: {  	_ =	shalt  }
0x80: {  	_ =	shalt  }
0x81: {  	_ =	shalt  }
0x82: {  	_ =	shalt  }
0x83: {  	_ =	shalt  }
0x84: {  	_ =	shalt  }
0x85: {  	_ =	shalt  }
0x86: {  	_ =	shalt  }
0x87: {  	_ =	shalt  }
.Lfunc_end0:
.L_simem_size_0:
called_computation.1_lowered:
.L_overlay_start_0:
0x88: {  	s2 =	sld [smem:$0x3FD9]  }
0x89: {  	s3 =	sld [smem:$0x3FFE];
	_ =	sdelay $0x1  }
0x8a: {  	s1 =	srdreg.scid  }
0x8b: {  	s0 =	sand.u32 $0x1, s1  }
0x8c: {  	s17 =	sshll.u32 s0, $0xA;
	s2 =	sadd.s32 s3, s2  }
0x8d: {  	s2 =	sadd.s32 s2, s17  }
0x8e: {  	[smem:$0x3FC2] =	sst s2  }
0x8f: {  	_ = 	snop  }
0x90: {  	s2 =	sld [smem:$0x3FD0];
	(tm) =	ssettm $0x1  }
0x91: {  	s18 =	sld [smem:$0x3FFB];
	_ =	sdelay $0x3  }
0x92: {  	_ =	strace s18  }
0x93: {  	s3 =	sld [smem:$0x3FFC];
	_ =	sdelay $0x3  }
0x94: {  	_ =	strace s3  }
0x95: {  	s3 =	sld [smem:$0x3FFD];
	_ =	sdelay $0x3  }
0x96: {  	_ =	strace s3  }
0x97: {  	_ =	strace $0x8FFFFFFF  }
0x98: {  	s19 =	sld [smem:$0x3FDB];
	_ =	sdelay $0x1  }
0x99: {  	s4 =	simm.s32 $_scs_section_size  }
0x9a: {  	s5 =	simm.s32 $_size__tile_overlayer_lowered;
	s6 =	simm.s32 $_tile_overlayer_lowered  }
0x9b: {  	s22 =	simm.s32 $0x1BFF;
	s21 =	sshll.u32 s6, $0x1;
	s3 =	sadd.s32 s4, s19  }
0x9c: {  	s7 =	simm.s32 $0x0;
	s20 =	sshll.u32 s5, $0x1;
	s5 =	sadd.s32 s21, s3  }
0x9d: {  	[timem:s7], [sflag:s22] =	dma.local [hbm:s5], s20  }
0x9e: {  	_ =	swait.ge [sflag:s22], s20  }
0x9f: {  	s4 =	ssub.s32 $0x0, s20;
	[sflag:s22] =	ssyncset.done $0x0  }
0xa0: {  	[sflag:s22] =	ssyncadd.s32 s4;
	_ =	sdelay $0x1  }
0xa1: {  	s23 =	simm.s32 $0x1B8B  }
0xa2: {  	_ =	swait.ge [sflag:s23], $0x1  }
0xa3: {  	[sflag:s23] =	ssyncset.done $0x0  }
0xa4: {  	s25 =	simm.s32 $0x1B8E;
	s24 =	sld [smem:$0x3FFE];
	[sflag:s23] =	ssyncadd.s32 $0xFFFFFFFF  }
0xa5: {  	s26 =	simm.s32 $execute0_lowered;
	[smem:$0x3FD2] =	sst s25  }
0xa6: {  	s5 =	sshll.u32 s26, $0x1;
	_ =	strace $0x80000049;
	[dreg:$0x1] =	wrdreg $0xFFFFFFFF  }
0xa7: {  	s28 =	simm.s32 $_size_execute0_lowered;
	s3 =	sadd.s32 s3, s5;
	[dreg:$0x0] =	wrdreg $0x0  }
0xa8: {  	s5 =	sshll.u32 s28, $0x1;
	[dreg:$0x2] =	wrdreg s3  }
0xa9: {  	[dreg:$0x3] =	wrdreg s5  }
0xaa: {  	[dreg:$0x4] =	wrdreg $0xC0  }
0xab: {  	_ =	task [dreg:s7], $0x5FFFF  }
0xac: {  	[dreg:$0x1] =	wrdreg $0xFFFFFFFF  }
0xad: {  	[dreg:$0x0] =	wrdreg $0x60  }
0xae: {  	[dreg:$0x2] =	wrdreg s2  }
0xaf: {  	[dreg:$0x3] =	wrdreg s24  }
0xb0: {  	[dreg:$0x4] =	wrdreg $0xC7000  }
0xb1: {  	[dreg:$0x5] =	wrdreg $0x9  }
0xb2: {  	_ =	task.clear_ibuf [dreg:s7], $0x6FFFF;
	_ =	strace $0x90000049  }
0xb3: {  	s29 =	simm.s32 $0x9;
	_ =	strace $0x8000004B  }
0xb4: {  	_ =	swait.ge [sflag:s29], $0x1  }
0xb5: {  	[sflag:s29] =	ssyncadd.s32 $0xFFFFFFFF  }
0xb6: {  	_ =	strace $0x9000004B  }
0xb7: {  	_ =	sfence  }
0xb8: {  	s30 =	sld [smem:$0x0];
	_ =	sdelay $0x2  }
0xb9: {  	s31 =	sshll.u32 s1, $0xD;
	s1 =	sshrl.u32 s1, $0x2  }
0xba: {  	s3 =	sand.u32 $0x4000, s31;
	s1 =	sadd.s32 s1, s30  }
0xbb: {  	s0 =	sor.u32 s3, s0;
	s1 =	sshll.u32 s1, $0x11  }
0xbc: {  	s0 =	sor.u32 s1, s0  }
0xbd: {  	s0 =	sadd.s32 $0x8F2B, s0  }
0xbe: {  	[sflag:s0] =	ssyncadd.remote.s32 $0x1  }
0xbf: {  	_ =	sfence.sel $0xFFFF  }
0xc0: {  	[dreg:$0x0] =	wrdreg $0xFFFFFFFF;
	(pc) =	sbr.abs _section_cstart, $3  }
0xc1: {  	[dreg:$0x1] =	wrdreg $0xFFFFFFFF  }
0xc2: {  	_ =	task.clear_ibuf [dreg:s7], $0x2FFFF;
	_ =	strace $0x9FFFFFFF  }
0xc3: {  	(tm) =	ssettm $0x7FFFFFFF  }
tec
execute0_lowered:
.L_overlay_start_1:
0x0: {  	(tag) =	ssettag $0x1  }
0x1: {  	s1 =	rddreg [dreg:$0x0]  }
0x2: {  	s0 =	rddreg [dreg:$0x1]  }
0x3: {  	s2 =	rddreg [dreg:$0x2]  }
0x4: {  	s3 =	srdreg.scid;
	s21 =	simm.s32 $0x0;
	s20 =	stileid.u32  }
0x5: {  	s10 =	simm.s32 $0x1;
	s29 =	simm.s32 $0x180;
	s5 =	smul.u32 $0x1F400, s20  }
0x6: {  	s30 =	simm.s32 $0x280;
	s28 =	simm.s32 $0x500;
	s11 =	smul.u32 $0x139000, s20  }
0x7: {  	s31 =	simm.s32 $0x580;
	s3 =	sand.u32 $0x1, s3;
	s13 =	smul.u32 $0xD, s20  }
0x8: {  	[smem:$0x7FF] =	sst s21;
	s8 =	sadd.s32 $0x3200, s0;
	s16 =	smul.u32 $0x7D000, s20  }
0x9: {  	s9 =	sadd.s32 $0xD000, s0;
	s22 =	sadd.s32 $0x3E000, s0;
	s4 =	smul.u32 $0x138800, s3  }
0xa: {  	_ =	strace $0x8000004A;
	[dreg:$0x8] =	wrdreg s22;
	s24 =	ssub.s32 $0x2, s3  }
0xb: {  	s23 =	sshll.u32 s3, $0x4;
	s3 =	smul.u32 $0xD0, s3;
	s7 =	sshrl.u32 s24, $0x1  }
0xc: {  	s11 =	sshrl.u32 s11, $0x2;
	s4 =	sadd.s32 s5, s4;
	s5 =	sor.u32 s20, s23  }
0xd: {  	s11 =	sadd.s32 s11, s2;
	s3 =	sadd.s32 s13, s3;
	s23 =	sshrl.u32 s16, $0x2  }
0xe: {  	s13 =	simm.s32 $0x3;
	s16 =	simm.s32 $0x7;
	s4 =	sshrl.u32 s4, $0x3  }
0xf: {  	s6 =	smul.u32 $0xD, s5;
	p0 =	sne.s32 s5, $0x0;
	p1 =	seq.s32 s5, $0x0  }
0x10: {  	s5 =	simm.s32 $0xE;
	s0 =	sadd.s32 s4, s0;
	s10 =	simm.s32 @!p0 $0x0  }
0x11: {  	s4 =	ssub.s32 s24, s7;
	s5 =	simm.s32 @!p1 $0xD;
	p0 =	sgt.u32 s20, $0x3  }
0x12: {  	p1 =	sgt.u32 s20, $0x9;
	s6 =	sadd.s32 s10, s6;
	s7 =	sshll.u32 s5, $0x1  }
0x13: {  	s3 =	sadd.s32 s10, s3;
	s5 =	smul.u32 $0x60, s5;
	s0 =	sadd.s32 $0x47E00, s0  }
0x14: {  	s4 =	smax.u32 s4, $0x1;
	s12 =	smul.u32 $0x300, s6;
	[dreg:$0x11] =	wrdreg s0  }
0x15: {  	s10 =	simm.s32 $0x4700;
	s0 =	sadd.s32 s23, s2;
	[dreg:$0x12] =	wrdreg s4  }
0x16: {  	[dreg:$0x4] =	wrdreg s5;
	s0 =	sshrl.u32 @!p1 s0, $0x3;
	s12 =	sshrl.u32 s12, $0x3  }
0x17: {  	s6 =	simm.s32 $0x1;
	[dreg:$0x14] =	wrdreg s0;
	s14 =	sadd.s32 s8, s12  }
0x18: {  	s3 =	smul.u32 $0x60, s3;
	s25 =	sadd.s32 s9, s12;
	[dreg:$0x9] =	wrdreg s14  }
0x19: {  	s23 =	simm.s32 $0x200;
	s15 =	sadd.s32 $0x10, s25;
	[dreg:$0xa] =	wrdreg s25  }
0x1a: {  	s12 =	sadd.s32 $0x30, s12;
	s26 =	sadd.s32 $0x20, s25;
	[dreg:$0xb] =	wrdreg s15  }
0x1b: {  	s5 =	simm.s32 $0x700;
	s17 =	sadd.s32 s8, s12;
	[dreg:$0xc] =	wrdreg s26  }
0x1c: {  	s0 =	simm.s32 $0x480;
	s18 =	sadd.s32 s9, s12;
	[dreg:$0xd] =	wrdreg s17  }
0x1d: {  	s19 =	sadd.s32 $0x40, s25;
	s22 =	sadd.s32 $0x50, s25;
	[dreg:$0xe] =	wrdreg s18  }
0x1e: {  	s8 =	sadd.s32 s3, s8;
	s12 =	simm.s32 $0x380;
	[dreg:$0xf] =	wrdreg s19  }
0x1f: {  	s14 =	simm.s32 $0x4;
	[dreg:$0x10] =	wrdreg s22;
	s24 =	sadd.s32 $0x60, s8  }
0x20: {  	s17 =	sadd.s32 s3, s9;
	s25 =	sadd.s32 $0x90, s8;
	s3 =	sshrl.u32 @!p0 s11, $0x3  }
0x21: {  	s22 =	simm.s32 $0x100;
	s11 =	simm.s32 $0x8700;
	s15 =	simm.s32 $0x6  }
0x22: {  	s18 =	simm.s32 $0x8;
	s19 =	simm.s32 $0x2;
	[dreg:$0x5] =	wrdreg s24  }
0x23: {  	s9 =	simm.s32 $0x0;
	[dreg:$0x6] =	wrdreg s25;
	s26 =	sadd.s32 $0x90, s17  }
0x24: {  	[dreg:$0x13] =	wrdreg s3;
	s24 =	simm.s32 $0x300;
	s25 =	simm.s32 $0x400  }
0x25: {  	s3 =	simm.s32 $0x5;
	[dreg:$0x7] =	wrdreg s26;
	s26 =	simm.s32 $0x80  }
.LBB2_1:
0x26: {  	[dreg:$0x15] =	wrdreg s9  }
0x27: {  	s4 =	sshll.u32 @!p0 s20, $0x6;
	s8 =	rddreg [dreg:$0x8]  }
0x28: {  	s9 =	rddreg [dreg:$0x13];
	s4 =	sor.u32 @!p0 $0x1C09, s4  }
0x29: {  	[spmem:s9], [sflag:s4] =	dma.local @!p0 [hbm:s8], $0x9C80  }
0x2a: {  	s4 =	simm.s32 @!p0 $0x9  }
0x2b: {  	_ =	swait.ge @!p0 [sflag:s4], $0x9C80  }
0x2c: {  	[sflag:s4] =	ssyncset.done @!p0 $0x0  }
0x2d: {  	s9 =	rddreg [dreg:$0x9];
	[sflag:s4] =	ssyncadd.s32 @!p0 $0xFFFF6380  }
0x2e: {  	[tilespmem:s21], [sflag:$0x1] =	stream.linear.gather [hbm4b:s9+s21], $0x80, $0x38;
	v63 =	vld [tilespmem:$0x0]  }
0x2f: {  	s20 =	sadd.s32 $0x10, s9  }
0x30: {  	[tilespmem:s22], [sflag:$0x1] =	stream.linear.gather [hbm4b:s20+s21], $0x80, $0x38;
	v63 =	vld [tilespmem:$0x0]  }
0x31: {  	s9 =	sadd.s32 $0x20, s9  }
0x32: {  	[tilespmem:s23], [sflag:$0x1] =	stream.linear.gather [hbm4b:s9+s21], $0x80, $0x38;
	v63 =	vld [tilespmem:$0x0]  }
0x33: {  	s20 =	rddreg [dreg:$0xa]  }
0x34: {  	[tilespmem:s24], [sflag:$0x1] =	stream.linear.gather [hbm4b:s20+s21], $0x80, $0x38;
	v63 =	vld [tilespmem:$0x0]  }
0x35: {  	s8 =	rddreg [dreg:$0xb]  }
0x36: {  	[tilespmem:s12], [sflag:$0x1] =	stream.linear.gather [hbm4b:s8+s21], $0x80, $0x38;
	v63 =	vld [tilespmem:$0x0]  }
0x37: {  	s9 =	rddreg [dreg:$0xc]  }
0x38: {  	[tilespmem:s25], [sflag:$0x1] =	stream.linear.gather [hbm4b:s9+s21], $0x80, $0x38;
	v63 =	vld [tilespmem:$0x0]  }
0x39: {  	s20 =	rddreg [dreg:$0xd]  }
0x3a: {  	[tilespmem:s26], [sflag:$0x2] =	stream.linear.gather [hbm4b:s20+s21], $0x80, $0x38;
	v63 =	vld [tilespmem:$0x0]  }
0x3b: {  	s9 =	sadd.s32 $0x10, s20  }
0x3c: {  	[tilespmem:s29], [sflag:$0x2] =	stream.linear.gather [hbm4b:s9+s21], $0x80, $0x38;
	v63 =	vld [tilespmem:$0x0]  }
0x3d: {  	s20 =	sadd.s32 $0x20, s20  }
0x3e: {  	[tilespmem:s30], [sflag:$0x2] =	stream.linear.gather [hbm4b:s20+s21], $0x80, $0x38;
	v63 =	vld [tilespmem:$0x0]  }
0x3f: {  	s8 =	rddreg [dreg:$0xe]  }
0x40: {  	[tilespmem:s0], [sflag:$0x2] =	stream.linear.gather [hbm4b:s8+s21], $0x80, $0x38;
	v63 =	vld [tilespmem:$0x0]  }
0x41: {  	s9 =	rddreg [dreg:$0xf]  }
0x42: {  	[tilespmem:s28], [sflag:$0x2] =	stream.linear.gather [hbm4b:s9+s21], $0x80, $0x38;
	v63 =	vld [tilespmem:$0x0]  }
0x43: {  	s20 =	rddreg [dreg:$0x10]  }
0x44: {  	[tilespmem:s31], [sflag:$0x2] =	stream.linear.gather [hbm4b:s20+s21], $0x80, $0x38;
	v63 =	vld [tilespmem:$0x0]  }
0x45: {  	[bflag:$0x0] =	sbarrier.arrive $0xFFFF  }
0x46: {  	_ =	swait.ge [sflag:s6], $0x180  }
0x47: {  	[sflag:s6] =	ssyncset.done $0x0  }
0x48: {  	[sflag:s6] =	ssyncadd.s32 $0xFFFFFE80  }
0x49: {  	_ =	swait.ge [sflag:s6], $0x80  }
0x4a: {  	[sflag:s6] =	ssyncset.done $0x0  }
0x4b: {  	[sflag:s6] =	ssyncadd.s32 $0xFFFFFF80  }
0x4c: {  	_ =	swait.ge [sflag:s6], $0x80  }
0x4d: {  	[sflag:s6] =	ssyncset.done $0x0  }
0x4e: {  	[sflag:s6] =	ssyncadd.s32 $0xFFFFFF80  }
0x4f: {  	_ =	swait.ge [sflag:s6], $0x80  }
0x50: {  	[sflag:s6] =	ssyncset.done $0x0  }
0x51: {  	[sflag:s6] =	ssyncadd.s32 $0xFFFFFF80  }
0x52: {  	[tilespmem:s5], [sflag:$0x3] =	stream.indirect.gather [hbm4b:s1+s26], $0x80, s21, s26, $0xb8;
	v63 =	vld [tilespmem:$0x0]  }
0x53: {  	_ = 	snop  }
0x54: {  	[tilespmem:s10], [sflag:$0x4] =	stream.indirect.gather [hbm4b:s1+s26], $0x80, s22, s26, $0xb8;
	v63 =	vld [tilespmem:$0x0]  }
0x55: {  	_ = 	snop  }
0x56: {  	[tilespmem:s11], [sflag:$0x5] =	stream.indirect.gather [hbm4b:s1+s26], $0x80, s23, s26, $0xb8;
	v63 =	vld [tilespmem:$0x0]  }
0x57: {  	_ =	swait.ge [sflag:s13], $0x4000  }
0x58: {  	[sflag:s13] =	ssyncset.done $0x0  }
0x59: {  	[sflag:s13] =	ssyncadd.s32 $0xFFFFC000  }
0x5a: {  	[spmem:s2] =	stream.indirect.scatter.add.f32 [tilespmem:s5], [sflag:$0x6], $0x80, s24, s26, $0xb8;
	v63 =	vld [tilespmem:$0x0]  }
0x5b: {  	_ =	swait.ge [sflag:s14], $0x4000  }
0x5c: {  	[sflag:s14] =	ssyncset.done $0x0  }
0x5d: {  	[sflag:s14] =	ssyncadd.s32 $0xFFFFC000  }
0x5e: {  	[spmem:s2] =	stream.indirect.scatter.add.f32 [tilespmem:s10], [sflag:$0x7], $0x80, s12, s26, $0xb8;
	v63 =	vld [tilespmem:$0x0]  }
0x5f: {  	_ =	swait.ge [sflag:s3], $0x4000  }
0x60: {  	[sflag:s3] =	ssyncset.done $0x0  }
0x61: {  	[sflag:s3] =	ssyncadd.s32 $0xFFFFC000  }
0x62: {  	[spmem:s2] =	stream.indirect.scatter.add.f32 [tilespmem:s11], [sflag:$0x8], $0x80, s25, s26, $0xb8;
	v63 =	vld [tilespmem:$0x0]  }
0x63: {  	_ =	swait.ge [sflag:s15], $0x4000  }
0x64: {  	[sflag:s15] =	ssyncset.done $0x0  }
0x65: {  	[sflag:s15] =	ssyncadd.s32 $0xFFFFC000  }
0x66: {  	_ =	swait.ge [sflag:s16], $0x4000  }
0x67: {  	[sflag:s16] =	ssyncset.done $0x0  }
0x68: {  	[sflag:s16] =	ssyncadd.s32 $0xFFFFC000  }
0x69: {  	_ =	swait.ge [sflag:s18], $0x4000  }
0x6a: {  	p2 =	sle.u32 s7, $0x2;
	s4 =	rddreg [dreg:$0x5];
	[sflag:s18] =	ssyncset.done $0x0  }
0x6b: {  	s8 =	simm.s32 @!p2 $0x0;
	[sflag:s18] =	ssyncadd.s32 $0xFFFFC000;
	s4 =	sadd.s32 @!p2 $0x0, s4  }
0x6c: {  	[tilespmem:s8], [sflag:$0x1] =	stream.linear.gather @!p2 [hbm4b:s4+s8], $0x80, $0x38;
	v63 =	vld [tilespmem:$0x0]  }
0x6d: {  	s12 =	simm.s32 @!p2 $0x100;
	s9 =	sadd.s32 @!p2 $0x10, s4  }
0x6e: {  	[tilespmem:s12], [sflag:$0x1] =	stream.linear.gather @!p2 [hbm4b:s9+s8], $0x80, $0x38;
	v63 =	vld [tilespmem:$0x0]  }
0x6f: {  	s4 =	sadd.s32 @!p2 $0x20, s4;
	s9 =	sadd.s32 @!p2 $0x0, s17;
	s12 =	simm.s32 @!p2 $0x200  }
0x70: {  	[tilespmem:s12], [sflag:$0x1] =	stream.linear.gather @!p2 [hbm4b:s4+s8], $0x80, $0x38;
	v63 =	vld [tilespmem:$0x0]  }
0x71: {  	s4 =	sadd.s32 @!p2 $0x60, s9;
	s12 =	simm.s32 @!p2 $0x300  }
0x72: {  	[tilespmem:s12], [sflag:$0x1] =	stream.linear.gather @!p2 [hbm4b:s4+s8], $0x80, $0x38;
	v63 =	vld [tilespmem:$0x0]  }
0x73: {  	s4 =	sadd.s32 @!p2 $0x70, s9;
	s12 =	simm.s32 @!p2 $0x380  }
0x74: {  	[tilespmem:s12], [sflag:$0x1] =	stream.linear.gather @!p2 [hbm4b:s4+s8], $0x80, $0x38;
	v63 =	vld [tilespmem:$0x0]  }
0x75: {  	s4 =	sadd.s32 @!p2 $0x80, s9;
	s9 =	simm.s32 @!p2 $0x400  }
0x76: {  	[tilespmem:s9], [sflag:$0x1] =	stream.linear.gather @!p2 [hbm4b:s4+s8], $0x80, $0x38;
	v63 =	vld [tilespmem:$0x0]  }
0x77: {  	_ =	swait.ge [sflag:s19], $0x180  }
0x78: {  	[sflag:s19] =	ssyncset.done $0x0  }
0x79: {  	[sflag:s19] =	ssyncadd.s32 $0xFFFFFE80  }
0x7a: {  	_ =	swait.ge [sflag:s19], $0x80  }
0x7b: {  	[sflag:s19] =	ssyncset.done $0x0  }
0x7c: {  	[sflag:s19] =	ssyncadd.s32 $0xFFFFFF80  }
0x7d: {  	_ =	swait.ge [sflag:s19], $0x80  }
0x7e: {  	[sflag:s19] =	ssyncset.done $0x0  }
0x7f: {  	[sflag:s19] =	ssyncadd.s32 $0xFFFFFF80  }
0x80: {  	_ =	swait.ge [sflag:s19], $0x80  }
0x81: {  	[sflag:s19] =	ssyncset.done $0x0  }
0x82: {  	[sflag:s19] =	ssyncadd.s32 $0xFFFFFF80  }
0x83: {  	[tilespmem:s5], [sflag:$0x3] =	stream.indirect.gather [hbm4b:s1+s26], $0x80, s26, s26, $0xb8;
	v63 =	vld [tilespmem:$0x0]  }
0x84: {  	_ = 	snop  }
0x85: {  	[tilespmem:s10], [sflag:$0x4] =	stream.indirect.gather [hbm4b:s1+s26], $0x80, s29, s26, $0xb8;
	v63 =	vld [tilespmem:$0x0]  }
0x86: {  	_ = 	snop  }
0x87: {  	[tilespmem:s11], [sflag:$0x5] =	stream.indirect.gather [hbm4b:s1+s26], $0x80, s30, s26, $0xb8;
	v63 =	vld [tilespmem:$0x0]  }
0x88: {  	_ =	swait.ge [sflag:s13], $0x4000  }
0x89: {  	[sflag:s13] =	ssyncset.done $0x0  }
0x8a: {  	[sflag:s13] =	ssyncadd.s32 $0xFFFFC000  }
0x8b: {  	[spmem:s2] =	stream.indirect.scatter.add.f32 [tilespmem:s5], [sflag:$0x6], $0x80, s0, s26, $0xb8;
	v63 =	vld [tilespmem:$0x0]  }
0x8c: {  	_ =	swait.ge [sflag:s14], $0x4000  }
0x8d: {  	[sflag:s14] =	ssyncset.done $0x0  }
0x8e: {  	[sflag:s14] =	ssyncadd.s32 $0xFFFFC000  }
0x8f: {  	[spmem:s2] =	stream.indirect.scatter.add.f32 [tilespmem:s10], [sflag:$0x7], $0x80, s28, s26, $0xb8;
	v63 =	vld [tilespmem:$0x0]  }
0x90: {  	_ =	swait.ge [sflag:s3], $0x4000  }
0x91: {  	[sflag:s3] =	ssyncset.done $0x0  }
0x92: {  	[sflag:s3] =	ssyncadd.s32 $0xFFFFC000  }
0x93: {  	[spmem:s2] =	stream.indirect.scatter.add.f32 [tilespmem:s11], [sflag:$0x8], $0x80, s31, s26, $0xb8;
	v63 =	vld [tilespmem:$0x0]  }
0x94: {  	_ =	swait.ge [sflag:s15], $0x4000  }
0x95: {  	[sflag:s15] =	ssyncset.done $0x0  }
0x96: {  	[sflag:s15] =	ssyncadd.s32 $0xFFFFC000  }
0x97: {  	_ =	swait.ge [sflag:s16], $0x4000  }
0x98: {  	p2 =	sle.u32 s7, $0x3;
	[sflag:s16] =	ssyncset.done $0x0  }
0x99: {  	s25 =	simm.s32 @!p2 $0x0;
	s8 =	simm.s32 @!p2 $0x80;
	[sflag:s16] =	ssyncadd.s32 $0xFFFFC000  }
0x9a: {  	s12 =	simm.s32 @!p2 $0x180;
	s20 =	sadd.s32 @!p2 $0x0, s17;
	_ =	swait.ge [sflag:s18], $0x4000  }
0x9b: {  	s29 =	simm.s32 $0x400;
	s4 =	rddreg [dreg:$0x6];
	[sflag:s18] =	ssyncset.done $0x0  }
0x9c: {  	s30 =	simm.s32 $0x180;
	[sflag:s18] =	ssyncadd.s32 $0xFFFFC000;
	s4 =	sadd.s32 @!p2 $0x0, s4  }
0x9d: {  	[tilespmem:s8], [sflag:$0x2] =	stream.linear.gather @!p2 [hbm4b:s4+s25], $0x80, $0x38;
	v63 =	vld [tilespmem:$0x0]  }
0x9e: {  	s0 =	simm.s32 $0x580;
	s8 =	rddreg [dreg:$0x7];
	s9 =	sadd.s32 @!p2 $0x10, s4  }
0x9f: {  	[tilespmem:s12], [sflag:$0x2] =	stream.linear.gather @!p2 [hbm4b:s9+s25], $0x80, $0x38;
	v63 =	vld [tilespmem:$0x0]  }
0xa0: {  	s28 =	simm.s32 $0x500;
	s31 =	simm.s32 $0x280;
	s12 =	rddreg [dreg:$0x4]  }
0xa1: {  	s4 =	sadd.s32 @!p2 $0x20, s4;
	s9 =	simm.s32 @!p2 $0x280;
	p3 =	sne.s32 s12, $0x60  }
0xa2: {  	[tilespmem:s9], [sflag:$0x2] =	stream.linear.gather @!p2 [hbm4b:s4+s25], $0x80, $0x38;
	v63 =	vld [tilespmem:$0x0]  }
.Ltmp0:
0xa3: {  	s4 =	sadd.s32 @!p2 $0x0, s8;
	s8 =	simm.s32 @!p2 $0x480;
	(pc) =	sbr.rel @!p3 .LBB2_3-.Ltmp0, $4  }
0xa4: {  	[tilespmem:s8], [sflag:$0x2] =	stream.linear.gather @!p2 [hbm4b:s4+s25], $0x80, $0x38;
	v63 =	vld [tilespmem:$0x0]  }
0xa5: {  	s9 =	simm.s32 $0x60;
	s4 =	sadd.s32 @!p2 $0xA0, s20;
	s8 =	simm.s32 @!p2 $0x500  }
0xa6: {  	[tilespmem:s8], [sflag:$0x2] =	stream.linear.gather @!p2 [hbm4b:s4+s25], $0x80, $0x38;
	v63 =	vld [tilespmem:$0x0]  }
0xa7: {  	s4 =	sadd.s32 @!p2 $0xB0, s20;
	s20 =	simm.s32 @!p2 $0x580;
	s8 =	simm.s32 $0x2  }
.LBB2_2:
0xa8: {  	[tilespmem:s20], [sflag:$0x2] =	stream.linear.gather @!p2 [hbm4b:s4+s25], $0x80, $0x38;
	v63 =	vld [tilespmem:$0x0]  }
0xa9: {  	_ =	swait.ge [sflag:s6], $0x180  }
0xaa: {  	[sflag:s6] =	ssyncset.done $0x0  }
0xab: {  	[sflag:s6] =	ssyncadd.s32 $0xFFFFFE80  }
0xac: {  	_ =	swait.ge [sflag:s6], $0x80  }
0xad: {  	[sflag:s6] =	ssyncset.done $0x0  }
0xae: {  	[sflag:s6] =	ssyncadd.s32 $0xFFFFFF80  }
0xaf: {  	_ =	swait.ge [sflag:s6], $0x80  }
0xb0: {  	[sflag:s6] =	ssyncset.done $0x0  }
0xb1: {  	[sflag:s6] =	ssyncadd.s32 $0xFFFFFF80  }
0xb2: {  	_ =	swait.ge [sflag:s6], $0x80  }
0xb3: {  	[sflag:s6] =	ssyncset.done $0x0  }
0xb4: {  	[sflag:s6] =	ssyncadd.s32 $0xFFFFFF80  }
0xb5: {  	[tilespmem:s5], [sflag:$0x3] =	stream.indirect.gather [hbm4b:s1+s26], $0x80, s21, s26, $0xb8;
	v63 =	vld [tilespmem:$0x0]  }
0xb6: {  	_ = 	snop  }
0xb7: {  	[tilespmem:s10], [sflag:$0x4] =	stream.indirect.gather [hbm4b:s1+s26], $0x80, s22, s26, $0xb8;
	v63 =	vld [tilespmem:$0x0]  }
0xb8: {  	_ = 	snop  }
0xb9: {  	[tilespmem:s11], [sflag:$0x5] =	stream.indirect.gather [hbm4b:s1+s26], $0x80, s23, s26, $0xb8;
	v63 =	vld [tilespmem:$0x0]  }
0xba: {  	_ =	swait.ge [sflag:s13], $0x4000  }
0xbb: {  	[sflag:s13] =	ssyncset.done $0x0  }
0xbc: {  	[sflag:s13] =	ssyncadd.s32 $0xFFFFC000  }
0xbd: {  	[spmem:s2] =	stream.indirect.scatter.add.f32 [tilespmem:s5], [sflag:$0x6], $0x80, s24, s26, $0xb8;
	v63 =	vld [tilespmem:$0x0]  }
0xbe: {  	_ =	swait.ge [sflag:s14], $0x4000  }
0xbf: {  	[sflag:s14] =	ssyncset.done $0x0  }
0xc0: {  	s23 =	simm.s32 $0x380;
	[sflag:s14] =	ssyncadd.s32 $0xFFFFC000  }
0xc1: {  	[spmem:s2] =	stream.indirect.scatter.add.f32 [tilespmem:s10], [sflag:$0x7], $0x80, s23, s26, $0xb8;
	v63 =	vld [tilespmem:$0x0]  }
0xc2: {  	_ =	swait.ge [sflag:s3], $0x4000  }
0xc3: {  	[sflag:s3] =	ssyncset.done $0x0  }
0xc4: {  	[sflag:s3] =	ssyncadd.s32 $0xFFFFC000  }
0xc5: {  	[spmem:s2] =	stream.indirect.scatter.add.f32 [tilespmem:s11], [sflag:$0x8], $0x80, s29, s26, $0xb8;
	v63 =	vld [tilespmem:$0x0]  }
0xc6: {  	_ =	swait.ge [sflag:s15], $0x4000  }
0xc7: {  	[sflag:s15] =	ssyncset.done $0x0  }
0xc8: {  	[sflag:s15] =	ssyncadd.s32 $0xFFFFC000  }
0xc9: {  	_ =	swait.ge [sflag:s16], $0x4000  }
0xca: {  	[sflag:s16] =	ssyncset.done $0x0  }
0xcb: {  	[sflag:s16] =	ssyncadd.s32 $0xFFFFC000  }
0xcc: {  	s8 =	sadd.s32 $0x2, s8;
	s12 =	smov.u32 s9;
	_ =	swait.ge [sflag:s18], $0x4000  }
0xcd: {  	p2 =	sge.u32 s8, s7;
	s4 =	rddreg [dreg:$0x5];
	[sflag:s18] =	ssyncset.done $0x0  }
0xce: {  	s20 =	simm.s32 @!p2 $0x0;
	[sflag:s18] =	ssyncadd.s32 $0xFFFFC000;
	s4 =	sadd.s32 @!p2 s12, s4  }
0xcf: {  	[tilespmem:s20], [sflag:$0x1] =	stream.linear.gather @!p2 [hbm4b:s4+s20], $0x80, $0x38;
	v63 =	vld [tilespmem:$0x0]  }
0xd0: {  	s21 =	simm.s32 @!p2 $0x100;
	s25 =	sadd.s32 @!p2 $0x10, s4  }
0xd1: {  	[tilespmem:s21], [sflag:$0x1] =	stream.linear.gather @!p2 [hbm4b:s25+s20], $0x80, $0x38;
	v63 =	vld [tilespmem:$0x0]  }
0xd2: {  	s22 =	sadd.s32 @!p2 s12, s17;
	s4 =	sadd.s32 @!p2 $0x20, s4;
	s21 =	simm.s32 @!p2 $0x200  }
0xd3: {  	[tilespmem:s21], [sflag:$0x1] =	stream.linear.gather @!p2 [hbm4b:s4+s20], $0x80, $0x38;
	v63 =	vld [tilespmem:$0x0]  }
0xd4: {  	s25 =	sadd.s32 @!p2 $0x60, s22;
	s4 =	simm.s32 @!p2 $0x300  }
0xd5: {  	[tilespmem:s4], [sflag:$0x1] =	stream.linear.gather @!p2 [hbm4b:s25+s20], $0x80, $0x38;
	v63 =	vld [tilespmem:$0x0]  }
0xd6: {  	s21 =	sadd.s32 @!p2 $0x70, s22;
	s4 =	simm.s32 @!p2 $0x380  }
0xd7: {  	[tilespmem:s4], [sflag:$0x1] =	stream.linear.gather @!p2 [hbm4b:s21+s20], $0x80, $0x38;
	v63 =	vld [tilespmem:$0x0]  }
0xd8: {  	s22 =	sadd.s32 @!p2 $0x80, s22;
	s4 =	simm.s32 @!p2 $0x400  }
0xd9: {  	[tilespmem:s4], [sflag:$0x1] =	stream.linear.gather @!p2 [hbm4b:s22+s20], $0x80, $0x38;
	v63 =	vld [tilespmem:$0x0]  }
0xda: {  	_ =	swait.ge [sflag:s19], $0x180  }
0xdb: {  	[sflag:s19] =	ssyncset.done $0x0  }
0xdc: {  	[sflag:s19] =	ssyncadd.s32 $0xFFFFFE80  }
0xdd: {  	_ =	swait.ge [sflag:s19], $0x80  }
0xde: {  	[sflag:s19] =	ssyncset.done $0x0  }
0xdf: {  	[sflag:s19] =	ssyncadd.s32 $0xFFFFFF80  }
0xe0: {  	_ =	swait.ge [sflag:s19], $0x80  }
0xe1: {  	[sflag:s19] =	ssyncset.done $0x0  }
0xe2: {  	[sflag:s19] =	ssyncadd.s32 $0xFFFFFF80  }
0xe3: {  	_ =	swait.ge [sflag:s19], $0x80  }
0xe4: {  	[sflag:s19] =	ssyncset.done $0x0  }
0xe5: {  	[sflag:s19] =	ssyncadd.s32 $0xFFFFFF80  }
0xe6: {  	[tilespmem:s5], [sflag:$0x3] =	stream.indirect.gather [hbm4b:s1+s26], $0x80, s26, s26, $0xb8;
	v63 =	vld [tilespmem:$0x0]  }
0xe7: {  	_ = 	snop  }
0xe8: {  	[tilespmem:s10], [sflag:$0x4] =	stream.indirect.gather [hbm4b:s1+s26], $0x80, s30, s26, $0xb8;
	v63 =	vld [tilespmem:$0x0]  }
0xe9: {  	_ = 	snop  }
0xea: {  	[tilespmem:s11], [sflag:$0x5] =	stream.indirect.gather [hbm4b:s1+s26], $0x80, s31, s26, $0xb8;
	v63 =	vld [tilespmem:$0x0]  }
0xeb: {  	_ =	swait.ge [sflag:s13], $0x4000  }
0xec: {  	[sflag:s13] =	ssyncset.done $0x0  }
0xed: {  	s24 =	simm.s32 $0x480;
	[sflag:s13] =	ssyncadd.s32 $0xFFFFC000  }
0xee: {  	[spmem:s2] =	stream.indirect.scatter.add.f32 [tilespmem:s5], [sflag:$0x6], $0x80, s24, s26, $0xb8;
	v63 =	vld [tilespmem:$0x0]  }
0xef: {  	_ =	swait.ge [sflag:s14], $0x4000  }
0xf0: {  	[sflag:s14] =	ssyncset.done $0x0  }
0xf1: {  	[sflag:s14] =	ssyncadd.s32 $0xFFFFC000  }
0xf2: {  	[spmem:s2] =	stream.indirect.scatter.add.f32 [tilespmem:s10], [sflag:$0x7], $0x80, s28, s26, $0xb8;
	v63 =	vld [tilespmem:$0x0]  }
0xf3: {  	_ =	swait.ge [sflag:s3], $0x4000  }
0xf4: {  	[sflag:s3] =	ssyncset.done $0x0  }
0xf5: {  	[sflag:s3] =	ssyncadd.s32 $0xFFFFC000  }
0xf6: {  	[spmem:s2] =	stream.indirect.scatter.add.f32 [tilespmem:s11], [sflag:$0x8], $0x80, s0, s26, $0xb8;
	v63 =	vld [tilespmem:$0x0]  }
0xf7: {  	_ =	swait.ge [sflag:s15], $0x4000  }
0xf8: {  	[sflag:s15] =	ssyncset.done $0x0  }
0xf9: {  	[sflag:s15] =	ssyncadd.s32 $0xFFFFC000  }
0xfa: {  	_ =	swait.ge [sflag:s16], $0x4000  }
0xfb: {  	[sflag:s16] =	ssyncset.done $0x0  }
0xfc: {  	[sflag:s16] =	ssyncadd.s32 $0xFFFFC000  }
0xfd: {  	s25 =	sadd.s32 $0x1, s8;
	_ =	swait.ge [sflag:s18], $0x4000  }
0xfe: {  	s9 =	sadd.s32 $0x60, s9;
	p2 =	sge.u32 s25, s7;
	s4 =	rddreg [dreg:$0x6]  }
0xff: {  	s25 =	simm.s32 @!p2 $0x0;
	s22 =	simm.s32 @!p2 $0x80;
	s21 =	rddreg [dreg:$0x7]  }
0x100: {  	s24 =	simm.s32 @!p2 $0x180;
	[sflag:s18] =	ssyncset.done $0x0;
	s20 =	rddreg [dreg:$0x4]  }
0x101: {  	[sflag:s18] =	ssyncadd.s32 $0xFFFFC000;
	s4 =	sadd.s32 @!p2 s12, s4;
	s21 =	sadd.s32 @!p2 s12, s21  }
0x102: {  	[tilespmem:s22], [sflag:$0x2] =	stream.linear.gather @!p2 [hbm4b:s4+s25], $0x80, $0x38;
	v63 =	vld [tilespmem:$0x0]  }
0x103: {  	s12 =	sadd.s32 @!p2 s12, s17;
	p3 =	sne.s32 s20, s9;
	s23 =	sadd.s32 @!p2 $0x10, s4  }
0x104: {  	[tilespmem:s24], [sflag:$0x2] =	stream.linear.gather @!p2 [hbm4b:s23+s25], $0x80, $0x38;
	v63 =	vld [tilespmem:$0x0]  }
0x105: {  	s20 =	simm.s32 @!p2 $0x580;
	s4 =	sadd.s32 @!p2 $0x20, s4;
	s22 =	simm.s32 @!p2 $0x280  }
0x106: {  	[tilespmem:s22], [sflag:$0x2] =	stream.linear.gather @!p2 [hbm4b:s4+s25], $0x80, $0x38;
	v63 =	vld [tilespmem:$0x0]  }
.Ltmp1:
0x107: {  	s23 =	simm.s32 @!p2 $0x480;
	s24 =	simm.s32 @!p2 $0x500;
	(pc) =	sbr.rel @p3 .LBB2_2-.Ltmp1, $4  }
0x108: {  	[tilespmem:s23], [sflag:$0x2] =	stream.linear.gather @!p2 [hbm4b:s21+s25], $0x80, $0x38;
	v63 =	vld [tilespmem:$0x0]  }
0x109: {  	s22 =	sadd.s32 @!p2 $0xA0, s12;
	s4 =	sadd.s32 @!p2 $0xB0, s12;
	s23 =	simm.s32 $0x200  }
0x10a: {  	[tilespmem:s24], [sflag:$0x2] =	stream.linear.gather @!p2 [hbm4b:s22+s25], $0x80, $0x38;
	v63 =	vld [tilespmem:$0x0]  }
0x10b: {  	s21 =	simm.s32 $0x0;
	s24 =	simm.s32 $0x300;
	s22 =	simm.s32 $0x100  }
.LBB2_3:
0x10c: {  	[tilespmem:s20], [sflag:$0x2] =	stream.linear.gather @!p2 [hbm4b:s4+s25], $0x80, $0x38;
	v63 =	vld [tilespmem:$0x0]  }
0x10d: {  	s20 =	stileid.u32;
	[bflag:$0x0] =	sbarrier.arrive $0xFFFF  }
0x10e: {  	s4 =	sshll.u32 @!p1 s20, $0x6;
	s8 =	rddreg [dreg:$0x11]  }
0x10f: {  	s4 =	sor.u32 @!p1 $0x1C09, s4;
	s9 =	rddreg [dreg:$0x14]  }
0x110: {  	[hbm:s8], [sflag:s4] =	dma.local @!p1 [spmem:s9], $0x3E80  }
0x111: {  	s4 =	simm.s32 @!p1 $0x9  }
0x112: {  	_ =	swait.ge @!p1 [sflag:s4], $0x3E80  }
0x113: {  	s12 =	rddreg [dreg:$0x15]  }
0x114: {  	s25 =	rddreg [dreg:$0x12];
	s9 =	sadd.s32 $0x1, s12  }
0x115: {  	p2 =	sne.s32 s9, s25  }
.Ltmp2:
0x116: {  	_ = 	snop;
	(pc) =	sbr.rel @p2 .LBB2_1-.Ltmp2, $4  }
0x117: {  	_ = 	snop  }
0x118: {  	s29 =	simm.s32 $0x180;
	s30 =	simm.s32 $0x280;
	s0 =	simm.s32 $0x480  }
0x119: {  	s28 =	simm.s32 $0x500;
	s31 =	simm.s32 $0x580;
	[sflag:s4] =	ssyncset.done @!p1 $0x0  }
0x11a: {  	[sflag:s4] =	ssyncadd.s32 @!p1 $0xFFFFC180;
	s12 =	simm.s32 $0x380;
	s25 =	simm.s32 $0x400  }
0x11b: {  	_ =	sfence.sel $0x180000  }
0x11c: {  	[bflag:$0x0] =	sbarrier.arrive $0xFFFF  }
0x11d: {  	_ =	strace $0x9000004A  }
0x11e: {  	[bflag:$0x2] =	sbarrier.arrive $0xFFFF  }
0x11f: {  	p0 =	sne.s32 s20, $0x0;
	s0 =	rddreg [dreg:$0x3]  }
0x120: {  	s0 =	sadd.s32 @!p0 $0x100000, s0  }
0x121: {  	[sflag:s0] =	ssyncadd.tile.s32 @!p0 $0x1;
	_ =	shalt  }
.Lfunc_end2:
_tile_overlayer_lowered:
.L_overlay_start_2:
0x122: {  	(tag) =	ssettag $0x2  }
0x123: {  	s0 =	rddreg [dreg:$0x0];
	s2 =	stileid.u32  }
0x124: {  	s1 =	rddreg [dreg:$0x1];
	p0 =	sne.s32 s2, $0x0  }
0x125: {  	s3 =	rddreg [dreg:$0x2];
	[bflag:$0x3] =	sbarrier.arrive $0xFFFF;
	s2 =	simm.s32 @!p0 $0x1C09  }
0x126: {  	[timem:s3], [sflag:s2] =	dma.local @!p0 [hbm:s0], s1  }
0x127: {  	s0 =	simm.s32 @!p0 $0x9  }
0x128: {  	_ =	swait.ge @!p0 [sflag:s0], s1  }
0x129: {  	s1 =	ssub.s32 @!p0 $0x0, s1;
	[sflag:s0] =	ssyncset.done @!p0 $0x0  }
0x12a: {  	[sflag:s0] =	ssyncadd.s32 @!p0 s1  }
0x12b: {  	[bflag:$0x3] =	sbarrier.arrive $0xFFFF  }
0x12c: {  	_ =	shalt  }

// kernel: kernel.14.cloned.1.call-start
scs
__scs_entry_jumppad:
0x0: {  	(pc) =	sbr.rel $0x88, $3  }
0x1: {  	(tag) =	ssettag $0x0;
	lr =	simm.s32 $0x1  }
0x2: {  	[smem:$0x3F9B] =	sst lr;
	_ =	strace $0xD0000000  }
0x3: {  	_ = 	snop  }
0x4: {  	_ = 	snop  }
0x5: {  	_ = 	snop  }
0x6: {  	_ = 	snop  }
0x7: {  	_ = 	snop  }
__scs_overlays_trampoline_lowered:
0x8: {  	[smem:$0x3FAA] =	sst s0  }
0x9: {  	[smem:$0x3FAB] =	sst s1  }
0xa: {  	[smem:$0x3FAC] =	sst s2  }
0xb: {  	[smem:$0x3FAD] =	sst s3  }
0xc: {  	[smem:$0x3FAE] =	sst s4  }
0xd: {  	[smem:$0x3FAF] =	sst s5  }
0xe: {  	[smem:$0x3FB0] =	sst s6  }
0xf: {  	[smem:$0x3FB1] =	sst s7  }
0x10: {  	[smem:$0x3FB2] =	sst s8  }
0x11: {  	[smem:$0x3FB3] =	sst s9;
	s0 =	simm.s32 @!p0 $0x0  }
0x12: {  	s1 =	sld [smem:$0x3F99];
	s0 =	simm.s32 @p0 $0x1  }
0x13: {  	[smem:$0x3FB4] =	sst s0;
	s0 =	simm.s32 @!p1 $0x0  }
0x14: {  	s2 =	sld [smem:$0x3F98];
	s0 =	simm.s32 @p1 $0x1  }
0x15: {  	[smem:$0x3FB5] =	sst s0;
	s0 =	simm.s32 @!p2 $0x0  }
0x16: {  	s3 =	sld [smem:$0x3FDB];
	s0 =	simm.s32 @p2 $0x1  }
0x17: {  	s4 =	simm.s32 $0x1BF5;
	[smem:$0x3FB7] =	sst s0  }
0x18: {  	s0 =	sld [smem:$0x3F9A];
	_ =	swait.ge [sflag:s4], $0x0  }
0x19: {  	s7 =	sld [smem:$0x3F9B]  }
0x1a: {  	s8 =	sadd.s32 $0xFFFFE003, lr  }
0x1b: {  	s9 =	sadd.s32 $0xFFFFFEF7, lr;
	s5 =	simm.s32 $0xFFFFFFFF;
	p2 =	slt.u32 s8, $0xFFFFF086  }
0x1c: {  	p1 =	slt.u32 s9, $0xF7A;
	s5 =	simm.s32 @!p2 $0x0  }
0x1d: {  	s5 =	simm.s32 @p1 $0x1;
	p0 =	seq.s32 s7, s2  }
0x1e: {  	s7 =	smul.u32 @!p0 $0xF7A, s2;
	p2 =	seq.s32 @!p0 s5, $0x0  }
0x1f: {  	s9 =	smul.u32 $0xF7A, s1;
	s8 =	simm.s32 @!p0 $0x1BF5;
	p2 =	por !p2, p0  }
0x20: {  	[sflag:s8] =	ssyncset.s32 @!p0 $0xFFFFF086;
	s6 =	sadd.s32 @!p0 s3, s7;
	s7 =	simm.s32 @!p0 $0x108  }
0x21: {  	s3 =	sadd.s32 s3, s9;
	s6 =	sadd.s32 @!p0 $0x88, s6;
	s7 =	simm.s32 @p2 $0x1082  }
0x22: {  	[simem:s7], [sflag:s8] =	dma.local @!p0 [hbm:s6], $0xF7A  }
0x23: {  	s9 =	sor.u32 $0xD0000000, s2;
	s6 =	simm.s32 $0x108;
	_ =	swait.ge @!p0 [sflag:s8], $0x0  }
0x24: {  	s3 =	sadd.s32 $0x88, s3;
	s6 =	simm.s32 @!p1 $0x1082;
	[sflag:s4] =	ssyncset.s32 $0xFFFFF086  }
0x25: {  	[simem:s6], [sflag:s4] =	dma.local [hbm:s3], $0xF7A  }
0x26: {  	[smem:$0x3F9B] =	sst s1;
	(tag) =	ssettag s2;
	_ =	strace s9  }
0x27: {  	s1 =	sld [smem:$0x3FAB]  }
0x28: {  	s2 =	sld [smem:$0x3FAC]  }
0x29: {  	s4 =	sld [smem:$0x3FAE]  }
0x2a: {  	p0 =	seq.s32 s5, $0x0;
	s5 =	sld [smem:$0x3FAF]  }
0x2b: {  	s6 =	sld [smem:$0x3FB0]  }
0x2c: {  	s7 =	sld [smem:$0x3FB1]  }
0x2d: {  	s3 =	simm.s32 $0x108;
	s8 =	sld [smem:$0x3FB2]  }
0x2e: {  	s3 =	simm.s32 @!p0 $0x1082;
	s9 =	sld [smem:$0x3FB3]  }
0x2f: {  	lr =	sadd.s32 s0, s3;
	s0 =	sld [smem:$0x3FAA]  }
0x30: {  	s3 =	sld [smem:$0x3FAD]  }
0x31: {  	[smem:$0x3FB6] =	sst s10  }
0x32: {  	s10 =	sld [smem:$0x3FB4];
	_ =	sdelay $0x3  }
0x33: {  	p0 =	seq.s32 s10, $0x1;
	s10 =	sld [smem:$0x3FB6];
	_ =	sdelay $0x3  }
0x34: {  	[smem:$0x3FB6] =	sst s10  }
0x35: {  	s10 =	sld [smem:$0x3FB5];
	_ =	sdelay $0x3  }
0x36: {  	p1 =	seq.s32 s10, $0x1;
	s10 =	sld [smem:$0x3FB6];
	_ =	sdelay $0x3  }
0x37: {  	[smem:$0x3FB6] =	sst s10  }
0x38: {  	s10 =	sld [smem:$0x3FB7]  }
0x39: {  	_ = 	snop;
	(pc) =	sbr.ind lr, $3  }
0x3a: {  	_ = 	snop  }
0x3b: {  	_ = 	snop  }
0x3c: {  	p2 =	seq.s32 s10, $0x1;
	s10 =	sld [smem:$0x3FB6]  }
0x3d: {  	_ =	shalt  }
0x3e: {  	_ =	shalt  }
0x3f: {  	_ =	shalt  }
0x40: {  	_ =	shalt  }
0x41: {  	_ =	shalt  }
0x42: {  	_ =	shalt  }
0x43: {  	_ =	shalt  }
0x44: {  	_ =	shalt  }
0x45: {  	_ =	shalt  }
0x46: {  	_ =	shalt  }
0x47: {  	_ =	shalt  }
0x48: {  	_ =	shalt  }
0x49: {  	_ =	shalt  }
0x4a: {  	_ =	shalt  }
0x4b: {  	_ =	shalt  }
0x4c: {  	_ =	shalt  }
0x4d: {  	_ =	shalt  }
0x4e: {  	_ =	shalt  }
0x4f: {  	_ =	shalt  }
0x50: {  	_ =	shalt  }
0x51: {  	_ =	shalt  }
0x52: {  	_ =	shalt  }
0x53: {  	_ =	shalt  }
0x54: {  	_ =	shalt  }
0x55: {  	_ =	shalt  }
0x56: {  	_ =	shalt  }
0x57: {  	_ =	shalt  }
0x58: {  	_ =	shalt  }
0x59: {  	_ =	shalt  }
0x5a: {  	_ =	shalt  }
0x5b: {  	_ =	shalt  }
0x5c: {  	_ =	shalt  }
0x5d: {  	_ =	shalt  }
0x5e: {  	_ =	shalt  }
0x5f: {  	_ =	shalt  }
0x60: {  	_ =	shalt  }
0x61: {  	_ =	shalt  }
0x62: {  	_ =	shalt  }
0x63: {  	_ =	shalt  }
0x64: {  	_ =	shalt  }
0x65: {  	_ =	shalt  }
0x66: {  	_ =	shalt  }
0x67: {  	_ =	shalt  }
0x68: {  	_ =	shalt  }
0x69: {  	_ =	shalt  }
0x6a: {  	_ =	shalt  }
0x6b: {  	_ =	shalt  }
0x6c: {  	_ =	shalt  }
0x6d: {  	_ =	shalt  }
0x6e: {  	_ =	shalt  }
0x6f: {  	_ =	shalt  }
0x70: {  	_ =	shalt  }
0x71: {  	_ =	shalt  }
0x72: {  	_ =	shalt  }
0x73: {  	_ =	shalt  }
0x74: {  	_ =	shalt  }
0x75: {  	_ =	shalt  }
0x76: {  	_ =	shalt  }
0x77: {  	_ =	shalt  }
0x78: {  	_ =	shalt  }
0x79: {  	_ =	shalt  }
0x7a: {  	_ =	shalt  }
0x7b: {  	_ =	shalt  }
0x7c: {  	_ =	shalt  }
0x7d: {  	_ =	shalt  }
0x7e: {  	_ =	shalt  }
0x7f: {  	_ =	shalt  }
0x80: {  	_ =	shalt  }
0x81: {  	_ =	shalt  }
0x82: {  	_ =	shalt  }
0x83: {  	_ =	shalt  }
0x84: {  	_ =	shalt  }
0x85: {  	_ =	shalt  }
0x86: {  	_ =	shalt  }
0x87: {  	_ =	shalt  }
.Lfunc_end0:
.L_simem_size_0:
called_computation.2_lowered:
.L_overlay_start_0:
0x88: {  	s2 =	sld [smem:$0x3FD9]  }
0x89: {  	s3 =	sld [smem:$0x3FFE];
	_ =	sdelay $0x1  }
0x8a: {  	s1 =	srdreg.scid  }
0x8b: {  	s0 =	sand.u32 $0x1, s1  }
0x8c: {  	s17 =	sshll.u32 s0, $0xA;
	s2 =	sadd.s32 s3, s2  }
0x8d: {  	s2 =	sadd.s32 s2, s17  }
0x8e: {  	[smem:$0x3FC2] =	sst s2  }
0x8f: {  	_ = 	snop  }
0x90: {  	s2 =	sld [smem:$0x3FD0];
	(tm) =	ssettm $0x1  }
0x91: {  	s18 =	sld [smem:$0x3FFB];
	_ =	sdelay $0x3  }
0x92: {  	_ =	strace s18  }
0x93: {  	s3 =	sld [smem:$0x3FFC];
	_ =	sdelay $0x3  }
0x94: {  	_ =	strace s3  }
0x95: {  	s3 =	sld [smem:$0x3FFD];
	_ =	sdelay $0x3  }
0x96: {  	_ =	strace s3  }
0x97: {  	_ =	strace $0x8FFFFFFF  }
0x98: {  	s19 =	sld [smem:$0x3FDB];
	_ =	sdelay $0x1  }
0x99: {  	s4 =	simm.s32 $_scs_section_size  }
0x9a: {  	s5 =	simm.s32 $_size__tile_overlayer_lowered;
	s6 =	simm.s32 $_tile_overlayer_lowered  }
0x9b: {  	s22 =	simm.s32 $0x1BFF;
	s21 =	sshll.u32 s6, $0x1;
	s3 =	sadd.s32 s4, s19  }
0x9c: {  	s7 =	simm.s32 $0x0;
	s20 =	sshll.u32 s5, $0x1;
	s5 =	sadd.s32 s21, s3  }
0x9d: {  	[timem:s7], [sflag:s22] =	dma.local [hbm:s5], s20  }
0x9e: {  	_ =	swait.ge [sflag:s22], s20  }
0x9f: {  	s4 =	ssub.s32 $0x0, s20;
	[sflag:s22] =	ssyncset.done $0x0  }
0xa0: {  	[sflag:s22] =	ssyncadd.s32 s4;
	_ =	sdelay $0x1  }
0xa1: {  	s23 =	simm.s32 $0x1B8B  }
0xa2: {  	_ =	swait.ge [sflag:s23], $0x1  }
0xa3: {  	[sflag:s23] =	ssyncset.done $0x0  }
0xa4: {  	s25 =	simm.s32 $0x1B8E;
	s24 =	sld [smem:$0x3FFE];
	[sflag:s23] =	ssyncadd.s32 $0xFFFFFFFF  }
0xa5: {  	s26 =	simm.s32 $execute0_lowered;
	[smem:$0x3FD2] =	sst s25  }
0xa6: {  	s5 =	sshll.u32 s26, $0x1;
	_ =	strace $0x8000004C;
	[dreg:$0x1] =	wrdreg $0xFFFFFFFF  }
0xa7: {  	s28 =	simm.s32 $_size_execute0_lowered;
	s3 =	sadd.s32 s3, s5;
	[dreg:$0x0] =	wrdreg $0x0  }
0xa8: {  	s5 =	sshll.u32 s28, $0x1;
	[dreg:$0x2] =	wrdreg s3  }
0xa9: {  	[dreg:$0x3] =	wrdreg s5  }
0xaa: {  	[dreg:$0x4] =	wrdreg $0xC0  }
0xab: {  	_ =	task [dreg:s7], $0x5FFFF  }
0xac: {  	[dreg:$0x1] =	wrdreg $0xFFFFFFFF  }
0xad: {  	[dreg:$0x0] =	wrdreg $0x60  }
0xae: {  	[dreg:$0x2] =	wrdreg s2  }
0xaf: {  	[dreg:$0x3] =	wrdreg s24  }
0xb0: {  	[dreg:$0x4] =	wrdreg $0xC7000  }
0xb1: {  	[dreg:$0x5] =	wrdreg $0x9  }
0xb2: {  	_ =	task.clear_ibuf [dreg:s7], $0x6FFFF;
	_ =	strace $0x9000004C  }
0xb3: {  	s29 =	simm.s32 $0x9;
	_ =	strace $0x8000004E  }
0xb4: {  	_ =	swait.ge [sflag:s29], $0x1  }
0xb5: {  	[sflag:s29] =	ssyncadd.s32 $0xFFFFFFFF  }
0xb6: {  	_ =	strace $0x9000004E  }
0xb7: {  	_ =	sfence  }
0xb8: {  	s30 =	sld [smem:$0x0];
	_ =	sdelay $0x2  }
0xb9: {  	s31 =	sshll.u32 s1, $0xD;
	s1 =	sshrl.u32 s1, $0x2  }
0xba: {  	s3 =	sand.u32 $0x4000, s31;
	s1 =	sadd.s32 s1, s30  }
0xbb: {  	s0 =	sor.u32 s3, s0;
	s1 =	sshll.u32 s1, $0x11  }
0xbc: {  	s0 =	sor.u32 s1, s0  }
0xbd: {  	s0 =	sadd.s32 $0x8F2B, s0  }
0xbe: {  	[sflag:s0] =	ssyncadd.remote.s32 $0x1  }
0xbf: {  	_ =	sfence.sel $0xFFFF  }
0xc0: {  	[dreg:$0x0] =	wrdreg $0xFFFFFFFF;
	(pc) =	sbr.abs _section_cstart, $3  }
0xc1: {  	[dreg:$0x1] =	wrdreg $0xFFFFFFFF  }
0xc2: {  	_ =	task.clear_ibuf [dreg:s7], $0x2FFFF;
	_ =	strace $0x9FFFFFFF  }
0xc3: {  	(tm) =	ssettm $0x7FFFFFFF  }
tec
execute0_lowered:
.L_overlay_start_1:
0x0: {  	(tag) =	ssettag $0x1  }
0x1: {  	s1 =	rddreg [dreg:$0x0]  }
0x2: {  	s0 =	rddreg [dreg:$0x1]  }
0x3: {  	s2 =	rddreg [dreg:$0x2]  }
0x4: {  	s3 =	srdreg.scid;
	s21 =	simm.s32 $0x0;
	s20 =	stileid.u32  }
0x5: {  	s10 =	simm.s32 $0x1;
	s29 =	simm.s32 $0x180;
	s5 =	smul.u32 $0x1F400, s20  }
0x6: {  	s30 =	simm.s32 $0x280;
	s28 =	simm.s32 $0x500;
	s11 =	smul.u32 $0x139000, s20  }
0x7: {  	s31 =	simm.s32 $0x580;
	s3 =	sand.u32 $0x1, s3;
	s13 =	smul.u32 $0xD, s20  }
0x8: {  	[smem:$0x7FF] =	sst s21;
	s8 =	sadd.s32 $0x3200, s0;
	s16 =	smul.u32 $0x7D000, s20  }
0x9: {  	s9 =	sadd.s32 $0xD000, s0;
	s22 =	sadd.s32 $0x3E000, s0;
	s4 =	smul.u32 $0x138800, s3  }
0xa: {  	_ =	strace $0x8000004D;
	[dreg:$0x8] =	wrdreg s22;
	s24 =	ssub.s32 $0x2, s3  }
0xb: {  	s23 =	sshll.u32 s3, $0x4;
	s3 =	smul.u32 $0xD0, s3;
	s7 =	sshrl.u32 s24, $0x1  }
0xc: {  	s11 =	sshrl.u32 s11, $0x2;
	s4 =	sadd.s32 s5, s4;
	s5 =	sor.u32 s20, s23  }
0xd: {  	s11 =	sadd.s32 s11, s2;
	s3 =	sadd.s32 s13, s3;
	s23 =	sshrl.u32 s16, $0x2  }
0xe: {  	s13 =	simm.s32 $0x3;
	s16 =	simm.s32 $0x7;
	s4 =	sshrl.u32 s4, $0x3  }
0xf: {  	s6 =	smul.u32 $0xD, s5;
	p0 =	sne.s32 s5, $0x0;
	p1 =	seq.s32 s5, $0x0  }
0x10: {  	s5 =	simm.s32 $0xE;
	s0 =	sadd.s32 s4, s0;
	s10 =	simm.s32 @!p0 $0x0  }
0x11: {  	s4 =	ssub.s32 s24, s7;
	s5 =	simm.s32 @!p1 $0xD;
	p0 =	sgt.u32 s20, $0x3  }
0x12: {  	p1 =	sgt.u32 s20, $0x9;
	s6 =	sadd.s32 s10, s6;
	s7 =	sshll.u32 s5, $0x1  }
0x13: {  	s3 =	sadd.s32 s10, s3;
	s5 =	smul.u32 $0x60, s5;
	s0 =	sadd.s32 $0x47E00, s0  }
0x14: {  	s4 =	smax.u32 s4, $0x1;
	s12 =	smul.u32 $0x300, s6;
	[dreg:$0x11] =	wrdreg s0  }
0x15: {  	s10 =	simm.s32 $0x4700;
	s0 =	sadd.s32 s23, s2;
	[dreg:$0x12] =	wrdreg s4  }
0x16: {  	[dreg:$0x4] =	wrdreg s5;
	s0 =	sshrl.u32 @!p1 s0, $0x3;
	s12 =	sshrl.u32 s12, $0x3  }
0x17: {  	s6 =	simm.s32 $0x1;
	[dreg:$0x14] =	wrdreg s0;
	s14 =	sadd.s32 s8, s12  }
0x18: {  	s3 =	smul.u32 $0x60, s3;
	s25 =	sadd.s32 s9, s12;
	[dreg:$0x9] =	wrdreg s14  }
0x19: {  	s23 =	simm.s32 $0x200;
	s15 =	sadd.s32 $0x10, s25;
	[dreg:$0xa] =	wrdreg s25  }
0x1a: {  	s12 =	sadd.s32 $0x30, s12;
	s26 =	sadd.s32 $0x20, s25;
	[dreg:$0xb] =	wrdreg s15  }
0x1b: {  	s5 =	simm.s32 $0x700;
	s17 =	sadd.s32 s8, s12;
	[dreg:$0xc] =	wrdreg s26  }
0x1c: {  	s0 =	simm.s32 $0x480;
	s18 =	sadd.s32 s9, s12;
	[dreg:$0xd] =	wrdreg s17  }
0x1d: {  	s19 =	sadd.s32 $0x40, s25;
	s22 =	sadd.s32 $0x50, s25;
	[dreg:$0xe] =	wrdreg s18  }
0x1e: {  	s8 =	sadd.s32 s3, s8;
	s12 =	simm.s32 $0x380;
	[dreg:$0xf] =	wrdreg s19  }
0x1f: {  	s14 =	simm.s32 $0x4;
	[dreg:$0x10] =	wrdreg s22;
	s24 =	sadd.s32 $0x60, s8  }
0x20: {  	s17 =	sadd.s32 s3, s9;
	s25 =	sadd.s32 $0x90, s8;
	s3 =	sshrl.u32 @!p0 s11, $0x3  }
0x21: {  	s22 =	simm.s32 $0x100;
	s11 =	simm.s32 $0x8700;
	s15 =	simm.s32 $0x6  }
0x22: {  	s18 =	simm.s32 $0x8;
	s19 =	simm.s32 $0x2;
	[dreg:$0x5] =	wrdreg s24  }
0x23: {  	s9 =	simm.s32 $0x0;
	[dreg:$0x6] =	wrdreg s25;
	s26 =	sadd.s32 $0x90, s17  }
0x24: {  	[dreg:$0x13] =	wrdreg s3;
	s24 =	simm.s32 $0x300;
	s25 =	simm.s32 $0x400  }
0x25: {  	s3 =	simm.s32 $0x5;
	[dreg:$0x7] =	wrdreg s26;
	s26 =	simm.s32 $0x80  }
.LBB2_1:
0x26: {  	[dreg:$0x15] =	wrdreg s9  }
0x27: {  	s4 =	sshll.u32 @!p0 s20, $0x6;
	s8 =	rddreg [dreg:$0x8]  }
0x28: {  	s9 =	rddreg [dreg:$0x13];
	s4 =	sor.u32 @!p0 $0x1C09, s4  }
0x29: {  	[spmem:s9], [sflag:s4] =	dma.local @!p0 [hbm:s8], $0x9C80  }
0x2a: {  	s4 =	simm.s32 @!p0 $0x9  }
0x2b: {  	_ =	swait.ge @!p0 [sflag:s4], $0x9C80  }
0x2c: {  	[sflag:s4] =	ssyncset.done @!p0 $0x0  }
0x2d: {  	s9 =	rddreg [dreg:$0x9];
	[sflag:s4] =	ssyncadd.s32 @!p0 $0xFFFF6380  }
0x2e: {  	[tilespmem:s21], [sflag:$0x1] =	stream.linear.gather [hbm4b:s9+s21], $0x80, $0x38;
	v63 =	vld [tilespmem:$0x0]  }
0x2f: {  	s20 =	sadd.s32 $0x10, s9  }
0x30: {  	[tilespmem:s22], [sflag:$0x1] =	stream.linear.gather [hbm4b:s20+s21], $0x80, $0x38;
	v63 =	vld [tilespmem:$0x0]  }
0x31: {  	s9 =	sadd.s32 $0x20, s9  }
0x32: {  	[tilespmem:s23], [sflag:$0x1] =	stream.linear.gather [hbm4b:s9+s21], $0x80, $0x38;
	v63 =	vld [tilespmem:$0x0]  }
0x33: {  	s20 =	rddreg [dreg:$0xa]  }
0x34: {  	[tilespmem:s24], [sflag:$0x1] =	stream.linear.gather [hbm4b:s20+s21], $0x80, $0x38;
	v63 =	vld [tilespmem:$0x0]  }
0x35: {  	s8 =	rddreg [dreg:$0xb]  }
0x36: {  	[tilespmem:s12], [sflag:$0x1] =	stream.linear.gather [hbm4b:s8+s21], $0x80, $0x38;
	v63 =	vld [tilespmem:$0x0]  }
0x37: {  	s9 =	rddreg [dreg:$0xc]  }
0x38: {  	[tilespmem:s25], [sflag:$0x1] =	stream.linear.gather [hbm4b:s9+s21], $0x80, $0x38;
	v63 =	vld [tilespmem:$0x0]  }
0x39: {  	s20 =	rddreg [dreg:$0xd]  }
0x3a: {  	[tilespmem:s26], [sflag:$0x2] =	stream.linear.gather [hbm4b:s20+s21], $0x80, $0x38;
	v63 =	vld [tilespmem:$0x0]  }
0x3b: {  	s9 =	sadd.s32 $0x10, s20  }
0x3c: {  	[tilespmem:s29], [sflag:$0x2] =	stream.linear.gather [hbm4b:s9+s21], $0x80, $0x38;
	v63 =	vld [tilespmem:$0x0]  }
0x3d: {  	s20 =	sadd.s32 $0x20, s20  }
0x3e: {  	[tilespmem:s30], [sflag:$0x2] =	stream.linear.gather [hbm4b:s20+s21], $0x80, $0x38;
	v63 =	vld [tilespmem:$0x0]  }
0x3f: {  	s8 =	rddreg [dreg:$0xe]  }
0x40: {  	[tilespmem:s0], [sflag:$0x2] =	stream.linear.gather [hbm4b:s8+s21], $0x80, $0x38;
	v63 =	vld [tilespmem:$0x0]  }
0x41: {  	s9 =	rddreg [dreg:$0xf]  }
0x42: {  	[tilespmem:s28], [sflag:$0x2] =	stream.linear.gather [hbm4b:s9+s21], $0x80, $0x38;
	v63 =	vld [tilespmem:$0x0]  }
0x43: {  	s20 =	rddreg [dreg:$0x10]  }
0x44: {  	[tilespmem:s31], [sflag:$0x2] =	stream.linear.gather [hbm4b:s20+s21], $0x80, $0x38;
	v63 =	vld [tilespmem:$0x0]  }
0x45: {  	[bflag:$0x0] =	sbarrier.arrive $0xFFFF  }
0x46: {  	_ =	swait.ge [sflag:s6], $0x180  }
0x47: {  	[sflag:s6] =	ssyncset.done $0x0  }
0x48: {  	[sflag:s6] =	ssyncadd.s32 $0xFFFFFE80  }
0x49: {  	_ =	swait.ge [sflag:s6], $0x80  }
0x4a: {  	[sflag:s6] =	ssyncset.done $0x0  }
0x4b: {  	[sflag:s6] =	ssyncadd.s32 $0xFFFFFF80  }
0x4c: {  	_ =	swait.ge [sflag:s6], $0x80  }
0x4d: {  	[sflag:s6] =	ssyncset.done $0x0  }
0x4e: {  	[sflag:s6] =	ssyncadd.s32 $0xFFFFFF80  }
0x4f: {  	_ =	swait.ge [sflag:s6], $0x80  }
0x50: {  	[sflag:s6] =	ssyncset.done $0x0  }
0x51: {  	[sflag:s6] =	ssyncadd.s32 $0xFFFFFF80  }
0x52: {  	[tilespmem:s5], [sflag:$0x3] =	stream.indirect.gather [hbm4b:s1+s26], $0x80, s21, s26, $0xb8;
	v63 =	vld [tilespmem:$0x0]  }
0x53: {  	_ = 	snop  }
0x54: {  	[tilespmem:s10], [sflag:$0x4] =	stream.indirect.gather [hbm4b:s1+s26], $0x80, s22, s26, $0xb8;
	v63 =	vld [tilespmem:$0x0]  }
0x55: {  	_ = 	snop  }
0x56: {  	[tilespmem:s11], [sflag:$0x5] =	stream.indirect.gather [hbm4b:s1+s26], $0x80, s23, s26, $0xb8;
	v63 =	vld [tilespmem:$0x0]  }
0x57: {  	_ =	swait.ge [sflag:s13], $0x4000  }
0x58: {  	[sflag:s13] =	ssyncset.done $0x0  }
0x59: {  	[sflag:s13] =	ssyncadd.s32 $0xFFFFC000  }
0x5a: {  	[spmem:s2] =	stream.indirect.scatter.add.f32 [tilespmem:s5], [sflag:$0x6], $0x80, s24, s26, $0xb8;
	v63 =	vld [tilespmem:$0x0]  }
0x5b: {  	_ =	swait.ge [sflag:s14], $0x4000  }
0x5c: {  	[sflag:s14] =	ssyncset.done $0x0  }
0x5d: {  	[sflag:s14] =	ssyncadd.s32 $0xFFFFC000  }
0x5e: {  	[spmem:s2] =	stream.indirect.scatter.add.f32 [tilespmem:s10], [sflag:$0x7], $0x80, s12, s26, $0xb8;
	v63 =	vld [tilespmem:$0x0]  }
0x5f: {  	_ =	swait.ge [sflag:s3], $0x4000  }
0x60: {  	[sflag:s3] =	ssyncset.done $0x0  }
0x61: {  	[sflag:s3] =	ssyncadd.s32 $0xFFFFC000  }
0x62: {  	[spmem:s2] =	stream.indirect.scatter.add.f32 [tilespmem:s11], [sflag:$0x8], $0x80, s25, s26, $0xb8;
	v63 =	vld [tilespmem:$0x0]  }
0x63: {  	_ =	swait.ge [sflag:s15], $0x4000  }
0x64: {  	[sflag:s15] =	ssyncset.done $0x0  }
0x65: {  	[sflag:s15] =	ssyncadd.s32 $0xFFFFC000  }
0x66: {  	_ =	swait.ge [sflag:s16], $0x4000  }
0x67: {  	[sflag:s16] =	ssyncset.done $0x0  }
0x68: {  	[sflag:s16] =	ssyncadd.s32 $0xFFFFC000  }
0x69: {  	_ =	swait.ge [sflag:s18], $0x4000  }
0x6a: {  	p2 =	sle.u32 s7, $0x2;
	s4 =	rddreg [dreg:$0x5];
	[sflag:s18] =	ssyncset.done $0x0  }
0x6b: {  	s8 =	simm.s32 @!p2 $0x0;
	[sflag:s18] =	ssyncadd.s32 $0xFFFFC000;
	s4 =	sadd.s32 @!p2 $0x0, s4  }
0x6c: {  	[tilespmem:s8], [sflag:$0x1] =	stream.linear.gather @!p2 [hbm4b:s4+s8], $0x80, $0x38;
	v63 =	vld [tilespmem:$0x0]  }
0x6d: {  	s12 =	simm.s32 @!p2 $0x100;
	s9 =	sadd.s32 @!p2 $0x10, s4  }
0x6e: {  	[tilespmem:s12], [sflag:$0x1] =	stream.linear.gather @!p2 [hbm4b:s9+s8], $0x80, $0x38;
	v63 =	vld [tilespmem:$0x0]  }
0x6f: {  	s4 =	sadd.s32 @!p2 $0x20, s4;
	s9 =	sadd.s32 @!p2 $0x0, s17;
	s12 =	simm.s32 @!p2 $0x200  }
0x70: {  	[tilespmem:s12], [sflag:$0x1] =	stream.linear.gather @!p2 [hbm4b:s4+s8], $0x80, $0x38;
	v63 =	vld [tilespmem:$0x0]  }
0x71: {  	s4 =	sadd.s32 @!p2 $0x60, s9;
	s12 =	simm.s32 @!p2 $0x300  }
0x72: {  	[tilespmem:s12], [sflag:$0x1] =	stream.linear.gather @!p2 [hbm4b:s4+s8], $0x80, $0x38;
	v63 =	vld [tilespmem:$0x0]  }
0x73: {  	s4 =	sadd.s32 @!p2 $0x70, s9;
	s12 =	simm.s32 @!p2 $0x380  }
0x74: {  	[tilespmem:s12], [sflag:$0x1] =	stream.linear.gather @!p2 [hbm4b:s4+s8], $0x80, $0x38;
	v63 =	vld [tilespmem:$0x0]  }
0x75: {  	s4 =	sadd.s32 @!p2 $0x80, s9;
	s9 =	simm.s32 @!p2 $0x400  }
0x76: {  	[tilespmem:s9], [sflag:$0x1] =	stream.linear.gather @!p2 [hbm4b:s4+s8], $0x80, $0x38;
	v63 =	vld [tilespmem:$0x0]  }
0x77: {  	_ =	swait.ge [sflag:s19], $0x180  }
0x78: {  	[sflag:s19] =	ssyncset.done $0x0  }
0x79: {  	[sflag:s19] =	ssyncadd.s32 $0xFFFFFE80  }
0x7a: {  	_ =	swait.ge [sflag:s19], $0x80  }
0x7b: {  	[sflag:s19] =	ssyncset.done $0x0  }
0x7c: {  	[sflag:s19] =	ssyncadd.s32 $0xFFFFFF80  }
0x7d: {  	_ =	swait.ge [sflag:s19], $0x80  }
0x7e: {  	[sflag:s19] =	ssyncset.done $0x0  }
0x7f: {  	[sflag:s19] =	ssyncadd.s32 $0xFFFFFF80  }
0x80: {  	_ =	swait.ge [sflag:s19], $0x80  }
0x81: {  	[sflag:s19] =	ssyncset.done $0x0  }
0x82: {  	[sflag:s19] =	ssyncadd.s32 $0xFFFFFF80  }
0x83: {  	[tilespmem:s5], [sflag:$0x3] =	stream.indirect.gather [hbm4b:s1+s26], $0x80, s26, s26, $0xb8;
	v63 =	vld [tilespmem:$0x0]  }
0x84: {  	_ = 	snop  }
0x85: {  	[tilespmem:s10], [sflag:$0x4] =	stream.indirect.gather [hbm4b:s1+s26], $0x80, s29, s26, $0xb8;
	v63 =	vld [tilespmem:$0x0]  }
0x86: {  	_ = 	snop  }
0x87: {  	[tilespmem:s11], [sflag:$0x5] =	stream.indirect.gather [hbm4b:s1+s26], $0x80, s30, s26, $0xb8;
	v63 =	vld [tilespmem:$0x0]  }
0x88: {  	_ =	swait.ge [sflag:s13], $0x4000  }
0x89: {  	[sflag:s13] =	ssyncset.done $0x0  }
0x8a: {  	[sflag:s13] =	ssyncadd.s32 $0xFFFFC000  }
0x8b: {  	[spmem:s2] =	stream.indirect.scatter.add.f32 [tilespmem:s5], [sflag:$0x6], $0x80, s0, s26, $0xb8;
	v63 =	vld [tilespmem:$0x0]  }
0x8c: {  	_ =	swait.ge [sflag:s14], $0x4000  }
0x8d: {  	[sflag:s14] =	ssyncset.done $0x0  }
0x8e: {  	[sflag:s14] =	ssyncadd.s32 $0xFFFFC000  }
0x8f: {  	[spmem:s2] =	stream.indirect.scatter.add.f32 [tilespmem:s10], [sflag:$0x7], $0x80, s28, s26, $0xb8;
	v63 =	vld [tilespmem:$0x0]  }
0x90: {  	_ =	swait.ge [sflag:s3], $0x4000  }
0x91: {  	[sflag:s3] =	ssyncset.done $0x0  }
0x92: {  	[sflag:s3] =	ssyncadd.s32 $0xFFFFC000  }
0x93: {  	[spmem:s2] =	stream.indirect.scatter.add.f32 [tilespmem:s11], [sflag:$0x8], $0x80, s31, s26, $0xb8;
	v63 =	vld [tilespmem:$0x0]  }
0x94: {  	_ =	swait.ge [sflag:s15], $0x4000  }
0x95: {  	[sflag:s15] =	ssyncset.done $0x0  }
0x96: {  	[sflag:s15] =	ssyncadd.s32 $0xFFFFC000  }
0x97: {  	_ =	swait.ge [sflag:s16], $0x4000  }
0x98: {  	p2 =	sle.u32 s7, $0x3;
	[sflag:s16] =	ssyncset.done $0x0  }
0x99: {  	s25 =	simm.s32 @!p2 $0x0;
	s8 =	simm.s32 @!p2 $0x80;
	[sflag:s16] =	ssyncadd.s32 $0xFFFFC000  }
0x9a: {  	s12 =	simm.s32 @!p2 $0x180;
	s20 =	sadd.s32 @!p2 $0x0, s17;
	_ =	swait.ge [sflag:s18], $0x4000  }
0x9b: {  	s29 =	simm.s32 $0x400;
	s4 =	rddreg [dreg:$0x6];
	[sflag:s18] =	ssyncset.done $0x0  }
0x9c: {  	s30 =	simm.s32 $0x180;
	[sflag:s18] =	ssyncadd.s32 $0xFFFFC000;
	s4 =	sadd.s32 @!p2 $0x0, s4  }
0x9d: {  	[tilespmem:s8], [sflag:$0x2] =	stream.linear.gather @!p2 [hbm4b:s4+s25], $0x80, $0x38;
	v63 =	vld [tilespmem:$0x0]  }
0x9e: {  	s0 =	simm.s32 $0x580;
	s8 =	rddreg [dreg:$0x7];
	s9 =	sadd.s32 @!p2 $0x10, s4  }
0x9f: {  	[tilespmem:s12], [sflag:$0x2] =	stream.linear.gather @!p2 [hbm4b:s9+s25], $0x80, $0x38;
	v63 =	vld [tilespmem:$0x0]  }
0xa0: {  	s28 =	simm.s32 $0x500;
	s31 =	simm.s32 $0x280;
	s12 =	rddreg [dreg:$0x4]  }
0xa1: {  	s4 =	sadd.s32 @!p2 $0x20, s4;
	s9 =	simm.s32 @!p2 $0x280;
	p3 =	sne.s32 s12, $0x60  }
0xa2: {  	[tilespmem:s9], [sflag:$0x2] =	stream.linear.gather @!p2 [hbm4b:s4+s25], $0x80, $0x38;
	v63 =	vld [tilespmem:$0x0]  }
.Ltmp0:
0xa3: {  	s4 =	sadd.s32 @!p2 $0x0, s8;
	s8 =	simm.s32 @!p2 $0x480;
	(pc) =	sbr.rel @!p3 .LBB2_3-.Ltmp0, $4  }
0xa4: {  	[tilespmem:s8], [sflag:$0x2] =	stream.linear.gather @!p2 [hbm4b:s4+s25], $0x80, $0x38;
	v63 =	vld [tilespmem:$0x0]  }
0xa5: {  	s9 =	simm.s32 $0x60;
	s4 =	sadd.s32 @!p2 $0xA0, s20;
	s8 =	simm.s32 @!p2 $0x500  }
0xa6: {  	[tilespmem:s8], [sflag:$0x2] =	stream.linear.gather @!p2 [hbm4b:s4+s25], $0x80, $0x38;
	v63 =	vld [tilespmem:$0x0]  }
0xa7: {  	s4 =	sadd.s32 @!p2 $0xB0, s20;
	s20 =	simm.s32 @!p2 $0x580;
	s8 =	simm.s32 $0x2  }
.LBB2_2:
0xa8: {  	[tilespmem:s20], [sflag:$0x2] =	stream.linear.gather @!p2 [hbm4b:s4+s25], $0x80, $0x38;
	v63 =	vld [tilespmem:$0x0]  }
0xa9: {  	_ =	swait.ge [sflag:s6], $0x180  }
0xaa: {  	[sflag:s6] =	ssyncset.done $0x0  }
0xab: {  	[sflag:s6] =	ssyncadd.s32 $0xFFFFFE80  }
0xac: {  	_ =	swait.ge [sflag:s6], $0x80  }
0xad: {  	[sflag:s6] =	ssyncset.done $0x0  }
0xae: {  	[sflag:s6] =	ssyncadd.s32 $0xFFFFFF80  }
0xaf: {  	_ =	swait.ge [sflag:s6], $0x80  }
0xb0: {  	[sflag:s6] =	ssyncset.done $0x0  }
0xb1: {  	[sflag:s6] =	ssyncadd.s32 $0xFFFFFF80  }
0xb2: {  	_ =	swait.ge [sflag:s6], $0x80  }
0xb3: {  	[sflag:s6] =	ssyncset.done $0x0  }
0xb4: {  	[sflag:s6] =	ssyncadd.s32 $0xFFFFFF80  }
0xb5: {  	[tilespmem:s5], [sflag:$0x3] =	stream.indirect.gather [hbm4b:s1+s26], $0x80, s21, s26, $0xb8;
	v63 =	vld [tilespmem:$0x0]  }
0xb6: {  	_ = 	snop  }
0xb7: {  	[tilespmem:s10], [sflag:$0x4] =	stream.indirect.gather [hbm4b:s1+s26], $0x80, s22, s26, $0xb8;
	v63 =	vld [tilespmem:$0x0]  }
0xb8: {  	_ = 	snop  }
0xb9: {  	[tilespmem:s11], [sflag:$0x5] =	stream.indirect.gather [hbm4b:s1+s26], $0x80, s23, s26, $0xb8;
	v63 =	vld [tilespmem:$0x0]  }
0xba: {  	_ =	swait.ge [sflag:s13], $0x4000  }
0xbb: {  	[sflag:s13] =	ssyncset.done $0x0  }
0xbc: {  	[sflag:s13] =	ssyncadd.s32 $0xFFFFC000  }
0xbd: {  	[spmem:s2] =	stream.indirect.scatter.add.f32 [tilespmem:s5], [sflag:$0x6], $0x80, s24, s26, $0xb8;
	v63 =	vld [tilespmem:$0x0]  }
0xbe: {  	_ =	swait.ge [sflag:s14], $0x4000  }
0xbf: {  	[sflag:s14] =	ssyncset.done $0x0  }
0xc0: {  	s23 =	simm.s32 $0x380;
	[sflag:s14] =	ssyncadd.s32 $0xFFFFC000  }
0xc1: {  	[spmem:s2] =	stream.indirect.scatter.add.f32 [tilespmem:s10], [sflag:$0x7], $0x80, s23, s26, $0xb8;
	v63 =	vld [tilespmem:$0x0]  }
0xc2: {  	_ =	swait.ge [sflag:s3], $0x4000  }
0xc3: {  	[sflag:s3] =	ssyncset.done $0x0  }
0xc4: {  	[sflag:s3] =	ssyncadd.s32 $0xFFFFC000  }
0xc5: {  	[spmem:s2] =	stream.indirect.scatter.add.f32 [tilespmem:s11], [sflag:$0x8], $0x80, s29, s26, $0xb8;
	v63 =	vld [tilespmem:$0x0]  }
0xc6: {  	_ =	swait.ge [sflag:s15], $0x4000  }
0xc7: {  	[sflag:s15] =	ssyncset.done $0x0  }
0xc8: {  	[sflag:s15] =	ssyncadd.s32 $0xFFFFC000  }
0xc9: {  	_ =	swait.ge [sflag:s16], $0x4000  }
0xca: {  	[sflag:s16] =	ssyncset.done $0x0  }
0xcb: {  	[sflag:s16] =	ssyncadd.s32 $0xFFFFC000  }
0xcc: {  	s8 =	sadd.s32 $0x2, s8;
	s12 =	smov.u32 s9;
	_ =	swait.ge [sflag:s18], $0x4000  }
0xcd: {  	p2 =	sge.u32 s8, s7;
	s4 =	rddreg [dreg:$0x5];
	[sflag:s18] =	ssyncset.done $0x0  }
0xce: {  	s20 =	simm.s32 @!p2 $0x0;
	[sflag:s18] =	ssyncadd.s32 $0xFFFFC000;
	s4 =	sadd.s32 @!p2 s12, s4  }
0xcf: {  	[tilespmem:s20], [sflag:$0x1] =	stream.linear.gather @!p2 [hbm4b:s4+s20], $0x80, $0x38;
	v63 =	vld [tilespmem:$0x0]  }
0xd0: {  	s21 =	simm.s32 @!p2 $0x100;
	s25 =	sadd.s32 @!p2 $0x10, s4  }
0xd1: {  	[tilespmem:s21], [sflag:$0x1] =	stream.linear.gather @!p2 [hbm4b:s25+s20], $0x80, $0x38;
	v63 =	vld [tilespmem:$0x0]  }
0xd2: {  	s22 =	sadd.s32 @!p2 s12, s17;
	s4 =	sadd.s32 @!p2 $0x20, s4;
	s21 =	simm.s32 @!p2 $0x200  }
0xd3: {  	[tilespmem:s21], [sflag:$0x1] =	stream.linear.gather @!p2 [hbm4b:s4+s20], $0x80, $0x38;
	v63 =	vld [tilespmem:$0x0]  }
0xd4: {  	s25 =	sadd.s32 @!p2 $0x60, s22;
	s4 =	simm.s32 @!p2 $0x300  }
0xd5: {  	[tilespmem:s4], [sflag:$0x1] =	stream.linear.gather @!p2 [hbm4b:s25+s20], $0x80, $0x38;
	v63 =	vld [tilespmem:$0x0]  }
0xd6: {  	s21 =	sadd.s32 @!p2 $0x70, s22;
	s4 =	simm.s32 @!p2 $0x380  }
0xd7: {  	[tilespmem:s4], [sflag:$0x1] =	stream.linear.gather @!p2 [hbm4b:s21+s20], $0x80, $0x38;
	v63 =	vld [tilespmem:$0x0]  }
0xd8: {  	s22 =	sadd.s32 @!p2 $0x80, s22;
	s4 =	simm.s32 @!p2 $0x400  }
0xd9: {  	[tilespmem:s4], [sflag:$0x1] =	stream.linear.gather @!p2 [hbm4b:s22+s20], $0x80, $0x38;
	v63 =	vld [tilespmem:$0x0]  }
0xda: {  	_ =	swait.ge [sflag:s19], $0x180  }
0xdb: {  	[sflag:s19] =	ssyncset.done $0x0  }
0xdc: {  	[sflag:s19] =	ssyncadd.s32 $0xFFFFFE80  }
0xdd: {  	_ =	swait.ge [sflag:s19], $0x80  }
0xde: {  	[sflag:s19] =	ssyncset.done $0x0  }
0xdf: {  	[sflag:s19] =	ssyncadd.s32 $0xFFFFFF80  }
0xe0: {  	_ =	swait.ge [sflag:s19], $0x80  }
0xe1: {  	[sflag:s19] =	ssyncset.done $0x0  }
0xe2: {  	[sflag:s19] =	ssyncadd.s32 $0xFFFFFF80  }
0xe3: {  	_ =	swait.ge [sflag:s19], $0x80  }
0xe4: {  	[sflag:s19] =	ssyncset.done $0x0  }
0xe5: {  	[sflag:s19] =	ssyncadd.s32 $0xFFFFFF80  }
0xe6: {  	[tilespmem:s5], [sflag:$0x3] =	stream.indirect.gather [hbm4b:s1+s26], $0x80, s26, s26, $0xb8;
	v63 =	vld [tilespmem:$0x0]  }
0xe7: {  	_ = 	snop  }
0xe8: {  	[tilespmem:s10], [sflag:$0x4] =	stream.indirect.gather [hbm4b:s1+s26], $0x80, s30, s26, $0xb8;
	v63 =	vld [tilespmem:$0x0]  }
0xe9: {  	_ = 	snop  }
0xea: {  	[tilespmem:s11], [sflag:$0x5] =	stream.indirect.gather [hbm4b:s1+s26], $0x80, s31, s26, $0xb8;
	v63 =	vld [tilespmem:$0x0]  }
0xeb: {  	_ =	swait.ge [sflag:s13], $0x4000  }
0xec: {  	[sflag:s13] =	ssyncset.done $0x0  }
0xed: {  	s24 =	simm.s32 $0x480;
	[sflag:s13] =	ssyncadd.s32 $0xFFFFC000  }
0xee: {  	[spmem:s2] =	stream.indirect.scatter.add.f32 [tilespmem:s5], [sflag:$0x6], $0x80, s24, s26, $0xb8;
	v63 =	vld [tilespmem:$0x0]  }
0xef: {  	_ =	swait.ge [sflag:s14], $0x4000  }
0xf0: {  	[sflag:s14] =	ssyncset.done $0x0  }
0xf1: {  	[sflag:s14] =	ssyncadd.s32 $0xFFFFC000  }
0xf2: {  	[spmem:s2] =	stream.indirect.scatter.add.f32 [tilespmem:s10], [sflag:$0x7], $0x80, s28, s26, $0xb8;
	v63 =	vld [tilespmem:$0x0]  }
0xf3: {  	_ =	swait.ge [sflag:s3], $0x4000  }
0xf4: {  	[sflag:s3] =	ssyncset.done $0x0  }
0xf5: {  	[sflag:s3] =	ssyncadd.s32 $0xFFFFC000  }
0xf6: {  	[spmem:s2] =	stream.indirect.scatter.add.f32 [tilespmem:s11], [sflag:$0x8], $0x80, s0, s26, $0xb8;
	v63 =	vld [tilespmem:$0x0]  }
0xf7: {  	_ =	swait.ge [sflag:s15], $0x4000  }
0xf8: {  	[sflag:s15] =	ssyncset.done $0x0  }
0xf9: {  	[sflag:s15] =	ssyncadd.s32 $0xFFFFC000  }
0xfa: {  	_ =	swait.ge [sflag:s16], $0x4000  }
0xfb: {  	[sflag:s16] =	ssyncset.done $0x0  }
0xfc: {  	[sflag:s16] =	ssyncadd.s32 $0xFFFFC000  }
0xfd: {  	s25 =	sadd.s32 $0x1, s8;
	_ =	swait.ge [sflag:s18], $0x4000  }
0xfe: {  	s9 =	sadd.s32 $0x60, s9;
	p2 =	sge.u32 s25, s7;
	s4 =	rddreg [dreg:$0x6]  }
0xff: {  	s25 =	simm.s32 @!p2 $0x0;
	s22 =	simm.s32 @!p2 $0x80;
	s21 =	rddreg [dreg:$0x7]  }
0x100: {  	s24 =	simm.s32 @!p2 $0x180;
	[sflag:s18] =	ssyncset.done $0x0;
	s20 =	rddreg [dreg:$0x4]  }
0x101: {  	[sflag:s18] =	ssyncadd.s32 $0xFFFFC000;
	s4 =	sadd.s32 @!p2 s12, s4;
	s21 =	sadd.s32 @!p2 s12, s21  }
0x102: {  	[tilespmem:s22], [sflag:$0x2] =	stream.linear.gather @!p2 [hbm4b:s4+s25], $0x80, $0x38;
	v63 =	vld [tilespmem:$0x0]  }
0x103: {  	s12 =	sadd.s32 @!p2 s12, s17;
	p3 =	sne.s32 s20, s9;
	s23 =	sadd.s32 @!p2 $0x10, s4  }
0x104: {  	[tilespmem:s24], [sflag:$0x2] =	stream.linear.gather @!p2 [hbm4b:s23+s25], $0x80, $0x38;
	v63 =	vld [tilespmem:$0x0]  }
0x105: {  	s20 =	simm.s32 @!p2 $0x580;
	s4 =	sadd.s32 @!p2 $0x20, s4;
	s22 =	simm.s32 @!p2 $0x280  }
0x106: {  	[tilespmem:s22], [sflag:$0x2] =	stream.linear.gather @!p2 [hbm4b:s4+s25], $0x80, $0x38;
	v63 =	vld [tilespmem:$0x0]  }
.Ltmp1:
0x107: {  	s23 =	simm.s32 @!p2 $0x480;
	s24 =	simm.s32 @!p2 $0x500;
	(pc) =	sbr.rel @p3 .LBB2_2-.Ltmp1, $4  }
0x108: {  	[tilespmem:s23], [sflag:$0x2] =	stream.linear.gather @!p2 [hbm4b:s21+s25], $0x80, $0x38;
	v63 =	vld [tilespmem:$0x0]  }
0x109: {  	s22 =	sadd.s32 @!p2 $0xA0, s12;
	s4 =	sadd.s32 @!p2 $0xB0, s12;
	s23 =	simm.s32 $0x200  }
0x10a: {  	[tilespmem:s24], [sflag:$0x2] =	stream.linear.gather @!p2 [hbm4b:s22+s25], $0x80, $0x38;
	v63 =	vld [tilespmem:$0x0]  }
0x10b: {  	s21 =	simm.s32 $0x0;
	s24 =	simm.s32 $0x300;
	s22 =	simm.s32 $0x100  }
.LBB2_3:
0x10c: {  	[tilespmem:s20], [sflag:$0x2] =	stream.linear.gather @!p2 [hbm4b:s4+s25], $0x80, $0x38;
	v63 =	vld [tilespmem:$0x0]  }
0x10d: {  	s20 =	stileid.u32;
	[bflag:$0x0] =	sbarrier.arrive $0xFFFF  }
0x10e: {  	s4 =	sshll.u32 @!p1 s20, $0x6;
	s8 =	rddreg [dreg:$0x11]  }
0x10f: {  	s4 =	sor.u32 @!p1 $0x1C09, s4;
	s9 =	rddreg [dreg:$0x14]  }
0x110: {  	[hbm:s8], [sflag:s4] =	dma.local @!p1 [spmem:s9], $0x3E80  }
0x111: {  	s4 =	simm.s32 @!p1 $0x9  }
0x112: {  	_ =	swait.ge @!p1 [sflag:s4], $0x3E80  }
0x113: {  	s12 =	rddreg [dreg:$0x15]  }
0x114: {  	s25 =	rddreg [dreg:$0x12];
	s9 =	sadd.s32 $0x1, s12  }
0x115: {  	p2 =	sne.s32 s9, s25  }
.Ltmp2:
0x116: {  	_ = 	snop;
	(pc) =	sbr.rel @p2 .LBB2_1-.Ltmp2, $4  }
0x117: {  	_ = 	snop  }
0x118: {  	s29 =	simm.s32 $0x180;
	s30 =	simm.s32 $0x280;
	s0 =	simm.s32 $0x480  }
0x119: {  	s28 =	simm.s32 $0x500;
	s31 =	simm.s32 $0x580;
	[sflag:s4] =	ssyncset.done @!p1 $0x0  }
0x11a: {  	[sflag:s4] =	ssyncadd.s32 @!p1 $0xFFFFC180;
	s12 =	simm.s32 $0x380;
	s25 =	simm.s32 $0x400  }
0x11b: {  	_ =	sfence.sel $0x180000  }
0x11c: {  	[bflag:$0x0] =	sbarrier.arrive $0xFFFF  }
0x11d: {  	_ =	strace $0x9000004D  }
0x11e: {  	[bflag:$0x2] =	sbarrier.arrive $0xFFFF  }
0x11f: {  	p0 =	sne.s32 s20, $0x0;
	s0 =	rddreg [dreg:$0x3]  }
0x120: {  	s0 =	sadd.s32 @!p0 $0x100000, s0  }
0x121: {  	[sflag:s0] =	ssyncadd.tile.s32 @!p0 $0x1;
	_ =	shalt  }
.Lfunc_end2:
_tile_overlayer_lowered:
.L_overlay_start_2:
0x122: {  	(tag) =	ssettag $0x2  }
0x123: {  	s0 =	rddreg [dreg:$0x0];
	s2 =	stileid.u32  }
0x124: {  	s1 =	rddreg [dreg:$0x1];
	p0 =	sne.s32 s2, $0x0  }
0x125: {  	s3 =	rddreg [dreg:$0x2];
	[bflag:$0x3] =	sbarrier.arrive $0xFFFF;
	s2 =	simm.s32 @!p0 $0x1C09  }
0x126: {  	[timem:s3], [sflag:s2] =	dma.local @!p0 [hbm:s0], s1  }
0x127: {  	s0 =	simm.s32 @!p0 $0x9  }
0x128: {  	_ =	swait.ge @!p0 [sflag:s0], s1  }
0x129: {  	s1 =	ssub.s32 @!p0 $0x0, s1;
	[sflag:s0] =	ssyncset.done @!p0 $0x0  }
0x12a: {  	[sflag:s0] =	ssyncadd.s32 @!p0 s1  }
0x12b: {  	[bflag:$0x3] =	sbarrier.arrive $0xFFFF  }
0x12c: {  	_ =	shalt  }

// kernel: kernel.8.cloned.1.call-start
scs
__scs_entry_jumppad:
0x0: {  	(pc) =	sbr.rel $0x88, $3  }
0x1: {  	(tag) =	ssettag $0x0;
	lr =	simm.s32 $0x1  }
0x2: {  	[smem:$0x3F9B] =	sst lr;
	_ =	strace $0xD0000000  }
0x3: {  	_ = 	snop  }
0x4: {  	_ = 	snop  }
0x5: {  	_ = 	snop  }
0x6: {  	_ = 	snop  }
0x7: {  	_ = 	snop  }
__scs_overlays_trampoline_lowered:
0x8: {  	[smem:$0x3FAA] =	sst s0  }
0x9: {  	[smem:$0x3FAB] =	sst s1  }
0xa: {  	[smem:$0x3FAC] =	sst s2  }
0xb: {  	[smem:$0x3FAD] =	sst s3  }
0xc: {  	[smem:$0x3FAE] =	sst s4  }
0xd: {  	[smem:$0x3FAF] =	sst s5  }
0xe: {  	[smem:$0x3FB0] =	sst s6  }
0xf: {  	[smem:$0x3FB1] =	sst s7  }
0x10: {  	[smem:$0x3FB2] =	sst s8  }
0x11: {  	[smem:$0x3FB3] =	sst s9;
	s0 =	simm.s32 @!p0 $0x0  }
0x12: {  	s1 =	sld [smem:$0x3F99];
	s0 =	simm.s32 @p0 $0x1  }
0x13: {  	[smem:$0x3FB4] =	sst s0;
	s0 =	simm.s32 @!p1 $0x0  }
0x14: {  	s2 =	sld [smem:$0x3F98];
	s0 =	simm.s32 @p1 $0x1  }
0x15: {  	[smem:$0x3FB5] =	sst s0;
	s0 =	simm.s32 @!p2 $0x0  }
0x16: {  	s3 =	sld [smem:$0x3FDB];
	s0 =	simm.s32 @p2 $0x1  }
0x17: {  	s4 =	simm.s32 $0x1BF5;
	[smem:$0x3FB7] =	sst s0  }
0x18: {  	s0 =	sld [smem:$0x3F9A];
	_ =	swait.ge [sflag:s4], $0x0  }
0x19: {  	s7 =	sld [smem:$0x3F9B]  }
0x1a: {  	s8 =	sadd.s32 $0xFFFFE003, lr  }
0x1b: {  	s9 =	sadd.s32 $0xFFFFFEF7, lr;
	s5 =	simm.s32 $0xFFFFFFFF;
	p2 =	slt.u32 s8, $0xFFFFF086  }
0x1c: {  	p1 =	slt.u32 s9, $0xF7A;
	s5 =	simm.s32 @!p2 $0x0  }
0x1d: {  	s5 =	simm.s32 @p1 $0x1;
	p0 =	seq.s32 s7, s2  }
0x1e: {  	s7 =	smul.u32 @!p0 $0xF7A, s2;
	p2 =	seq.s32 @!p0 s5, $0x0  }
0x1f: {  	s9 =	smul.u32 $0xF7A, s1;
	s8 =	simm.s32 @!p0 $0x1BF5;
	p2 =	por !p2, p0  }
0x20: {  	[sflag:s8] =	ssyncset.s32 @!p0 $0xFFFFF086;
	s6 =	sadd.s32 @!p0 s3, s7;
	s7 =	simm.s32 @!p0 $0x108  }
0x21: {  	s3 =	sadd.s32 s3, s9;
	s6 =	sadd.s32 @!p0 $0x88, s6;
	s7 =	simm.s32 @p2 $0x1082  }
0x22: {  	[simem:s7], [sflag:s8] =	dma.local @!p0 [hbm:s6], $0xF7A  }
0x23: {  	s9 =	sor.u32 $0xD0000000, s2;
	s6 =	simm.s32 $0x108;
	_ =	swait.ge @!p0 [sflag:s8], $0x0  }
0x24: {  	s3 =	sadd.s32 $0x88, s3;
	s6 =	simm.s32 @!p1 $0x1082;
	[sflag:s4] =	ssyncset.s32 $0xFFFFF086  }
0x25: {  	[simem:s6], [sflag:s4] =	dma.local [hbm:s3], $0xF7A  }
0x26: {  	[smem:$0x3F9B] =	sst s1;
	(tag) =	ssettag s2;
	_ =	strace s9  }
0x27: {  	s1 =	sld [smem:$0x3FAB]  }
0x28: {  	s2 =	sld [smem:$0x3FAC]  }
0x29: {  	s4 =	sld [smem:$0x3FAE]  }
0x2a: {  	p0 =	seq.s32 s5, $0x0;
	s5 =	sld [smem:$0x3FAF]  }
0x2b: {  	s6 =	sld [smem:$0x3FB0]  }
0x2c: {  	s7 =	sld [smem:$0x3FB1]  }
0x2d: {  	s3 =	simm.s32 $0x108;
	s8 =	sld [smem:$0x3FB2]  }
0x2e: {  	s3 =	simm.s32 @!p0 $0x1082;
	s9 =	sld [smem:$0x3FB3]  }
0x2f: {  	lr =	sadd.s32 s0, s3;
	s0 =	sld [smem:$0x3FAA]  }
0x30: {  	s3 =	sld [smem:$0x3FAD]  }
0x31: {  	[smem:$0x3FB6] =	sst s10  }
0x32: {  	s10 =	sld [smem:$0x3FB4];
	_ =	sdelay $0x3  }
0x33: {  	p0 =	seq.s32 s10, $0x1;
	s10 =	sld [smem:$0x3FB6];
	_ =	sdelay $0x3  }
0x34: {  	[smem:$0x3FB6] =	sst s10  }
0x35: {  	s10 =	sld [smem:$0x3FB5];
	_ =	sdelay $0x3  }
0x36: {  	p1 =	seq.s32 s10, $0x1;
	s10 =	sld [smem:$0x3FB6];
	_ =	sdelay $0x3  }
0x37: {  	[smem:$0x3FB6] =	sst s10  }
0x38: {  	s10 =	sld [smem:$0x3FB7]  }
0x39: {  	_ = 	snop;
	(pc) =	sbr.ind lr, $3  }
0x3a: {  	_ = 	snop  }
0x3b: {  	_ = 	snop  }
0x3c: {  	p2 =	seq.s32 s10, $0x1;
	s10 =	sld [smem:$0x3FB6]  }
0x3d: {  	_ =	shalt  }
0x3e: {  	_ =	shalt  }
0x3f: {  	_ =	shalt  }
0x40: {  	_ =	shalt  }
0x41: {  	_ =	shalt  }
0x42: {  	_ =	shalt  }
0x43: {  	_ =	shalt  }
0x44: {  	_ =	shalt  }
0x45: {  	_ =	shalt  }
0x46: {  	_ =	shalt  }
0x47: {  	_ =	shalt  }
0x48: {  	_ =	shalt  }
0x49: {  	_ =	shalt  }
0x4a: {  	_ =	shalt  }
0x4b: {  	_ =	shalt  }
0x4c: {  	_ =	shalt  }
0x4d: {  	_ =	shalt  }
0x4e: {  	_ =	shalt  }
0x4f: {  	_ =	shalt  }
0x50: {  	_ =	shalt  }
0x51: {  	_ =	shalt  }
0x52: {  	_ =	shalt  }
0x53: {  	_ =	shalt  }
0x54: {  	_ =	shalt  }
0x55: {  	_ =	shalt  }
0x56: {  	_ =	shalt  }
0x57: {  	_ =	shalt  }
0x58: {  	_ =	shalt  }
0x59: {  	_ =	shalt  }
0x5a: {  	_ =	shalt  }
0x5b: {  	_ =	shalt  }
0x5c: {  	_ =	shalt  }
0x5d: {  	_ =	shalt  }
0x5e: {  	_ =	shalt  }
0x5f: {  	_ =	shalt  }
0x60: {  	_ =	shalt  }
0x61: {  	_ =	shalt  }
0x62: {  	_ =	shalt  }
0x63: {  	_ =	shalt  }
0x64: {  	_ =	shalt  }
0x65: {  	_ =	shalt  }
0x66: {  	_ =	shalt  }
0x67: {  	_ =	shalt  }
0x68: {  	_ =	shalt  }
0x69: {  	_ =	shalt  }
0x6a: {  	_ =	shalt  }
0x6b: {  	_ =	shalt  }
0x6c: {  	_ =	shalt  }
0x6d: {  	_ =	shalt  }
0x6e: {  	_ =	shalt  }
0x6f: {  	_ =	shalt  }
0x70: {  	_ =	shalt  }
0x71: {  	_ =	shalt  }
0x72: {  	_ =	shalt  }
0x73: {  	_ =	shalt  }
0x74: {  	_ =	shalt  }
0x75: {  	_ =	shalt  }
0x76: {  	_ =	shalt  }
0x77: {  	_ =	shalt  }
0x78: {  	_ =	shalt  }
0x79: {  	_ =	shalt  }
0x7a: {  	_ =	shalt  }
0x7b: {  	_ =	shalt  }
0x7c: {  	_ =	shalt  }
0x7d: {  	_ =	shalt  }
0x7e: {  	_ =	shalt  }
0x7f: {  	_ =	shalt  }
0x80: {  	_ =	shalt  }
0x81: {  	_ =	shalt  }
0x82: {  	_ =	shalt  }
0x83: {  	_ =	shalt  }
0x84: {  	_ =	shalt  }
0x85: {  	_ =	shalt  }
0x86: {  	_ =	shalt  }
0x87: {  	_ =	shalt  }
.Lfunc_end0:
.L_simem_size_0:
called_computation_lowered:
.L_overlay_start_0:
0x88: {  	s2 =	sld [smem:$0x3FD9]  }
0x89: {  	s3 =	sld [smem:$0x3FFE];
	_ =	sdelay $0x1  }
0x8a: {  	s1 =	srdreg.scid  }
0x8b: {  	s0 =	sand.u32 $0x1, s1  }
0x8c: {  	s17 =	sshll.u32 s0, $0xA;
	s2 =	sadd.s32 s3, s2  }
0x8d: {  	s2 =	sadd.s32 s2, s17  }
0x8e: {  	[smem:$0x3FC2] =	sst s2  }
0x8f: {  	_ = 	snop  }
0x90: {  	s2 =	sld [smem:$0x3FD0];
	(tm) =	ssettm $0x1  }
0x91: {  	s18 =	sld [smem:$0x3FFB];
	_ =	sdelay $0x3  }
0x92: {  	_ =	strace s18  }
0x93: {  	s3 =	sld [smem:$0x3FFC];
	_ =	sdelay $0x3  }
0x94: {  	_ =	strace s3  }
0x95: {  	s3 =	sld [smem:$0x3FFD];
	_ =	sdelay $0x3  }
0x96: {  	_ =	strace s3  }
0x97: {  	_ =	strace $0x8FFFFFFF  }
0x98: {  	s19 =	sld [smem:$0x3FDB];
	_ =	sdelay $0x1  }
0x99: {  	s4 =	simm.s32 $_scs_section_size  }
0x9a: {  	s5 =	simm.s32 $_size__tile_overlayer_lowered;
	s6 =	simm.s32 $_tile_overlayer_lowered  }
0x9b: {  	s22 =	simm.s32 $0x1BFF;
	s21 =	sshll.u32 s6, $0x1;
	s3 =	sadd.s32 s4, s19  }
0x9c: {  	s7 =	simm.s32 $0x0;
	s20 =	sshll.u32 s5, $0x1;
	s5 =	sadd.s32 s21, s3  }
0x9d: {  	[timem:s7], [sflag:s22] =	dma.local [hbm:s5], s20  }
0x9e: {  	_ =	swait.ge [sflag:s22], s20  }
0x9f: {  	s4 =	ssub.s32 $0x0, s20;
	[sflag:s22] =	ssyncset.done $0x0  }
0xa0: {  	[sflag:s22] =	ssyncadd.s32 s4;
	_ =	sdelay $0x1  }
0xa1: {  	s23 =	simm.s32 $0x1B8B  }
0xa2: {  	_ =	swait.ge [sflag:s23], $0x1  }
0xa3: {  	[sflag:s23] =	ssyncset.done $0x0  }
0xa4: {  	s25 =	simm.s32 $0x1B8E;
	s24 =	sld [smem:$0x3FFE];
	[sflag:s23] =	ssyncadd.s32 $0xFFFFFFFF  }
0xa5: {  	s26 =	simm.s32 $execute0_lowered;
	[smem:$0x3FD2] =	sst s25  }
0xa6: {  	s5 =	sshll.u32 s26, $0x1;
	_ =	strace $0x80000046;
	[dreg:$0x1] =	wrdreg $0xFFFFFFFF  }
0xa7: {  	s28 =	simm.s32 $_size_execute0_lowered;
	s3 =	sadd.s32 s3, s5;
	[dreg:$0x0] =	wrdreg $0x0  }
0xa8: {  	s5 =	sshll.u32 s28, $0x1;
	[dreg:$0x2] =	wrdreg s3  }
0xa9: {  	[dreg:$0x3] =	wrdreg s5  }
0xaa: {  	[dreg:$0x4] =	wrdreg $0xC0  }
0xab: {  	_ =	task [dreg:s7], $0x5FFFF  }
0xac: {  	[dreg:$0x1] =	wrdreg $0xFFFFFFFF  }
0xad: {  	[dreg:$0x0] =	wrdreg $0x60  }
0xae: {  	[dreg:$0x2] =	wrdreg s2  }
0xaf: {  	[dreg:$0x3] =	wrdreg s24  }
0xb0: {  	[dreg:$0x4] =	wrdreg $0x50800  }
0xb1: {  	[dreg:$0x5] =	wrdreg $0x9  }
0xb2: {  	_ =	task.clear_ibuf [dreg:s7], $0x6FFFF;
	_ =	strace $0x90000046  }
0xb3: {  	s29 =	simm.s32 $0x9;
	_ =	strace $0x80000048  }
0xb4: {  	_ =	swait.ge [sflag:s29], $0x1  }
0xb5: {  	[sflag:s29] =	ssyncadd.s32 $0xFFFFFFFF  }
0xb6: {  	_ =	strace $0x90000048  }
0xb7: {  	_ =	sfence  }
0xb8: {  	s30 =	sld [smem:$0x0];
	_ =	sdelay $0x2  }
0xb9: {  	s31 =	sshll.u32 s1, $0xD;
	s1 =	sshrl.u32 s1, $0x2  }
0xba: {  	s3 =	sand.u32 $0x4000, s31;
	s1 =	sadd.s32 s1, s30  }
0xbb: {  	s0 =	sor.u32 s3, s0;
	s1 =	sshll.u32 s1, $0x11  }
0xbc: {  	s0 =	sor.u32 s1, s0  }
0xbd: {  	s0 =	sadd.s32 $0x8F2B, s0  }
0xbe: {  	[sflag:s0] =	ssyncadd.remote.s32 $0x1  }
0xbf: {  	_ =	sfence.sel $0xFFFF  }
0xc0: {  	[dreg:$0x0] =	wrdreg $0xFFFFFFFF;
	(pc) =	sbr.abs _section_cstart, $3  }
0xc1: {  	[dreg:$0x1] =	wrdreg $0xFFFFFFFF  }
0xc2: {  	_ =	task.clear_ibuf [dreg:s7], $0x2FFFF;
	_ =	strace $0x9FFFFFFF  }
0xc3: {  	(tm) =	ssettm $0x7FFFFFFF  }
tec
execute0_lowered:
.L_overlay_start_1:
0x0: {  	(tag) =	ssettag $0x1  }
0x1: {  	s4 =	rddreg [dreg:$0x0]  }
0x2: {  	s5 =	rddreg [dreg:$0x1]  }
0x3: {  	s1 =	rddreg [dreg:$0x2];
	s2 =	srdreg.scid  }
0x4: {  	s0 =	rddreg [dreg:$0x3];
	s7 =	stileid.u32;
	s11 =	simm.s32 $0x1  }
0x5: {  	s12 =	simm.s32 $0x2;
	s13 =	simm.s32 $0x3;
	s14 =	simm.s32 $0x4  }
0x6: {  	s15 =	simm.s32 $0x5;
	s16 =	simm.s32 $0x6;
	s17 =	simm.s32 $0x7  }
0x7: {  	s18 =	simm.s32 $0x8;
	s19 =	simm.s32 $0x0;
	s6 =	sand.u32 $0x1, s2  }
0x8: {  	s2 =	simm.s32 $0x0;
	s9 =	smul.u32 $0x5000, s7;
	s3 =	sadd.s32 $0x2200, s5  }
0x9: {  	p0 =	sne.s32 s7, $0x0;
	s8 =	smul.u32 $0x50000, s6;
	[smem:$0x7FF] =	sst s2  }
0xa: {  	s10 =	sshll.u32 s6, $0x4;
	s6 =	ssub.s32 $0x2, s6;
	s7 =	sshrl.u32 @!p0 s1, $0x3  }
0xb: {  	_ =	strace $0x80000047;
	s5 =	sadd.s32 s10, s5;
	s31 =	sshrl.u32 s6, $0x1  }
0xc: {  	s10 =	simm.s32 $0x5000;
	s8 =	sadd.s32 s9, s8;
	s6 =	ssub.s32 s6, s31  }
0xd: {  	s5 =	sadd.s32 $0x2800, s5;
	s9 =	simm.s32 $0x80;
	s8 =	sshrl.u32 s8, $0x3  }
0xe: {  	v0 =	vimm.f32 $1.000000000e+00;
	s6 =	smax.u32 s6, $0x1;
	s4 =	sadd.s32 s4, s8;
	s8 =	simm.s32 $0x9  }
.LBB2_1:
0xf: {  	[tilespmem:$0x5000] =	vst v0  }
0x10: {  	[tilespmem:$0x5010] =	vst v0  }
0x11: {  	[tilespmem:$0x5020] =	vst v0  }
0x12: {  	[tilespmem:$0x5030] =	vst v0  }
0x13: {  	[tilespmem:$0x5040] =	vst v0  }
0x14: {  	[tilespmem:$0x5050] =	vst v0  }
0x15: {  	[tilespmem:$0x5060] =	vst v0  }
0x16: {  	[tilespmem:$0x5070] =	vst v0;
	s20 =	simm.s32 @!p0 $0x1C09  }
0x17: {  	[spmem:s7], [sflag:s20] =	dma.local @!p0 [hbm:s3], $0x4F0  }
0x18: {  	s20 =	simm.s32 @!p0 $0x9  }
0x19: {  	_ =	swait.ge @!p0 [sflag:s20], $0x4F0  }
0x1a: {  	[sflag:s20] =	ssyncset.done @!p0 $0x0  }
0x1b: {  	[sflag:s20] =	ssyncadd.s32 @!p0 $0xFFFFFB10  }
0x1c: {  	[tilespmem:s2], [sflag:$0x9] =	stream.linear.gather [hbm4b:s4+s2], $0x5000, $0x38;
	[tilespmem:$0x52F8] =	vst v63  }
0x1d: {  	_ =	swait.ge [sflag:s8], $0x5000  }
0x1e: {  	[sflag:s8] =	ssyncset.done $0x0  }
0x1f: {  	[sflag:s8] =	ssyncadd.s32 $0xFFFFB000  }
0x20: {  	s23 =	simm.s32 $0x0;
	[bflag:$0x0] =	sbarrier.arrive $0xFFFF  }
0x21: {  	[spmem:s1] =	stream.indirect.scatter.add.f32 [tilespmem:s10], [sflag:$0x1], $0x1, s23, s9, $0xb8;
	[tilespmem:$0x52F8] =	vst v63  }
0x22: {  	s24 =	simm.s32 $0x80  }
0x23: {  	[spmem:s1] =	stream.indirect.scatter.add.f32 [tilespmem:s10], [sflag:$0x2], $0x1, s24, s9, $0xb8;
	[tilespmem:$0x52F8] =	vst v63  }
0x24: {  	s25 =	simm.s32 $0x100  }
0x25: {  	[spmem:s1] =	stream.indirect.scatter.add.f32 [tilespmem:s10], [sflag:$0x3], $0x1, s25, s9, $0xb8;
	[tilespmem:$0x52F8] =	vst v63  }
0x26: {  	s26 =	simm.s32 $0x180  }
0x27: {  	[spmem:s1] =	stream.indirect.scatter.add.f32 [tilespmem:s10], [sflag:$0x4], $0x1, s26, s9, $0xb8;
	[tilespmem:$0x52F8] =	vst v63  }
0x28: {  	s28 =	simm.s32 $0x200  }
0x29: {  	[spmem:s1] =	stream.indirect.scatter.add.f32 [tilespmem:s10], [sflag:$0x5], $0x1, s28, s9, $0xb8;
	[tilespmem:$0x52F8] =	vst v63  }
0x2a: {  	s29 =	simm.s32 $0x280  }
0x2b: {  	[spmem:s1] =	stream.indirect.scatter.add.f32 [tilespmem:s10], [sflag:$0x6], $0x1, s29, s9, $0xb8;
	[tilespmem:$0x52F8] =	vst v63  }
0x2c: {  	s30 =	simm.s32 $0x300  }
0x2d: {  	[spmem:s1] =	stream.indirect.scatter.add.f32 [tilespmem:s10], [sflag:$0x7], $0x1, s30, s9, $0xb8;
	[tilespmem:$0x52F8] =	vst v63  }
0x2e: {  	s31 =	simm.s32 $0x380  }
0x2f: {  	[spmem:s1] =	stream.indirect.scatter.add.f32 [tilespmem:s10], [sflag:$0x8], $0x1, s31, s9, $0xb8;
	[tilespmem:$0x52F8] =	vst v63  }
0x30: {  	_ =	swait.ge [sflag:s11], $0x80  }
0x31: {  	[sflag:s11] =	ssyncset.done $0x0  }
0x32: {  	[sflag:s11] =	ssyncadd.s32 $0xFFFFFF80  }
0x33: {  	_ =	swait.ge [sflag:s12], $0x80  }
0x34: {  	[sflag:s12] =	ssyncset.done $0x0  }
0x35: {  	[sflag:s12] =	ssyncadd.s32 $0xFFFFFF80  }
0x36: {  	_ =	swait.ge [sflag:s13], $0x80  }
0x37: {  	[sflag:s13] =	ssyncset.done $0x0  }
0x38: {  	[sflag:s13] =	ssyncadd.s32 $0xFFFFFF80  }
0x39: {  	_ =	swait.ge [sflag:s14], $0x80  }
0x3a: {  	[sflag:s14] =	ssyncset.done $0x0  }
0x3b: {  	[sflag:s14] =	ssyncadd.s32 $0xFFFFFF80  }
0x3c: {  	_ =	swait.ge [sflag:s15], $0x80  }
0x3d: {  	[sflag:s15] =	ssyncset.done $0x0  }
0x3e: {  	[sflag:s15] =	ssyncadd.s32 $0xFFFFFF80  }
0x3f: {  	_ =	swait.ge [sflag:s16], $0x80  }
0x40: {  	[sflag:s16] =	ssyncset.done $0x0  }
0x41: {  	[sflag:s16] =	ssyncadd.s32 $0xFFFFFF80  }
0x42: {  	_ =	swait.ge [sflag:s17], $0x80  }
0x43: {  	[sflag:s17] =	ssyncset.done $0x0  }
0x44: {  	[sflag:s17] =	ssyncadd.s32 $0xFFFFFF80  }
0x45: {  	_ =	swait.ge [sflag:s18], $0x80  }
0x46: {  	s22 =	simm.s32 $0x2000;
	s20 =	simm.s32 $0x1000;
	[sflag:s18] =	ssyncset.done $0x0  }
.LBB2_2:
0x47: {  	s23 =	sshra.s32 s20, $0x2  }
0x48: {  	[sflag:s18] =	ssyncadd.s32 $0xFFFFFF80;
	s20 =	smov.u32 s22;
	s21 =	sadd.s32 $0x1000, s22  }
0x49: {  	[spmem:s1] =	stream.indirect.scatter.add.f32 [tilespmem:s10], [sflag:$0x1], $0x1, s23, s9, $0xb8;
	[tilespmem:$0x52F8] =	vst v63  }
0x4a: {  	p1 =	sne.s32 s22, $0x13000;
	s22 =	sadd.s32 $0x80, s23  }
0x4b: {  	[spmem:s1] =	stream.indirect.scatter.add.f32 [tilespmem:s10], [sflag:$0x2], $0x1, s22, s9, $0xb8;
	[tilespmem:$0x52F8] =	vst v63  }
0x4c: {  	s22 =	sadd.s32 $0x100, s23  }
0x4d: {  	[spmem:s1] =	stream.indirect.scatter.add.f32 [tilespmem:s10], [sflag:$0x3], $0x1, s22, s9, $0xb8;
	[tilespmem:$0x52F8] =	vst v63  }
0x4e: {  	s22 =	sadd.s32 $0x180, s23  }
0x4f: {  	[spmem:s1] =	stream.indirect.scatter.add.f32 [tilespmem:s10], [sflag:$0x4], $0x1, s22, s9, $0xb8;
	[tilespmem:$0x52F8] =	vst v63  }
0x50: {  	s22 =	sadd.s32 $0x200, s23  }
0x51: {  	[spmem:s1] =	stream.indirect.scatter.add.f32 [tilespmem:s10], [sflag:$0x5], $0x1, s22, s9, $0xb8;
	[tilespmem:$0x52F8] =	vst v63  }
0x52: {  	s22 =	sadd.s32 $0x280, s23  }
0x53: {  	[spmem:s1] =	stream.indirect.scatter.add.f32 [tilespmem:s10], [sflag:$0x6], $0x1, s22, s9, $0xb8;
	[tilespmem:$0x52F8] =	vst v63  }
0x54: {  	s22 =	sadd.s32 $0x300, s23  }
0x55: {  	[spmem:s1] =	stream.indirect.scatter.add.f32 [tilespmem:s10], [sflag:$0x7], $0x1, s22, s9, $0xb8;
	[tilespmem:$0x52F8] =	vst v63  }
0x56: {  	s22 =	sadd.s32 $0x380, s23  }
0x57: {  	[spmem:s1] =	stream.indirect.scatter.add.f32 [tilespmem:s10], [sflag:$0x8], $0x1, s22, s9, $0xb8;
	[tilespmem:$0x52F8] =	vst v63  }
0x58: {  	_ =	swait.ge [sflag:s11], $0x80  }
0x59: {  	[sflag:s11] =	ssyncset.done $0x0  }
0x5a: {  	[sflag:s11] =	ssyncadd.s32 $0xFFFFFF80  }
0x5b: {  	_ =	swait.ge [sflag:s12], $0x80  }
0x5c: {  	[sflag:s12] =	ssyncset.done $0x0  }
0x5d: {  	[sflag:s12] =	ssyncadd.s32 $0xFFFFFF80  }
0x5e: {  	_ =	swait.ge [sflag:s13], $0x80  }
0x5f: {  	[sflag:s13] =	ssyncset.done $0x0  }
0x60: {  	[sflag:s13] =	ssyncadd.s32 $0xFFFFFF80  }
0x61: {  	_ =	swait.ge [sflag:s14], $0x80  }
0x62: {  	[sflag:s14] =	ssyncset.done $0x0  }
0x63: {  	[sflag:s14] =	ssyncadd.s32 $0xFFFFFF80  }
0x64: {  	_ =	swait.ge [sflag:s15], $0x80  }
0x65: {  	[sflag:s15] =	ssyncset.done $0x0  }
0x66: {  	[sflag:s15] =	ssyncadd.s32 $0xFFFFFF80  }
0x67: {  	_ =	swait.ge [sflag:s16], $0x80  }
0x68: {  	[sflag:s16] =	ssyncset.done $0x0  }
0x69: {  	[sflag:s16] =	ssyncadd.s32 $0xFFFFFF80  }
.Ltmp0:
0x6a: {  	_ =	swait.ge [sflag:s17], $0x80;
	(pc) =	sbr.rel @p1 .LBB2_2-.Ltmp0, $4  }
0x6b: {  	[sflag:s17] =	ssyncset.done $0x0  }
0x6c: {  	[sflag:s17] =	ssyncadd.s32 $0xFFFFFF80  }
0x6d: {  	_ =	swait.ge [sflag:s18], $0x80  }
0x6e: {  	s22 =	smov.u32 s21;
	[sflag:s18] =	ssyncset.done $0x0  }
0x6f: {  	s20 =	sshra.s32 s20, $0x2;
	[sflag:s18] =	ssyncadd.s32 $0xFFFFFF80  }
0x70: {  	[spmem:s1] =	stream.indirect.scatter.add.f32 [tilespmem:s10], [sflag:$0x1], $0x1, s20, s9, $0xb8;
	[tilespmem:$0x52F8] =	vst v63  }
0x71: {  	s21 =	sadd.s32 $0x80, s20  }
0x72: {  	[spmem:s1] =	stream.indirect.scatter.add.f32 [tilespmem:s10], [sflag:$0x2], $0x1, s21, s9, $0xb8;
	[tilespmem:$0x52F8] =	vst v63  }
0x73: {  	s26 =	sadd.s32 $0x100, s20  }
0x74: {  	[spmem:s1] =	stream.indirect.scatter.add.f32 [tilespmem:s10], [sflag:$0x3], $0x1, s26, s9, $0xb8;
	[tilespmem:$0x52F8] =	vst v63  }
0x75: {  	s28 =	sadd.s32 $0x180, s20  }
0x76: {  	[spmem:s1] =	stream.indirect.scatter.add.f32 [tilespmem:s10], [sflag:$0x4], $0x1, s28, s9, $0xb8;
	[tilespmem:$0x52F8] =	vst v63  }
0x77: {  	s29 =	sadd.s32 $0x200, s20  }
0x78: {  	[spmem:s1] =	stream.indirect.scatter.add.f32 [tilespmem:s10], [sflag:$0x5], $0x1, s29, s9, $0xb8;
	[tilespmem:$0x52F8] =	vst v63  }
0x79: {  	s30 =	sadd.s32 $0x280, s20  }
0x7a: {  	[spmem:s1] =	stream.indirect.scatter.add.f32 [tilespmem:s10], [sflag:$0x6], $0x1, s30, s9, $0xb8;
	[tilespmem:$0x52F8] =	vst v63  }
0x7b: {  	s31 =	sadd.s32 $0x300, s20  }
0x7c: {  	[spmem:s1] =	stream.indirect.scatter.add.f32 [tilespmem:s10], [sflag:$0x7], $0x1, s31, s9, $0xb8;
	[tilespmem:$0x52F8] =	vst v63  }
0x7d: {  	s20 =	sadd.s32 $0x380, s20  }
0x7e: {  	[spmem:s1] =	stream.indirect.scatter.add.f32 [tilespmem:s10], [sflag:$0x8], $0x1, s20, s9, $0xb8;
	[tilespmem:$0x52F8] =	vst v63  }
0x7f: {  	_ =	swait.ge [sflag:s11], $0x80  }
0x80: {  	[sflag:s11] =	ssyncset.done $0x0  }
0x81: {  	[sflag:s11] =	ssyncadd.s32 $0xFFFFFF80  }
0x82: {  	_ =	swait.ge [sflag:s12], $0x80  }
0x83: {  	[sflag:s12] =	ssyncset.done $0x0  }
0x84: {  	[sflag:s12] =	ssyncadd.s32 $0xFFFFFF80  }
0x85: {  	_ =	swait.ge [sflag:s13], $0x80  }
0x86: {  	[sflag:s13] =	ssyncset.done $0x0  }
0x87: {  	[sflag:s13] =	ssyncadd.s32 $0xFFFFFF80  }
0x88: {  	_ =	swait.ge [sflag:s14], $0x80  }
0x89: {  	[sflag:s14] =	ssyncset.done $0x0  }
0x8a: {  	[sflag:s14] =	ssyncadd.s32 $0xFFFFFF80  }
0x8b: {  	_ =	swait.ge [sflag:s15], $0x80  }
0x8c: {  	[sflag:s15] =	ssyncset.done $0x0  }
0x8d: {  	[sflag:s15] =	ssyncadd.s32 $0xFFFFFF80  }
0x8e: {  	_ =	swait.ge [sflag:s16], $0x80  }
0x8f: {  	[sflag:s16] =	ssyncset.done $0x0  }
0x90: {  	[sflag:s16] =	ssyncadd.s32 $0xFFFFFF80  }
0x91: {  	_ =	swait.ge [sflag:s17], $0x80  }
0x92: {  	[sflag:s17] =	ssyncset.done $0x0  }
0x93: {  	[sflag:s17] =	ssyncadd.s32 $0xFFFFFF80  }
0x94: {  	_ =	swait.ge [sflag:s18], $0x80  }
0x95: {  	s22 =	simm.s32 @!p0 $0x10;
	s19 =	sadd.s32 $0x1, s19;
	[sflag:s18] =	ssyncset.done $0x0  }
0x96: {  	s23 =	simm.s32 @!p0 $0x1C09;
	p1 =	sne.s32 s19, s6;
	[sflag:s18] =	ssyncadd.s32 $0xFFFFFF80  }
0x97: {  	s21 =	simm.s32 @!p0 $0x20;
	s20 =	simm.s32 @!p0 $0x1;
	[bflag:$0x0] =	sbarrier.arrive $0xFFFF  }
0x98: {  	[hbm:s5@s21], [sflag:s23] =	dma.strided @!p0 [spmem:s7@s22], $0x4F0, s20, $0x10   }
.Ltmp1:
0x99: {  	_ = 	snop;
	(pc) =	sbr.rel @p1 .LBB2_1-.Ltmp1, $4  }
0x9a: {  	s20 =	simm.s32 @!p0 $0x9  }
0x9b: {  	_ =	swait.ge @!p0 [sflag:s20], $0x4F0  }
0x9c: {  	[sflag:s20] =	ssyncset.done @!p0 $0x0  }
0x9d: {  	[sflag:s20] =	ssyncadd.s32 @!p0 $0xFFFFFB10  }
0x9e: {  	_ =	sfence.sel $0x180000  }
0x9f: {  	[bflag:$0x0] =	sbarrier.arrive $0xFFFF  }
0xa0: {  	_ =	strace $0x90000047  }
0xa1: {  	s0 =	sadd.s32 @!p0 $0x100000, s0;
	[bflag:$0x2] =	sbarrier.arrive $0xFFFF  }
0xa2: {  	[sflag:s0] =	ssyncadd.tile.s32 @!p0 $0x1;
	_ =	shalt  }
.Lfunc_end2:
_tile_overlayer_lowered:
.L_overlay_start_2:
0xa3: {  	(tag) =	ssettag $0x2  }
0xa4: {  	s0 =	rddreg [dreg:$0x0];
	s2 =	stileid.u32  }
0xa5: {  	s1 =	rddreg [dreg:$0x1];
	p0 =	sne.s32 s2, $0x0  }
0xa6: {  	s3 =	rddreg [dreg:$0x2];
	[bflag:$0x3] =	sbarrier.arrive $0xFFFF;
	s2 =	simm.s32 @!p0 $0x1C09  }
0xa7: {  	[timem:s3], [sflag:s2] =	dma.local @!p0 [hbm:s0], s1  }
0xa8: {  	s0 =	simm.s32 @!p0 $0x9  }
0xa9: {  	_ =	swait.ge @!p0 [sflag:s0], s1  }
0xaa: {  	s1 =	ssub.s32 @!p0 $0x0, s1;
	[sflag:s0] =	ssyncset.done @!p0 $0x0  }
0xab: {  	[sflag:s0] =	ssyncadd.s32 @!p0 s1  }
0xac: {  	[bflag:$0x3] =	sbarrier.arrive $0xFFFF  }
0xad: {  	_ =	shalt  }

</sc_bundles>
